<compile_context>
chip_gen: v7x
topology: tpu7x:2x2x1
jax: 0.10.2.dev20260603
libtpu: 0.0.44.dev20260713+nightly
codegen_flags: <defaults>
</compile_context>

<pallas_src>
import functools

import jax
import jax.numpy as jnp
from jax import lax
from jax.experimental import pallas as pl
from jax.experimental.pallas import tpu as pltpu
from jax.experimental.pallas import tpu_sc as plsc

_D = 32
_NC = 2
_NS = 16
_NW = _NC * _NS
_B = 4096
_L = 200
_TR = _L // 8
_BB = _B // 128
_EB = _D // 8
_NBUF = 4
_P = _D + 1


@functools.cache
def _make_emb():
    mesh = plsc.VectorSubcoreMesh(core_axis_name="c", subcore_axis_name="s")

    @functools.partial(
        pl.kernel,
        mesh=mesh,
        out_type=jax.ShapeDtypeStruct((_L, _EB, _BB, 8, 128), jnp.float32),
        scratch_types=[
            pltpu.VMEM((_TR, 8, 128), jnp.int32),
            pltpu.VMEM((_NBUF, 128, _D), jnp.float32),
            pltpu.VMEM((2, 128, _P), jnp.float32),
            pltpu.VMEM((2, _D, 128), jnp.float32),
            pltpu.SemaphoreType.DMA((_NBUF,)),
            pltpu.SemaphoreType.DMA((2,)),
        ],
        compiler_params=pltpu.CompilerParams(
            use_tc_tiling_on_sc=False, needs_layout_passes=False),
    )
    def emb(idx_hbm, table_hbm, out_hbm, idx_v, rows_v, skew_v, tile_v,
            gsem, wsem):
        w = lax.axis_index("s") * _NC + lax.axis_index("c")
        pltpu.sync_copy(idx_hbm.at[:, w], idx_v)

        def issue_gather(l, b):
            return pltpu.async_copy(
                table_hbm.at[idx_v.at[l // 8, l % 8]], rows_v.at[b],
                gsem.at[b])

        def wait_gather(b):
            pltpu.make_async_copy(
                table_hbm.at[idx_v.at[0, 0]], rows_v.at[b], gsem.at[b]).wait()

        def issue_writes(l, c):
            for eb in range(_EB):
                pltpu.async_copy(
                    tile_v.at[c, pl.ds(eb * 8, 8)], out_hbm.at[l, eb, w],
                    wsem.at[c])

        def wait_writes(c):
            for eb in range(_EB):
                pltpu.make_async_copy(
                    tile_v.at[c, pl.ds(eb * 8, 8)], out_hbm.at[0, eb, 0],
                    wsem.at[c]).wait()

        def repack(b, c):
            @plsc.parallel_loop(0, 128, 1, unroll=4)
            def rbody(r):
                skew_v[c, r, pl.ds(0, 16)] = rows_v[b, r, pl.ds(0, 16)]
                skew_v[c, r, pl.ds(16, 16)] = rows_v[b, r, pl.ds(16, 16)]

        iotas = [lax.iota(jnp.int32, 16) + blk * 16 for blk in range(8)]

        def transpose(c):
            @plsc.parallel_loop(0, _D, 1, unroll=4)
            def tbody(e):
                col = jnp.full((16,), e, jnp.int32)
                for blk in range(8):
                    v = plsc.load_gather(skew_v.at[c], [iotas[blk], col])
                    tile_v[c, e, pl.ds(blk * 16, 16)] = v

        for b in range(_NBUF):
            issue_gather(b, b)

        def body(g, carry):
            for b in range(_NBUF):
                l = _NBUF * g + b
                c = b % 2
                wait_gather(b)
                repack(b, c)

                @pl.when(l + _NBUF < _L)
                def _():
                    issue_gather(l + _NBUF, b)

                @pl.when(l >= 2)
                def _():
                    wait_writes(c)

                transpose(c)
                issue_writes(l, c)
            return carry

        lax.fori_loop(0, _L // _NBUF, body, 0)
        wait_writes(0)
        wait_writes(1)

    return emb


def kernel(x, table):
    idx = x.reshape(_BB, 128, _TR, 8).transpose(2, 0, 3, 1)
    out = _make_emb()(idx, table)
    return out.transpose(2, 4, 0, 1, 3).reshape(_B, _L, _D)

# --- scband reference (transcript-rebuilt; emitter-appended) ---
"""Pipeline reference for scband-token-embedding-12463995093472 (READ-ONLY COPY).

The authoritative reference and input builder live on the scoring server;
editing this copy changes nothing except your own understanding.
"""

import jax, jax.numpy as jnp
import numpy as np

VOCAB = 1000000
EMBED = 32
B = 4096
L = 200

def setup_inputs(seed: int = 0) -> dict:
    key = jax.random.key(seed)
    k_idx, k_tab = jax.random.split(key)
    x = jax.random.randint(k_idx, (B, L), 0, VOCAB, dtype=jnp.int64 if jax.config.read('jax_enable_x64') else jnp.int32).astype(jnp.int32)
    table = jax.random.normal(k_tab, (VOCAB, EMBED), dtype=jnp.float32)
    # padding_idx=0: torch initializes that row to zeros
    table = table.at[0].set(0.0)
    return {"x": x, "table": table}

def reference(x, table):
    # nn.Embedding forward: gather rows of the table
    return jnp.take(table, x, axis=0)

if __name__ == "__main__":
    import jax
    _d = setup_inputs()
    print(jax.jit(kernel)(*tuple(_d.values())))

</pallas_src>

<mosaic_0001>
#map = affine_map<(d0, d1) -> (0, 0, 0, 0)>
#map1 = affine_map<(d0, d1) -> (0, 0)>
#map2 = affine_map<(d0, d1) -> (0, 0, 0, 0, 0)>
module attributes {stable_mosaic.version = 14 : i64} {
  func.func @emb(%arg0: i32, %arg1: i32, %arg2: memref<25x32x8x128xi32, #tpu.memory_space<hbm>>, %arg3: memref<1000000x32xf32, #tpu.memory_space<hbm>>, %arg4: memref<200x4x32x8x128xf32, #tpu.memory_space<hbm>>, %arg5: memref<25x8x128xi32, #tpu.memory_space<vmem>>, %arg6: memref<4x128x32xf32, #tpu.memory_space<vmem>>, %arg7: memref<2x128x33xf32, #tpu.memory_space<vmem>>, %arg8: memref<2x32x128xf32, #tpu.memory_space<vmem>>, %arg9: memref<4x!tpu.dma_semaphore, #tpu.memory_space<semaphore_mem>>, %arg10: memref<2x!tpu.dma_semaphore, #tpu.memory_space<semaphore_mem>>) attributes {dimension_semantics = [#tpu.dimension_semantics<core_parallel>, #tpu.dimension_semantics<subcore_parallel>], iteration_bounds = array<i64: 2, 16>, scalar_prefetch = 0 : i64, scratch_operands = 6 : i64, tpu.core_type = #tpu.core_type<sc_vector_subcore>, window_params = [{transform_indices = #map}, {transform_indices = #map1}, {transform_indices = #map2}]} {
    %mul3A = arith.constant 2 : i32
    %mul3A_0 = arith.muli %arg1, %mul3A : i32
    %add3A = arith.addi %mul3A_0, %arg0 : i32
    "tpu.region"() ({
      %run_scoped3A = tpu.sem_alloc : memref<!tpu.dma_semaphore, #tpu.memory_space<semaphore_mem>>
      %dma_start3A_283 = arith.constant 0 : i32
      %dma_start3A_284 = arith.constant 0 : i32
      %dma_start3A_285 = arith.constant 0 : i32
      %dma_start3A_286 = tpu.memref_slice %arg2[%dma_start3A_283, %add3A, %dma_start3A_284, %dma_start3A_285] : memref<25x32x8x128xi32, #tpu.memory_space<hbm>> -> memref<25x1x8x128xi32, #tpu.memory_space<hbm>>
      %dma_start3A_287 = tpu.memref_squeeze %dma_start3A_286 : memref<25x1x8x128xi32, #tpu.memory_space<hbm>> -> memref<25x8x128xi32, #tpu.memory_space<hbm>>
      %dma_start3A_288 = arith.constant 0 : i32
      %dma_start3A_289 = arith.constant 0 : i32
      %dma_start3A_290 = arith.constant 0 : i32
      %dma_start3A_291 = tpu.memref_slice %arg2[%dma_start3A_288, %add3A, %dma_start3A_289, %dma_start3A_290] : memref<25x32x8x128xi32, #tpu.memory_space<hbm>> -> memref<25x1x8x128xi32, #tpu.memory_space<hbm>>
      %dma_start3A_292 = tpu.memref_squeeze %dma_start3A_291 : memref<25x1x8x128xi32, #tpu.memory_space<hbm>> -> memref<25x8x128xi32, #tpu.memory_space<hbm>>
      tpu.enqueue_dma source(%dma_start3A_292 : memref<25x8x128xi32, #tpu.memory_space<hbm>>) target(%arg5 : memref<25x8x128xi32, #tpu.memory_space<vmem>>) target_semaphore(%run_scoped3A : memref<!tpu.dma_semaphore, #tpu.memory_space<semaphore_mem>>)
      %dma_wait3A_293 = arith.constant 0 : i32
      %dma_wait3A_294 = arith.constant 0 : i32
      %dma_wait3A_295 = arith.constant 0 : i32
      %dma_wait3A_296 = tpu.memref_slice %arg2[%dma_wait3A_293, %add3A, %dma_wait3A_294, %dma_wait3A_295] : memref<25x32x8x128xi32, #tpu.memory_space<hbm>> -> memref<25x1x8x128xi32, #tpu.memory_space<hbm>>
      %dma_wait3A_297 = tpu.memref_squeeze %dma_wait3A_296 : memref<25x1x8x128xi32, #tpu.memory_space<hbm>> -> memref<25x8x128xi32, #tpu.memory_space<hbm>>
      %dma_wait3A_298 = arith.constant 0 : i32
      %dma_wait3A_299 = arith.constant 0 : i32
      %dma_wait3A_300 = arith.constant 0 : i32
      %dma_wait3A_301 = tpu.memref_slice %arg2[%dma_wait3A_298, %add3A, %dma_wait3A_299, %dma_wait3A_300] : memref<25x32x8x128xi32, #tpu.memory_space<hbm>> -> memref<25x1x8x128xi32, #tpu.memory_space<hbm>>
      %dma_wait3A_302 = tpu.memref_squeeze %dma_wait3A_301 : memref<25x1x8x128xi32, #tpu.memory_space<hbm>> -> memref<25x8x128xi32, #tpu.memory_space<hbm>>
      tpu.wait_dma2 semaphore(%run_scoped3A : memref<!tpu.dma_semaphore, #tpu.memory_space<semaphore_mem>>) src(%dma_wait3A_302 : memref<25x8x128xi32, #tpu.memory_space<hbm>>) dst(%arg5 : memref<25x8x128xi32, #tpu.memory_space<vmem>>)
      tpu.yield
    }) : () -> ()
    %iota3A = tpu.iota {dimensions = array<i32: 0>} : vector<16xi32>
    %add3A_1 = arith.constant 0 : i32
    %add3A_2 = vector.broadcast %add3A_1 : i32 to vector<16xi32>
    %add3A_3 = arith.addi %iota3A, %add3A_2 : vector<16xi32>
    %iota3A_4 = tpu.iota {dimensions = array<i32: 0>} : vector<16xi32>
    %add3A_5 = arith.constant 16 : i32
    %add3A_6 = vector.broadcast %add3A_5 : i32 to vector<16xi32>
    %add3A_7 = arith.addi %iota3A_4, %add3A_6 : vector<16xi32>
    %iota3A_8 = tpu.iota {dimensions = array<i32: 0>} : vector<16xi32>
    %add3A_9 = arith.constant 32 : i32
    %add3A_10 = vector.broadcast %add3A_9 : i32 to vector<16xi32>
    %add3A_11 = arith.addi %iota3A_8, %add3A_10 : vector<16xi32>
    %iota3A_12 = tpu.iota {dimensions = array<i32: 0>} : vector<16xi32>
    %add3A_13 = arith.constant 48 : i32
    %add3A_14 = vector.broadcast %add3A_13 : i32 to vector<16xi32>
    %add3A_15 = arith.addi %iota3A_12, %add3A_14 : vector<16xi32>
    %iota3A_16 = tpu.iota {dimensions = array<i32: 0>} : vector<16xi32>
    %add3A_17 = arith.constant 64 : i32
    %add3A_18 = vector.broadcast %add3A_17 : i32 to vector<16xi32>
    %add3A_19 = arith.addi %iota3A_16, %add3A_18 : vector<16xi32>
    %iota3A_20 = tpu.iota {dimensions = array<i32: 0>} : vector<16xi32>
    %add3A_21 = arith.constant 80 : i32
    %add3A_22 = vector.broadcast %add3A_21 : i32 to vector<16xi32>
    %add3A_23 = arith.addi %iota3A_20, %add3A_22 : vector<16xi32>
    %iota3A_24 = tpu.iota {dimensions = array<i32: 0>} : vector<16xi32>
    %add3A_25 = arith.constant 96 : i32
    %add3A_26 = vector.broadcast %add3A_25 : i32 to vector<16xi32>
    %add3A_27 = arith.addi %iota3A_24, %add3A_26 : vector<16xi32>
    %iota3A_28 = tpu.iota {dimensions = array<i32: 0>} : vector<16xi32>
    %add3A_29 = arith.constant 112 : i32
    %add3A_30 = vector.broadcast %add3A_29 : i32 to vector<16xi32>
    %add3A_31 = arith.addi %iota3A_28, %add3A_30 : vector<16xi32>
    %dma_start3A = arith.constant 0 : i32
    %dma_start3A_32 = arith.constant 0 : i32
    %dma_start3A_33 = arith.constant 0 : i32
    %dma_start3A_34 = arith.constant 0 : i32
    %dma_start3A_35 = arith.constant 0 : i32
    %dma_start3A_36 = arith.constant 0 : i32
    %dma_start3A_37 = tpu.memref_slice %arg6[%dma_start3A_33, %dma_start3A_35, %dma_start3A_36] : memref<4x128x32xf32, #tpu.memory_space<vmem>> -> memref<1x128x32xf32, #tpu.memory_space<vmem>>
    %dma_start3A_38 = tpu.memref_squeeze %dma_start3A_37 : memref<1x128x32xf32, #tpu.memory_space<vmem>> -> memref<128x32xf32, #tpu.memory_space<vmem>>
    %dma_start3A_39 = arith.constant 0 : i32
    %dma_start3A_40 = tpu.memref_slice %arg5[%dma_start3A, %dma_start3A_32, %dma_start3A_39] : memref<25x8x128xi32, #tpu.memory_space<vmem>> -> memref<1x1x128xi32, #tpu.memory_space<vmem>>
    %dma_start3A_41 = tpu.memref_squeeze %dma_start3A_40 : memref<1x1x128xi32, #tpu.memory_space<vmem>> -> memref<128xi32, #tpu.memory_space<vmem>>
    %dma_start3A_42 = arith.constant 0 : i32
    %dma_start3A_43 = arith.constant 0 : i32
    %dma_start3A_44 = tpu.memref_slice %arg3[%dma_start3A_42, %dma_start3A_43] : memref<1000000x32xf32, #tpu.memory_space<hbm>> -> memref<1000000x32xf32, #tpu.memory_space<hbm>>
    %dma_start3A_45 = tpu.memref_slice %arg9[%dma_start3A_34] : memref<4x!tpu.dma_semaphore, #tpu.memory_space<semaphore_mem>> -> memref<1x!tpu.dma_semaphore, #tpu.memory_space<semaphore_mem>>
    %dma_start3A_46 = tpu.memref_squeeze %dma_start3A_45 : memref<1x!tpu.dma_semaphore, #tpu.memory_space<semaphore_mem>> -> memref<!tpu.dma_semaphore, #tpu.memory_space<semaphore_mem>>
    tpu.enqueue_indirect_dma source(%dma_start3A_44 : memref<1000000x32xf32, #tpu.memory_space<hbm>>) target(%dma_start3A_38 : memref<128x32xf32, #tpu.memory_space<vmem>>) offsets(%dma_start3A_41 : memref<128xi32, #tpu.memory_space<vmem>>) semaphore(%dma_start3A_46 : memref<!tpu.dma_semaphore, #tpu.memory_space<semaphore_mem>>)
    %dma_start3A_47 = arith.constant 0 : i32
    %dma_start3A_48 = arith.constant 1 : i32
    %dma_start3A_49 = arith.constant 1 : i32
    %dma_start3A_50 = arith.constant 1 : i32
    %dma_start3A_51 = arith.constant 0 : i32
    %dma_start3A_52 = arith.constant 0 : i32
    %dma_start3A_53 = tpu.memref_slice %arg6[%dma_start3A_49, %dma_start3A_51, %dma_start3A_52] : memref<4x128x32xf32, #tpu.memory_space<vmem>> -> memref<1x128x32xf32, #tpu.memory_space<vmem>>
    %dma_start3A_54 = tpu.memref_squeeze %dma_start3A_53 : memref<1x128x32xf32, #tpu.memory_space<vmem>> -> memref<128x32xf32, #tpu.memory_space<vmem>>
    %dma_start3A_55 = arith.constant 0 : i32
    %dma_start3A_56 = tpu.memref_slice %arg5[%dma_start3A_47, %dma_start3A_48, %dma_start3A_55] : memref<25x8x128xi32, #tpu.memory_space<vmem>> -> memref<1x1x128xi32, #tpu.memory_space<vmem>>
    %dma_start3A_57 = tpu.memref_squeeze %dma_start3A_56 : memref<1x1x128xi32, #tpu.memory_space<vmem>> -> memref<128xi32, #tpu.memory_space<vmem>>
    %dma_start3A_58 = arith.constant 0 : i32
    %dma_start3A_59 = arith.constant 0 : i32
    %dma_start3A_60 = tpu.memref_slice %arg3[%dma_start3A_58, %dma_start3A_59] : memref<1000000x32xf32, #tpu.memory_space<hbm>> -> memref<1000000x32xf32, #tpu.memory_space<hbm>>
    %dma_start3A_61 = tpu.memref_slice %arg9[%dma_start3A_50] : memref<4x!tpu.dma_semaphore, #tpu.memory_space<semaphore_mem>> -> memref<1x!tpu.dma_semaphore, #tpu.memory_space<semaphore_mem>>
    %dma_start3A_62 = tpu.memref_squeeze %dma_start3A_61 : memref<1x!tpu.dma_semaphore, #tpu.memory_space<semaphore_mem>> -> memref<!tpu.dma_semaphore, #tpu.memory_space<semaphore_mem>>
    tpu.enqueue_indirect_dma source(%dma_start3A_60 : memref<1000000x32xf32, #tpu.memory_space<hbm>>) target(%dma_start3A_54 : memref<128x32xf32, #tpu.memory_space<vmem>>) offsets(%dma_start3A_57 : memref<128xi32, #tpu.memory_space<vmem>>) semaphore(%dma_start3A_62 : memref<!tpu.dma_semaphore, #tpu.memory_space<semaphore_mem>>)
    %dma_start3A_63 = arith.constant 0 : i32
    %dma_start3A_64 = arith.constant 2 : i32
    %dma_start3A_65 = arith.constant 2 : i32
    %dma_start3A_66 = arith.constant 2 : i32
    %dma_start3A_67 = arith.constant 0 : i32
    %dma_start3A_68 = arith.constant 0 : i32
    %dma_start3A_69 = tpu.memref_slice %arg6[%dma_start3A_65, %dma_start3A_67, %dma_start3A_68] : memref<4x128x32xf32, #tpu.memory_space<vmem>> -> memref<1x128x32xf32, #tpu.memory_space<vmem>>
    %dma_start3A_70 = tpu.memref_squeeze %dma_start3A_69 : memref<1x128x32xf32, #tpu.memory_space<vmem>> -> memref<128x32xf32, #tpu.memory_space<vmem>>
    %dma_start3A_71 = arith.constant 0 : i32
    %dma_start3A_72 = tpu.memref_slice %arg5[%dma_start3A_63, %dma_start3A_64, %dma_start3A_71] : memref<25x8x128xi32, #tpu.memory_space<vmem>> -> memref<1x1x128xi32, #tpu.memory_space<vmem>>
    %dma_start3A_73 = tpu.memref_squeeze %dma_start3A_72 : memref<1x1x128xi32, #tpu.memory_space<vmem>> -> memref<128xi32, #tpu.memory_space<vmem>>
    %dma_start3A_74 = arith.constant 0 : i32
    %dma_start3A_75 = arith.constant 0 : i32
    %dma_start3A_76 = tpu.memref_slice %arg3[%dma_start3A_74, %dma_start3A_75] : memref<1000000x32xf32, #tpu.memory_space<hbm>> -> memref<1000000x32xf32, #tpu.memory_space<hbm>>
    %dma_start3A_77 = tpu.memref_slice %arg9[%dma_start3A_66] : memref<4x!tpu.dma_semaphore, #tpu.memory_space<semaphore_mem>> -> memref<1x!tpu.dma_semaphore, #tpu.memory_space<semaphore_mem>>
    %dma_start3A_78 = tpu.memref_squeeze %dma_start3A_77 : memref<1x!tpu.dma_semaphore, #tpu.memory_space<semaphore_mem>> -> memref<!tpu.dma_semaphore, #tpu.memory_space<semaphore_mem>>
    tpu.enqueue_indirect_dma source(%dma_start3A_76 : memref<1000000x32xf32, #tpu.memory_space<hbm>>) target(%dma_start3A_70 : memref<128x32xf32, #tpu.memory_space<vmem>>) offsets(%dma_start3A_73 : memref<128xi32, #tpu.memory_space<vmem>>) semaphore(%dma_start3A_78 : memref<!tpu.dma_semaphore, #tpu.memory_space<semaphore_mem>>)
    %dma_start3A_79 = arith.constant 0 : i32
    %dma_start3A_80 = arith.constant 3 : i32
    %dma_start3A_81 = arith.constant 3 : i32
    %dma_start3A_82 = arith.constant 3 : i32
    %dma_start3A_83 = arith.constant 0 : i32
    %dma_start3A_84 = arith.constant 0 : i32
    %dma_start3A_85 = tpu.memref_slice %arg6[%dma_start3A_81, %dma_start3A_83, %dma_start3A_84] : memref<4x128x32xf32, #tpu.memory_space<vmem>> -> memref<1x128x32xf32, #tpu.memory_space<vmem>>
    %dma_start3A_86 = tpu.memref_squeeze %dma_start3A_85 : memref<1x128x32xf32, #tpu.memory_space<vmem>> -> memref<128x32xf32, #tpu.memory_space<vmem>>
    %dma_start3A_87 = arith.constant 0 : i32
    %dma_start3A_88 = tpu.memref_slice %arg5[%dma_start3A_79, %dma_start3A_80, %dma_start3A_87] : memref<25x8x128xi32, #tpu.memory_space<vmem>> -> memref<1x1x128xi32, #tpu.memory_space<vmem>>
    %dma_start3A_89 = tpu.memref_squeeze %dma_start3A_88 : memref<1x1x128xi32, #tpu.memory_space<vmem>> -> memref<128xi32, #tpu.memory_space<vmem>>
    %dma_start3A_90 = arith.constant 0 : i32
    %dma_start3A_91 = arith.constant 0 : i32
    %dma_start3A_92 = tpu.memref_slice %arg3[%dma_start3A_90, %dma_start3A_91] : memref<1000000x32xf32, #tpu.memory_space<hbm>> -> memref<1000000x32xf32, #tpu.memory_space<hbm>>
    %dma_start3A_93 = tpu.memref_slice %arg9[%dma_start3A_82] : memref<4x!tpu.dma_semaphore, #tpu.memory_space<semaphore_mem>> -> memref<1x!tpu.dma_semaphore, #tpu.memory_space<semaphore_mem>>
    %dma_start3A_94 = tpu.memref_squeeze %dma_start3A_93 : memref<1x!tpu.dma_semaphore, #tpu.memory_space<semaphore_mem>> -> memref<!tpu.dma_semaphore, #tpu.memory_space<semaphore_mem>>
    tpu.enqueue_indirect_dma source(%dma_start3A_92 : memref<1000000x32xf32, #tpu.memory_space<hbm>>) target(%dma_start3A_86 : memref<128x32xf32, #tpu.memory_space<vmem>>) offsets(%dma_start3A_89 : memref<128xi32, #tpu.memory_space<vmem>>) semaphore(%dma_start3A_94 : memref<!tpu.dma_semaphore, #tpu.memory_space<semaphore_mem>>)
    %scan3A = arith.constant 0 : i32
    %scan3A_95 = arith.constant 0 : i32
    %scan3A_96 = arith.constant 50 : i32
    %scan3A_97 = arith.addi %scan3A_95, %scan3A_96 : i32
    %scan3A_98 = arith.constant 1 : i32
    scf.for %scan3A_283 = %scan3A_95 to %scan3A_97 step %scan3A_98  : i32 {
      %mul3A_284 = arith.constant 4 : i32
      %mul3A_285 = arith.muli %mul3A_284, %scan3A_283 : i32
      %add3A_286 = arith.constant 0 : i32
      %add3A_287 = arith.addi %mul3A_285, %add3A_286 : i32
      %dma_wait3A_288 = arith.constant 0 : i32
      %dma_wait3A_289 = arith.constant 0 : i32
      %dma_wait3A_290 = arith.constant 0 : i32
      %dma_wait3A_291 = arith.constant 0 : i32
      %dma_wait3A_292 = arith.constant 0 : i32
      %dma_wait3A_293 = arith.constant 0 : i32
      %dma_wait3A_294 = tpu.memref_slice %arg6[%dma_wait3A_290, %dma_wait3A_292, %dma_wait3A_293] : memref<4x128x32xf32, #tpu.memory_space<vmem>> -> memref<1x128x32xf32, #tpu.memory_space<vmem>>
      %dma_wait3A_295 = tpu.memref_squeeze %dma_wait3A_294 : memref<1x128x32xf32, #tpu.memory_space<vmem>> -> memref<128x32xf32, #tpu.memory_space<vmem>>
      %dma_wait3A_296 = arith.constant 0 : i32
      %dma_wait3A_297 = tpu.memref_slice %arg5[%dma_wait3A_288, %dma_wait3A_289, %dma_wait3A_296] : memref<25x8x128xi32, #tpu.memory_space<vmem>> -> memref<1x1x128xi32, #tpu.memory_space<vmem>>
      %dma_wait3A_298 = tpu.memref_squeeze %dma_wait3A_297 : memref<1x1x128xi32, #tpu.memory_space<vmem>> -> memref<128xi32, #tpu.memory_space<vmem>>
      %dma_wait3A_299 = arith.constant 0 : i32
      %dma_wait3A_300 = arith.constant 0 : i32
      %dma_wait3A_301 = tpu.memref_slice %arg3[%dma_wait3A_299, %dma_wait3A_300] : memref<1000000x32xf32, #tpu.memory_space<hbm>> -> memref<1000000x32xf32, #tpu.memory_space<hbm>>
      %dma_wait3A_302 = tpu.memref_slice %arg9[%dma_wait3A_291] : memref<4x!tpu.dma_semaphore, #tpu.memory_space<semaphore_mem>> -> memref<1x!tpu.dma_semaphore, #tpu.memory_space<semaphore_mem>>
      %dma_wait3A_303 = tpu.memref_squeeze %dma_wait3A_302 : memref<1x!tpu.dma_semaphore, #tpu.memory_space<semaphore_mem>> -> memref<!tpu.dma_semaphore, #tpu.memory_space<semaphore_mem>>
      tpu.wait_indirect_dma semaphore(%dma_wait3A_303 : memref<!tpu.dma_semaphore, #tpu.memory_space<semaphore_mem>>) src(%dma_wait3A_301 : memref<1000000x32xf32, #tpu.memory_space<hbm>>) dst(%dma_wait3A_295 : memref<128x32xf32, #tpu.memory_space<vmem>>)
      %parallel_loop3A = arith.constant 0 : i32
      %parallel_loop3A_304 = arith.constant 128 : i32
      %parallel_loop3A_305 = arith.constant 1 : i32
      scf.for %parallel_loop3A_767 = %parallel_loop3A to %parallel_loop3A_304 step %parallel_loop3A_305  : i32 {
        %parallel_loop3A_768 = arith.constant 0 : i32
        %parallel_loop3A_769 = arith.index_cast %parallel_loop3A_768 : i32 to index
        %parallel_loop3A_770 = arith.index_cast %parallel_loop3A_767 : i32 to index
        %parallel_loop3A_771 = arith.constant 0 : index
        %parallel_loop3A_772 = tpu.vector_load %arg6[%parallel_loop3A_769, %parallel_loop3A_770, %parallel_loop3A_771] {strides = array<i32>} : memref<4x128x32xf32, #tpu.memory_space<vmem>>, vector<16xf32>,
        %parallel_loop3A_773 = arith.constant 0 : i32
        %parallel_loop3A_774 = arith.index_cast %parallel_loop3A_773 : i32 to index
        %parallel_loop3A_775 = arith.index_cast %parallel_loop3A_767 : i32 to index
        %parallel_loop3A_776 = arith.constant 0 : index
        %parallel_loop3A_777 = tpu.vector_load %arg7[%parallel_loop3A_774, %parallel_loop3A_775, %parallel_loop3A_776] {strides = array<i32>} : memref<2x128x33xf32, #tpu.memory_space<vmem>>, vector<16xf32>,
        tpu.vector_store %arg7[%parallel_loop3A_774, %parallel_loop3A_775, %parallel_loop3A_776], %parallel_loop3A_772 {strides = array<i32>} : memref<2x128x33xf32, #tpu.memory_space<vmem>>, vector<16xf32>,
        %parallel_loop3A_778 = arith.constant 0 : i32
        %parallel_loop3A_779 = arith.index_cast %parallel_loop3A_778 : i32 to index
        %parallel_loop3A_780 = arith.index_cast %parallel_loop3A_767 : i32 to index
        %parallel_loop3A_781 = arith.constant 16 : index
        %parallel_loop3A_782 = tpu.vector_load %arg6[%parallel_loop3A_779, %parallel_loop3A_780, %parallel_loop3A_781] {strides = array<i32>} : memref<4x128x32xf32, #tpu.memory_space<vmem>>, vector<16xf32>,
        %parallel_loop3A_783 = arith.constant 0 : i32
        %parallel_loop3A_784 = arith.index_cast %parallel_loop3A_783 : i32 to index
        %parallel_loop3A_785 = arith.index_cast %parallel_loop3A_767 : i32 to index
        %parallel_loop3A_786 = arith.constant 16 : index
        %parallel_loop3A_787 = tpu.vector_load %arg7[%parallel_loop3A_784, %parallel_loop3A_785, %parallel_loop3A_786] {strides = array<i32>} : memref<2x128x33xf32, #tpu.memory_space<vmem>>, vector<16xf32>,
        tpu.vector_store %arg7[%parallel_loop3A_784, %parallel_loop3A_785, %parallel_loop3A_786], %parallel_loop3A_782 {strides = array<i32>} : memref<2x128x33xf32, #tpu.memory_space<vmem>>, vector<16xf32>,
      } {sc.loop_unroll_factor = 4 : i64, sc.parallel_access}
      %add3A_306 = arith.constant 4 : i32
      %add3A_307 = arith.addi %add3A_287, %add3A_306 : i32
      %lt3A = arith.constant 200 : i32
      %lt3A_308 = arith.cmpi slt, %add3A_307, %lt3A : i32
      %convert_element_type3A = arith.extui %lt3A_308 : i1 to i32
      %cond3A = arith.constant 0 : i32
      %cond3A_309 = arith.cmpi ne, %convert_element_type3A, %cond3A : i32
      scf.if %cond3A_309 {
        %add3A_767 = arith.constant 4 : i32
        %add3A_768 = arith.addi %add3A_287, %add3A_767 : i32
        %jit3A = arith.constant 8 : i32
        %div3A = arith.divsi %add3A_768, %jit3A : i32
        %sign3A = arith.constant 0 : i32
        %sign3A_769 = arith.cmpi sgt, %add3A_768, %sign3A : i32
        %sign3A_770 = arith.extui %sign3A_769 : i1 to i32
        %sign3A_771 = arith.constant 0 : i32
        %sign3A_772 = arith.cmpi slt, %add3A_768, %sign3A_771 : i32
        %sign3A_773 = arith.extui %sign3A_772 : i1 to i32
        %sign3A_774 = arith.subi %sign3A_770, %sign3A_773 : i32
        %sign3A_775 = arith.constant 0 : i32
        %sign3A_776 = arith.cmpi sgt, %jit3A, %sign3A_775 : i32
        %sign3A_777 = arith.extui %sign3A_776 : i1 to i32
        %sign3A_778 = arith.constant 0 : i32
        %sign3A_779 = arith.cmpi slt, %jit3A, %sign3A_778 : i32
        %sign3A_780 = arith.extui %sign3A_779 : i1 to i32
        %sign3A_781 = arith.subi %sign3A_777, %sign3A_780 : i32
        %ne3A = arith.cmpi ne, %sign3A_774, %sign3A_781 : i32
        %rem3A = arith.remsi %add3A_768, %jit3A : i32
        %ne3A_782 = arith.constant 0 : i32
        %ne3A_783 = arith.cmpi ne, %rem3A, %ne3A_782 : i32
        %and3A = arith.andi %ne3A, %ne3A_783 : i1
        %sub3A = arith.constant 1 : i32
        %sub3A_784 = arith.subi %div3A, %sub3A : i32
        %select_n3A = arith.select %and3A, %sub3A_784, %div3A : i32
        %jit3A_785 = arith.constant 8 : i32
        %eq3A = arith.constant 0 : i32
        %eq3A_786 = arith.cmpi eq, %jit3A_785, %eq3A : i32
        %jit3A_787 = arith.constant 1 : i32
        %select_n3A_788 = arith.select %eq3A_786, %jit3A_787, %jit3A_785 : i32
        %rem3A_789 = arith.remsi %add3A_768, %select_n3A_788 : i32
        %ne3A_790 = arith.constant 0 : i32
        %ne3A_791 = arith.cmpi ne, %rem3A_789, %ne3A_790 : i32
        %lt3A_792 = arith.constant 0 : i32
        %lt3A_793 = arith.cmpi slt, %rem3A_789, %lt3A_792 : i32
        %lt3A_794 = arith.constant 0 : i32
        %lt3A_795 = arith.cmpi slt, %select_n3A_788, %lt3A_794 : i32
        %ne3A_796 = arith.xori %lt3A_793, %lt3A_795 : i1
        %and3A_797 = arith.andi %ne3A_796, %ne3A_791 : i1
        %add3A_798 = arith.addi %rem3A_789, %select_n3A_788 : i32
        %select_n3A_799 = arith.select %and3A_797, %add3A_798, %rem3A_789 : i32
        %dma_start3A_800 = arith.constant 0 : i32
        %dma_start3A_801 = arith.constant 0 : i32
        %dma_start3A_802 = arith.constant 0 : i32
        %dma_start3A_803 = arith.constant 0 : i32
        %dma_start3A_804 = tpu.memref_slice %arg6[%dma_start3A_800, %dma_start3A_802, %dma_start3A_803] : memref<4x128x32xf32, #tpu.memory_space<vmem>> -> memref<1x128x32xf32, #tpu.memory_space<vmem>>
        %dma_start3A_805 = tpu.memref_squeeze %dma_start3A_804 : memref<1x128x32xf32, #tpu.memory_space<vmem>> -> memref<128x32xf32, #tpu.memory_space<vmem>>
        %dma_start3A_806 = arith.constant 0 : i32
        %dma_start3A_807 = tpu.memref_slice %arg5[%select_n3A, %select_n3A_799, %dma_start3A_806] : memref<25x8x128xi32, #tpu.memory_space<vmem>> -> memref<1x1x128xi32, #tpu.memory_space<vmem>>
        %dma_start3A_808 = tpu.memref_squeeze %dma_start3A_807 : memref<1x1x128xi32, #tpu.memory_space<vmem>> -> memref<128xi32, #tpu.memory_space<vmem>>
        %dma_start3A_809 = arith.constant 0 : i32
        %dma_start3A_810 = arith.constant 0 : i32
        %dma_start3A_811 = tpu.memref_slice %arg3[%dma_start3A_809, %dma_start3A_810] : memref<1000000x32xf32, #tpu.memory_space<hbm>> -> memref<1000000x32xf32, #tpu.memory_space<hbm>>
        %dma_start3A_812 = tpu.memref_slice %arg9[%dma_start3A_801] : memref<4x!tpu.dma_semaphore, #tpu.memory_space<semaphore_mem>> -> memref<1x!tpu.dma_semaphore, #tpu.memory_space<semaphore_mem>>
        %dma_start3A_813 = tpu.memref_squeeze %dma_start3A_812 : memref<1x!tpu.dma_semaphore, #tpu.memory_space<semaphore_mem>> -> memref<!tpu.dma_semaphore, #tpu.memory_space<semaphore_mem>>
        tpu.enqueue_indirect_dma source(%dma_start3A_811 : memref<1000000x32xf32, #tpu.memory_space<hbm>>) target(%dma_start3A_805 : memref<128x32xf32, #tpu.memory_space<vmem>>) offsets(%dma_start3A_808 : memref<128xi32, #tpu.memory_space<vmem>>) semaphore(%dma_start3A_813 : memref<!tpu.dma_semaphore, #tpu.memory_space<semaphore_mem>>)
      } else {
      }
      %ge3A = arith.constant 2 : i32
      %ge3A_310 = arith.cmpi sge, %add3A_287, %ge3A : i32
      %convert_element_type3A_311 = arith.extui %ge3A_310 : i1 to i32
      %cond3A_312 = arith.constant 0 : i32
      %cond3A_313 = arith.cmpi ne, %convert_element_type3A_311, %cond3A_312 : i32
      scf.if %cond3A_313 {
        %dma_wait3A_767 = arith.constant 0 : i32
        %dma_wait3A_768 = arith.constant 0 : i32
        %dma_wait3A_769 = arith.constant 0 : i32
        %dma_wait3A_770 = arith.constant 0 : i32
        %dma_wait3A_771 = arith.constant 0 : i32
        %dma_wait3A_772 = arith.constant 0 : i32
        %dma_wait3A_773 = arith.constant 0 : i32
        %dma_wait3A_774 = tpu.memref_slice %arg8[%dma_wait3A_767, %dma_wait3A_772, %dma_wait3A_773] : memref<2x32x128xf32, #tpu.memory_space<vmem>> -> memref<1x8x128xf32, #tpu.memory_space<vmem>>
        %dma_wait3A_775 = tpu.memref_squeeze %dma_wait3A_774 : memref<1x8x128xf32, #tpu.memory_space<vmem>> -> memref<8x128xf32, #tpu.memory_space<vmem>>
        %dma_wait3A_776 = arith.constant 0 : i32
        %dma_wait3A_777 = arith.constant 0 : i32
        %dma_wait3A_778 = tpu.memref_slice %arg4[%dma_wait3A_768, %dma_wait3A_769, %dma_wait3A_770, %dma_wait3A_776, %dma_wait3A_777] : memref<200x4x32x8x128xf32, #tpu.memory_space<hbm>> -> memref<1x1x1x8x128xf32, #tpu.memory_space<hbm>>
        %dma_wait3A_779 = tpu.memref_squeeze %dma_wait3A_778 : memref<1x1x1x8x128xf32, #tpu.memory_space<hbm>> -> memref<8x128xf32, #tpu.memory_space<hbm>>
        %dma_wait3A_780 = tpu.memref_slice %arg10[%dma_wait3A_771] : memref<2x!tpu.dma_semaphore, #tpu.memory_space<semaphore_mem>> -> memref<1x!tpu.dma_semaphore, #tpu.memory_space<semaphore_mem>>
        %dma_wait3A_781 = tpu.memref_squeeze %dma_wait3A_780 : memref<1x!tpu.dma_semaphore, #tpu.memory_space<semaphore_mem>> -> memref<!tpu.dma_semaphore, #tpu.memory_space<semaphore_mem>>
        %dma_wait3A_782 = arith.constant 0 : i32
        %dma_wait3A_783 = arith.constant 0 : i32
        %dma_wait3A_784 = tpu.memref_slice %arg4[%dma_wait3A_768, %dma_wait3A_769, %dma_wait3A_770, %dma_wait3A_782, %dma_wait3A_783] : memref<200x4x32x8x128xf32, #tpu.memory_space<hbm>> -> memref<1x1x1x8x128xf32, #tpu.memory_space<hbm>>
        %dma_wait3A_785 = tpu.memref_squeeze %dma_wait3A_784 : memref<1x1x1x8x128xf32, #tpu.memory_space<hbm>> -> memref<8x128xf32, #tpu.memory_space<hbm>>
        %dma_wait3A_786 = arith.constant 0 : i32
        %dma_wait3A_787 = arith.constant 0 : i32
        %dma_wait3A_788 = tpu.memref_slice %arg8[%dma_wait3A_767, %dma_wait3A_786, %dma_wait3A_787] : memref<2x32x128xf32, #tpu.memory_space<vmem>> -> memref<1x8x128xf32, #tpu.memory_space<vmem>>
        %dma_wait3A_789 = tpu.memref_squeeze %dma_wait3A_788 : memref<1x8x128xf32, #tpu.memory_space<vmem>> -> memref<8x128xf32, #tpu.memory_space<vmem>>
        tpu.wait_dma2 semaphore(%dma_wait3A_781 : memref<!tpu.dma_semaphore, #tpu.memory_space<semaphore_mem>>) src(%dma_wait3A_789 : memref<8x128xf32, #tpu.memory_space<vmem>>) dst(%dma_wait3A_785 : memref<8x128xf32, #tpu.memory_space<hbm>>)
        %dma_wait3A_790 = arith.constant 0 : i32
        %dma_wait3A_791 = arith.constant 0 : i32
        %dma_wait3A_792 = arith.constant 1 : i32
        %dma_wait3A_793 = arith.constant 0 : i32
        %dma_wait3A_794 = arith.constant 0 : i32
        %dma_wait3A_795 = arith.constant 8 : i32
        %dma_wait3A_796 = arith.constant 0 : i32
        %dma_wait3A_797 = tpu.memref_slice %arg8[%dma_wait3A_790, %dma_wait3A_795, %dma_wait3A_796] : memref<2x32x128xf32, #tpu.memory_space<vmem>> -> memref<1x8x128xf32, #tpu.memory_space<vmem>>
        %dma_wait3A_798 = tpu.memref_squeeze %dma_wait3A_797 : memref<1x8x128xf32, #tpu.memory_space<vmem>> -> memref<8x128xf32, #tpu.memory_space<vmem>>
        %dma_wait3A_799 = arith.constant 0 : i32
        %dma_wait3A_800 = arith.constant 0 : i32
        %dma_wait3A_801 = tpu.memref_slice %arg4[%dma_wait3A_791, %dma_wait3A_792, %dma_wait3A_793, %dma_wait3A_799, %dma_wait3A_800] : memref<200x4x32x8x128xf32, #tpu.memory_space<hbm>> -> memref<1x1x1x8x128xf32, #tpu.memory_space<hbm>>
        %dma_wait3A_802 = tpu.memref_squeeze %dma_wait3A_801 : memref<1x1x1x8x128xf32, #tpu.memory_space<hbm>> -> memref<8x128xf32, #tpu.memory_space<hbm>>
        %dma_wait3A_803 = tpu.memref_slice %arg10[%dma_wait3A_794] : memref<2x!tpu.dma_semaphore, #tpu.memory_space<semaphore_mem>> -> memref<1x!tpu.dma_semaphore, #tpu.memory_space<semaphore_mem>>
        %dma_wait3A_804 = tpu.memref_squeeze %dma_wait3A_803 : memref<1x!tpu.dma_semaphore, #tpu.memory_space<semaphore_mem>> -> memref<!tpu.dma_semaphore, #tpu.memory_space<semaphore_mem>>
        %dma_wait3A_805 = arith.constant 0 : i32
        %dma_wait3A_806 = arith.constant 0 : i32
        %dma_wait3A_807 = tpu.memref_slice %arg4[%dma_wait3A_791, %dma_wait3A_792, %dma_wait3A_793, %dma_wait3A_805, %dma_wait3A_806] : memref<200x4x32x8x128xf32, #tpu.memory_space<hbm>> -> memref<1x1x1x8x128xf32, #tpu.memory_space<hbm>>
        %dma_wait3A_808 = tpu.memref_squeeze %dma_wait3A_807 : memref<1x1x1x8x128xf32, #tpu.memory_space<hbm>> -> memref<8x128xf32, #tpu.memory_space<hbm>>
        %dma_wait3A_809 = arith.constant 8 : i32
        %dma_wait3A_810 = arith.constant 0 : i32
        %dma_wait3A_811 = tpu.memref_slice %arg8[%dma_wait3A_790, %dma_wait3A_809, %dma_wait3A_810] : memref<2x32x128xf32, #tpu.memory_space<vmem>> -> memref<1x8x128xf32, #tpu.memory_space<vmem>>
        %dma_wait3A_812 = tpu.memref_squeeze %dma_wait3A_811 : memref<1x8x128xf32, #tpu.memory_space<vmem>> -> memref<8x128xf32, #tpu.memory_space<vmem>>
        tpu.wait_dma2 semaphore(%dma_wait3A_804 : memref<!tpu.dma_semaphore, #tpu.memory_space<semaphore_mem>>) src(%dma_wait3A_812 : memref<8x128xf32, #tpu.memory_space<vmem>>) dst(%dma_wait3A_808 : memref<8x128xf32, #tpu.memory_space<hbm>>)
        %dma_wait3A_813 = arith.constant 0 : i32
        %dma_wait3A_814 = arith.constant 0 : i32
        %dma_wait3A_815 = arith.constant 2 : i32
        %dma_wait3A_816 = arith.constant 0 : i32
        %dma_wait3A_817 = arith.constant 0 : i32
        %dma_wait3A_818 = arith.constant 16 : i32
        %dma_wait3A_819 = arith.constant 0 : i32
        %dma_wait3A_820 = tpu.memref_slice %arg8[%dma_wait3A_813, %dma_wait3A_818, %dma_wait3A_819] : memref<2x32x128xf32, #tpu.memory_space<vmem>> -> memref<1x8x128xf32, #tpu.memory_space<vmem>>
        %dma_wait3A_821 = tpu.memref_squeeze %dma_wait3A_820 : memref<1x8x128xf32, #tpu.memory_space<vmem>> -> memref<8x128xf32, #tpu.memory_space<vmem>>
        %dma_wait3A_822 = arith.constant 0 : i32
        %dma_wait3A_823 = arith.constant 0 : i32
        %dma_wait3A_824 = tpu.memref_slice %arg4[%dma_wait3A_814, %dma_wait3A_815, %dma_wait3A_816, %dma_wait3A_822, %dma_wait3A_823] : memref<200x4x32x8x128xf32, #tpu.memory_space<hbm>> -> memref<1x1x1x8x128xf32, #tpu.memory_space<hbm>>
        %dma_wait3A_825 = tpu.memref_squeeze %dma_wait3A_824 : memref<1x1x1x8x128xf32, #tpu.memory_space<hbm>> -> memref<8x128xf32, #tpu.memory_space<hbm>>
        %dma_wait3A_826 = tpu.memref_slice %arg10[%dma_wait3A_817] : memref<2x!tpu.dma_semaphore, #tpu.memory_space<semaphore_mem>> -> memref<1x!tpu.dma_semaphore, #tpu.memory_space<semaphore_mem>>
        %dma_wait3A_827 = tpu.memref_squeeze %dma_wait3A_826 : memref<1x!tpu.dma_semaphore, #tpu.memory_space<semaphore_mem>> -> memref<!tpu.dma_semaphore, #tpu.memory_space<semaphore_mem>>
        %dma_wait3A_828 = arith.constant 0 : i32
        %dma_wait3A_829 = arith.constant 0 : i32
        %dma_wait3A_830 = tpu.memref_slice %arg4[%dma_wait3A_814, %dma_wait3A_815, %dma_wait3A_816, %dma_wait3A_828, %dma_wait3A_829] : memref<200x4x32x8x128xf32, #tpu.memory_space<hbm>> -> memref<1x1x1x8x128xf32, #tpu.memory_space<hbm>>
        %dma_wait3A_831 = tpu.memref_squeeze %dma_wait3A_830 : memref<1x1x1x8x128xf32, #tpu.memory_space<hbm>> -> memref<8x128xf32, #tpu.memory_space<hbm>>
        %dma_wait3A_832 = arith.constant 16 : i32
        %dma_wait3A_833 = arith.constant 0 : i32
        %dma_wait3A_834 = tpu.memref_slice %arg8[%dma_wait3A_813, %dma_wait3A_832, %dma_wait3A_833] : memref<2x32x128xf32, #tpu.memory_space<vmem>> -> memref<1x8x128xf32, #tpu.memory_space<vmem>>
        %dma_wait3A_835 = tpu.memref_squeeze %dma_wait3A_834 : memref<1x8x128xf32, #tpu.memory_space<vmem>> -> memref<8x128xf32, #tpu.memory_space<vmem>>
        tpu.wait_dma2 semaphore(%dma_wait3A_827 : memref<!tpu.dma_semaphore, #tpu.memory_space<semaphore_mem>>) src(%dma_wait3A_835 : memref<8x128xf32, #tpu.memory_space<vmem>>) dst(%dma_wait3A_831 : memref<8x128xf32, #tpu.memory_space<hbm>>)
        %dma_wait3A_836 = arith.constant 0 : i32
        %dma_wait3A_837 = arith.constant 0 : i32
        %dma_wait3A_838 = arith.constant 3 : i32
        %dma_wait3A_839 = arith.constant 0 : i32
        %dma_wait3A_840 = arith.constant 0 : i32
        %dma_wait3A_841 = arith.constant 24 : i32
        %dma_wait3A_842 = arith.constant 0 : i32
        %dma_wait3A_843 = tpu.memref_slice %arg8[%dma_wait3A_836, %dma_wait3A_841, %dma_wait3A_842] : memref<2x32x128xf32, #tpu.memory_space<vmem>> -> memref<1x8x128xf32, #tpu.memory_space<vmem>>
        %dma_wait3A_844 = tpu.memref_squeeze %dma_wait3A_843 : memref<1x8x128xf32, #tpu.memory_space<vmem>> -> memref<8x128xf32, #tpu.memory_space<vmem>>
        %dma_wait3A_845 = arith.constant 0 : i32
        %dma_wait3A_846 = arith.constant 0 : i32
        %dma_wait3A_847 = tpu.memref_slice %arg4[%dma_wait3A_837, %dma_wait3A_838, %dma_wait3A_839, %dma_wait3A_845, %dma_wait3A_846] : memref<200x4x32x8x128xf32, #tpu.memory_space<hbm>> -> memref<1x1x1x8x128xf32, #tpu.memory_space<hbm>>
        %dma_wait3A_848 = tpu.memref_squeeze %dma_wait3A_847 : memref<1x1x1x8x128xf32, #tpu.memory_space<hbm>> -> memref<8x128xf32, #tpu.memory_space<hbm>>
        %dma_wait3A_849 = tpu.memref_slice %arg10[%dma_wait3A_840] : memref<2x!tpu.dma_semaphore, #tpu.memory_space<semaphore_mem>> -> memref<1x!tpu.dma_semaphore, #tpu.memory_space<semaphore_mem>>
        %dma_wait3A_850 = tpu.memref_squeeze %dma_wait3A_849 : memref<1x!tpu.dma_semaphore, #tpu.memory_space<semaphore_mem>> -> memref<!tpu.dma_semaphore, #tpu.memory_space<semaphore_mem>>
        %dma_wait3A_851 = arith.constant 0 : i32
        %dma_wait3A_852 = arith.constant 0 : i32
        %dma_wait3A_853 = tpu.memref_slice %arg4[%dma_wait3A_837, %dma_wait3A_838, %dma_wait3A_839, %dma_wait3A_851, %dma_wait3A_852] : memref<200x4x32x8x128xf32, #tpu.memory_space<hbm>> -> memref<1x1x1x8x128xf32, #tpu.memory_space<hbm>>
        %dma_wait3A_854 = tpu.memref_squeeze %dma_wait3A_853 : memref<1x1x1x8x128xf32, #tpu.memory_space<hbm>> -> memref<8x128xf32, #tpu.memory_space<hbm>>
        %dma_wait3A_855 = arith.constant 24 : i32
        %dma_wait3A_856 = arith.constant 0 : i32
        %dma_wait3A_857 = tpu.memref_slice %arg8[%dma_wait3A_836, %dma_wait3A_855, %dma_wait3A_856] : memref<2x32x128xf32, #tpu.memory_space<vmem>> -> memref<1x8x128xf32, #tpu.memory_space<vmem>>
        %dma_wait3A_858 = tpu.memref_squeeze %dma_wait3A_857 : memref<1x8x128xf32, #tpu.memory_space<vmem>> -> memref<8x128xf32, #tpu.memory_space<vmem>>
        tpu.wait_dma2 semaphore(%dma_wait3A_850 : memref<!tpu.dma_semaphore, #tpu.memory_space<semaphore_mem>>) src(%dma_wait3A_858 : memref<8x128xf32, #tpu.memory_space<vmem>>) dst(%dma_wait3A_854 : memref<8x128xf32, #tpu.memory_space<hbm>>)
      } else {
      }
      %parallel_loop3A_314 = arith.constant 0 : i32
      %parallel_loop3A_315 = arith.constant 32 : i32
      %parallel_loop3A_316 = arith.constant 1 : i32
      scf.for %parallel_loop3A_767 = %parallel_loop3A_314 to %parallel_loop3A_315 step %parallel_loop3A_316  : i32 {
        %parallel_loop3A_768 = vector.broadcast %parallel_loop3A_767 : i32 to vector<16xi32>
        %parallel_loop3A_769 = arith.constant 0 : i32
        %parallel_loop3A_770 = arith.constant 0 : i32
        %parallel_loop3A_771 = arith.constant 0 : i32
        %parallel_loop3A_772 = tpu.memref_slice %arg7[%parallel_loop3A_769, %parallel_loop3A_770, %parallel_loop3A_771] : memref<2x128x33xf32, #tpu.memory_space<vmem>> -> memref<1x128x33xf32, #tpu.memory_space<vmem>>
        %parallel_loop3A_773 = tpu.memref_squeeze %parallel_loop3A_772 : memref<1x128x33xf32, #tpu.memory_space<vmem>> -> memref<128x33xf32, #tpu.memory_space<vmem>>
        %parallel_loop3A_774 = tpu.vector_load_idx %parallel_loop3A_773[%add3A_3, %parallel_loop3A_768] : memref<128x33xf32, #tpu.memory_space<vmem>>[vector<16xi32>, vector<16xi32>], vector<16xf32>,
        %parallel_loop3A_775 = arith.constant 0 : i32
        %parallel_loop3A_776 = arith.index_cast %parallel_loop3A_775 : i32 to index
        %parallel_loop3A_777 = arith.index_cast %parallel_loop3A_767 : i32 to index
        %parallel_loop3A_778 = arith.constant 0 : index
        %parallel_loop3A_779 = tpu.vector_load %arg8[%parallel_loop3A_776, %parallel_loop3A_777, %parallel_loop3A_778] {strides = array<i32>} : memref<2x32x128xf32, #tpu.memory_space<vmem>>, vector<16xf32>,
        tpu.vector_store %arg8[%parallel_loop3A_776, %parallel_loop3A_777, %parallel_loop3A_778], %parallel_loop3A_774 {strides = array<i32>} : memref<2x32x128xf32, #tpu.memory_space<vmem>>, vector<16xf32>,
        %parallel_loop3A_780 = arith.constant 0 : i32
        %parallel_loop3A_781 = arith.constant 0 : i32
        %parallel_loop3A_782 = arith.constant 0 : i32
        %parallel_loop3A_783 = tpu.memref_slice %arg7[%parallel_loop3A_780, %parallel_loop3A_781, %parallel_loop3A_782] : memref<2x128x33xf32, #tpu.memory_space<vmem>> -> memref<1x128x33xf32, #tpu.memory_space<vmem>>
        %parallel_loop3A_784 = tpu.memref_squeeze %parallel_loop3A_783 : memref<1x128x33xf32, #tpu.memory_space<vmem>> -> memref<128x33xf32, #tpu.memory_space<vmem>>
        %parallel_loop3A_785 = tpu.vector_load_idx %parallel_loop3A_784[%add3A_7, %parallel_loop3A_768] : memref<128x33xf32, #tpu.memory_space<vmem>>[vector<16xi32>, vector<16xi32>], vector<16xf32>,
        %parallel_loop3A_786 = arith.constant 0 : i32
        %parallel_loop3A_787 = arith.index_cast %parallel_loop3A_786 : i32 to index
        %parallel_loop3A_788 = arith.index_cast %parallel_loop3A_767 : i32 to index
        %parallel_loop3A_789 = arith.constant 16 : index
        %parallel_loop3A_790 = tpu.vector_load %arg8[%parallel_loop3A_787, %parallel_loop3A_788, %parallel_loop3A_789] {strides = array<i32>} : memref<2x32x128xf32, #tpu.memory_space<vmem>>, vector<16xf32>,
        tpu.vector_store %arg8[%parallel_loop3A_787, %parallel_loop3A_788, %parallel_loop3A_789], %parallel_loop3A_785 {strides = array<i32>} : memref<2x32x128xf32, #tpu.memory_space<vmem>>, vector<16xf32>,
        %parallel_loop3A_791 = arith.constant 0 : i32
        %parallel_loop3A_792 = arith.constant 0 : i32
        %parallel_loop3A_793 = arith.constant 0 : i32
        %parallel_loop3A_794 = tpu.memref_slice %arg7[%parallel_loop3A_791, %parallel_loop3A_792, %parallel_loop3A_793] : memref<2x128x33xf32, #tpu.memory_space<vmem>> -> memref<1x128x33xf32, #tpu.memory_space<vmem>>
        %parallel_loop3A_795 = tpu.memref_squeeze %parallel_loop3A_794 : memref<1x128x33xf32, #tpu.memory_space<vmem>> -> memref<128x33xf32, #tpu.memory_space<vmem>>
        %parallel_loop3A_796 = tpu.vector_load_idx %parallel_loop3A_795[%add3A_11, %parallel_loop3A_768] : memref<128x33xf32, #tpu.memory_space<vmem>>[vector<16xi32>, vector<16xi32>], vector<16xf32>,
        %parallel_loop3A_797 = arith.constant 0 : i32
        %parallel_loop3A_798 = arith.index_cast %parallel_loop3A_797 : i32 to index
        %parallel_loop3A_799 = arith.index_cast %parallel_loop3A_767 : i32 to index
        %parallel_loop3A_800 = arith.constant 32 : index
        %parallel_loop3A_801 = tpu.vector_load %arg8[%parallel_loop3A_798, %parallel_loop3A_799, %parallel_loop3A_800] {strides = array<i32>} : memref<2x32x128xf32, #tpu.memory_space<vmem>>, vector<16xf32>,
        tpu.vector_store %arg8[%parallel_loop3A_798, %parallel_loop3A_799, %parallel_loop3A_800], %parallel_loop3A_796 {strides = array<i32>} : memref<2x32x128xf32, #tpu.memory_space<vmem>>, vector<16xf32>,
        %parallel_loop3A_802 = arith.constant 0 : i32
        %parallel_loop3A_803 = arith.constant 0 : i32
        %parallel_loop3A_804 = arith.constant 0 : i32
        %parallel_loop3A_805 = tpu.memref_slice %arg7[%parallel_loop3A_802, %parallel_loop3A_803, %parallel_loop3A_804] : memref<2x128x33xf32, #tpu.memory_space<vmem>> -> memref<1x128x33xf32, #tpu.memory_space<vmem>>
        %parallel_loop3A_806 = tpu.memref_squeeze %parallel_loop3A_805 : memref<1x128x33xf32, #tpu.memory_space<vmem>> -> memref<128x33xf32, #tpu.memory_space<vmem>>
        %parallel_loop3A_807 = tpu.vector_load_idx %parallel_loop3A_806[%add3A_15, %parallel_loop3A_768] : memref<128x33xf32, #tpu.memory_space<vmem>>[vector<16xi32>, vector<16xi32>], vector<16xf32>,
        %parallel_loop3A_808 = arith.constant 0 : i32
        %parallel_loop3A_809 = arith.index_cast %parallel_loop3A_808 : i32 to index
        %parallel_loop3A_810 = arith.index_cast %parallel_loop3A_767 : i32 to index
        %parallel_loop3A_811 = arith.constant 48 : index
        %parallel_loop3A_812 = tpu.vector_load %arg8[%parallel_loop3A_809, %parallel_loop3A_810, %parallel_loop3A_811] {strides = array<i32>} : memref<2x32x128xf32, #tpu.memory_space<vmem>>, vector<16xf32>,
        tpu.vector_store %arg8[%parallel_loop3A_809, %parallel_loop3A_810, %parallel_loop3A_811], %parallel_loop3A_807 {strides = array<i32>} : memref<2x32x128xf32, #tpu.memory_space<vmem>>, vector<16xf32>,
        %parallel_loop3A_813 = arith.constant 0 : i32
        %parallel_loop3A_814 = arith.constant 0 : i32
        %parallel_loop3A_815 = arith.constant 0 : i32
        %parallel_loop3A_816 = tpu.memref_slice %arg7[%parallel_loop3A_813, %parallel_loop3A_814, %parallel_loop3A_815] : memref<2x128x33xf32, #tpu.memory_space<vmem>> -> memref<1x128x33xf32, #tpu.memory_space<vmem>>
        %parallel_loop3A_817 = tpu.memref_squeeze %parallel_loop3A_816 : memref<1x128x33xf32, #tpu.memory_space<vmem>> -> memref<128x33xf32, #tpu.memory_space<vmem>>
        %parallel_loop3A_818 = tpu.vector_load_idx %parallel_loop3A_817[%add3A_19, %parallel_loop3A_768] : memref<128x33xf32, #tpu.memory_space<vmem>>[vector<16xi32>, vector<16xi32>], vector<16xf32>,
        %parallel_loop3A_819 = arith.constant 0 : i32
        %parallel_loop3A_820 = arith.index_cast %parallel_loop3A_819 : i32 to index
        %parallel_loop3A_821 = arith.index_cast %parallel_loop3A_767 : i32 to index
        %parallel_loop3A_822 = arith.constant 64 : index
        %parallel_loop3A_823 = tpu.vector_load %arg8[%parallel_loop3A_820, %parallel_loop3A_821, %parallel_loop3A_822] {strides = array<i32>} : memref<2x32x128xf32, #tpu.memory_space<vmem>>, vector<16xf32>,
        tpu.vector_store %arg8[%parallel_loop3A_820, %parallel_loop3A_821, %parallel_loop3A_822], %parallel_loop3A_818 {strides = array<i32>} : memref<2x32x128xf32, #tpu.memory_space<vmem>>, vector<16xf32>,
        %parallel_loop3A_824 = arith.constant 0 : i32
        %parallel_loop3A_825 = arith.constant 0 : i32
        %parallel_loop3A_826 = arith.constant 0 : i32
        %parallel_loop3A_827 = tpu.memref_slice %arg7[%parallel_loop3A_824, %parallel_loop3A_825, %parallel_loop3A_826] : memref<2x128x33xf32, #tpu.memory_space<vmem>> -> memref<1x128x33xf32, #tpu.memory_space<vmem>>
        %parallel_loop3A_828 = tpu.memref_squeeze %parallel_loop3A_827 : memref<1x128x33xf32, #tpu.memory_space<vmem>> -> memref<128x33xf32, #tpu.memory_space<vmem>>
        %parallel_loop3A_829 = tpu.vector_load_idx %parallel_loop3A_828[%add3A_23, %parallel_loop3A_768] : memref<128x33xf32, #tpu.memory_space<vmem>>[vector<16xi32>, vector<16xi32>], vector<16xf32>,
        %parallel_loop3A_830 = arith.constant 0 : i32
        %parallel_loop3A_831 = arith.index_cast %parallel_loop3A_830 : i32 to index
        %parallel_loop3A_832 = arith.index_cast %parallel_loop3A_767 : i32 to index
        %parallel_loop3A_833 = arith.constant 80 : index
        %parallel_loop3A_834 = tpu.vector_load %arg8[%parallel_loop3A_831, %parallel_loop3A_832, %parallel_loop3A_833] {strides = array<i32>} : memref<2x32x128xf32, #tpu.memory_space<vmem>>, vector<16xf32>,
        tpu.vector_store %arg8[%parallel_loop3A_831, %parallel_loop3A_832, %parallel_loop3A_833], %parallel_loop3A_829 {strides = array<i32>} : memref<2x32x128xf32, #tpu.memory_space<vmem>>, vector<16xf32>,
        %parallel_loop3A_835 = arith.constant 0 : i32
        %parallel_loop3A_836 = arith.constant 0 : i32
        %parallel_loop3A_837 = arith.constant 0 : i32
        %parallel_loop3A_838 = tpu.memref_slice %arg7[%parallel_loop3A_835, %parallel_loop3A_836, %parallel_loop3A_837] : memref<2x128x33xf32, #tpu.memory_space<vmem>> -> memref<1x128x33xf32, #tpu.memory_space<vmem>>
        %parallel_loop3A_839 = tpu.memref_squeeze %parallel_loop3A_838 : memref<1x128x33xf32, #tpu.memory_space<vmem>> -> memref<128x33xf32, #tpu.memory_space<vmem>>
        %parallel_loop3A_840 = tpu.vector_load_idx %parallel_loop3A_839[%add3A_27, %parallel_loop3A_768] : memref<128x33xf32, #tpu.memory_space<vmem>>[vector<16xi32>, vector<16xi32>], vector<16xf32>,
        %parallel_loop3A_841 = arith.constant 0 : i32
        %parallel_loop3A_842 = arith.index_cast %parallel_loop3A_841 : i32 to index
        %parallel_loop3A_843 = arith.index_cast %parallel_loop3A_767 : i32 to index
        %parallel_loop3A_844 = arith.constant 96 : index
        %parallel_loop3A_845 = tpu.vector_load %arg8[%parallel_loop3A_842, %parallel_loop3A_843, %parallel_loop3A_844] {strides = array<i32>} : memref<2x32x128xf32, #tpu.memory_space<vmem>>, vector<16xf32>,
        tpu.vector_store %arg8[%parallel_loop3A_842, %parallel_loop3A_843, %parallel_loop3A_844], %parallel_loop3A_840 {strides = array<i32>} : memref<2x32x128xf32, #tpu.memory_space<vmem>>, vector<16xf32>,
        %parallel_loop3A_846 = arith.constant 0 : i32
        %parallel_loop3A_847 = arith.constant 0 : i32
        %parallel_loop3A_848 = arith.constant 0 : i32
        %parallel_loop3A_849 = tpu.memref_slice %arg7[%parallel_loop3A_846, %parallel_loop3A_847, %parallel_loop3A_848] : memref<2x128x33xf32, #tpu.memory_space<vmem>> -> memref<1x128x33xf32, #tpu.memory_space<vmem>>
        %parallel_loop3A_850 = tpu.memref_squeeze %parallel_loop3A_849 : memref<1x128x33xf32, #tpu.memory_space<vmem>> -> memref<128x33xf32, #tpu.memory_space<vmem>>
        %parallel_loop3A_851 = tpu.vector_load_idx %parallel_loop3A_850[%add3A_31, %parallel_loop3A_768] : memref<128x33xf32, #tpu.memory_space<vmem>>[vector<16xi32>, vector<16xi32>], vector<16xf32>,
        %parallel_loop3A_852 = arith.constant 0 : i32
        %parallel_loop3A_853 = arith.index_cast %parallel_loop3A_852 : i32 to index
        %parallel_loop3A_854 = arith.index_cast %parallel_loop3A_767 : i32 to index
        %parallel_loop3A_855 = arith.constant 112 : index
        %parallel_loop3A_856 = tpu.vector_load %arg8[%parallel_loop3A_853, %parallel_loop3A_854, %parallel_loop3A_855] {strides = array<i32>} : memref<2x32x128xf32, #tpu.memory_space<vmem>>, vector<16xf32>,
        tpu.vector_store %arg8[%parallel_loop3A_853, %parallel_loop3A_854, %parallel_loop3A_855], %parallel_loop3A_851 {strides = array<i32>} : memref<2x32x128xf32, #tpu.memory_space<vmem>>, vector<16xf32>,
      } {sc.loop_unroll_factor = 4 : i64, sc.parallel_access}
      %dma_start3A_317 = arith.constant 0 : i32
      %dma_start3A_318 = arith.constant 0 : i32
      %dma_start3A_319 = arith.constant 0 : i32
      %dma_start3A_320 = arith.constant 0 : i32
      %dma_start3A_321 = arith.constant 0 : i32
      %dma_start3A_322 = tpu.memref_slice %arg8[%dma_start3A_317, %dma_start3A_320, %dma_start3A_321] : memref<2x32x128xf32, #tpu.memory_space<vmem>> -> memref<1x8x128xf32, #tpu.memory_space<vmem>>
      %dma_start3A_323 = tpu.memref_squeeze %dma_start3A_322 : memref<1x8x128xf32, #tpu.memory_space<vmem>> -> memref<8x128xf32, #tpu.memory_space<vmem>>
      %dma_start3A_324 = arith.constant 0 : i32
      %dma_start3A_325 = arith.constant 0 : i32
      %dma_start3A_326 = tpu.memref_slice %arg4[%add3A_287, %dma_start3A_318, %add3A, %dma_start3A_324, %dma_start3A_325] : memref<200x4x32x8x128xf32, #tpu.memory_space<hbm>> -> memref<1x1x1x8x128xf32, #tpu.memory_space<hbm>>
      %dma_start3A_327 = tpu.memref_squeeze %dma_start3A_326 : memref<1x1x1x8x128xf32, #tpu.memory_space<hbm>> -> memref<8x128xf32, #tpu.memory_space<hbm>>
      %dma_start3A_328 = tpu.memref_slice %arg10[%dma_start3A_319] : memref<2x!tpu.dma_semaphore, #tpu.memory_space<semaphore_mem>> -> memref<1x!tpu.dma_semaphore, #tpu.memory_space<semaphore_mem>>
      %dma_start3A_329 = tpu.memref_squeeze %dma_start3A_328 : memref<1x!tpu.dma_semaphore, #tpu.memory_space<semaphore_mem>> -> memref<!tpu.dma_semaphore, #tpu.memory_space<semaphore_mem>>
      %dma_start3A_330 = arith.constant 0 : i32
      %dma_start3A_331 = arith.constant 0 : i32
      %dma_start3A_332 = tpu.memref_slice %arg4[%add3A_287, %dma_start3A_318, %add3A, %dma_start3A_330, %dma_start3A_331] : memref<200x4x32x8x128xf32, #tpu.memory_space<hbm>> -> memref<1x1x1x8x128xf32, #tpu.memory_space<hbm>>
      %dma_start3A_333 = tpu.memref_squeeze %dma_start3A_332 : memref<1x1x1x8x128xf32, #tpu.memory_space<hbm>> -> memref<8x128xf32, #tpu.memory_space<hbm>>
      %dma_start3A_334 = arith.constant 0 : i32
      %dma_start3A_335 = arith.constant 0 : i32
      %dma_start3A_336 = tpu.memref_slice %arg8[%dma_start3A_317, %dma_start3A_334, %dma_start3A_335] : memref<2x32x128xf32, #tpu.memory_space<vmem>> -> memref<1x8x128xf32, #tpu.memory_space<vmem>>
      %dma_start3A_337 = tpu.memref_squeeze %dma_start3A_336 : memref<1x8x128xf32, #tpu.memory_space<vmem>> -> memref<8x128xf32, #tpu.memory_space<vmem>>
      tpu.enqueue_dma source(%dma_start3A_337 : memref<8x128xf32, #tpu.memory_space<vmem>>) target(%dma_start3A_333 : memref<8x128xf32, #tpu.memory_space<hbm>>) target_semaphore(%dma_start3A_329 : memref<!tpu.dma_semaphore, #tpu.memory_space<semaphore_mem>>)
      %dma_start3A_338 = arith.constant 0 : i32
      %dma_start3A_339 = arith.constant 1 : i32
      %dma_start3A_340 = arith.constant 0 : i32
      %dma_start3A_341 = arith.constant 8 : i32
      %dma_start3A_342 = arith.constant 0 : i32
      %dma_start3A_343 = tpu.memref_slice %arg8[%dma_start3A_338, %dma_start3A_341, %dma_start3A_342] : memref<2x32x128xf32, #tpu.memory_space<vmem>> -> memref<1x8x128xf32, #tpu.memory_space<vmem>>
      %dma_start3A_344 = tpu.memref_squeeze %dma_start3A_343 : memref<1x8x128xf32, #tpu.memory_space<vmem>> -> memref<8x128xf32, #tpu.memory_space<vmem>>
      %dma_start3A_345 = arith.constant 0 : i32
      %dma_start3A_346 = arith.constant 0 : i32
      %dma_start3A_347 = tpu.memref_slice %arg4[%add3A_287, %dma_start3A_339, %add3A, %dma_start3A_345, %dma_start3A_346] : memref<200x4x32x8x128xf32, #tpu.memory_space<hbm>> -> memref<1x1x1x8x128xf32, #tpu.memory_space<hbm>>
      %dma_start3A_348 = tpu.memref_squeeze %dma_start3A_347 : memref<1x1x1x8x128xf32, #tpu.memory_space<hbm>> -> memref<8x128xf32, #tpu.memory_space<hbm>>
      %dma_start3A_349 = tpu.memref_slice %arg10[%dma_start3A_340] : memref<2x!tpu.dma_semaphore, #tpu.memory_space<semaphore_mem>> -> memref<1x!tpu.dma_semaphore, #tpu.memory_space<semaphore_mem>>
      %dma_start3A_350 = tpu.memref_squeeze %dma_start3A_349 : memref<1x!tpu.dma_semaphore, #tpu.memory_space<semaphore_mem>> -> memref<!tpu.dma_semaphore, #tpu.memory_space<semaphore_mem>>
      %dma_start3A_351 = arith.constant 0 : i32
      %dma_start3A_352 = arith.constant 0 : i32
      %dma_start3A_353 = tpu.memref_slice %arg4[%add3A_287, %dma_start3A_339, %add3A, %dma_start3A_351, %dma_start3A_352] : memref<200x4x32x8x128xf32, #tpu.memory_space<hbm>> -> memref<1x1x1x8x128xf32, #tpu.memory_space<hbm>>
      %dma_start3A_354 = tpu.memref_squeeze %dma_start3A_353 : memref<1x1x1x8x128xf32, #tpu.memory_space<hbm>> -> memref<8x128xf32, #tpu.memory_space<hbm>>
      %dma_start3A_355 = arith.constant 8 : i32
      %dma_start3A_356 = arith.constant 0 : i32
      %dma_start3A_357 = tpu.memref_slice %arg8[%dma_start3A_338, %dma_start3A_355, %dma_start3A_356] : memref<2x32x128xf32, #tpu.memory_space<vmem>> -> memref<1x8x128xf32, #tpu.memory_space<vmem>>
      %dma_start3A_358 = tpu.memref_squeeze %dma_start3A_357 : memref<1x8x128xf32, #tpu.memory_space<vmem>> -> memref<8x128xf32, #tpu.memory_space<vmem>>
      tpu.enqueue_dma source(%dma_start3A_358 : memref<8x128xf32, #tpu.memory_space<vmem>>) target(%dma_start3A_354 : memref<8x128xf32, #tpu.memory_space<hbm>>) target_semaphore(%dma_start3A_350 : memref<!tpu.dma_semaphore, #tpu.memory_space<semaphore_mem>>)
      %dma_start3A_359 = arith.constant 0 : i32
      %dma_start3A_360 = arith.constant 2 : i32
      %dma_start3A_361 = arith.constant 0 : i32
      %dma_start3A_362 = arith.constant 16 : i32
      %dma_start3A_363 = arith.constant 0 : i32
      %dma_start3A_364 = tpu.memref_slice %arg8[%dma_start3A_359, %dma_start3A_362, %dma_start3A_363] : memref<2x32x128xf32, #tpu.memory_space<vmem>> -> memref<1x8x128xf32, #tpu.memory_space<vmem>>
      %dma_start3A_365 = tpu.memref_squeeze %dma_start3A_364 : memref<1x8x128xf32, #tpu.memory_space<vmem>> -> memref<8x128xf32, #tpu.memory_space<vmem>>
      %dma_start3A_366 = arith.constant 0 : i32
      %dma_start3A_367 = arith.constant 0 : i32
      %dma_start3A_368 = tpu.memref_slice %arg4[%add3A_287, %dma_start3A_360, %add3A, %dma_start3A_366, %dma_start3A_367] : memref<200x4x32x8x128xf32, #tpu.memory_space<hbm>> -> memref<1x1x1x8x128xf32, #tpu.memory_space<hbm>>
      %dma_start3A_369 = tpu.memref_squeeze %dma_start3A_368 : memref<1x1x1x8x128xf32, #tpu.memory_space<hbm>> -> memref<8x128xf32, #tpu.memory_space<hbm>>
      %dma_start3A_370 = tpu.memref_slice %arg10[%dma_start3A_361] : memref<2x!tpu.dma_semaphore, #tpu.memory_space<semaphore_mem>> -> memref<1x!tpu.dma_semaphore, #tpu.memory_space<semaphore_mem>>
      %dma_start3A_371 = tpu.memref_squeeze %dma_start3A_370 : memref<1x!tpu.dma_semaphore, #tpu.memory_space<semaphore_mem>> -> memref<!tpu.dma_semaphore, #tpu.memory_space<semaphore_mem>>
      %dma_start3A_372 = arith.constant 0 : i32
      %dma_start3A_373 = arith.constant 0 : i32
      %dma_start3A_374 = tpu.memref_slice %arg4[%add3A_287, %dma_start3A_360, %add3A, %dma_start3A_372, %dma_start3A_373] : memref<200x4x32x8x128xf32, #tpu.memory_space<hbm>> -> memref<1x1x1x8x128xf32, #tpu.memory_space<hbm>>
      %dma_start3A_375 = tpu.memref_squeeze %dma_start3A_374 : memref<1x1x1x8x128xf32, #tpu.memory_space<hbm>> -> memref<8x128xf32, #tpu.memory_space<hbm>>
      %dma_start3A_376 = arith.constant 16 : i32
      %dma_start3A_377 = arith.constant 0 : i32
      %dma_start3A_378 = tpu.memref_slice %arg8[%dma_start3A_359, %dma_start3A_376, %dma_start3A_377] : memref<2x32x128xf32, #tpu.memory_space<vmem>> -> memref<1x8x128xf32, #tpu.memory_space<vmem>>
      %dma_start3A_379 = tpu.memref_squeeze %dma_start3A_378 : memref<1x8x128xf32, #tpu.memory_space<vmem>> -> memref<8x128xf32, #tpu.memory_space<vmem>>
      tpu.enqueue_dma source(%dma_start3A_379 : memref<8x128xf32, #tpu.memory_space<vmem>>) target(%dma_start3A_375 : memref<8x128xf32, #tpu.memory_space<hbm>>) target_semaphore(%dma_start3A_371 : memref<!tpu.dma_semaphore, #tpu.memory_space<semaphore_mem>>)
      %dma_start3A_380 = arith.constant 0 : i32
      %dma_start3A_381 = arith.constant 3 : i32
      %dma_start3A_382 = arith.constant 0 : i32
      %dma_start3A_383 = arith.constant 24 : i32
      %dma_start3A_384 = arith.constant 0 : i32
      %dma_start3A_385 = tpu.memref_slice %arg8[%dma_start3A_380, %dma_start3A_383, %dma_start3A_384] : memref<2x32x128xf32, #tpu.memory_space<vmem>> -> memref<1x8x128xf32, #tpu.memory_space<vmem>>
      %dma_start3A_386 = tpu.memref_squeeze %dma_start3A_385 : memref<1x8x128xf32, #tpu.memory_space<vmem>> -> memref<8x128xf32, #tpu.memory_space<vmem>>
      %dma_start3A_387 = arith.constant 0 : i32
      %dma_start3A_388 = arith.constant 0 : i32
      %dma_start3A_389 = tpu.memref_slice %arg4[%add3A_287, %dma_start3A_381, %add3A, %dma_start3A_387, %dma_start3A_388] : memref<200x4x32x8x128xf32, #tpu.memory_space<hbm>> -> memref<1x1x1x8x128xf32, #tpu.memory_space<hbm>>
      %dma_start3A_390 = tpu.memref_squeeze %dma_start3A_389 : memref<1x1x1x8x128xf32, #tpu.memory_space<hbm>> -> memref<8x128xf32, #tpu.memory_space<hbm>>
      %dma_start3A_391 = tpu.memref_slice %arg10[%dma_start3A_382] : memref<2x!tpu.dma_semaphore, #tpu.memory_space<semaphore_mem>> -> memref<1x!tpu.dma_semaphore, #tpu.memory_space<semaphore_mem>>
      %dma_start3A_392 = tpu.memref_squeeze %dma_start3A_391 : memref<1x!tpu.dma_semaphore, #tpu.memory_space<semaphore_mem>> -> memref<!tpu.dma_semaphore, #tpu.memory_space<semaphore_mem>>
      %dma_start3A_393 = arith.constant 0 : i32
      %dma_start3A_394 = arith.constant 0 : i32
      %dma_start3A_395 = tpu.memref_slice %arg4[%add3A_287, %dma_start3A_381, %add3A, %dma_start3A_393, %dma_start3A_394] : memref<200x4x32x8x128xf32, #tpu.memory_space<hbm>> -> memref<1x1x1x8x128xf32, #tpu.memory_space<hbm>>
      %dma_start3A_396 = tpu.memref_squeeze %dma_start3A_395 : memref<1x1x1x8x128xf32, #tpu.memory_space<hbm>> -> memref<8x128xf32, #tpu.memory_space<hbm>>
      %dma_start3A_397 = arith.constant 24 : i32
      %dma_start3A_398 = arith.constant 0 : i32
      %dma_start3A_399 = tpu.memref_slice %arg8[%dma_start3A_380, %dma_start3A_397, %dma_start3A_398] : memref<2x32x128xf32, #tpu.memory_space<vmem>> -> memref<1x8x128xf32, #tpu.memory_space<vmem>>
      %dma_start3A_400 = tpu.memref_squeeze %dma_start3A_399 : memref<1x8x128xf32, #tpu.memory_space<vmem>> -> memref<8x128xf32, #tpu.memory_space<vmem>>
      tpu.enqueue_dma source(%dma_start3A_400 : memref<8x128xf32, #tpu.memory_space<vmem>>) target(%dma_start3A_396 : memref<8x128xf32, #tpu.memory_space<hbm>>) target_semaphore(%dma_start3A_392 : memref<!tpu.dma_semaphore, #tpu.memory_space<semaphore_mem>>)
      %mul3A_401 = arith.constant 4 : i32
      %mul3A_402 = arith.muli %mul3A_401, %scan3A_283 : i32
      %add3A_403 = arith.constant 1 : i32
      %add3A_404 = arith.addi %mul3A_402, %add3A_403 : i32
      %dma_wait3A_405 = arith.constant 0 : i32
      %dma_wait3A_406 = arith.constant 0 : i32
      %dma_wait3A_407 = arith.constant 1 : i32
      %dma_wait3A_408 = arith.constant 1 : i32
      %dma_wait3A_409 = arith.constant 0 : i32
      %dma_wait3A_410 = arith.constant 0 : i32
      %dma_wait3A_411 = tpu.memref_slice %arg6[%dma_wait3A_407, %dma_wait3A_409, %dma_wait3A_410] : memref<4x128x32xf32, #tpu.memory_space<vmem>> -> memref<1x128x32xf32, #tpu.memory_space<vmem>>
      %dma_wait3A_412 = tpu.memref_squeeze %dma_wait3A_411 : memref<1x128x32xf32, #tpu.memory_space<vmem>> -> memref<128x32xf32, #tpu.memory_space<vmem>>
      %dma_wait3A_413 = arith.constant 0 : i32
      %dma_wait3A_414 = tpu.memref_slice %arg5[%dma_wait3A_405, %dma_wait3A_406, %dma_wait3A_413] : memref<25x8x128xi32, #tpu.memory_space<vmem>> -> memref<1x1x128xi32, #tpu.memory_space<vmem>>
      %dma_wait3A_415 = tpu.memref_squeeze %dma_wait3A_414 : memref<1x1x128xi32, #tpu.memory_space<vmem>> -> memref<128xi32, #tpu.memory_space<vmem>>
      %dma_wait3A_416 = arith.constant 0 : i32
      %dma_wait3A_417 = arith.constant 0 : i32
      %dma_wait3A_418 = tpu.memref_slice %arg3[%dma_wait3A_416, %dma_wait3A_417] : memref<1000000x32xf32, #tpu.memory_space<hbm>> -> memref<1000000x32xf32, #tpu.memory_space<hbm>>
      %dma_wait3A_419 = tpu.memref_slice %arg9[%dma_wait3A_408] : memref<4x!tpu.dma_semaphore, #tpu.memory_space<semaphore_mem>> -> memref<1x!tpu.dma_semaphore, #tpu.memory_space<semaphore_mem>>
      %dma_wait3A_420 = tpu.memref_squeeze %dma_wait3A_419 : memref<1x!tpu.dma_semaphore, #tpu.memory_space<semaphore_mem>> -> memref<!tpu.dma_semaphore, #tpu.memory_space<semaphore_mem>>
      tpu.wait_indirect_dma semaphore(%dma_wait3A_420 : memref<!tpu.dma_semaphore, #tpu.memory_space<semaphore_mem>>) src(%dma_wait3A_418 : memref<1000000x32xf32, #tpu.memory_space<hbm>>) dst(%dma_wait3A_412 : memref<128x32xf32, #tpu.memory_space<vmem>>)
      %parallel_loop3A_421 = arith.constant 0 : i32
      %parallel_loop3A_422 = arith.constant 128 : i32
      %parallel_loop3A_423 = arith.constant 1 : i32
      scf.for %parallel_loop3A_767 = %parallel_loop3A_421 to %parallel_loop3A_422 step %parallel_loop3A_423  : i32 {
        %parallel_loop3A_768 = arith.constant 1 : i32
        %parallel_loop3A_769 = arith.index_cast %parallel_loop3A_768 : i32 to index
        %parallel_loop3A_770 = arith.index_cast %parallel_loop3A_767 : i32 to index
        %parallel_loop3A_771 = arith.constant 0 : index
        %parallel_loop3A_772 = tpu.vector_load %arg6[%parallel_loop3A_769, %parallel_loop3A_770, %parallel_loop3A_771] {strides = array<i32>} : memref<4x128x32xf32, #tpu.memory_space<vmem>>, vector<16xf32>,
        %parallel_loop3A_773 = arith.constant 1 : i32
        %parallel_loop3A_774 = arith.index_cast %parallel_loop3A_773 : i32 to index
        %parallel_loop3A_775 = arith.index_cast %parallel_loop3A_767 : i32 to index
        %parallel_loop3A_776 = arith.constant 0 : index
        %parallel_loop3A_777 = tpu.vector_load %arg7[%parallel_loop3A_774, %parallel_loop3A_775, %parallel_loop3A_776] {strides = array<i32>} : memref<2x128x33xf32, #tpu.memory_space<vmem>>, vector<16xf32>,
        tpu.vector_store %arg7[%parallel_loop3A_774, %parallel_loop3A_775, %parallel_loop3A_776], %parallel_loop3A_772 {strides = array<i32>} : memref<2x128x33xf32, #tpu.memory_space<vmem>>, vector<16xf32>,
        %parallel_loop3A_778 = arith.constant 1 : i32
        %parallel_loop3A_779 = arith.index_cast %parallel_loop3A_778 : i32 to index
        %parallel_loop3A_780 = arith.index_cast %parallel_loop3A_767 : i32 to index
        %parallel_loop3A_781 = arith.constant 16 : index
        %parallel_loop3A_782 = tpu.vector_load %arg6[%parallel_loop3A_779, %parallel_loop3A_780, %parallel_loop3A_781] {strides = array<i32>} : memref<4x128x32xf32, #tpu.memory_space<vmem>>, vector<16xf32>,
        %parallel_loop3A_783 = arith.constant 1 : i32
        %parallel_loop3A_784 = arith.index_cast %parallel_loop3A_783 : i32 to index
        %parallel_loop3A_785 = arith.index_cast %parallel_loop3A_767 : i32 to index
        %parallel_loop3A_786 = arith.constant 16 : index
        %parallel_loop3A_787 = tpu.vector_load %arg7[%parallel_loop3A_784, %parallel_loop3A_785, %parallel_loop3A_786] {strides = array<i32>} : memref<2x128x33xf32, #tpu.memory_space<vmem>>, vector<16xf32>,
        tpu.vector_store %arg7[%parallel_loop3A_784, %parallel_loop3A_785, %parallel_loop3A_786], %parallel_loop3A_782 {strides = array<i32>} : memref<2x128x33xf32, #tpu.memory_space<vmem>>, vector<16xf32>,
      } {sc.loop_unroll_factor = 4 : i64, sc.parallel_access}
      %add3A_424 = arith.constant 4 : i32
      %add3A_425 = arith.addi %add3A_404, %add3A_424 : i32
      %lt3A_426 = arith.constant 200 : i32
      %lt3A_427 = arith.cmpi slt, %add3A_425, %lt3A_426 : i32
      %convert_element_type3A_428 = arith.extui %lt3A_427 : i1 to i32
      %cond3A_429 = arith.constant 0 : i32
      %cond3A_430 = arith.cmpi ne, %convert_element_type3A_428, %cond3A_429 : i32
      scf.if %cond3A_430 {
        %add3A_767 = arith.constant 4 : i32
        %add3A_768 = arith.addi %add3A_404, %add3A_767 : i32
        %jit3A = arith.constant 8 : i32
        %div3A = arith.divsi %add3A_768, %jit3A : i32
        %sign3A = arith.constant 0 : i32
        %sign3A_769 = arith.cmpi sgt, %add3A_768, %sign3A : i32
        %sign3A_770 = arith.extui %sign3A_769 : i1 to i32
        %sign3A_771 = arith.constant 0 : i32
        %sign3A_772 = arith.cmpi slt, %add3A_768, %sign3A_771 : i32
        %sign3A_773 = arith.extui %sign3A_772 : i1 to i32
        %sign3A_774 = arith.subi %sign3A_770, %sign3A_773 : i32
        %sign3A_775 = arith.constant 0 : i32
        %sign3A_776 = arith.cmpi sgt, %jit3A, %sign3A_775 : i32
        %sign3A_777 = arith.extui %sign3A_776 : i1 to i32
        %sign3A_778 = arith.constant 0 : i32
        %sign3A_779 = arith.cmpi slt, %jit3A, %sign3A_778 : i32
        %sign3A_780 = arith.extui %sign3A_779 : i1 to i32
        %sign3A_781 = arith.subi %sign3A_777, %sign3A_780 : i32
        %ne3A = arith.cmpi ne, %sign3A_774, %sign3A_781 : i32
        %rem3A = arith.remsi %add3A_768, %jit3A : i32
        %ne3A_782 = arith.constant 0 : i32
        %ne3A_783 = arith.cmpi ne, %rem3A, %ne3A_782 : i32
        %and3A = arith.andi %ne3A, %ne3A_783 : i1
        %sub3A = arith.constant 1 : i32
        %sub3A_784 = arith.subi %div3A, %sub3A : i32
        %select_n3A = arith.select %and3A, %sub3A_784, %div3A : i32
        %jit3A_785 = arith.constant 8 : i32
        %eq3A = arith.constant 0 : i32
        %eq3A_786 = arith.cmpi eq, %jit3A_785, %eq3A : i32
        %jit3A_787 = arith.constant 1 : i32
        %select_n3A_788 = arith.select %eq3A_786, %jit3A_787, %jit3A_785 : i32
        %rem3A_789 = arith.remsi %add3A_768, %select_n3A_788 : i32
        %ne3A_790 = arith.constant 0 : i32
        %ne3A_791 = arith.cmpi ne, %rem3A_789, %ne3A_790 : i32
        %lt3A_792 = arith.constant 0 : i32
        %lt3A_793 = arith.cmpi slt, %rem3A_789, %lt3A_792 : i32
        %lt3A_794 = arith.constant 0 : i32
        %lt3A_795 = arith.cmpi slt, %select_n3A_788, %lt3A_794 : i32
        %ne3A_796 = arith.xori %lt3A_793, %lt3A_795 : i1
        %and3A_797 = arith.andi %ne3A_796, %ne3A_791 : i1
        %add3A_798 = arith.addi %rem3A_789, %select_n3A_788 : i32
        %select_n3A_799 = arith.select %and3A_797, %add3A_798, %rem3A_789 : i32
        %dma_start3A_800 = arith.constant 1 : i32
        %dma_start3A_801 = arith.constant 1 : i32
        %dma_start3A_802 = arith.constant 0 : i32
        %dma_start3A_803 = arith.constant 0 : i32
        %dma_start3A_804 = tpu.memref_slice %arg6[%dma_start3A_800, %dma_start3A_802, %dma_start3A_803] : memref<4x128x32xf32, #tpu.memory_space<vmem>> -> memref<1x128x32xf32, #tpu.memory_space<vmem>>
        %dma_start3A_805 = tpu.memref_squeeze %dma_start3A_804 : memref<1x128x32xf32, #tpu.memory_space<vmem>> -> memref<128x32xf32, #tpu.memory_space<vmem>>
        %dma_start3A_806 = arith.constant 0 : i32
        %dma_start3A_807 = tpu.memref_slice %arg5[%select_n3A, %select_n3A_799, %dma_start3A_806] : memref<25x8x128xi32, #tpu.memory_space<vmem>> -> memref<1x1x128xi32, #tpu.memory_space<vmem>>
        %dma_start3A_808 = tpu.memref_squeeze %dma_start3A_807 : memref<1x1x128xi32, #tpu.memory_space<vmem>> -> memref<128xi32, #tpu.memory_space<vmem>>
        %dma_start3A_809 = arith.constant 0 : i32
        %dma_start3A_810 = arith.constant 0 : i32
        %dma_start3A_811 = tpu.memref_slice %arg3[%dma_start3A_809, %dma_start3A_810] : memref<1000000x32xf32, #tpu.memory_space<hbm>> -> memref<1000000x32xf32, #tpu.memory_space<hbm>>
        %dma_start3A_812 = tpu.memref_slice %arg9[%dma_start3A_801] : memref<4x!tpu.dma_semaphore, #tpu.memory_space<semaphore_mem>> -> memref<1x!tpu.dma_semaphore, #tpu.memory_space<semaphore_mem>>
        %dma_start3A_813 = tpu.memref_squeeze %dma_start3A_812 : memref<1x!tpu.dma_semaphore, #tpu.memory_space<semaphore_mem>> -> memref<!tpu.dma_semaphore, #tpu.memory_space<semaphore_mem>>
        tpu.enqueue_indirect_dma source(%dma_start3A_811 : memref<1000000x32xf32, #tpu.memory_space<hbm>>) target(%dma_start3A_805 : memref<128x32xf32, #tpu.memory_space<vmem>>) offsets(%dma_start3A_808 : memref<128xi32, #tpu.memory_space<vmem>>) semaphore(%dma_start3A_813 : memref<!tpu.dma_semaphore, #tpu.memory_space<semaphore_mem>>)
      } else {
      }
      %ge3A_431 = arith.constant 2 : i32
      %ge3A_432 = arith.cmpi sge, %add3A_404, %ge3A_431 : i32
      %convert_element_type3A_433 = arith.extui %ge3A_432 : i1 to i32
      %cond3A_434 = arith.constant 0 : i32
      %cond3A_435 = arith.cmpi ne, %convert_element_type3A_433, %cond3A_434 : i32
      scf.if %cond3A_435 {
        %dma_wait3A_767 = arith.constant 1 : i32
        %dma_wait3A_768 = arith.constant 0 : i32
        %dma_wait3A_769 = arith.constant 0 : i32
        %dma_wait3A_770 = arith.constant 0 : i32
        %dma_wait3A_771 = arith.constant 1 : i32
        %dma_wait3A_772 = arith.constant 0 : i32
        %dma_wait3A_773 = arith.constant 0 : i32
        %dma_wait3A_774 = tpu.memref_slice %arg8[%dma_wait3A_767, %dma_wait3A_772, %dma_wait3A_773] : memref<2x32x128xf32, #tpu.memory_space<vmem>> -> memref<1x8x128xf32, #tpu.memory_space<vmem>>
        %dma_wait3A_775 = tpu.memref_squeeze %dma_wait3A_774 : memref<1x8x128xf32, #tpu.memory_space<vmem>> -> memref<8x128xf32, #tpu.memory_space<vmem>>
        %dma_wait3A_776 = arith.constant 0 : i32
        %dma_wait3A_777 = arith.constant 0 : i32
        %dma_wait3A_778 = tpu.memref_slice %arg4[%dma_wait3A_768, %dma_wait3A_769, %dma_wait3A_770, %dma_wait3A_776, %dma_wait3A_777] : memref<200x4x32x8x128xf32, #tpu.memory_space<hbm>> -> memref<1x1x1x8x128xf32, #tpu.memory_space<hbm>>
        %dma_wait3A_779 = tpu.memref_squeeze %dma_wait3A_778 : memref<1x1x1x8x128xf32, #tpu.memory_space<hbm>> -> memref<8x128xf32, #tpu.memory_space<hbm>>
        %dma_wait3A_780 = tpu.memref_slice %arg10[%dma_wait3A_771] : memref<2x!tpu.dma_semaphore, #tpu.memory_space<semaphore_mem>> -> memref<1x!tpu.dma_semaphore, #tpu.memory_space<semaphore_mem>>
        %dma_wait3A_781 = tpu.memref_squeeze %dma_wait3A_780 : memref<1x!tpu.dma_semaphore, #tpu.memory_space<semaphore_mem>> -> memref<!tpu.dma_semaphore, #tpu.memory_space<semaphore_mem>>
        %dma_wait3A_782 = arith.constant 0 : i32
        %dma_wait3A_783 = arith.constant 0 : i32
        %dma_wait3A_784 = tpu.memref_slice %arg4[%dma_wait3A_768, %dma_wait3A_769, %dma_wait3A_770, %dma_wait3A_782, %dma_wait3A_783] : memref<200x4x32x8x128xf32, #tpu.memory_space<hbm>> -> memref<1x1x1x8x128xf32, #tpu.memory_space<hbm>>
        %dma_wait3A_785 = tpu.memref_squeeze %dma_wait3A_784 : memref<1x1x1x8x128xf32, #tpu.memory_space<hbm>> -> memref<8x128xf32, #tpu.memory_space<hbm>>
        %dma_wait3A_786 = arith.constant 0 : i32
        %dma_wait3A_787 = arith.constant 0 : i32
        %dma_wait3A_788 = tpu.memref_slice %arg8[%dma_wait3A_767, %dma_wait3A_786, %dma_wait3A_787] : memref<2x32x128xf32, #tpu.memory_space<vmem>> -> memref<1x8x128xf32, #tpu.memory_space<vmem>>
        %dma_wait3A_789 = tpu.memref_squeeze %dma_wait3A_788 : memref<1x8x128xf32, #tpu.memory_space<vmem>> -> memref<8x128xf32, #tpu.memory_space<vmem>>
        tpu.wait_dma2 semaphore(%dma_wait3A_781 : memref<!tpu.dma_semaphore, #tpu.memory_space<semaphore_mem>>) src(%dma_wait3A_789 : memref<8x128xf32, #tpu.memory_space<vmem>>) dst(%dma_wait3A_785 : memref<8x128xf32, #tpu.memory_space<hbm>>)
        %dma_wait3A_790 = arith.constant 1 : i32
        %dma_wait3A_791 = arith.constant 0 : i32
        %dma_wait3A_792 = arith.constant 1 : i32
        %dma_wait3A_793 = arith.constant 0 : i32
        %dma_wait3A_794 = arith.constant 1 : i32
        %dma_wait3A_795 = arith.constant 8 : i32
        %dma_wait3A_796 = arith.constant 0 : i32
        %dma_wait3A_797 = tpu.memref_slice %arg8[%dma_wait3A_790, %dma_wait3A_795, %dma_wait3A_796] : memref<2x32x128xf32, #tpu.memory_space<vmem>> -> memref<1x8x128xf32, #tpu.memory_space<vmem>>
        %dma_wait3A_798 = tpu.memref_squeeze %dma_wait3A_797 : memref<1x8x128xf32, #tpu.memory_space<vmem>> -> memref<8x128xf32, #tpu.memory_space<vmem>>
        %dma_wait3A_799 = arith.constant 0 : i32
        %dma_wait3A_800 = arith.constant 0 : i32
        %dma_wait3A_801 = tpu.memref_slice %arg4[%dma_wait3A_791, %dma_wait3A_792, %dma_wait3A_793, %dma_wait3A_799, %dma_wait3A_800] : memref<200x4x32x8x128xf32, #tpu.memory_space<hbm>> -> memref<1x1x1x8x128xf32, #tpu.memory_space<hbm>>
        %dma_wait3A_802 = tpu.memref_squeeze %dma_wait3A_801 : memref<1x1x1x8x128xf32, #tpu.memory_space<hbm>> -> memref<8x128xf32, #tpu.memory_space<hbm>>
        %dma_wait3A_803 = tpu.memref_slice %arg10[%dma_wait3A_794] : memref<2x!tpu.dma_semaphore, #tpu.memory_space<semaphore_mem>> -> memref<1x!tpu.dma_semaphore, #tpu.memory_space<semaphore_mem>>
        %dma_wait3A_804 = tpu.memref_squeeze %dma_wait3A_803 : memref<1x!tpu.dma_semaphore, #tpu.memory_space<semaphore_mem>> -> memref<!tpu.dma_semaphore, #tpu.memory_space<semaphore_mem>>
        %dma_wait3A_805 = arith.constant 0 : i32
        %dma_wait3A_806 = arith.constant 0 : i32
        %dma_wait3A_807 = tpu.memref_slice %arg4[%dma_wait3A_791, %dma_wait3A_792, %dma_wait3A_793, %dma_wait3A_805, %dma_wait3A_806] : memref<200x4x32x8x128xf32, #tpu.memory_space<hbm>> -> memref<1x1x1x8x128xf32, #tpu.memory_space<hbm>>
        %dma_wait3A_808 = tpu.memref_squeeze %dma_wait3A_807 : memref<1x1x1x8x128xf32, #tpu.memory_space<hbm>> -> memref<8x128xf32, #tpu.memory_space<hbm>>
        %dma_wait3A_809 = arith.constant 8 : i32
        %dma_wait3A_810 = arith.constant 0 : i32
        %dma_wait3A_811 = tpu.memref_slice %arg8[%dma_wait3A_790, %dma_wait3A_809, %dma_wait3A_810] : memref<2x32x128xf32, #tpu.memory_space<vmem>> -> memref<1x8x128xf32, #tpu.memory_space<vmem>>
        %dma_wait3A_812 = tpu.memref_squeeze %dma_wait3A_811 : memref<1x8x128xf32, #tpu.memory_space<vmem>> -> memref<8x128xf32, #tpu.memory_space<vmem>>
        tpu.wait_dma2 semaphore(%dma_wait3A_804 : memref<!tpu.dma_semaphore, #tpu.memory_space<semaphore_mem>>) src(%dma_wait3A_812 : memref<8x128xf32, #tpu.memory_space<vmem>>) dst(%dma_wait3A_808 : memref<8x128xf32, #tpu.memory_space<hbm>>)
        %dma_wait3A_813 = arith.constant 1 : i32
        %dma_wait3A_814 = arith.constant 0 : i32
        %dma_wait3A_815 = arith.constant 2 : i32
        %dma_wait3A_816 = arith.constant 0 : i32
        %dma_wait3A_817 = arith.constant 1 : i32
        %dma_wait3A_818 = arith.constant 16 : i32
        %dma_wait3A_819 = arith.constant 0 : i32
        %dma_wait3A_820 = tpu.memref_slice %arg8[%dma_wait3A_813, %dma_wait3A_818, %dma_wait3A_819] : memref<2x32x128xf32, #tpu.memory_space<vmem>> -> memref<1x8x128xf32, #tpu.memory_space<vmem>>
        %dma_wait3A_821 = tpu.memref_squeeze %dma_wait3A_820 : memref<1x8x128xf32, #tpu.memory_space<vmem>> -> memref<8x128xf32, #tpu.memory_space<vmem>>
        %dma_wait3A_822 = arith.constant 0 : i32
        %dma_wait3A_823 = arith.constant 0 : i32
        %dma_wait3A_824 = tpu.memref_slice %arg4[%dma_wait3A_814, %dma_wait3A_815, %dma_wait3A_816, %dma_wait3A_822, %dma_wait3A_823] : memref<200x4x32x8x128xf32, #tpu.memory_space<hbm>> -> memref<1x1x1x8x128xf32, #tpu.memory_space<hbm>>
        %dma_wait3A_825 = tpu.memref_squeeze %dma_wait3A_824 : memref<1x1x1x8x128xf32, #tpu.memory_space<hbm>> -> memref<8x128xf32, #tpu.memory_space<hbm>>
        %dma_wait3A_826 = tpu.memref_slice %arg10[%dma_wait3A_817] : memref<2x!tpu.dma_semaphore, #tpu.memory_space<semaphore_mem>> -> memref<1x!tpu.dma_semaphore, #tpu.memory_space<semaphore_mem>>
        %dma_wait3A_827 = tpu.memref_squeeze %dma_wait3A_826 : memref<1x!tpu.dma_semaphore, #tpu.memory_space<semaphore_mem>> -> memref<!tpu.dma_semaphore, #tpu.memory_space<semaphore_mem>>
        %dma_wait3A_828 = arith.constant 0 : i32
        %dma_wait3A_829 = arith.constant 0 : i32
        %dma_wait3A_830 = tpu.memref_slice %arg4[%dma_wait3A_814, %dma_wait3A_815, %dma_wait3A_816, %dma_wait3A_828, %dma_wait3A_829] : memref<200x4x32x8x128xf32, #tpu.memory_space<hbm>> -> memref<1x1x1x8x128xf32, #tpu.memory_space<hbm>>
        %dma_wait3A_831 = tpu.memref_squeeze %dma_wait3A_830 : memref<1x1x1x8x128xf32, #tpu.memory_space<hbm>> -> memref<8x128xf32, #tpu.memory_space<hbm>>
        %dma_wait3A_832 = arith.constant 16 : i32
        %dma_wait3A_833 = arith.constant 0 : i32
        %dma_wait3A_834 = tpu.memref_slice %arg8[%dma_wait3A_813, %dma_wait3A_832, %dma_wait3A_833] : memref<2x32x128xf32, #tpu.memory_space<vmem>> -> memref<1x8x128xf32, #tpu.memory_space<vmem>>
        %dma_wait3A_835 = tpu.memref_squeeze %dma_wait3A_834 : memref<1x8x128xf32, #tpu.memory_space<vmem>> -> memref<8x128xf32, #tpu.memory_space<vmem>>
        tpu.wait_dma2 semaphore(%dma_wait3A_827 : memref<!tpu.dma_semaphore, #tpu.memory_space<semaphore_mem>>) src(%dma_wait3A_835 : memref<8x128xf32, #tpu.memory_space<vmem>>) dst(%dma_wait3A_831 : memref<8x128xf32, #tpu.memory_space<hbm>>)
        %dma_wait3A_836 = arith.constant 1 : i32
        %dma_wait3A_837 = arith.constant 0 : i32
        %dma_wait3A_838 = arith.constant 3 : i32
        %dma_wait3A_839 = arith.constant 0 : i32
        %dma_wait3A_840 = arith.constant 1 : i32
        %dma_wait3A_841 = arith.constant 24 : i32
        %dma_wait3A_842 = arith.constant 0 : i32
        %dma_wait3A_843 = tpu.memref_slice %arg8[%dma_wait3A_836, %dma_wait3A_841, %dma_wait3A_842] : memref<2x32x128xf32, #tpu.memory_space<vmem>> -> memref<1x8x128xf32, #tpu.memory_space<vmem>>
        %dma_wait3A_844 = tpu.memref_squeeze %dma_wait3A_843 : memref<1x8x128xf32, #tpu.memory_space<vmem>> -> memref<8x128xf32, #tpu.memory_space<vmem>>
        %dma_wait3A_845 = arith.constant 0 : i32
        %dma_wait3A_846 = arith.constant 0 : i32
        %dma_wait3A_847 = tpu.memref_slice %arg4[%dma_wait3A_837, %dma_wait3A_838, %dma_wait3A_839, %dma_wait3A_845, %dma_wait3A_846] : memref<200x4x32x8x128xf32, #tpu.memory_space<hbm>> -> memref<1x1x1x8x128xf32, #tpu.memory_space<hbm>>
        %dma_wait3A_848 = tpu.memref_squeeze %dma_wait3A_847 : memref<1x1x1x8x128xf32, #tpu.memory_space<hbm>> -> memref<8x128xf32, #tpu.memory_space<hbm>>
        %dma_wait3A_849 = tpu.memref_slice %arg10[%dma_wait3A_840] : memref<2x!tpu.dma_semaphore, #tpu.memory_space<semaphore_mem>> -> memref<1x!tpu.dma_semaphore, #tpu.memory_space<semaphore_mem>>
        %dma_wait3A_850 = tpu.memref_squeeze %dma_wait3A_849 : memref<1x!tpu.dma_semaphore, #tpu.memory_space<semaphore_mem>> -> memref<!tpu.dma_semaphore, #tpu.memory_space<semaphore_mem>>
        %dma_wait3A_851 = arith.constant 0 : i32
        %dma_wait3A_852 = arith.constant 0 : i32
        %dma_wait3A_853 = tpu.memref_slice %arg4[%dma_wait3A_837, %dma_wait3A_838, %dma_wait3A_839, %dma_wait3A_851, %dma_wait3A_852] : memref<200x4x32x8x128xf32, #tpu.memory_space<hbm>> -> memref<1x1x1x8x128xf32, #tpu.memory_space<hbm>>
        %dma_wait3A_854 = tpu.memref_squeeze %dma_wait3A_853 : memref<1x1x1x8x128xf32, #tpu.memory_space<hbm>> -> memref<8x128xf32, #tpu.memory_space<hbm>>
        %dma_wait3A_855 = arith.constant 24 : i32
        %dma_wait3A_856 = arith.constant 0 : i32
        %dma_wait3A_857 = tpu.memref_slice %arg8[%dma_wait3A_836, %dma_wait3A_855, %dma_wait3A_856] : memref<2x32x128xf32, #tpu.memory_space<vmem>> -> memref<1x8x128xf32, #tpu.memory_space<vmem>>
        %dma_wait3A_858 = tpu.memref_squeeze %dma_wait3A_857 : memref<1x8x128xf32, #tpu.memory_space<vmem>> -> memref<8x128xf32, #tpu.memory_space<vmem>>
        tpu.wait_dma2 semaphore(%dma_wait3A_850 : memref<!tpu.dma_semaphore, #tpu.memory_space<semaphore_mem>>) src(%dma_wait3A_858 : memref<8x128xf32, #tpu.memory_space<vmem>>) dst(%dma_wait3A_854 : memref<8x128xf32, #tpu.memory_space<hbm>>)
      } else {
      }
      %parallel_loop3A_436 = arith.constant 0 : i32
      %parallel_loop3A_437 = arith.constant 32 : i32
      %parallel_loop3A_438 = arith.constant 1 : i32
      scf.for %parallel_loop3A_767 = %parallel_loop3A_436 to %parallel_loop3A_437 step %parallel_loop3A_438  : i32 {
        %parallel_loop3A_768 = vector.broadcast %parallel_loop3A_767 : i32 to vector<16xi32>
        %parallel_loop3A_769 = arith.constant 1 : i32
        %parallel_loop3A_770 = arith.constant 0 : i32
        %parallel_loop3A_771 = arith.constant 0 : i32
        %parallel_loop3A_772 = tpu.memref_slice %arg7[%parallel_loop3A_769, %parallel_loop3A_770, %parallel_loop3A_771] : memref<2x128x33xf32, #tpu.memory_space<vmem>> -> memref<1x128x33xf32, #tpu.memory_space<vmem>>
        %parallel_loop3A_773 = tpu.memref_squeeze %parallel_loop3A_772 : memref<1x128x33xf32, #tpu.memory_space<vmem>> -> memref<128x33xf32, #tpu.memory_space<vmem>>
        %parallel_loop3A_774 = tpu.vector_load_idx %parallel_loop3A_773[%add3A_3, %parallel_loop3A_768] : memref<128x33xf32, #tpu.memory_space<vmem>>[vector<16xi32>, vector<16xi32>], vector<16xf32>,
        %parallel_loop3A_775 = arith.constant 1 : i32
        %parallel_loop3A_776 = arith.index_cast %parallel_loop3A_775 : i32 to index
        %parallel_loop3A_777 = arith.index_cast %parallel_loop3A_767 : i32 to index
        %parallel_loop3A_778 = arith.constant 0 : index
        %parallel_loop3A_779 = tpu.vector_load %arg8[%parallel_loop3A_776, %parallel_loop3A_777, %parallel_loop3A_778] {strides = array<i32>} : memref<2x32x128xf32, #tpu.memory_space<vmem>>, vector<16xf32>,
        tpu.vector_store %arg8[%parallel_loop3A_776, %parallel_loop3A_777, %parallel_loop3A_778], %parallel_loop3A_774 {strides = array<i32>} : memref<2x32x128xf32, #tpu.memory_space<vmem>>, vector<16xf32>,
        %parallel_loop3A_780 = arith.constant 1 : i32
        %parallel_loop3A_781 = arith.constant 0 : i32
        %parallel_loop3A_782 = arith.constant 0 : i32
        %parallel_loop3A_783 = tpu.memref_slice %arg7[%parallel_loop3A_780, %parallel_loop3A_781, %parallel_loop3A_782] : memref<2x128x33xf32, #tpu.memory_space<vmem>> -> memref<1x128x33xf32, #tpu.memory_space<vmem>>
        %parallel_loop3A_784 = tpu.memref_squeeze %parallel_loop3A_783 : memref<1x128x33xf32, #tpu.memory_space<vmem>> -> memref<128x33xf32, #tpu.memory_space<vmem>>
        %parallel_loop3A_785 = tpu.vector_load_idx %parallel_loop3A_784[%add3A_7, %parallel_loop3A_768] : memref<128x33xf32, #tpu.memory_space<vmem>>[vector<16xi32>, vector<16xi32>], vector<16xf32>,
        %parallel_loop3A_786 = arith.constant 1 : i32
        %parallel_loop3A_787 = arith.index_cast %parallel_loop3A_786 : i32 to index
        %parallel_loop3A_788 = arith.index_cast %parallel_loop3A_767 : i32 to index
        %parallel_loop3A_789 = arith.constant 16 : index
        %parallel_loop3A_790 = tpu.vector_load %arg8[%parallel_loop3A_787, %parallel_loop3A_788, %parallel_loop3A_789] {strides = array<i32>} : memref<2x32x128xf32, #tpu.memory_space<vmem>>, vector<16xf32>,
        tpu.vector_store %arg8[%parallel_loop3A_787, %parallel_loop3A_788, %parallel_loop3A_789], %parallel_loop3A_785 {strides = array<i32>} : memref<2x32x128xf32, #tpu.memory_space<vmem>>, vector<16xf32>,
        %parallel_loop3A_791 = arith.constant 1 : i32
        %parallel_loop3A_792 = arith.constant 0 : i32
        %parallel_loop3A_793 = arith.constant 0 : i32
        %parallel_loop3A_794 = tpu.memref_slice %arg7[%parallel_loop3A_791, %parallel_loop3A_792, %parallel_loop3A_793] : memref<2x128x33xf32, #tpu.memory_space<vmem>> -> memref<1x128x33xf32, #tpu.memory_space<vmem>>
        %parallel_loop3A_795 = tpu.memref_squeeze %parallel_loop3A_794 : memref<1x128x33xf32, #tpu.memory_space<vmem>> -> memref<128x33xf32, #tpu.memory_space<vmem>>
        %parallel_loop3A_796 = tpu.vector_load_idx %parallel_loop3A_795[%add3A_11, %parallel_loop3A_768] : memref<128x33xf32, #tpu.memory_space<vmem>>[vector<16xi32>, vector<16xi32>], vector<16xf32>,
        %parallel_loop3A_797 = arith.constant 1 : i32
        %parallel_loop3A_798 = arith.index_cast %parallel_loop3A_797 : i32 to index
        %parallel_loop3A_799 = arith.index_cast %parallel_loop3A_767 : i32 to index
        %parallel_loop3A_800 = arith.constant 32 : index
        %parallel_loop3A_801 = tpu.vector_load %arg8[%parallel_loop3A_798, %parallel_loop3A_799, %parallel_loop3A_800] {strides = array<i32>} : memref<2x32x128xf32, #tpu.memory_space<vmem>>, vector<16xf32>,
        tpu.vector_store %arg8[%parallel_loop3A_798, %parallel_loop3A_799, %parallel_loop3A_800], %parallel_loop3A_796 {strides = array<i32>} : memref<2x32x128xf32, #tpu.memory_space<vmem>>, vector<16xf32>,
        %parallel_loop3A_802 = arith.constant 1 : i32
        %parallel_loop3A_803 = arith.constant 0 : i32
        %parallel_loop3A_804 = arith.constant 0 : i32
        %parallel_loop3A_805 = tpu.memref_slice %arg7[%parallel_loop3A_802, %parallel_loop3A_803, %parallel_loop3A_804] : memref<2x128x33xf32, #tpu.memory_space<vmem>> -> memref<1x128x33xf32, #tpu.memory_space<vmem>>
        %parallel_loop3A_806 = tpu.memref_squeeze %parallel_loop3A_805 : memref<1x128x33xf32, #tpu.memory_space<vmem>> -> memref<128x33xf32, #tpu.memory_space<vmem>>
        %parallel_loop3A_807 = tpu.vector_load_idx %parallel_loop3A_806[%add3A_15, %parallel_loop3A_768] : memref<128x33xf32, #tpu.memory_space<vmem>>[vector<16xi32>, vector<16xi32>], vector<16xf32>,
        %parallel_loop3A_808 = arith.constant 1 : i32
        %parallel_loop3A_809 = arith.index_cast %parallel_loop3A_808 : i32 to index
        %parallel_loop3A_810 = arith.index_cast %parallel_loop3A_767 : i32 to index
        %parallel_loop3A_811 = arith.constant 48 : index
        %parallel_loop3A_812 = tpu.vector_load %arg8[%parallel_loop3A_809, %parallel_loop3A_810, %parallel_loop3A_811] {strides = array<i32>} : memref<2x32x128xf32, #tpu.memory_space<vmem>>, vector<16xf32>,
        tpu.vector_store %arg8[%parallel_loop3A_809, %parallel_loop3A_810, %parallel_loop3A_811], %parallel_loop3A_807 {strides = array<i32>} : memref<2x32x128xf32, #tpu.memory_space<vmem>>, vector<16xf32>,
        %parallel_loop3A_813 = arith.constant 1 : i32
        %parallel_loop3A_814 = arith.constant 0 : i32
        %parallel_loop3A_815 = arith.constant 0 : i32
        %parallel_loop3A_816 = tpu.memref_slice %arg7[%parallel_loop3A_813, %parallel_loop3A_814, %parallel_loop3A_815] : memref<2x128x33xf32, #tpu.memory_space<vmem>> -> memref<1x128x33xf32, #tpu.memory_space<vmem>>
        %parallel_loop3A_817 = tpu.memref_squeeze %parallel_loop3A_816 : memref<1x128x33xf32, #tpu.memory_space<vmem>> -> memref<128x33xf32, #tpu.memory_space<vmem>>
        %parallel_loop3A_818 = tpu.vector_load_idx %parallel_loop3A_817[%add3A_19, %parallel_loop3A_768] : memref<128x33xf32, #tpu.memory_space<vmem>>[vector<16xi32>, vector<16xi32>], vector<16xf32>,
        %parallel_loop3A_819 = arith.constant 1 : i32
        %parallel_loop3A_820 = arith.index_cast %parallel_loop3A_819 : i32 to index
        %parallel_loop3A_821 = arith.index_cast %parallel_loop3A_767 : i32 to index
        %parallel_loop3A_822 = arith.constant 64 : index
        %parallel_loop3A_823 = tpu.vector_load %arg8[%parallel_loop3A_820, %parallel_loop3A_821, %parallel_loop3A_822] {strides = array<i32>} : memref<2x32x128xf32, #tpu.memory_space<vmem>>, vector<16xf32>,
        tpu.vector_store %arg8[%parallel_loop3A_820, %parallel_loop3A_821, %parallel_loop3A_822], %parallel_loop3A_818 {strides = array<i32>} : memref<2x32x128xf32, #tpu.memory_space<vmem>>, vector<16xf32>,
        %parallel_loop3A_824 = arith.constant 1 : i32
        %parallel_loop3A_825 = arith.constant 0 : i32
        %parallel_loop3A_826 = arith.constant 0 : i32
        %parallel_loop3A_827 = tpu.memref_slice %arg7[%parallel_loop3A_824, %parallel_loop3A_825, %parallel_loop3A_826] : memref<2x128x33xf32, #tpu.memory_space<vmem>> -> memref<1x128x33xf32, #tpu.memory_space<vmem>>
        %parallel_loop3A_828 = tpu.memref_squeeze %parallel_loop3A_827 : memref<1x128x33xf32, #tpu.memory_space<vmem>> -> memref<128x33xf32, #tpu.memory_space<vmem>>
        %parallel_loop3A_829 = tpu.vector_load_idx %parallel_loop3A_828[%add3A_23, %parallel_loop3A_768] : memref<128x33xf32, #tpu.memory_space<vmem>>[vector<16xi32>, vector<16xi32>], vector<16xf32>,
        %parallel_loop3A_830 = arith.constant 1 : i32
        %parallel_loop3A_831 = arith.index_cast %parallel_loop3A_830 : i32 to index
        %parallel_loop3A_832 = arith.index_cast %parallel_loop3A_767 : i32 to index
        %parallel_loop3A_833 = arith.constant 80 : index
        %parallel_loop3A_834 = tpu.vector_load %arg8[%parallel_loop3A_831, %parallel_loop3A_832, %parallel_loop3A_833] {strides = array<i32>} : memref<2x32x128xf32, #tpu.memory_space<vmem>>, vector<16xf32>,
        tpu.vector_store %arg8[%parallel_loop3A_831, %parallel_loop3A_832, %parallel_loop3A_833], %parallel_loop3A_829 {strides = array<i32>} : memref<2x32x128xf32, #tpu.memory_space<vmem>>, vector<16xf32>,
        %parallel_loop3A_835 = arith.constant 1 : i32
        %parallel_loop3A_836 = arith.constant 0 : i32
        %parallel_loop3A_837 = arith.constant 0 : i32
        %parallel_loop3A_838 = tpu.memref_slice %arg7[%parallel_loop3A_835, %parallel_loop3A_836, %parallel_loop3A_837] : memref<2x128x33xf32, #tpu.memory_space<vmem>> -> memref<1x128x33xf32, #tpu.memory_space<vmem>>
        %parallel_loop3A_839 = tpu.memref_squeeze %parallel_loop3A_838 : memref<1x128x33xf32, #tpu.memory_space<vmem>> -> memref<128x33xf32, #tpu.memory_space<vmem>>
        %parallel_loop3A_840 = tpu.vector_load_idx %parallel_loop3A_839[%add3A_27, %parallel_loop3A_768] : memref<128x33xf32, #tpu.memory_space<vmem>>[vector<16xi32>, vector<16xi32>], vector<16xf32>,
        %parallel_loop3A_841 = arith.constant 1 : i32
        %parallel_loop3A_842 = arith.index_cast %parallel_loop3A_841 : i32 to index
        %parallel_loop3A_843 = arith.index_cast %parallel_loop3A_767 : i32 to index
        %parallel_loop3A_844 = arith.constant 96 : index
        %parallel_loop3A_845 = tpu.vector_load %arg8[%parallel_loop3A_842, %parallel_loop3A_843, %parallel_loop3A_844] {strides = array<i32>} : memref<2x32x128xf32, #tpu.memory_space<vmem>>, vector<16xf32>,
        tpu.vector_store %arg8[%parallel_loop3A_842, %parallel_loop3A_843, %parallel_loop3A_844], %parallel_loop3A_840 {strides = array<i32>} : memref<2x32x128xf32, #tpu.memory_space<vmem>>, vector<16xf32>,
        %parallel_loop3A_846 = arith.constant 1 : i32
        %parallel_loop3A_847 = arith.constant 0 : i32
        %parallel_loop3A_848 = arith.constant 0 : i32
        %parallel_loop3A_849 = tpu.memref_slice %arg7[%parallel_loop3A_846, %parallel_loop3A_847, %parallel_loop3A_848] : memref<2x128x33xf32, #tpu.memory_space<vmem>> -> memref<1x128x33xf32, #tpu.memory_space<vmem>>
        %parallel_loop3A_850 = tpu.memref_squeeze %parallel_loop3A_849 : memref<1x128x33xf32, #tpu.memory_space<vmem>> -> memref<128x33xf32, #tpu.memory_space<vmem>>
        %parallel_loop3A_851 = tpu.vector_load_idx %parallel_loop3A_850[%add3A_31, %parallel_loop3A_768] : memref<128x33xf32, #tpu.memory_space<vmem>>[vector<16xi32>, vector<16xi32>], vector<16xf32>,
        %parallel_loop3A_852 = arith.constant 1 : i32
        %parallel_loop3A_853 = arith.index_cast %parallel_loop3A_852 : i32 to index
        %parallel_loop3A_854 = arith.index_cast %parallel_loop3A_767 : i32 to index
        %parallel_loop3A_855 = arith.constant 112 : index
        %parallel_loop3A_856 = tpu.vector_load %arg8[%parallel_loop3A_853, %parallel_loop3A_854, %parallel_loop3A_855] {strides = array<i32>} : memref<2x32x128xf32, #tpu.memory_space<vmem>>, vector<16xf32>,
        tpu.vector_store %arg8[%parallel_loop3A_853, %parallel_loop3A_854, %parallel_loop3A_855], %parallel_loop3A_851 {strides = array<i32>} : memref<2x32x128xf32, #tpu.memory_space<vmem>>, vector<16xf32>,
      } {sc.loop_unroll_factor = 4 : i64, sc.parallel_access}
      %dma_start3A_439 = arith.constant 1 : i32
      %dma_start3A_440 = arith.constant 0 : i32
      %dma_start3A_441 = arith.constant 1 : i32
      %dma_start3A_442 = arith.constant 0 : i32
      %dma_start3A_443 = arith.constant 0 : i32
      %dma_start3A_444 = tpu.memref_slice %arg8[%dma_start3A_439, %dma_start3A_442, %dma_start3A_443] : memref<2x32x128xf32, #tpu.memory_space<vmem>> -> memref<1x8x128xf32, #tpu.memory_space<vmem>>
      %dma_start3A_445 = tpu.memref_squeeze %dma_start3A_444 : memref<1x8x128xf32, #tpu.memory_space<vmem>> -> memref<8x128xf32, #tpu.memory_space<vmem>>
      %dma_start3A_446 = arith.constant 0 : i32
      %dma_start3A_447 = arith.constant 0 : i32
      %dma_start3A_448 = tpu.memref_slice %arg4[%add3A_404, %dma_start3A_440, %add3A, %dma_start3A_446, %dma_start3A_447] : memref<200x4x32x8x128xf32, #tpu.memory_space<hbm>> -> memref<1x1x1x8x128xf32, #tpu.memory_space<hbm>>
      %dma_start3A_449 = tpu.memref_squeeze %dma_start3A_448 : memref<1x1x1x8x128xf32, #tpu.memory_space<hbm>> -> memref<8x128xf32, #tpu.memory_space<hbm>>
      %dma_start3A_450 = tpu.memref_slice %arg10[%dma_start3A_441] : memref<2x!tpu.dma_semaphore, #tpu.memory_space<semaphore_mem>> -> memref<1x!tpu.dma_semaphore, #tpu.memory_space<semaphore_mem>>
      %dma_start3A_451 = tpu.memref_squeeze %dma_start3A_450 : memref<1x!tpu.dma_semaphore, #tpu.memory_space<semaphore_mem>> -> memref<!tpu.dma_semaphore, #tpu.memory_space<semaphore_mem>>
      %dma_start3A_452 = arith.constant 0 : i32
      %dma_start3A_453 = arith.constant 0 : i32
      %dma_start3A_454 = tpu.memref_slice %arg4[%add3A_404, %dma_start3A_440, %add3A, %dma_start3A_452, %dma_start3A_453] : memref<200x4x32x8x128xf32, #tpu.memory_space<hbm>> -> memref<1x1x1x8x128xf32, #tpu.memory_space<hbm>>
      %dma_start3A_455 = tpu.memref_squeeze %dma_start3A_454 : memref<1x1x1x8x128xf32, #tpu.memory_space<hbm>> -> memref<8x128xf32, #tpu.memory_space<hbm>>
      %dma_start3A_456 = arith.constant 0 : i32
      %dma_start3A_457 = arith.constant 0 : i32
      %dma_start3A_458 = tpu.memref_slice %arg8[%dma_start3A_439, %dma_start3A_456, %dma_start3A_457] : memref<2x32x128xf32, #tpu.memory_space<vmem>> -> memref<1x8x128xf32, #tpu.memory_space<vmem>>
      %dma_start3A_459 = tpu.memref_squeeze %dma_start3A_458 : memref<1x8x128xf32, #tpu.memory_space<vmem>> -> memref<8x128xf32, #tpu.memory_space<vmem>>
      tpu.enqueue_dma source(%dma_start3A_459 : memref<8x128xf32, #tpu.memory_space<vmem>>) target(%dma_start3A_455 : memref<8x128xf32, #tpu.memory_space<hbm>>) target_semaphore(%dma_start3A_451 : memref<!tpu.dma_semaphore, #tpu.memory_space<semaphore_mem>>)
      %dma_start3A_460 = arith.constant 1 : i32
      %dma_start3A_461 = arith.constant 1 : i32
      %dma_start3A_462 = arith.constant 1 : i32
      %dma_start3A_463 = arith.constant 8 : i32
      %dma_start3A_464 = arith.constant 0 : i32
      %dma_start3A_465 = tpu.memref_slice %arg8[%dma_start3A_460, %dma_start3A_463, %dma_start3A_464] : memref<2x32x128xf32, #tpu.memory_space<vmem>> -> memref<1x8x128xf32, #tpu.memory_space<vmem>>
      %dma_start3A_466 = tpu.memref_squeeze %dma_start3A_465 : memref<1x8x128xf32, #tpu.memory_space<vmem>> -> memref<8x128xf32, #tpu.memory_space<vmem>>
      %dma_start3A_467 = arith.constant 0 : i32
      %dma_start3A_468 = arith.constant 0 : i32
      %dma_start3A_469 = tpu.memref_slice %arg4[%add3A_404, %dma_start3A_461, %add3A, %dma_start3A_467, %dma_start3A_468] : memref<200x4x32x8x128xf32, #tpu.memory_space<hbm>> -> memref<1x1x1x8x128xf32, #tpu.memory_space<hbm>>
      %dma_start3A_470 = tpu.memref_squeeze %dma_start3A_469 : memref<1x1x1x8x128xf32, #tpu.memory_space<hbm>> -> memref<8x128xf32, #tpu.memory_space<hbm>>
      %dma_start3A_471 = tpu.memref_slice %arg10[%dma_start3A_462] : memref<2x!tpu.dma_semaphore, #tpu.memory_space<semaphore_mem>> -> memref<1x!tpu.dma_semaphore, #tpu.memory_space<semaphore_mem>>
      %dma_start3A_472 = tpu.memref_squeeze %dma_start3A_471 : memref<1x!tpu.dma_semaphore, #tpu.memory_space<semaphore_mem>> -> memref<!tpu.dma_semaphore, #tpu.memory_space<semaphore_mem>>
      %dma_start3A_473 = arith.constant 0 : i32
      %dma_start3A_474 = arith.constant 0 : i32
      %dma_start3A_475 = tpu.memref_slice %arg4[%add3A_404, %dma_start3A_461, %add3A, %dma_start3A_473, %dma_start3A_474] : memref<200x4x32x8x128xf32, #tpu.memory_space<hbm>> -> memref<1x1x1x8x128xf32, #tpu.memory_space<hbm>>
      %dma_start3A_476 = tpu.memref_squeeze %dma_start3A_475 : memref<1x1x1x8x128xf32, #tpu.memory_space<hbm>> -> memref<8x128xf32, #tpu.memory_space<hbm>>
      %dma_start3A_477 = arith.constant 8 : i32
      %dma_start3A_478 = arith.constant 0 : i32
      %dma_start3A_479 = tpu.memref_slice %arg8[%dma_start3A_460, %dma_start3A_477, %dma_start3A_478] : memref<2x32x128xf32, #tpu.memory_space<vmem>> -> memref<1x8x128xf32, #tpu.memory_space<vmem>>
      %dma_start3A_480 = tpu.memref_squeeze %dma_start3A_479 : memref<1x8x128xf32, #tpu.memory_space<vmem>> -> memref<8x128xf32, #tpu.memory_space<vmem>>
      tpu.enqueue_dma source(%dma_start3A_480 : memref<8x128xf32, #tpu.memory_space<vmem>>) target(%dma_start3A_476 : memref<8x128xf32, #tpu.memory_space<hbm>>) target_semaphore(%dma_start3A_472 : memref<!tpu.dma_semaphore, #tpu.memory_space<semaphore_mem>>)
      %dma_start3A_481 = arith.constant 1 : i32
      %dma_start3A_482 = arith.constant 2 : i32
      %dma_start3A_483 = arith.constant 1 : i32
      %dma_start3A_484 = arith.constant 16 : i32
      %dma_start3A_485 = arith.constant 0 : i32
      %dma_start3A_486 = tpu.memref_slice %arg8[%dma_start3A_481, %dma_start3A_484, %dma_start3A_485] : memref<2x32x128xf32, #tpu.memory_space<vmem>> -> memref<1x8x128xf32, #tpu.memory_space<vmem>>
      %dma_start3A_487 = tpu.memref_squeeze %dma_start3A_486 : memref<1x8x128xf32, #tpu.memory_space<vmem>> -> memref<8x128xf32, #tpu.memory_space<vmem>>
      %dma_start3A_488 = arith.constant 0 : i32
      %dma_start3A_489 = arith.constant 0 : i32
      %dma_start3A_490 = tpu.memref_slice %arg4[%add3A_404, %dma_start3A_482, %add3A, %dma_start3A_488, %dma_start3A_489] : memref<200x4x32x8x128xf32, #tpu.memory_space<hbm>> -> memref<1x1x1x8x128xf32, #tpu.memory_space<hbm>>
      %dma_start3A_491 = tpu.memref_squeeze %dma_start3A_490 : memref<1x1x1x8x128xf32, #tpu.memory_space<hbm>> -> memref<8x128xf32, #tpu.memory_space<hbm>>
      %dma_start3A_492 = tpu.memref_slice %arg10[%dma_start3A_483] : memref<2x!tpu.dma_semaphore, #tpu.memory_space<semaphore_mem>> -> memref<1x!tpu.dma_semaphore, #tpu.memory_space<semaphore_mem>>
      %dma_start3A_493 = tpu.memref_squeeze %dma_start3A_492 : memref<1x!tpu.dma_semaphore, #tpu.memory_space<semaphore_mem>> -> memref<!tpu.dma_semaphore, #tpu.memory_space<semaphore_mem>>
      %dma_start3A_494 = arith.constant 0 : i32
      %dma_start3A_495 = arith.constant 0 : i32
      %dma_start3A_496 = tpu.memref_slice %arg4[%add3A_404, %dma_start3A_482, %add3A, %dma_start3A_494, %dma_start3A_495] : memref<200x4x32x8x128xf32, #tpu.memory_space<hbm>> -> memref<1x1x1x8x128xf32, #tpu.memory_space<hbm>>
      %dma_start3A_497 = tpu.memref_squeeze %dma_start3A_496 : memref<1x1x1x8x128xf32, #tpu.memory_space<hbm>> -> memref<8x128xf32, #tpu.memory_space<hbm>>
      %dma_start3A_498 = arith.constant 16 : i32
      %dma_start3A_499 = arith.constant 0 : i32
      %dma_start3A_500 = tpu.memref_slice %arg8[%dma_start3A_481, %dma_start3A_498, %dma_start3A_499] : memref<2x32x128xf32, #tpu.memory_space<vmem>> -> memref<1x8x128xf32, #tpu.memory_space<vmem>>
      %dma_start3A_501 = tpu.memref_squeeze %dma_start3A_500 : memref<1x8x128xf32, #tpu.memory_space<vmem>> -> memref<8x128xf32, #tpu.memory_space<vmem>>
      tpu.enqueue_dma source(%dma_start3A_501 : memref<8x128xf32, #tpu.memory_space<vmem>>) target(%dma_start3A_497 : memref<8x128xf32, #tpu.memory_space<hbm>>) target_semaphore(%dma_start3A_493 : memref<!tpu.dma_semaphore, #tpu.memory_space<semaphore_mem>>)
      %dma_start3A_502 = arith.constant 1 : i32
      %dma_start3A_503 = arith.constant 3 : i32
      %dma_start3A_504 = arith.constant 1 : i32
      %dma_start3A_505 = arith.constant 24 : i32
      %dma_start3A_506 = arith.constant 0 : i32
      %dma_start3A_507 = tpu.memref_slice %arg8[%dma_start3A_502, %dma_start3A_505, %dma_start3A_506] : memref<2x32x128xf32, #tpu.memory_space<vmem>> -> memref<1x8x128xf32, #tpu.memory_space<vmem>>
      %dma_start3A_508 = tpu.memref_squeeze %dma_start3A_507 : memref<1x8x128xf32, #tpu.memory_space<vmem>> -> memref<8x128xf32, #tpu.memory_space<vmem>>
      %dma_start3A_509 = arith.constant 0 : i32
      %dma_start3A_510 = arith.constant 0 : i32
      %dma_start3A_511 = tpu.memref_slice %arg4[%add3A_404, %dma_start3A_503, %add3A, %dma_start3A_509, %dma_start3A_510] : memref<200x4x32x8x128xf32, #tpu.memory_space<hbm>> -> memref<1x1x1x8x128xf32, #tpu.memory_space<hbm>>
      %dma_start3A_512 = tpu.memref_squeeze %dma_start3A_511 : memref<1x1x1x8x128xf32, #tpu.memory_space<hbm>> -> memref<8x128xf32, #tpu.memory_space<hbm>>
      %dma_start3A_513 = tpu.memref_slice %arg10[%dma_start3A_504] : memref<2x!tpu.dma_semaphore, #tpu.memory_space<semaphore_mem>> -> memref<1x!tpu.dma_semaphore, #tpu.memory_space<semaphore_mem>>
      %dma_start3A_514 = tpu.memref_squeeze %dma_start3A_513 : memref<1x!tpu.dma_semaphore, #tpu.memory_space<semaphore_mem>> -> memref<!tpu.dma_semaphore, #tpu.memory_space<semaphore_mem>>
      %dma_start3A_515 = arith.constant 0 : i32
      %dma_start3A_516 = arith.constant 0 : i32
      %dma_start3A_517 = tpu.memref_slice %arg4[%add3A_404, %dma_start3A_503, %add3A, %dma_start3A_515, %dma_start3A_516] : memref<200x4x32x8x128xf32, #tpu.memory_space<hbm>> -> memref<1x1x1x8x128xf32, #tpu.memory_space<hbm>>
      %dma_start3A_518 = tpu.memref_squeeze %dma_start3A_517 : memref<1x1x1x8x128xf32, #tpu.memory_space<hbm>> -> memref<8x128xf32, #tpu.memory_space<hbm>>
      %dma_start3A_519 = arith.constant 24 : i32
      %dma_start3A_520 = arith.constant 0 : i32
      %dma_start3A_521 = tpu.memref_slice %arg8[%dma_start3A_502, %dma_start3A_519, %dma_start3A_520] : memref<2x32x128xf32, #tpu.memory_space<vmem>> -> memref<1x8x128xf32, #tpu.memory_space<vmem>>
      %dma_start3A_522 = tpu.memref_squeeze %dma_start3A_521 : memref<1x8x128xf32, #tpu.memory_space<vmem>> -> memref<8x128xf32, #tpu.memory_space<vmem>>
      tpu.enqueue_dma source(%dma_start3A_522 : memref<8x128xf32, #tpu.memory_space<vmem>>) target(%dma_start3A_518 : memref<8x128xf32, #tpu.memory_space<hbm>>) target_semaphore(%dma_start3A_514 : memref<!tpu.dma_semaphore, #tpu.memory_space<semaphore_mem>>)
      %mul3A_523 = arith.constant 4 : i32
      %mul3A_524 = arith.muli %mul3A_523, %scan3A_283 : i32
      %add3A_525 = arith.constant 2 : i32
      %add3A_526 = arith.addi %mul3A_524, %add3A_525 : i32
      %dma_wait3A_527 = arith.constant 0 : i32
      %dma_wait3A_528 = arith.constant 0 : i32
      %dma_wait3A_529 = arith.constant 2 : i32
      %dma_wait3A_530 = arith.constant 2 : i32
      %dma_wait3A_531 = arith.constant 0 : i32
      %dma_wait3A_532 = arith.constant 0 : i32
      %dma_wait3A_533 = tpu.memref_slice %arg6[%dma_wait3A_529, %dma_wait3A_531, %dma_wait3A_532] : memref<4x128x32xf32, #tpu.memory_space<vmem>> -> memref<1x128x32xf32, #tpu.memory_space<vmem>>
      %dma_wait3A_534 = tpu.memref_squeeze %dma_wait3A_533 : memref<1x128x32xf32, #tpu.memory_space<vmem>> -> memref<128x32xf32, #tpu.memory_space<vmem>>
      %dma_wait3A_535 = arith.constant 0 : i32
      %dma_wait3A_536 = tpu.memref_slice %arg5[%dma_wait3A_527, %dma_wait3A_528, %dma_wait3A_535] : memref<25x8x128xi32, #tpu.memory_space<vmem>> -> memref<1x1x128xi32, #tpu.memory_space<vmem>>
      %dma_wait3A_537 = tpu.memref_squeeze %dma_wait3A_536 : memref<1x1x128xi32, #tpu.memory_space<vmem>> -> memref<128xi32, #tpu.memory_space<vmem>>
      %dma_wait3A_538 = arith.constant 0 : i32
      %dma_wait3A_539 = arith.constant 0 : i32
      %dma_wait3A_540 = tpu.memref_slice %arg3[%dma_wait3A_538, %dma_wait3A_539] : memref<1000000x32xf32, #tpu.memory_space<hbm>> -> memref<1000000x32xf32, #tpu.memory_space<hbm>>
      %dma_wait3A_541 = tpu.memref_slice %arg9[%dma_wait3A_530] : memref<4x!tpu.dma_semaphore, #tpu.memory_space<semaphore_mem>> -> memref<1x!tpu.dma_semaphore, #tpu.memory_space<semaphore_mem>>
      %dma_wait3A_542 = tpu.memref_squeeze %dma_wait3A_541 : memref<1x!tpu.dma_semaphore, #tpu.memory_space<semaphore_mem>> -> memref<!tpu.dma_semaphore, #tpu.memory_space<semaphore_mem>>
      tpu.wait_indirect_dma semaphore(%dma_wait3A_542 : memref<!tpu.dma_semaphore, #tpu.memory_space<semaphore_mem>>) src(%dma_wait3A_540 : memref<1000000x32xf32, #tpu.memory_space<hbm>>) dst(%dma_wait3A_534 : memref<128x32xf32, #tpu.memory_space<vmem>>)
      %parallel_loop3A_543 = arith.constant 0 : i32
      %parallel_loop3A_544 = arith.constant 128 : i32
      %parallel_loop3A_545 = arith.constant 1 : i32
      scf.for %parallel_loop3A_767 = %parallel_loop3A_543 to %parallel_loop3A_544 step %parallel_loop3A_545  : i32 {
        %parallel_loop3A_768 = arith.constant 2 : i32
        %parallel_loop3A_769 = arith.index_cast %parallel_loop3A_768 : i32 to index
        %parallel_loop3A_770 = arith.index_cast %parallel_loop3A_767 : i32 to index
        %parallel_loop3A_771 = arith.constant 0 : index
        %parallel_loop3A_772 = tpu.vector_load %arg6[%parallel_loop3A_769, %parallel_loop3A_770, %parallel_loop3A_771] {strides = array<i32>} : memref<4x128x32xf32, #tpu.memory_space<vmem>>, vector<16xf32>,
        %parallel_loop3A_773 = arith.constant 0 : i32
        %parallel_loop3A_774 = arith.index_cast %parallel_loop3A_773 : i32 to index
        %parallel_loop3A_775 = arith.index_cast %parallel_loop3A_767 : i32 to index
        %parallel_loop3A_776 = arith.constant 0 : index
        %parallel_loop3A_777 = tpu.vector_load %arg7[%parallel_loop3A_774, %parallel_loop3A_775, %parallel_loop3A_776] {strides = array<i32>} : memref<2x128x33xf32, #tpu.memory_space<vmem>>, vector<16xf32>,
        tpu.vector_store %arg7[%parallel_loop3A_774, %parallel_loop3A_775, %parallel_loop3A_776], %parallel_loop3A_772 {strides = array<i32>} : memref<2x128x33xf32, #tpu.memory_space<vmem>>, vector<16xf32>,
        %parallel_loop3A_778 = arith.constant 2 : i32
        %parallel_loop3A_779 = arith.index_cast %parallel_loop3A_778 : i32 to index
        %parallel_loop3A_780 = arith.index_cast %parallel_loop3A_767 : i32 to index
        %parallel_loop3A_781 = arith.constant 16 : index
        %parallel_loop3A_782 = tpu.vector_load %arg6[%parallel_loop3A_779, %parallel_loop3A_780, %parallel_loop3A_781] {strides = array<i32>} : memref<4x128x32xf32, #tpu.memory_space<vmem>>, vector<16xf32>,
        %parallel_loop3A_783 = arith.constant 0 : i32
        %parallel_loop3A_784 = arith.index_cast %parallel_loop3A_783 : i32 to index
        %parallel_loop3A_785 = arith.index_cast %parallel_loop3A_767 : i32 to index
        %parallel_loop3A_786 = arith.constant 16 : index
        %parallel_loop3A_787 = tpu.vector_load %arg7[%parallel_loop3A_784, %parallel_loop3A_785, %parallel_loop3A_786] {strides = array<i32>} : memref<2x128x33xf32, #tpu.memory_space<vmem>>, vector<16xf32>,
        tpu.vector_store %arg7[%parallel_loop3A_784, %parallel_loop3A_785, %parallel_loop3A_786], %parallel_loop3A_782 {strides = array<i32>} : memref<2x128x33xf32, #tpu.memory_space<vmem>>, vector<16xf32>,
      } {sc.loop_unroll_factor = 4 : i64, sc.parallel_access}
      %add3A_546 = arith.constant 4 : i32
      %add3A_547 = arith.addi %add3A_526, %add3A_546 : i32
      %lt3A_548 = arith.constant 200 : i32
      %lt3A_549 = arith.cmpi slt, %add3A_547, %lt3A_548 : i32
      %convert_element_type3A_550 = arith.extui %lt3A_549 : i1 to i32
      %cond3A_551 = arith.constant 0 : i32
      %cond3A_552 = arith.cmpi ne, %convert_element_type3A_550, %cond3A_551 : i32
      scf.if %cond3A_552 {
        %add3A_767 = arith.constant 4 : i32
        %add3A_768 = arith.addi %add3A_526, %add3A_767 : i32
        %jit3A = arith.constant 8 : i32
        %div3A = arith.divsi %add3A_768, %jit3A : i32
        %sign3A = arith.constant 0 : i32
        %sign3A_769 = arith.cmpi sgt, %add3A_768, %sign3A : i32
        %sign3A_770 = arith.extui %sign3A_769 : i1 to i32
        %sign3A_771 = arith.constant 0 : i32
        %sign3A_772 = arith.cmpi slt, %add3A_768, %sign3A_771 : i32
        %sign3A_773 = arith.extui %sign3A_772 : i1 to i32
        %sign3A_774 = arith.subi %sign3A_770, %sign3A_773 : i32
        %sign3A_775 = arith.constant 0 : i32
        %sign3A_776 = arith.cmpi sgt, %jit3A, %sign3A_775 : i32
        %sign3A_777 = arith.extui %sign3A_776 : i1 to i32
        %sign3A_778 = arith.constant 0 : i32
        %sign3A_779 = arith.cmpi slt, %jit3A, %sign3A_778 : i32
        %sign3A_780 = arith.extui %sign3A_779 : i1 to i32
        %sign3A_781 = arith.subi %sign3A_777, %sign3A_780 : i32
        %ne3A = arith.cmpi ne, %sign3A_774, %sign3A_781 : i32
        %rem3A = arith.remsi %add3A_768, %jit3A : i32
        %ne3A_782 = arith.constant 0 : i32
        %ne3A_783 = arith.cmpi ne, %rem3A, %ne3A_782 : i32
        %and3A = arith.andi %ne3A, %ne3A_783 : i1
        %sub3A = arith.constant 1 : i32
        %sub3A_784 = arith.subi %div3A, %sub3A : i32
        %select_n3A = arith.select %and3A, %sub3A_784, %div3A : i32
        %jit3A_785 = arith.constant 8 : i32
        %eq3A = arith.constant 0 : i32
        %eq3A_786 = arith.cmpi eq, %jit3A_785, %eq3A : i32
        %jit3A_787 = arith.constant 1 : i32
        %select_n3A_788 = arith.select %eq3A_786, %jit3A_787, %jit3A_785 : i32
        %rem3A_789 = arith.remsi %add3A_768, %select_n3A_788 : i32
        %ne3A_790 = arith.constant 0 : i32
        %ne3A_791 = arith.cmpi ne, %rem3A_789, %ne3A_790 : i32
        %lt3A_792 = arith.constant 0 : i32
        %lt3A_793 = arith.cmpi slt, %rem3A_789, %lt3A_792 : i32
        %lt3A_794 = arith.constant 0 : i32
        %lt3A_795 = arith.cmpi slt, %select_n3A_788, %lt3A_794 : i32
        %ne3A_796 = arith.xori %lt3A_793, %lt3A_795 : i1
        %and3A_797 = arith.andi %ne3A_796, %ne3A_791 : i1
        %add3A_798 = arith.addi %rem3A_789, %select_n3A_788 : i32
        %select_n3A_799 = arith.select %and3A_797, %add3A_798, %rem3A_789 : i32
        %dma_start3A_800 = arith.constant 2 : i32
        %dma_start3A_801 = arith.constant 2 : i32
        %dma_start3A_802 = arith.constant 0 : i32
        %dma_start3A_803 = arith.constant 0 : i32
        %dma_start3A_804 = tpu.memref_slice %arg6[%dma_start3A_800, %dma_start3A_802, %dma_start3A_803] : memref<4x128x32xf32, #tpu.memory_space<vmem>> -> memref<1x128x32xf32, #tpu.memory_space<vmem>>
        %dma_start3A_805 = tpu.memref_squeeze %dma_start3A_804 : memref<1x128x32xf32, #tpu.memory_space<vmem>> -> memref<128x32xf32, #tpu.memory_space<vmem>>
        %dma_start3A_806 = arith.constant 0 : i32
        %dma_start3A_807 = tpu.memref_slice %arg5[%select_n3A, %select_n3A_799, %dma_start3A_806] : memref<25x8x128xi32, #tpu.memory_space<vmem>> -> memref<1x1x128xi32, #tpu.memory_space<vmem>>
        %dma_start3A_808 = tpu.memref_squeeze %dma_start3A_807 : memref<1x1x128xi32, #tpu.memory_space<vmem>> -> memref<128xi32, #tpu.memory_space<vmem>>
        %dma_start3A_809 = arith.constant 0 : i32
        %dma_start3A_810 = arith.constant 0 : i32
        %dma_start3A_811 = tpu.memref_slice %arg3[%dma_start3A_809, %dma_start3A_810] : memref<1000000x32xf32, #tpu.memory_space<hbm>> -> memref<1000000x32xf32, #tpu.memory_space<hbm>>
        %dma_start3A_812 = tpu.memref_slice %arg9[%dma_start3A_801] : memref<4x!tpu.dma_semaphore, #tpu.memory_space<semaphore_mem>> -> memref<1x!tpu.dma_semaphore, #tpu.memory_space<semaphore_mem>>
        %dma_start3A_813 = tpu.memref_squeeze %dma_start3A_812 : memref<1x!tpu.dma_semaphore, #tpu.memory_space<semaphore_mem>> -> memref<!tpu.dma_semaphore, #tpu.memory_space<semaphore_mem>>
        tpu.enqueue_indirect_dma source(%dma_start3A_811 : memref<1000000x32xf32, #tpu.memory_space<hbm>>) target(%dma_start3A_805 : memref<128x32xf32, #tpu.memory_space<vmem>>) offsets(%dma_start3A_808 : memref<128xi32, #tpu.memory_space<vmem>>) semaphore(%dma_start3A_813 : memref<!tpu.dma_semaphore, #tpu.memory_space<semaphore_mem>>)
      } else {
      }
      %ge3A_553 = arith.constant 2 : i32
      %ge3A_554 = arith.cmpi sge, %add3A_526, %ge3A_553 : i32
      %convert_element_type3A_555 = arith.extui %ge3A_554 : i1 to i32
      %cond3A_556 = arith.constant 0 : i32
      %cond3A_557 = arith.cmpi ne, %convert_element_type3A_555, %cond3A_556 : i32
      scf.if %cond3A_557 {
        %dma_wait3A_767 = arith.constant 0 : i32
        %dma_wait3A_768 = arith.constant 0 : i32
        %dma_wait3A_769 = arith.constant 0 : i32
        %dma_wait3A_770 = arith.constant 0 : i32
        %dma_wait3A_771 = arith.constant 0 : i32
        %dma_wait3A_772 = arith.constant 0 : i32
        %dma_wait3A_773 = arith.constant 0 : i32
        %dma_wait3A_774 = tpu.memref_slice %arg8[%dma_wait3A_767, %dma_wait3A_772, %dma_wait3A_773] : memref<2x32x128xf32, #tpu.memory_space<vmem>> -> memref<1x8x128xf32, #tpu.memory_space<vmem>>
        %dma_wait3A_775 = tpu.memref_squeeze %dma_wait3A_774 : memref<1x8x128xf32, #tpu.memory_space<vmem>> -> memref<8x128xf32, #tpu.memory_space<vmem>>
        %dma_wait3A_776 = arith.constant 0 : i32
        %dma_wait3A_777 = arith.constant 0 : i32
        %dma_wait3A_778 = tpu.memref_slice %arg4[%dma_wait3A_768, %dma_wait3A_769, %dma_wait3A_770, %dma_wait3A_776, %dma_wait3A_777] : memref<200x4x32x8x128xf32, #tpu.memory_space<hbm>> -> memref<1x1x1x8x128xf32, #tpu.memory_space<hbm>>
        %dma_wait3A_779 = tpu.memref_squeeze %dma_wait3A_778 : memref<1x1x1x8x128xf32, #tpu.memory_space<hbm>> -> memref<8x128xf32, #tpu.memory_space<hbm>>
        %dma_wait3A_780 = tpu.memref_slice %arg10[%dma_wait3A_771] : memref<2x!tpu.dma_semaphore, #tpu.memory_space<semaphore_mem>> -> memref<1x!tpu.dma_semaphore, #tpu.memory_space<semaphore_mem>>
        %dma_wait3A_781 = tpu.memref_squeeze %dma_wait3A_780 : memref<1x!tpu.dma_semaphore, #tpu.memory_space<semaphore_mem>> -> memref<!tpu.dma_semaphore, #tpu.memory_space<semaphore_mem>>
        %dma_wait3A_782 = arith.constant 0 : i32
        %dma_wait3A_783 = arith.constant 0 : i32
        %dma_wait3A_784 = tpu.memref_slice %arg4[%dma_wait3A_768, %dma_wait3A_769, %dma_wait3A_770, %dma_wait3A_782, %dma_wait3A_783] : memref<200x4x32x8x128xf32, #tpu.memory_space<hbm>> -> memref<1x1x1x8x128xf32, #tpu.memory_space<hbm>>
        %dma_wait3A_785 = tpu.memref_squeeze %dma_wait3A_784 : memref<1x1x1x8x128xf32, #tpu.memory_space<hbm>> -> memref<8x128xf32, #tpu.memory_space<hbm>>
        %dma_wait3A_786 = arith.constant 0 : i32
        %dma_wait3A_787 = arith.constant 0 : i32
        %dma_wait3A_788 = tpu.memref_slice %arg8[%dma_wait3A_767, %dma_wait3A_786, %dma_wait3A_787] : memref<2x32x128xf32, #tpu.memory_space<vmem>> -> memref<1x8x128xf32, #tpu.memory_space<vmem>>
        %dma_wait3A_789 = tpu.memref_squeeze %dma_wait3A_788 : memref<1x8x128xf32, #tpu.memory_space<vmem>> -> memref<8x128xf32, #tpu.memory_space<vmem>>
        tpu.wait_dma2 semaphore(%dma_wait3A_781 : memref<!tpu.dma_semaphore, #tpu.memory_space<semaphore_mem>>) src(%dma_wait3A_789 : memref<8x128xf32, #tpu.memory_space<vmem>>) dst(%dma_wait3A_785 : memref<8x128xf32, #tpu.memory_space<hbm>>)
        %dma_wait3A_790 = arith.constant 0 : i32
        %dma_wait3A_791 = arith.constant 0 : i32
        %dma_wait3A_792 = arith.constant 1 : i32
        %dma_wait3A_793 = arith.constant 0 : i32
        %dma_wait3A_794 = arith.constant 0 : i32
        %dma_wait3A_795 = arith.constant 8 : i32
        %dma_wait3A_796 = arith.constant 0 : i32
        %dma_wait3A_797 = tpu.memref_slice %arg8[%dma_wait3A_790, %dma_wait3A_795, %dma_wait3A_796] : memref<2x32x128xf32, #tpu.memory_space<vmem>> -> memref<1x8x128xf32, #tpu.memory_space<vmem>>
        %dma_wait3A_798 = tpu.memref_squeeze %dma_wait3A_797 : memref<1x8x128xf32, #tpu.memory_space<vmem>> -> memref<8x128xf32, #tpu.memory_space<vmem>>
        %dma_wait3A_799 = arith.constant 0 : i32
        %dma_wait3A_800 = arith.constant 0 : i32
        %dma_wait3A_801 = tpu.memref_slice %arg4[%dma_wait3A_791, %dma_wait3A_792, %dma_wait3A_793, %dma_wait3A_799, %dma_wait3A_800] : memref<200x4x32x8x128xf32, #tpu.memory_space<hbm>> -> memref<1x1x1x8x128xf32, #tpu.memory_space<hbm>>
        %dma_wait3A_802 = tpu.memref_squeeze %dma_wait3A_801 : memref<1x1x1x8x128xf32, #tpu.memory_space<hbm>> -> memref<8x128xf32, #tpu.memory_space<hbm>>
        %dma_wait3A_803 = tpu.memref_slice %arg10[%dma_wait3A_794] : memref<2x!tpu.dma_semaphore, #tpu.memory_space<semaphore_mem>> -> memref<1x!tpu.dma_semaphore, #tpu.memory_space<semaphore_mem>>
        %dma_wait3A_804 = tpu.memref_squeeze %dma_wait3A_803 : memref<1x!tpu.dma_semaphore, #tpu.memory_space<semaphore_mem>> -> memref<!tpu.dma_semaphore, #tpu.memory_space<semaphore_mem>>
        %dma_wait3A_805 = arith.constant 0 : i32
        %dma_wait3A_806 = arith.constant 0 : i32
        %dma_wait3A_807 = tpu.memref_slice %arg4[%dma_wait3A_791, %dma_wait3A_792, %dma_wait3A_793, %dma_wait3A_805, %dma_wait3A_806] : memref<200x4x32x8x128xf32, #tpu.memory_space<hbm>> -> memref<1x1x1x8x128xf32, #tpu.memory_space<hbm>>
        %dma_wait3A_808 = tpu.memref_squeeze %dma_wait3A_807 : memref<1x1x1x8x128xf32, #tpu.memory_space<hbm>> -> memref<8x128xf32, #tpu.memory_space<hbm>>
        %dma_wait3A_809 = arith.constant 8 : i32
        %dma_wait3A_810 = arith.constant 0 : i32
        %dma_wait3A_811 = tpu.memref_slice %arg8[%dma_wait3A_790, %dma_wait3A_809, %dma_wait3A_810] : memref<2x32x128xf32, #tpu.memory_space<vmem>> -> memref<1x8x128xf32, #tpu.memory_space<vmem>>
        %dma_wait3A_812 = tpu.memref_squeeze %dma_wait3A_811 : memref<1x8x128xf32, #tpu.memory_space<vmem>> -> memref<8x128xf32, #tpu.memory_space<vmem>>
        tpu.wait_dma2 semaphore(%dma_wait3A_804 : memref<!tpu.dma_semaphore, #tpu.memory_space<semaphore_mem>>) src(%dma_wait3A_812 : memref<8x128xf32, #tpu.memory_space<vmem>>) dst(%dma_wait3A_808 : memref<8x128xf32, #tpu.memory_space<hbm>>)
        %dma_wait3A_813 = arith.constant 0 : i32
        %dma_wait3A_814 = arith.constant 0 : i32
        %dma_wait3A_815 = arith.constant 2 : i32
        %dma_wait3A_816 = arith.constant 0 : i32
        %dma_wait3A_817 = arith.constant 0 : i32
        %dma_wait3A_818 = arith.constant 16 : i32
        %dma_wait3A_819 = arith.constant 0 : i32
        %dma_wait3A_820 = tpu.memref_slice %arg8[%dma_wait3A_813, %dma_wait3A_818, %dma_wait3A_819] : memref<2x32x128xf32, #tpu.memory_space<vmem>> -> memref<1x8x128xf32, #tpu.memory_space<vmem>>
        %dma_wait3A_821 = tpu.memref_squeeze %dma_wait3A_820 : memref<1x8x128xf32, #tpu.memory_space<vmem>> -> memref<8x128xf32, #tpu.memory_space<vmem>>
        %dma_wait3A_822 = arith.constant 0 : i32
        %dma_wait3A_823 = arith.constant 0 : i32
        %dma_wait3A_824 = tpu.memref_slice %arg4[%dma_wait3A_814, %dma_wait3A_815, %dma_wait3A_816, %dma_wait3A_822, %dma_wait3A_823] : memref<200x4x32x8x128xf32, #tpu.memory_space<hbm>> -> memref<1x1x1x8x128xf32, #tpu.memory_space<hbm>>
        %dma_wait3A_825 = tpu.memref_squeeze %dma_wait3A_824 : memref<1x1x1x8x128xf32, #tpu.memory_space<hbm>> -> memref<8x128xf32, #tpu.memory_space<hbm>>
        %dma_wait3A_826 = tpu.memref_slice %arg10[%dma_wait3A_817] : memref<2x!tpu.dma_semaphore, #tpu.memory_space<semaphore_mem>> -> memref<1x!tpu.dma_semaphore, #tpu.memory_space<semaphore_mem>>
        %dma_wait3A_827 = tpu.memref_squeeze %dma_wait3A_826 : memref<1x!tpu.dma_semaphore, #tpu.memory_space<semaphore_mem>> -> memref<!tpu.dma_semaphore, #tpu.memory_space<semaphore_mem>>
        %dma_wait3A_828 = arith.constant 0 : i32
        %dma_wait3A_829 = arith.constant 0 : i32
        %dma_wait3A_830 = tpu.memref_slice %arg4[%dma_wait3A_814, %dma_wait3A_815, %dma_wait3A_816, %dma_wait3A_828, %dma_wait3A_829] : memref<200x4x32x8x128xf32, #tpu.memory_space<hbm>> -> memref<1x1x1x8x128xf32, #tpu.memory_space<hbm>>
        %dma_wait3A_831 = tpu.memref_squeeze %dma_wait3A_830 : memref<1x1x1x8x128xf32, #tpu.memory_space<hbm>> -> memref<8x128xf32, #tpu.memory_space<hbm>>
        %dma_wait3A_832 = arith.constant 16 : i32
        %dma_wait3A_833 = arith.constant 0 : i32
        %dma_wait3A_834 = tpu.memref_slice %arg8[%dma_wait3A_813, %dma_wait3A_832, %dma_wait3A_833] : memref<2x32x128xf32, #tpu.memory_space<vmem>> -> memref<1x8x128xf32, #tpu.memory_space<vmem>>
        %dma_wait3A_835 = tpu.memref_squeeze %dma_wait3A_834 : memref<1x8x128xf32, #tpu.memory_space<vmem>> -> memref<8x128xf32, #tpu.memory_space<vmem>>
        tpu.wait_dma2 semaphore(%dma_wait3A_827 : memref<!tpu.dma_semaphore, #tpu.memory_space<semaphore_mem>>) src(%dma_wait3A_835 : memref<8x128xf32, #tpu.memory_space<vmem>>) dst(%dma_wait3A_831 : memref<8x128xf32, #tpu.memory_space<hbm>>)
        %dma_wait3A_836 = arith.constant 0 : i32
        %dma_wait3A_837 = arith.constant 0 : i32
        %dma_wait3A_838 = arith.constant 3 : i32
        %dma_wait3A_839 = arith.constant 0 : i32
        %dma_wait3A_840 = arith.constant 0 : i32
        %dma_wait3A_841 = arith.constant 24 : i32
        %dma_wait3A_842 = arith.constant 0 : i32
        %dma_wait3A_843 = tpu.memref_slice %arg8[%dma_wait3A_836, %dma_wait3A_841, %dma_wait3A_842] : memref<2x32x128xf32, #tpu.memory_space<vmem>> -> memref<1x8x128xf32, #tpu.memory_space<vmem>>
        %dma_wait3A_844 = tpu.memref_squeeze %dma_wait3A_843 : memref<1x8x128xf32, #tpu.memory_space<vmem>> -> memref<8x128xf32, #tpu.memory_space<vmem>>
        %dma_wait3A_845 = arith.constant 0 : i32
        %dma_wait3A_846 = arith.constant 0 : i32
        %dma_wait3A_847 = tpu.memref_slice %arg4[%dma_wait3A_837, %dma_wait3A_838, %dma_wait3A_839, %dma_wait3A_845, %dma_wait3A_846] : memref<200x4x32x8x128xf32, #tpu.memory_space<hbm>> -> memref<1x1x1x8x128xf32, #tpu.memory_space<hbm>>
        %dma_wait3A_848 = tpu.memref_squeeze %dma_wait3A_847 : memref<1x1x1x8x128xf32, #tpu.memory_space<hbm>> -> memref<8x128xf32, #tpu.memory_space<hbm>>
        %dma_wait3A_849 = tpu.memref_slice %arg10[%dma_wait3A_840] : memref<2x!tpu.dma_semaphore, #tpu.memory_space<semaphore_mem>> -> memref<1x!tpu.dma_semaphore, #tpu.memory_space<semaphore_mem>>
        %dma_wait3A_850 = tpu.memref_squeeze %dma_wait3A_849 : memref<1x!tpu.dma_semaphore, #tpu.memory_space<semaphore_mem>> -> memref<!tpu.dma_semaphore, #tpu.memory_space<semaphore_mem>>
        %dma_wait3A_851 = arith.constant 0 : i32
        %dma_wait3A_852 = arith.constant 0 : i32
        %dma_wait3A_853 = tpu.memref_slice %arg4[%dma_wait3A_837, %dma_wait3A_838, %dma_wait3A_839, %dma_wait3A_851, %dma_wait3A_852] : memref<200x4x32x8x128xf32, #tpu.memory_space<hbm>> -> memref<1x1x1x8x128xf32, #tpu.memory_space<hbm>>
        %dma_wait3A_854 = tpu.memref_squeeze %dma_wait3A_853 : memref<1x1x1x8x128xf32, #tpu.memory_space<hbm>> -> memref<8x128xf32, #tpu.memory_space<hbm>>
        %dma_wait3A_855 = arith.constant 24 : i32
        %dma_wait3A_856 = arith.constant 0 : i32
        %dma_wait3A_857 = tpu.memref_slice %arg8[%dma_wait3A_836, %dma_wait3A_855, %dma_wait3A_856] : memref<2x32x128xf32, #tpu.memory_space<vmem>> -> memref<1x8x128xf32, #tpu.memory_space<vmem>>
        %dma_wait3A_858 = tpu.memref_squeeze %dma_wait3A_857 : memref<1x8x128xf32, #tpu.memory_space<vmem>> -> memref<8x128xf32, #tpu.memory_space<vmem>>
        tpu.wait_dma2 semaphore(%dma_wait3A_850 : memref<!tpu.dma_semaphore, #tpu.memory_space<semaphore_mem>>) src(%dma_wait3A_858 : memref<8x128xf32, #tpu.memory_space<vmem>>) dst(%dma_wait3A_854 : memref<8x128xf32, #tpu.memory_space<hbm>>)
      } else {
      }
      %parallel_loop3A_558 = arith.constant 0 : i32
      %parallel_loop3A_559 = arith.constant 32 : i32
      %parallel_loop3A_560 = arith.constant 1 : i32
      scf.for %parallel_loop3A_767 = %parallel_loop3A_558 to %parallel_loop3A_559 step %parallel_loop3A_560  : i32 {
        %parallel_loop3A_768 = vector.broadcast %parallel_loop3A_767 : i32 to vector<16xi32>
        %parallel_loop3A_769 = arith.constant 0 : i32
        %parallel_loop3A_770 = arith.constant 0 : i32
        %parallel_loop3A_771 = arith.constant 0 : i32
        %parallel_loop3A_772 = tpu.memref_slice %arg7[%parallel_loop3A_769, %parallel_loop3A_770, %parallel_loop3A_771] : memref<2x128x33xf32, #tpu.memory_space<vmem>> -> memref<1x128x33xf32, #tpu.memory_space<vmem>>
        %parallel_loop3A_773 = tpu.memref_squeeze %parallel_loop3A_772 : memref<1x128x33xf32, #tpu.memory_space<vmem>> -> memref<128x33xf32, #tpu.memory_space<vmem>>
        %parallel_loop3A_774 = tpu.vector_load_idx %parallel_loop3A_773[%add3A_3, %parallel_loop3A_768] : memref<128x33xf32, #tpu.memory_space<vmem>>[vector<16xi32>, vector<16xi32>], vector<16xf32>,
        %parallel_loop3A_775 = arith.constant 0 : i32
        %parallel_loop3A_776 = arith.index_cast %parallel_loop3A_775 : i32 to index
        %parallel_loop3A_777 = arith.index_cast %parallel_loop3A_767 : i32 to index
        %parallel_loop3A_778 = arith.constant 0 : index
        %parallel_loop3A_779 = tpu.vector_load %arg8[%parallel_loop3A_776, %parallel_loop3A_777, %parallel_loop3A_778] {strides = array<i32>} : memref<2x32x128xf32, #tpu.memory_space<vmem>>, vector<16xf32>,
        tpu.vector_store %arg8[%parallel_loop3A_776, %parallel_loop3A_777, %parallel_loop3A_778], %parallel_loop3A_774 {strides = array<i32>} : memref<2x32x128xf32, #tpu.memory_space<vmem>>, vector<16xf32>,
        %parallel_loop3A_780 = arith.constant 0 : i32
        %parallel_loop3A_781 = arith.constant 0 : i32
        %parallel_loop3A_782 = arith.constant 0 : i32
        %parallel_loop3A_783 = tpu.memref_slice %arg7[%parallel_loop3A_780, %parallel_loop3A_781, %parallel_loop3A_782] : memref<2x128x33xf32, #tpu.memory_space<vmem>> -> memref<1x128x33xf32, #tpu.memory_space<vmem>>
        %parallel_loop3A_784 = tpu.memref_squeeze %parallel_loop3A_783 : memref<1x128x33xf32, #tpu.memory_space<vmem>> -> memref<128x33xf32, #tpu.memory_space<vmem>>
        %parallel_loop3A_785 = tpu.vector_load_idx %parallel_loop3A_784[%add3A_7, %parallel_loop3A_768] : memref<128x33xf32, #tpu.memory_space<vmem>>[vector<16xi32>, vector<16xi32>], vector<16xf32>,
        %parallel_loop3A_786 = arith.constant 0 : i32
        %parallel_loop3A_787 = arith.index_cast %parallel_loop3A_786 : i32 to index
        %parallel_loop3A_788 = arith.index_cast %parallel_loop3A_767 : i32 to index
        %parallel_loop3A_789 = arith.constant 16 : index
        %parallel_loop3A_790 = tpu.vector_load %arg8[%parallel_loop3A_787, %parallel_loop3A_788, %parallel_loop3A_789] {strides = array<i32>} : memref<2x32x128xf32, #tpu.memory_space<vmem>>, vector<16xf32>,
        tpu.vector_store %arg8[%parallel_loop3A_787, %parallel_loop3A_788, %parallel_loop3A_789], %parallel_loop3A_785 {strides = array<i32>} : memref<2x32x128xf32, #tpu.memory_space<vmem>>, vector<16xf32>,
        %parallel_loop3A_791 = arith.constant 0 : i32
        %parallel_loop3A_792 = arith.constant 0 : i32
        %parallel_loop3A_793 = arith.constant 0 : i32
        %parallel_loop3A_794 = tpu.memref_slice %arg7[%parallel_loop3A_791, %parallel_loop3A_792, %parallel_loop3A_793] : memref<2x128x33xf32, #tpu.memory_space<vmem>> -> memref<1x128x33xf32, #tpu.memory_space<vmem>>
        %parallel_loop3A_795 = tpu.memref_squeeze %parallel_loop3A_794 : memref<1x128x33xf32, #tpu.memory_space<vmem>> -> memref<128x33xf32, #tpu.memory_space<vmem>>
        %parallel_loop3A_796 = tpu.vector_load_idx %parallel_loop3A_795[%add3A_11, %parallel_loop3A_768] : memref<128x33xf32, #tpu.memory_space<vmem>>[vector<16xi32>, vector<16xi32>], vector<16xf32>,
        %parallel_loop3A_797 = arith.constant 0 : i32
        %parallel_loop3A_798 = arith.index_cast %parallel_loop3A_797 : i32 to index
        %parallel_loop3A_799 = arith.index_cast %parallel_loop3A_767 : i32 to index
        %parallel_loop3A_800 = arith.constant 32 : index
        %parallel_loop3A_801 = tpu.vector_load %arg8[%parallel_loop3A_798, %parallel_loop3A_799, %parallel_loop3A_800] {strides = array<i32>} : memref<2x32x128xf32, #tpu.memory_space<vmem>>, vector<16xf32>,
        tpu.vector_store %arg8[%parallel_loop3A_798, %parallel_loop3A_799, %parallel_loop3A_800], %parallel_loop3A_796 {strides = array<i32>} : memref<2x32x128xf32, #tpu.memory_space<vmem>>, vector<16xf32>,
        %parallel_loop3A_802 = arith.constant 0 : i32
        %parallel_loop3A_803 = arith.constant 0 : i32
        %parallel_loop3A_804 = arith.constant 0 : i32
        %parallel_loop3A_805 = tpu.memref_slice %arg7[%parallel_loop3A_802, %parallel_loop3A_803, %parallel_loop3A_804] : memref<2x128x33xf32, #tpu.memory_space<vmem>> -> memref<1x128x33xf32, #tpu.memory_space<vmem>>
        %parallel_loop3A_806 = tpu.memref_squeeze %parallel_loop3A_805 : memref<1x128x33xf32, #tpu.memory_space<vmem>> -> memref<128x33xf32, #tpu.memory_space<vmem>>
        %parallel_loop3A_807 = tpu.vector_load_idx %parallel_loop3A_806[%add3A_15, %parallel_loop3A_768] : memref<128x33xf32, #tpu.memory_space<vmem>>[vector<16xi32>, vector<16xi32>], vector<16xf32>,
        %parallel_loop3A_808 = arith.constant 0 : i32
        %parallel_loop3A_809 = arith.index_cast %parallel_loop3A_808 : i32 to index
        %parallel_loop3A_810 = arith.index_cast %parallel_loop3A_767 : i32 to index
        %parallel_loop3A_811 = arith.constant 48 : index
        %parallel_loop3A_812 = tpu.vector_load %arg8[%parallel_loop3A_809, %parallel_loop3A_810, %parallel_loop3A_811] {strides = array<i32>} : memref<2x32x128xf32, #tpu.memory_space<vmem>>, vector<16xf32>,
        tpu.vector_store %arg8[%parallel_loop3A_809, %parallel_loop3A_810, %parallel_loop3A_811], %parallel_loop3A_807 {strides = array<i32>} : memref<2x32x128xf32, #tpu.memory_space<vmem>>, vector<16xf32>,
        %parallel_loop3A_813 = arith.constant 0 : i32
        %parallel_loop3A_814 = arith.constant 0 : i32
        %parallel_loop3A_815 = arith.constant 0 : i32
        %parallel_loop3A_816 = tpu.memref_slice %arg7[%parallel_loop3A_813, %parallel_loop3A_814, %parallel_loop3A_815] : memref<2x128x33xf32, #tpu.memory_space<vmem>> -> memref<1x128x33xf32, #tpu.memory_space<vmem>>
        %parallel_loop3A_817 = tpu.memref_squeeze %parallel_loop3A_816 : memref<1x128x33xf32, #tpu.memory_space<vmem>> -> memref<128x33xf32, #tpu.memory_space<vmem>>
        %parallel_loop3A_818 = tpu.vector_load_idx %parallel_loop3A_817[%add3A_19, %parallel_loop3A_768] : memref<128x33xf32, #tpu.memory_space<vmem>>[vector<16xi32>, vector<16xi32>], vector<16xf32>,
        %parallel_loop3A_819 = arith.constant 0 : i32
        %parallel_loop3A_820 = arith.index_cast %parallel_loop3A_819 : i32 to index
        %parallel_loop3A_821 = arith.index_cast %parallel_loop3A_767 : i32 to index
        %parallel_loop3A_822 = arith.constant 64 : index
        %parallel_loop3A_823 = tpu.vector_load %arg8[%parallel_loop3A_820, %parallel_loop3A_821, %parallel_loop3A_822] {strides = array<i32>} : memref<2x32x128xf32, #tpu.memory_space<vmem>>, vector<16xf32>,
        tpu.vector_store %arg8[%parallel_loop3A_820, %parallel_loop3A_821, %parallel_loop3A_822], %parallel_loop3A_818 {strides = array<i32>} : memref<2x32x128xf32, #tpu.memory_space<vmem>>, vector<16xf32>,
        %parallel_loop3A_824 = arith.constant 0 : i32
        %parallel_loop3A_825 = arith.constant 0 : i32
        %parallel_loop3A_826 = arith.constant 0 : i32
        %parallel_loop3A_827 = tpu.memref_slice %arg7[%parallel_loop3A_824, %parallel_loop3A_825, %parallel_loop3A_826] : memref<2x128x33xf32, #tpu.memory_space<vmem>> -> memref<1x128x33xf32, #tpu.memory_space<vmem>>
        %parallel_loop3A_828 = tpu.memref_squeeze %parallel_loop3A_827 : memref<1x128x33xf32, #tpu.memory_space<vmem>> -> memref<128x33xf32, #tpu.memory_space<vmem>>
        %parallel_loop3A_829 = tpu.vector_load_idx %parallel_loop3A_828[%add3A_23, %parallel_loop3A_768] : memref<128x33xf32, #tpu.memory_space<vmem>>[vector<16xi32>, vector<16xi32>], vector<16xf32>,
        %parallel_loop3A_830 = arith.constant 0 : i32
        %parallel_loop3A_831 = arith.index_cast %parallel_loop3A_830 : i32 to index
        %parallel_loop3A_832 = arith.index_cast %parallel_loop3A_767 : i32 to index
        %parallel_loop3A_833 = arith.constant 80 : index
        %parallel_loop3A_834 = tpu.vector_load %arg8[%parallel_loop3A_831, %parallel_loop3A_832, %parallel_loop3A_833] {strides = array<i32>} : memref<2x32x128xf32, #tpu.memory_space<vmem>>, vector<16xf32>,
        tpu.vector_store %arg8[%parallel_loop3A_831, %parallel_loop3A_832, %parallel_loop3A_833], %parallel_loop3A_829 {strides = array<i32>} : memref<2x32x128xf32, #tpu.memory_space<vmem>>, vector<16xf32>,
        %parallel_loop3A_835 = arith.constant 0 : i32
        %parallel_loop3A_836 = arith.constant 0 : i32
        %parallel_loop3A_837 = arith.constant 0 : i32
        %parallel_loop3A_838 = tpu.memref_slice %arg7[%parallel_loop3A_835, %parallel_loop3A_836, %parallel_loop3A_837] : memref<2x128x33xf32, #tpu.memory_space<vmem>> -> memref<1x128x33xf32, #tpu.memory_space<vmem>>
        %parallel_loop3A_839 = tpu.memref_squeeze %parallel_loop3A_838 : memref<1x128x33xf32, #tpu.memory_space<vmem>> -> memref<128x33xf32, #tpu.memory_space<vmem>>
        %parallel_loop3A_840 = tpu.vector_load_idx %parallel_loop3A_839[%add3A_27, %parallel_loop3A_768] : memref<128x33xf32, #tpu.memory_space<vmem>>[vector<16xi32>, vector<16xi32>], vector<16xf32>,
        %parallel_loop3A_841 = arith.constant 0 : i32
        %parallel_loop3A_842 = arith.index_cast %parallel_loop3A_841 : i32 to index
        %parallel_loop3A_843 = arith.index_cast %parallel_loop3A_767 : i32 to index
        %parallel_loop3A_844 = arith.constant 96 : index
        %parallel_loop3A_845 = tpu.vector_load %arg8[%parallel_loop3A_842, %parallel_loop3A_843, %parallel_loop3A_844] {strides = array<i32>} : memref<2x32x128xf32, #tpu.memory_space<vmem>>, vector<16xf32>,
        tpu.vector_store %arg8[%parallel_loop3A_842, %parallel_loop3A_843, %parallel_loop3A_844], %parallel_loop3A_840 {strides = array<i32>} : memref<2x32x128xf32, #tpu.memory_space<vmem>>, vector<16xf32>,
        %parallel_loop3A_846 = arith.constant 0 : i32
        %parallel_loop3A_847 = arith.constant 0 : i32
        %parallel_loop3A_848 = arith.constant 0 : i32
        %parallel_loop3A_849 = tpu.memref_slice %arg7[%parallel_loop3A_846, %parallel_loop3A_847, %parallel_loop3A_848] : memref<2x128x33xf32, #tpu.memory_space<vmem>> -> memref<1x128x33xf32, #tpu.memory_space<vmem>>
        %parallel_loop3A_850 = tpu.memref_squeeze %parallel_loop3A_849 : memref<1x128x33xf32, #tpu.memory_space<vmem>> -> memref<128x33xf32, #tpu.memory_space<vmem>>
        %parallel_loop3A_851 = tpu.vector_load_idx %parallel_loop3A_850[%add3A_31, %parallel_loop3A_768] : memref<128x33xf32, #tpu.memory_space<vmem>>[vector<16xi32>, vector<16xi32>], vector<16xf32>,
        %parallel_loop3A_852 = arith.constant 0 : i32
        %parallel_loop3A_853 = arith.index_cast %parallel_loop3A_852 : i32 to index
        %parallel_loop3A_854 = arith.index_cast %parallel_loop3A_767 : i32 to index
        %parallel_loop3A_855 = arith.constant 112 : index
        %parallel_loop3A_856 = tpu.vector_load %arg8[%parallel_loop3A_853, %parallel_loop3A_854, %parallel_loop3A_855] {strides = array<i32>} : memref<2x32x128xf32, #tpu.memory_space<vmem>>, vector<16xf32>,
        tpu.vector_store %arg8[%parallel_loop3A_853, %parallel_loop3A_854, %parallel_loop3A_855], %parallel_loop3A_851 {strides = array<i32>} : memref<2x32x128xf32, #tpu.memory_space<vmem>>, vector<16xf32>,
      } {sc.loop_unroll_factor = 4 : i64, sc.parallel_access}
      %dma_start3A_561 = arith.constant 0 : i32
      %dma_start3A_562 = arith.constant 0 : i32
      %dma_start3A_563 = arith.constant 0 : i32
      %dma_start3A_564 = arith.constant 0 : i32
      %dma_start3A_565 = arith.constant 0 : i32
      %dma_start3A_566 = tpu.memref_slice %arg8[%dma_start3A_561, %dma_start3A_564, %dma_start3A_565] : memref<2x32x128xf32, #tpu.memory_space<vmem>> -> memref<1x8x128xf32, #tpu.memory_space<vmem>>
      %dma_start3A_567 = tpu.memref_squeeze %dma_start3A_566 : memref<1x8x128xf32, #tpu.memory_space<vmem>> -> memref<8x128xf32, #tpu.memory_space<vmem>>
      %dma_start3A_568 = arith.constant 0 : i32
      %dma_start3A_569 = arith.constant 0 : i32
      %dma_start3A_570 = tpu.memref_slice %arg4[%add3A_526, %dma_start3A_562, %add3A, %dma_start3A_568, %dma_start3A_569] : memref<200x4x32x8x128xf32, #tpu.memory_space<hbm>> -> memref<1x1x1x8x128xf32, #tpu.memory_space<hbm>>
      %dma_start3A_571 = tpu.memref_squeeze %dma_start3A_570 : memref<1x1x1x8x128xf32, #tpu.memory_space<hbm>> -> memref<8x128xf32, #tpu.memory_space<hbm>>
      %dma_start3A_572 = tpu.memref_slice %arg10[%dma_start3A_563] : memref<2x!tpu.dma_semaphore, #tpu.memory_space<semaphore_mem>> -> memref<1x!tpu.dma_semaphore, #tpu.memory_space<semaphore_mem>>
      %dma_start3A_573 = tpu.memref_squeeze %dma_start3A_572 : memref<1x!tpu.dma_semaphore, #tpu.memory_space<semaphore_mem>> -> memref<!tpu.dma_semaphore, #tpu.memory_space<semaphore_mem>>
      %dma_start3A_574 = arith.constant 0 : i32
      %dma_start3A_575 = arith.constant 0 : i32
      %dma_start3A_576 = tpu.memref_slice %arg4[%add3A_526, %dma_start3A_562, %add3A, %dma_start3A_574, %dma_start3A_575] : memref<200x4x32x8x128xf32, #tpu.memory_space<hbm>> -> memref<1x1x1x8x128xf32, #tpu.memory_space<hbm>>
      %dma_start3A_577 = tpu.memref_squeeze %dma_start3A_576 : memref<1x1x1x8x128xf32, #tpu.memory_space<hbm>> -> memref<8x128xf32, #tpu.memory_space<hbm>>
      %dma_start3A_578 = arith.constant 0 : i32
      %dma_start3A_579 = arith.constant 0 : i32
      %dma_start3A_580 = tpu.memref_slice %arg8[%dma_start3A_561, %dma_start3A_578, %dma_start3A_579] : memref<2x32x128xf32, #tpu.memory_space<vmem>> -> memref<1x8x128xf32, #tpu.memory_space<vmem>>
      %dma_start3A_581 = tpu.memref_squeeze %dma_start3A_580 : memref<1x8x128xf32, #tpu.memory_space<vmem>> -> memref<8x128xf32, #tpu.memory_space<vmem>>
      tpu.enqueue_dma source(%dma_start3A_581 : memref<8x128xf32, #tpu.memory_space<vmem>>) target(%dma_start3A_577 : memref<8x128xf32, #tpu.memory_space<hbm>>) target_semaphore(%dma_start3A_573 : memref<!tpu.dma_semaphore, #tpu.memory_space<semaphore_mem>>)
      %dma_start3A_582 = arith.constant 0 : i32
      %dma_start3A_583 = arith.constant 1 : i32
      %dma_start3A_584 = arith.constant 0 : i32
      %dma_start3A_585 = arith.constant 8 : i32
      %dma_start3A_586 = arith.constant 0 : i32
      %dma_start3A_587 = tpu.memref_slice %arg8[%dma_start3A_582, %dma_start3A_585, %dma_start3A_586] : memref<2x32x128xf32, #tpu.memory_space<vmem>> -> memref<1x8x128xf32, #tpu.memory_space<vmem>>
      %dma_start3A_588 = tpu.memref_squeeze %dma_start3A_587 : memref<1x8x128xf32, #tpu.memory_space<vmem>> -> memref<8x128xf32, #tpu.memory_space<vmem>>
      %dma_start3A_589 = arith.constant 0 : i32
      %dma_start3A_590 = arith.constant 0 : i32
      %dma_start3A_591 = tpu.memref_slice %arg4[%add3A_526, %dma_start3A_583, %add3A, %dma_start3A_589, %dma_start3A_590] : memref<200x4x32x8x128xf32, #tpu.memory_space<hbm>> -> memref<1x1x1x8x128xf32, #tpu.memory_space<hbm>>
      %dma_start3A_592 = tpu.memref_squeeze %dma_start3A_591 : memref<1x1x1x8x128xf32, #tpu.memory_space<hbm>> -> memref<8x128xf32, #tpu.memory_space<hbm>>
      %dma_start3A_593 = tpu.memref_slice %arg10[%dma_start3A_584] : memref<2x!tpu.dma_semaphore, #tpu.memory_space<semaphore_mem>> -> memref<1x!tpu.dma_semaphore, #tpu.memory_space<semaphore_mem>>
      %dma_start3A_594 = tpu.memref_squeeze %dma_start3A_593 : memref<1x!tpu.dma_semaphore, #tpu.memory_space<semaphore_mem>> -> memref<!tpu.dma_semaphore, #tpu.memory_space<semaphore_mem>>
      %dma_start3A_595 = arith.constant 0 : i32
      %dma_start3A_596 = arith.constant 0 : i32
      %dma_start3A_597 = tpu.memref_slice %arg4[%add3A_526, %dma_start3A_583, %add3A, %dma_start3A_595, %dma_start3A_596] : memref<200x4x32x8x128xf32, #tpu.memory_space<hbm>> -> memref<1x1x1x8x128xf32, #tpu.memory_space<hbm>>
      %dma_start3A_598 = tpu.memref_squeeze %dma_start3A_597 : memref<1x1x1x8x128xf32, #tpu.memory_space<hbm>> -> memref<8x128xf32, #tpu.memory_space<hbm>>
      %dma_start3A_599 = arith.constant 8 : i32
      %dma_start3A_600 = arith.constant 0 : i32
      %dma_start3A_601 = tpu.memref_slice %arg8[%dma_start3A_582, %dma_start3A_599, %dma_start3A_600] : memref<2x32x128xf32, #tpu.memory_space<vmem>> -> memref<1x8x128xf32, #tpu.memory_space<vmem>>
      %dma_start3A_602 = tpu.memref_squeeze %dma_start3A_601 : memref<1x8x128xf32, #tpu.memory_space<vmem>> -> memref<8x128xf32, #tpu.memory_space<vmem>>
      tpu.enqueue_dma source(%dma_start3A_602 : memref<8x128xf32, #tpu.memory_space<vmem>>) target(%dma_start3A_598 : memref<8x128xf32, #tpu.memory_space<hbm>>) target_semaphore(%dma_start3A_594 : memref<!tpu.dma_semaphore, #tpu.memory_space<semaphore_mem>>)
      %dma_start3A_603 = arith.constant 0 : i32
      %dma_start3A_604 = arith.constant 2 : i32
      %dma_start3A_605 = arith.constant 0 : i32
      %dma_start3A_606 = arith.constant 16 : i32
      %dma_start3A_607 = arith.constant 0 : i32
      %dma_start3A_608 = tpu.memref_slice %arg8[%dma_start3A_603, %dma_start3A_606, %dma_start3A_607] : memref<2x32x128xf32, #tpu.memory_space<vmem>> -> memref<1x8x128xf32, #tpu.memory_space<vmem>>
      %dma_start3A_609 = tpu.memref_squeeze %dma_start3A_608 : memref<1x8x128xf32, #tpu.memory_space<vmem>> -> memref<8x128xf32, #tpu.memory_space<vmem>>
      %dma_start3A_610 = arith.constant 0 : i32
      %dma_start3A_611 = arith.constant 0 : i32
      %dma_start3A_612 = tpu.memref_slice %arg4[%add3A_526, %dma_start3A_604, %add3A, %dma_start3A_610, %dma_start3A_611] : memref<200x4x32x8x128xf32, #tpu.memory_space<hbm>> -> memref<1x1x1x8x128xf32, #tpu.memory_space<hbm>>
      %dma_start3A_613 = tpu.memref_squeeze %dma_start3A_612 : memref<1x1x1x8x128xf32, #tpu.memory_space<hbm>> -> memref<8x128xf32, #tpu.memory_space<hbm>>
      %dma_start3A_614 = tpu.memref_slice %arg10[%dma_start3A_605] : memref<2x!tpu.dma_semaphore, #tpu.memory_space<semaphore_mem>> -> memref<1x!tpu.dma_semaphore, #tpu.memory_space<semaphore_mem>>
      %dma_start3A_615 = tpu.memref_squeeze %dma_start3A_614 : memref<1x!tpu.dma_semaphore, #tpu.memory_space<semaphore_mem>> -> memref<!tpu.dma_semaphore, #tpu.memory_space<semaphore_mem>>
      %dma_start3A_616 = arith.constant 0 : i32
      %dma_start3A_617 = arith.constant 0 : i32
      %dma_start3A_618 = tpu.memref_slice %arg4[%add3A_526, %dma_start3A_604, %add3A, %dma_start3A_616, %dma_start3A_617] : memref<200x4x32x8x128xf32, #tpu.memory_space<hbm>> -> memref<1x1x1x8x128xf32, #tpu.memory_space<hbm>>
      %dma_start3A_619 = tpu.memref_squeeze %dma_start3A_618 : memref<1x1x1x8x128xf32, #tpu.memory_space<hbm>> -> memref<8x128xf32, #tpu.memory_space<hbm>>
      %dma_start3A_620 = arith.constant 16 : i32
      %dma_start3A_621 = arith.constant 0 : i32
      %dma_start3A_622 = tpu.memref_slice %arg8[%dma_start3A_603, %dma_start3A_620, %dma_start3A_621] : memref<2x32x128xf32, #tpu.memory_space<vmem>> -> memref<1x8x128xf32, #tpu.memory_space<vmem>>
      %dma_start3A_623 = tpu.memref_squeeze %dma_start3A_622 : memref<1x8x128xf32, #tpu.memory_space<vmem>> -> memref<8x128xf32, #tpu.memory_space<vmem>>
      tpu.enqueue_dma source(%dma_start3A_623 : memref<8x128xf32, #tpu.memory_space<vmem>>) target(%dma_start3A_619 : memref<8x128xf32, #tpu.memory_space<hbm>>) target_semaphore(%dma_start3A_615 : memref<!tpu.dma_semaphore, #tpu.memory_space<semaphore_mem>>)
      %dma_start3A_624 = arith.constant 0 : i32
      %dma_start3A_625 = arith.constant 3 : i32
      %dma_start3A_626 = arith.constant 0 : i32
      %dma_start3A_627 = arith.constant 24 : i32
      %dma_start3A_628 = arith.constant 0 : i32
      %dma_start3A_629 = tpu.memref_slice %arg8[%dma_start3A_624, %dma_start3A_627, %dma_start3A_628] : memref<2x32x128xf32, #tpu.memory_space<vmem>> -> memref<1x8x128xf32, #tpu.memory_space<vmem>>
      %dma_start3A_630 = tpu.memref_squeeze %dma_start3A_629 : memref<1x8x128xf32, #tpu.memory_space<vmem>> -> memref<8x128xf32, #tpu.memory_space<vmem>>
      %dma_start3A_631 = arith.constant 0 : i32
      %dma_start3A_632 = arith.constant 0 : i32
      %dma_start3A_633 = tpu.memref_slice %arg4[%add3A_526, %dma_start3A_625, %add3A, %dma_start3A_631, %dma_start3A_632] : memref<200x4x32x8x128xf32, #tpu.memory_space<hbm>> -> memref<1x1x1x8x128xf32, #tpu.memory_space<hbm>>
      %dma_start3A_634 = tpu.memref_squeeze %dma_start3A_633 : memref<1x1x1x8x128xf32, #tpu.memory_space<hbm>> -> memref<8x128xf32, #tpu.memory_space<hbm>>
      %dma_start3A_635 = tpu.memref_slice %arg10[%dma_start3A_626] : memref<2x!tpu.dma_semaphore, #tpu.memory_space<semaphore_mem>> -> memref<1x!tpu.dma_semaphore, #tpu.memory_space<semaphore_mem>>
      %dma_start3A_636 = tpu.memref_squeeze %dma_start3A_635 : memref<1x!tpu.dma_semaphore, #tpu.memory_space<semaphore_mem>> -> memref<!tpu.dma_semaphore, #tpu.memory_space<semaphore_mem>>
      %dma_start3A_637 = arith.constant 0 : i32
      %dma_start3A_638 = arith.constant 0 : i32
      %dma_start3A_639 = tpu.memref_slice %arg4[%add3A_526, %dma_start3A_625, %add3A, %dma_start3A_637, %dma_start3A_638] : memref<200x4x32x8x128xf32, #tpu.memory_space<hbm>> -> memref<1x1x1x8x128xf32, #tpu.memory_space<hbm>>
      %dma_start3A_640 = tpu.memref_squeeze %dma_start3A_639 : memref<1x1x1x8x128xf32, #tpu.memory_space<hbm>> -> memref<8x128xf32, #tpu.memory_space<hbm>>
      %dma_start3A_641 = arith.constant 24 : i32
      %dma_start3A_642 = arith.constant 0 : i32
      %dma_start3A_643 = tpu.memref_slice %arg8[%dma_start3A_624, %dma_start3A_641, %dma_start3A_642] : memref<2x32x128xf32, #tpu.memory_space<vmem>> -> memref<1x8x128xf32, #tpu.memory_space<vmem>>
      %dma_start3A_644 = tpu.memref_squeeze %dma_start3A_643 : memref<1x8x128xf32, #tpu.memory_space<vmem>> -> memref<8x128xf32, #tpu.memory_space<vmem>>
      tpu.enqueue_dma source(%dma_start3A_644 : memref<8x128xf32, #tpu.memory_space<vmem>>) target(%dma_start3A_640 : memref<8x128xf32, #tpu.memory_space<hbm>>) target_semaphore(%dma_start3A_636 : memref<!tpu.dma_semaphore, #tpu.memory_space<semaphore_mem>>)
      %mul3A_645 = arith.constant 4 : i32
      %mul3A_646 = arith.muli %mul3A_645, %scan3A_283 : i32
      %add3A_647 = arith.constant 3 : i32
      %add3A_648 = arith.addi %mul3A_646, %add3A_647 : i32
      %dma_wait3A_649 = arith.constant 0 : i32
      %dma_wait3A_650 = arith.constant 0 : i32
      %dma_wait3A_651 = arith.constant 3 : i32
      %dma_wait3A_652 = arith.constant 3 : i32
      %dma_wait3A_653 = arith.constant 0 : i32
      %dma_wait3A_654 = arith.constant 0 : i32
      %dma_wait3A_655 = tpu.memref_slice %arg6[%dma_wait3A_651, %dma_wait3A_653, %dma_wait3A_654] : memref<4x128x32xf32, #tpu.memory_space<vmem>> -> memref<1x128x32xf32, #tpu.memory_space<vmem>>
      %dma_wait3A_656 = tpu.memref_squeeze %dma_wait3A_655 : memref<1x128x32xf32, #tpu.memory_space<vmem>> -> memref<128x32xf32, #tpu.memory_space<vmem>>
      %dma_wait3A_657 = arith.constant 0 : i32
      %dma_wait3A_658 = tpu.memref_slice %arg5[%dma_wait3A_649, %dma_wait3A_650, %dma_wait3A_657] : memref<25x8x128xi32, #tpu.memory_space<vmem>> -> memref<1x1x128xi32, #tpu.memory_space<vmem>>
      %dma_wait3A_659 = tpu.memref_squeeze %dma_wait3A_658 : memref<1x1x128xi32, #tpu.memory_space<vmem>> -> memref<128xi32, #tpu.memory_space<vmem>>
      %dma_wait3A_660 = arith.constant 0 : i32
      %dma_wait3A_661 = arith.constant 0 : i32
      %dma_wait3A_662 = tpu.memref_slice %arg3[%dma_wait3A_660, %dma_wait3A_661] : memref<1000000x32xf32, #tpu.memory_space<hbm>> -> memref<1000000x32xf32, #tpu.memory_space<hbm>>
      %dma_wait3A_663 = tpu.memref_slice %arg9[%dma_wait3A_652] : memref<4x!tpu.dma_semaphore, #tpu.memory_space<semaphore_mem>> -> memref<1x!tpu.dma_semaphore, #tpu.memory_space<semaphore_mem>>
      %dma_wait3A_664 = tpu.memref_squeeze %dma_wait3A_663 : memref<1x!tpu.dma_semaphore, #tpu.memory_space<semaphore_mem>> -> memref<!tpu.dma_semaphore, #tpu.memory_space<semaphore_mem>>
      tpu.wait_indirect_dma semaphore(%dma_wait3A_664 : memref<!tpu.dma_semaphore, #tpu.memory_space<semaphore_mem>>) src(%dma_wait3A_662 : memref<1000000x32xf32, #tpu.memory_space<hbm>>) dst(%dma_wait3A_656 : memref<128x32xf32, #tpu.memory_space<vmem>>)
      %parallel_loop3A_665 = arith.constant 0 : i32
      %parallel_loop3A_666 = arith.constant 128 : i32
      %parallel_loop3A_667 = arith.constant 1 : i32
      scf.for %parallel_loop3A_767 = %parallel_loop3A_665 to %parallel_loop3A_666 step %parallel_loop3A_667  : i32 {
        %parallel_loop3A_768 = arith.constant 3 : i32
        %parallel_loop3A_769 = arith.index_cast %parallel_loop3A_768 : i32 to index
        %parallel_loop3A_770 = arith.index_cast %parallel_loop3A_767 : i32 to index
        %parallel_loop3A_771 = arith.constant 0 : index
        %parallel_loop3A_772 = tpu.vector_load %arg6[%parallel_loop3A_769, %parallel_loop3A_770, %parallel_loop3A_771] {strides = array<i32>} : memref<4x128x32xf32, #tpu.memory_space<vmem>>, vector<16xf32>,
        %parallel_loop3A_773 = arith.constant 1 : i32
        %parallel_loop3A_774 = arith.index_cast %parallel_loop3A_773 : i32 to index
        %parallel_loop3A_775 = arith.index_cast %parallel_loop3A_767 : i32 to index
        %parallel_loop3A_776 = arith.constant 0 : index
        %parallel_loop3A_777 = tpu.vector_load %arg7[%parallel_loop3A_774, %parallel_loop3A_775, %parallel_loop3A_776] {strides = array<i32>} : memref<2x128x33xf32, #tpu.memory_space<vmem>>, vector<16xf32>,
        tpu.vector_store %arg7[%parallel_loop3A_774, %parallel_loop3A_775, %parallel_loop3A_776], %parallel_loop3A_772 {strides = array<i32>} : memref<2x128x33xf32, #tpu.memory_space<vmem>>, vector<16xf32>,
        %parallel_loop3A_778 = arith.constant 3 : i32
        %parallel_loop3A_779 = arith.index_cast %parallel_loop3A_778 : i32 to index
        %parallel_loop3A_780 = arith.index_cast %parallel_loop3A_767 : i32 to index
        %parallel_loop3A_781 = arith.constant 16 : index
        %parallel_loop3A_782 = tpu.vector_load %arg6[%parallel_loop3A_779, %parallel_loop3A_780, %parallel_loop3A_781] {strides = array<i32>} : memref<4x128x32xf32, #tpu.memory_space<vmem>>, vector<16xf32>,
        %parallel_loop3A_783 = arith.constant 1 : i32
        %parallel_loop3A_784 = arith.index_cast %parallel_loop3A_783 : i32 to index
        %parallel_loop3A_785 = arith.index_cast %parallel_loop3A_767 : i32 to index
        %parallel_loop3A_786 = arith.constant 16 : index
        %parallel_loop3A_787 = tpu.vector_load %arg7[%parallel_loop3A_784, %parallel_loop3A_785, %parallel_loop3A_786] {strides = array<i32>} : memref<2x128x33xf32, #tpu.memory_space<vmem>>, vector<16xf32>,
        tpu.vector_store %arg7[%parallel_loop3A_784, %parallel_loop3A_785, %parallel_loop3A_786], %parallel_loop3A_782 {strides = array<i32>} : memref<2x128x33xf32, #tpu.memory_space<vmem>>, vector<16xf32>,
      } {sc.loop_unroll_factor = 4 : i64, sc.parallel_access}
      %add3A_668 = arith.constant 4 : i32
      %add3A_669 = arith.addi %add3A_648, %add3A_668 : i32
      %lt3A_670 = arith.constant 200 : i32
      %lt3A_671 = arith.cmpi slt, %add3A_669, %lt3A_670 : i32
      %convert_element_type3A_672 = arith.extui %lt3A_671 : i1 to i32
      %cond3A_673 = arith.constant 0 : i32
      %cond3A_674 = arith.cmpi ne, %convert_element_type3A_672, %cond3A_673 : i32
      scf.if %cond3A_674 {
        %add3A_767 = arith.constant 4 : i32
        %add3A_768 = arith.addi %add3A_648, %add3A_767 : i32
        %jit3A = arith.constant 8 : i32
        %div3A = arith.divsi %add3A_768, %jit3A : i32
        %sign3A = arith.constant 0 : i32
        %sign3A_769 = arith.cmpi sgt, %add3A_768, %sign3A : i32
        %sign3A_770 = arith.extui %sign3A_769 : i1 to i32
        %sign3A_771 = arith.constant 0 : i32
        %sign3A_772 = arith.cmpi slt, %add3A_768, %sign3A_771 : i32
        %sign3A_773 = arith.extui %sign3A_772 : i1 to i32
        %sign3A_774 = arith.subi %sign3A_770, %sign3A_773 : i32
        %sign3A_775 = arith.constant 0 : i32
        %sign3A_776 = arith.cmpi sgt, %jit3A, %sign3A_775 : i32
        %sign3A_777 = arith.extui %sign3A_776 : i1 to i32
        %sign3A_778 = arith.constant 0 : i32
        %sign3A_779 = arith.cmpi slt, %jit3A, %sign3A_778 : i32
        %sign3A_780 = arith.extui %sign3A_779 : i1 to i32
        %sign3A_781 = arith.subi %sign3A_777, %sign3A_780 : i32
        %ne3A = arith.cmpi ne, %sign3A_774, %sign3A_781 : i32
        %rem3A = arith.remsi %add3A_768, %jit3A : i32
        %ne3A_782 = arith.constant 0 : i32
        %ne3A_783 = arith.cmpi ne, %rem3A, %ne3A_782 : i32
        %and3A = arith.andi %ne3A, %ne3A_783 : i1
        %sub3A = arith.constant 1 : i32
        %sub3A_784 = arith.subi %div3A, %sub3A : i32
        %select_n3A = arith.select %and3A, %sub3A_784, %div3A : i32
        %jit3A_785 = arith.constant 8 : i32
        %eq3A = arith.constant 0 : i32
        %eq3A_786 = arith.cmpi eq, %jit3A_785, %eq3A : i32
        %jit3A_787 = arith.constant 1 : i32
        %select_n3A_788 = arith.select %eq3A_786, %jit3A_787, %jit3A_785 : i32
        %rem3A_789 = arith.remsi %add3A_768, %select_n3A_788 : i32
        %ne3A_790 = arith.constant 0 : i32
        %ne3A_791 = arith.cmpi ne, %rem3A_789, %ne3A_790 : i32
        %lt3A_792 = arith.constant 0 : i32
        %lt3A_793 = arith.cmpi slt, %rem3A_789, %lt3A_792 : i32
        %lt3A_794 = arith.constant 0 : i32
        %lt3A_795 = arith.cmpi slt, %select_n3A_788, %lt3A_794 : i32
        %ne3A_796 = arith.xori %lt3A_793, %lt3A_795 : i1
        %and3A_797 = arith.andi %ne3A_796, %ne3A_791 : i1
        %add3A_798 = arith.addi %rem3A_789, %select_n3A_788 : i32
        %select_n3A_799 = arith.select %and3A_797, %add3A_798, %rem3A_789 : i32
        %dma_start3A_800 = arith.constant 3 : i32
        %dma_start3A_801 = arith.constant 3 : i32
        %dma_start3A_802 = arith.constant 0 : i32
        %dma_start3A_803 = arith.constant 0 : i32
        %dma_start3A_804 = tpu.memref_slice %arg6[%dma_start3A_800, %dma_start3A_802, %dma_start3A_803] : memref<4x128x32xf32, #tpu.memory_space<vmem>> -> memref<1x128x32xf32, #tpu.memory_space<vmem>>
        %dma_start3A_805 = tpu.memref_squeeze %dma_start3A_804 : memref<1x128x32xf32, #tpu.memory_space<vmem>> -> memref<128x32xf32, #tpu.memory_space<vmem>>
        %dma_start3A_806 = arith.constant 0 : i32
        %dma_start3A_807 = tpu.memref_slice %arg5[%select_n3A, %select_n3A_799, %dma_start3A_806] : memref<25x8x128xi32, #tpu.memory_space<vmem>> -> memref<1x1x128xi32, #tpu.memory_space<vmem>>
        %dma_start3A_808 = tpu.memref_squeeze %dma_start3A_807 : memref<1x1x128xi32, #tpu.memory_space<vmem>> -> memref<128xi32, #tpu.memory_space<vmem>>
        %dma_start3A_809 = arith.constant 0 : i32
        %dma_start3A_810 = arith.constant 0 : i32
        %dma_start3A_811 = tpu.memref_slice %arg3[%dma_start3A_809, %dma_start3A_810] : memref<1000000x32xf32, #tpu.memory_space<hbm>> -> memref<1000000x32xf32, #tpu.memory_space<hbm>>
        %dma_start3A_812 = tpu.memref_slice %arg9[%dma_start3A_801] : memref<4x!tpu.dma_semaphore, #tpu.memory_space<semaphore_mem>> -> memref<1x!tpu.dma_semaphore, #tpu.memory_space<semaphore_mem>>
        %dma_start3A_813 = tpu.memref_squeeze %dma_start3A_812 : memref<1x!tpu.dma_semaphore, #tpu.memory_space<semaphore_mem>> -> memref<!tpu.dma_semaphore, #tpu.memory_space<semaphore_mem>>
        tpu.enqueue_indirect_dma source(%dma_start3A_811 : memref<1000000x32xf32, #tpu.memory_space<hbm>>) target(%dma_start3A_805 : memref<128x32xf32, #tpu.memory_space<vmem>>) offsets(%dma_start3A_808 : memref<128xi32, #tpu.memory_space<vmem>>) semaphore(%dma_start3A_813 : memref<!tpu.dma_semaphore, #tpu.memory_space<semaphore_mem>>)
      } else {
      }
      %ge3A_675 = arith.constant 2 : i32
      %ge3A_676 = arith.cmpi sge, %add3A_648, %ge3A_675 : i32
      %convert_element_type3A_677 = arith.extui %ge3A_676 : i1 to i32
      %cond3A_678 = arith.constant 0 : i32
      %cond3A_679 = arith.cmpi ne, %convert_element_type3A_677, %cond3A_678 : i32
      scf.if %cond3A_679 {
        %dma_wait3A_767 = arith.constant 1 : i32
        %dma_wait3A_768 = arith.constant 0 : i32
        %dma_wait3A_769 = arith.constant 0 : i32
        %dma_wait3A_770 = arith.constant 0 : i32
        %dma_wait3A_771 = arith.constant 1 : i32
        %dma_wait3A_772 = arith.constant 0 : i32
        %dma_wait3A_773 = arith.constant 0 : i32
        %dma_wait3A_774 = tpu.memref_slice %arg8[%dma_wait3A_767, %dma_wait3A_772, %dma_wait3A_773] : memref<2x32x128xf32, #tpu.memory_space<vmem>> -> memref<1x8x128xf32, #tpu.memory_space<vmem>>
        %dma_wait3A_775 = tpu.memref_squeeze %dma_wait3A_774 : memref<1x8x128xf32, #tpu.memory_space<vmem>> -> memref<8x128xf32, #tpu.memory_space<vmem>>
        %dma_wait3A_776 = arith.constant 0 : i32
        %dma_wait3A_777 = arith.constant 0 : i32
        %dma_wait3A_778 = tpu.memref_slice %arg4[%dma_wait3A_768, %dma_wait3A_769, %dma_wait3A_770, %dma_wait3A_776, %dma_wait3A_777] : memref<200x4x32x8x128xf32, #tpu.memory_space<hbm>> -> memref<1x1x1x8x128xf32, #tpu.memory_space<hbm>>
        %dma_wait3A_779 = tpu.memref_squeeze %dma_wait3A_778 : memref<1x1x1x8x128xf32, #tpu.memory_space<hbm>> -> memref<8x128xf32, #tpu.memory_space<hbm>>
        %dma_wait3A_780 = tpu.memref_slice %arg10[%dma_wait3A_771] : memref<2x!tpu.dma_semaphore, #tpu.memory_space<semaphore_mem>> -> memref<1x!tpu.dma_semaphore, #tpu.memory_space<semaphore_mem>>
        %dma_wait3A_781 = tpu.memref_squeeze %dma_wait3A_780 : memref<1x!tpu.dma_semaphore, #tpu.memory_space<semaphore_mem>> -> memref<!tpu.dma_semaphore, #tpu.memory_space<semaphore_mem>>
        %dma_wait3A_782 = arith.constant 0 : i32
        %dma_wait3A_783 = arith.constant 0 : i32
        %dma_wait3A_784 = tpu.memref_slice %arg4[%dma_wait3A_768, %dma_wait3A_769, %dma_wait3A_770, %dma_wait3A_782, %dma_wait3A_783] : memref<200x4x32x8x128xf32, #tpu.memory_space<hbm>> -> memref<1x1x1x8x128xf32, #tpu.memory_space<hbm>>
        %dma_wait3A_785 = tpu.memref_squeeze %dma_wait3A_784 : memref<1x1x1x8x128xf32, #tpu.memory_space<hbm>> -> memref<8x128xf32, #tpu.memory_space<hbm>>
        %dma_wait3A_786 = arith.constant 0 : i32
        %dma_wait3A_787 = arith.constant 0 : i32
        %dma_wait3A_788 = tpu.memref_slice %arg8[%dma_wait3A_767, %dma_wait3A_786, %dma_wait3A_787] : memref<2x32x128xf32, #tpu.memory_space<vmem>> -> memref<1x8x128xf32, #tpu.memory_space<vmem>>
        %dma_wait3A_789 = tpu.memref_squeeze %dma_wait3A_788 : memref<1x8x128xf32, #tpu.memory_space<vmem>> -> memref<8x128xf32, #tpu.memory_space<vmem>>
        tpu.wait_dma2 semaphore(%dma_wait3A_781 : memref<!tpu.dma_semaphore, #tpu.memory_space<semaphore_mem>>) src(%dma_wait3A_789 : memref<8x128xf32, #tpu.memory_space<vmem>>) dst(%dma_wait3A_785 : memref<8x128xf32, #tpu.memory_space<hbm>>)
        %dma_wait3A_790 = arith.constant 1 : i32
        %dma_wait3A_791 = arith.constant 0 : i32
        %dma_wait3A_792 = arith.constant 1 : i32
        %dma_wait3A_793 = arith.constant 0 : i32
        %dma_wait3A_794 = arith.constant 1 : i32
        %dma_wait3A_795 = arith.constant 8 : i32
        %dma_wait3A_796 = arith.constant 0 : i32
        %dma_wait3A_797 = tpu.memref_slice %arg8[%dma_wait3A_790, %dma_wait3A_795, %dma_wait3A_796] : memref<2x32x128xf32, #tpu.memory_space<vmem>> -> memref<1x8x128xf32, #tpu.memory_space<vmem>>
        %dma_wait3A_798 = tpu.memref_squeeze %dma_wait3A_797 : memref<1x8x128xf32, #tpu.memory_space<vmem>> -> memref<8x128xf32, #tpu.memory_space<vmem>>
        %dma_wait3A_799 = arith.constant 0 : i32
        %dma_wait3A_800 = arith.constant 0 : i32
        %dma_wait3A_801 = tpu.memref_slice %arg4[%dma_wait3A_791, %dma_wait3A_792, %dma_wait3A_793, %dma_wait3A_799, %dma_wait3A_800] : memref<200x4x32x8x128xf32, #tpu.memory_space<hbm>> -> memref<1x1x1x8x128xf32, #tpu.memory_space<hbm>>
        %dma_wait3A_802 = tpu.memref_squeeze %dma_wait3A_801 : memref<1x1x1x8x128xf32, #tpu.memory_space<hbm>> -> memref<8x128xf32, #tpu.memory_space<hbm>>
        %dma_wait3A_803 = tpu.memref_slice %arg10[%dma_wait3A_794] : memref<2x!tpu.dma_semaphore, #tpu.memory_space<semaphore_mem>> -> memref<1x!tpu.dma_semaphore, #tpu.memory_space<semaphore_mem>>
        %dma_wait3A_804 = tpu.memref_squeeze %dma_wait3A_803 : memref<1x!tpu.dma_semaphore, #tpu.memory_space<semaphore_mem>> -> memref<!tpu.dma_semaphore, #tpu.memory_space<semaphore_mem>>
        %dma_wait3A_805 = arith.constant 0 : i32
        %dma_wait3A_806 = arith.constant 0 : i32
        %dma_wait3A_807 = tpu.memref_slice %arg4[%dma_wait3A_791, %dma_wait3A_792, %dma_wait3A_793, %dma_wait3A_805, %dma_wait3A_806] : memref<200x4x32x8x128xf32, #tpu.memory_space<hbm>> -> memref<1x1x1x8x128xf32, #tpu.memory_space<hbm>>
        %dma_wait3A_808 = tpu.memref_squeeze %dma_wait3A_807 : memref<1x1x1x8x128xf32, #tpu.memory_space<hbm>> -> memref<8x128xf32, #tpu.memory_space<hbm>>
        %dma_wait3A_809 = arith.constant 8 : i32
        %dma_wait3A_810 = arith.constant 0 : i32
        %dma_wait3A_811 = tpu.memref_slice %arg8[%dma_wait3A_790, %dma_wait3A_809, %dma_wait3A_810] : memref<2x32x128xf32, #tpu.memory_space<vmem>> -> memref<1x8x128xf32, #tpu.memory_space<vmem>>
        %dma_wait3A_812 = tpu.memref_squeeze %dma_wait3A_811 : memref<1x8x128xf32, #tpu.memory_space<vmem>> -> memref<8x128xf32, #tpu.memory_space<vmem>>
        tpu.wait_dma2 semaphore(%dma_wait3A_804 : memref<!tpu.dma_semaphore, #tpu.memory_space<semaphore_mem>>) src(%dma_wait3A_812 : memref<8x128xf32, #tpu.memory_space<vmem>>) dst(%dma_wait3A_808 : memref<8x128xf32, #tpu.memory_space<hbm>>)
        %dma_wait3A_813 = arith.constant 1 : i32
        %dma_wait3A_814 = arith.constant 0 : i32
        %dma_wait3A_815 = arith.constant 2 : i32
        %dma_wait3A_816 = arith.constant 0 : i32
        %dma_wait3A_817 = arith.constant 1 : i32
        %dma_wait3A_818 = arith.constant 16 : i32
        %dma_wait3A_819 = arith.constant 0 : i32
        %dma_wait3A_820 = tpu.memref_slice %arg8[%dma_wait3A_813, %dma_wait3A_818, %dma_wait3A_819] : memref<2x32x128xf32, #tpu.memory_space<vmem>> -> memref<1x8x128xf32, #tpu.memory_space<vmem>>
        %dma_wait3A_821 = tpu.memref_squeeze %dma_wait3A_820 : memref<1x8x128xf32, #tpu.memory_space<vmem>> -> memref<8x128xf32, #tpu.memory_space<vmem>>
        %dma_wait3A_822 = arith.constant 0 : i32
        %dma_wait3A_823 = arith.constant 0 : i32
        %dma_wait3A_824 = tpu.memref_slice %arg4[%dma_wait3A_814, %dma_wait3A_815, %dma_wait3A_816, %dma_wait3A_822, %dma_wait3A_823] : memref<200x4x32x8x128xf32, #tpu.memory_space<hbm>> -> memref<1x1x1x8x128xf32, #tpu.memory_space<hbm>>
        %dma_wait3A_825 = tpu.memref_squeeze %dma_wait3A_824 : memref<1x1x1x8x128xf32, #tpu.memory_space<hbm>> -> memref<8x128xf32, #tpu.memory_space<hbm>>
        %dma_wait3A_826 = tpu.memref_slice %arg10[%dma_wait3A_817] : memref<2x!tpu.dma_semaphore, #tpu.memory_space<semaphore_mem>> -> memref<1x!tpu.dma_semaphore, #tpu.memory_space<semaphore_mem>>
        %dma_wait3A_827 = tpu.memref_squeeze %dma_wait3A_826 : memref<1x!tpu.dma_semaphore, #tpu.memory_space<semaphore_mem>> -> memref<!tpu.dma_semaphore, #tpu.memory_space<semaphore_mem>>
        %dma_wait3A_828 = arith.constant 0 : i32
        %dma_wait3A_829 = arith.constant 0 : i32
        %dma_wait3A_830 = tpu.memref_slice %arg4[%dma_wait3A_814, %dma_wait3A_815, %dma_wait3A_816, %dma_wait3A_828, %dma_wait3A_829] : memref<200x4x32x8x128xf32, #tpu.memory_space<hbm>> -> memref<1x1x1x8x128xf32, #tpu.memory_space<hbm>>
        %dma_wait3A_831 = tpu.memref_squeeze %dma_wait3A_830 : memref<1x1x1x8x128xf32, #tpu.memory_space<hbm>> -> memref<8x128xf32, #tpu.memory_space<hbm>>
        %dma_wait3A_832 = arith.constant 16 : i32
        %dma_wait3A_833 = arith.constant 0 : i32
        %dma_wait3A_834 = tpu.memref_slice %arg8[%dma_wait3A_813, %dma_wait3A_832, %dma_wait3A_833] : memref<2x32x128xf32, #tpu.memory_space<vmem>> -> memref<1x8x128xf32, #tpu.memory_space<vmem>>
        %dma_wait3A_835 = tpu.memref_squeeze %dma_wait3A_834 : memref<1x8x128xf32, #tpu.memory_space<vmem>> -> memref<8x128xf32, #tpu.memory_space<vmem>>
        tpu.wait_dma2 semaphore(%dma_wait3A_827 : memref<!tpu.dma_semaphore, #tpu.memory_space<semaphore_mem>>) src(%dma_wait3A_835 : memref<8x128xf32, #tpu.memory_space<vmem>>) dst(%dma_wait3A_831 : memref<8x128xf32, #tpu.memory_space<hbm>>)
        %dma_wait3A_836 = arith.constant 1 : i32
        %dma_wait3A_837 = arith.constant 0 : i32
        %dma_wait3A_838 = arith.constant 3 : i32
        %dma_wait3A_839 = arith.constant 0 : i32
        %dma_wait3A_840 = arith.constant 1 : i32
        %dma_wait3A_841 = arith.constant 24 : i32
        %dma_wait3A_842 = arith.constant 0 : i32
        %dma_wait3A_843 = tpu.memref_slice %arg8[%dma_wait3A_836, %dma_wait3A_841, %dma_wait3A_842] : memref<2x32x128xf32, #tpu.memory_space<vmem>> -> memref<1x8x128xf32, #tpu.memory_space<vmem>>
        %dma_wait3A_844 = tpu.memref_squeeze %dma_wait3A_843 : memref<1x8x128xf32, #tpu.memory_space<vmem>> -> memref<8x128xf32, #tpu.memory_space<vmem>>
        %dma_wait3A_845 = arith.constant 0 : i32
        %dma_wait3A_846 = arith.constant 0 : i32
        %dma_wait3A_847 = tpu.memref_slice %arg4[%dma_wait3A_837, %dma_wait3A_838, %dma_wait3A_839, %dma_wait3A_845, %dma_wait3A_846] : memref<200x4x32x8x128xf32, #tpu.memory_space<hbm>> -> memref<1x1x1x8x128xf32, #tpu.memory_space<hbm>>
        %dma_wait3A_848 = tpu.memref_squeeze %dma_wait3A_847 : memref<1x1x1x8x128xf32, #tpu.memory_space<hbm>> -> memref<8x128xf32, #tpu.memory_space<hbm>>
        %dma_wait3A_849 = tpu.memref_slice %arg10[%dma_wait3A_840] : memref<2x!tpu.dma_semaphore, #tpu.memory_space<semaphore_mem>> -> memref<1x!tpu.dma_semaphore, #tpu.memory_space<semaphore_mem>>
        %dma_wait3A_850 = tpu.memref_squeeze %dma_wait3A_849 : memref<1x!tpu.dma_semaphore, #tpu.memory_space<semaphore_mem>> -> memref<!tpu.dma_semaphore, #tpu.memory_space<semaphore_mem>>
        %dma_wait3A_851 = arith.constant 0 : i32
        %dma_wait3A_852 = arith.constant 0 : i32
        %dma_wait3A_853 = tpu.memref_slice %arg4[%dma_wait3A_837, %dma_wait3A_838, %dma_wait3A_839, %dma_wait3A_851, %dma_wait3A_852] : memref<200x4x32x8x128xf32, #tpu.memory_space<hbm>> -> memref<1x1x1x8x128xf32, #tpu.memory_space<hbm>>
        %dma_wait3A_854 = tpu.memref_squeeze %dma_wait3A_853 : memref<1x1x1x8x128xf32, #tpu.memory_space<hbm>> -> memref<8x128xf32, #tpu.memory_space<hbm>>
        %dma_wait3A_855 = arith.constant 24 : i32
        %dma_wait3A_856 = arith.constant 0 : i32
        %dma_wait3A_857 = tpu.memref_slice %arg8[%dma_wait3A_836, %dma_wait3A_855, %dma_wait3A_856] : memref<2x32x128xf32, #tpu.memory_space<vmem>> -> memref<1x8x128xf32, #tpu.memory_space<vmem>>
        %dma_wait3A_858 = tpu.memref_squeeze %dma_wait3A_857 : memref<1x8x128xf32, #tpu.memory_space<vmem>> -> memref<8x128xf32, #tpu.memory_space<vmem>>
        tpu.wait_dma2 semaphore(%dma_wait3A_850 : memref<!tpu.dma_semaphore, #tpu.memory_space<semaphore_mem>>) src(%dma_wait3A_858 : memref<8x128xf32, #tpu.memory_space<vmem>>) dst(%dma_wait3A_854 : memref<8x128xf32, #tpu.memory_space<hbm>>)
      } else {
      }
      %parallel_loop3A_680 = arith.constant 0 : i32
      %parallel_loop3A_681 = arith.constant 32 : i32
      %parallel_loop3A_682 = arith.constant 1 : i32
      scf.for %parallel_loop3A_767 = %parallel_loop3A_680 to %parallel_loop3A_681 step %parallel_loop3A_682  : i32 {
        %parallel_loop3A_768 = vector.broadcast %parallel_loop3A_767 : i32 to vector<16xi32>
        %parallel_loop3A_769 = arith.constant 1 : i32
        %parallel_loop3A_770 = arith.constant 0 : i32
        %parallel_loop3A_771 = arith.constant 0 : i32
        %parallel_loop3A_772 = tpu.memref_slice %arg7[%parallel_loop3A_769, %parallel_loop3A_770, %parallel_loop3A_771] : memref<2x128x33xf32, #tpu.memory_space<vmem>> -> memref<1x128x33xf32, #tpu.memory_space<vmem>>
        %parallel_loop3A_773 = tpu.memref_squeeze %parallel_loop3A_772 : memref<1x128x33xf32, #tpu.memory_space<vmem>> -> memref<128x33xf32, #tpu.memory_space<vmem>>
        %parallel_loop3A_774 = tpu.vector_load_idx %parallel_loop3A_773[%add3A_3, %parallel_loop3A_768] : memref<128x33xf32, #tpu.memory_space<vmem>>[vector<16xi32>, vector<16xi32>], vector<16xf32>,
        %parallel_loop3A_775 = arith.constant 1 : i32
        %parallel_loop3A_776 = arith.index_cast %parallel_loop3A_775 : i32 to index
        %parallel_loop3A_777 = arith.index_cast %parallel_loop3A_767 : i32 to index
        %parallel_loop3A_778 = arith.constant 0 : index
        %parallel_loop3A_779 = tpu.vector_load %arg8[%parallel_loop3A_776, %parallel_loop3A_777, %parallel_loop3A_778] {strides = array<i32>} : memref<2x32x128xf32, #tpu.memory_space<vmem>>, vector<16xf32>,
        tpu.vector_store %arg8[%parallel_loop3A_776, %parallel_loop3A_777, %parallel_loop3A_778], %parallel_loop3A_774 {strides = array<i32>} : memref<2x32x128xf32, #tpu.memory_space<vmem>>, vector<16xf32>,
        %parallel_loop3A_780 = arith.constant 1 : i32
        %parallel_loop3A_781 = arith.constant 0 : i32
        %parallel_loop3A_782 = arith.constant 0 : i32
        %parallel_loop3A_783 = tpu.memref_slice %arg7[%parallel_loop3A_780, %parallel_loop3A_781, %parallel_loop3A_782] : memref<2x128x33xf32, #tpu.memory_space<vmem>> -> memref<1x128x33xf32, #tpu.memory_space<vmem>>
        %parallel_loop3A_784 = tpu.memref_squeeze %parallel_loop3A_783 : memref<1x128x33xf32, #tpu.memory_space<vmem>> -> memref<128x33xf32, #tpu.memory_space<vmem>>
        %parallel_loop3A_785 = tpu.vector_load_idx %parallel_loop3A_784[%add3A_7, %parallel_loop3A_768] : memref<128x33xf32, #tpu.memory_space<vmem>>[vector<16xi32>, vector<16xi32>], vector<16xf32>,
        %parallel_loop3A_786 = arith.constant 1 : i32
        %parallel_loop3A_787 = arith.index_cast %parallel_loop3A_786 : i32 to index
        %parallel_loop3A_788 = arith.index_cast %parallel_loop3A_767 : i32 to index
        %parallel_loop3A_789 = arith.constant 16 : index
        %parallel_loop3A_790 = tpu.vector_load %arg8[%parallel_loop3A_787, %parallel_loop3A_788, %parallel_loop3A_789] {strides = array<i32>} : memref<2x32x128xf32, #tpu.memory_space<vmem>>, vector<16xf32>,
        tpu.vector_store %arg8[%parallel_loop3A_787, %parallel_loop3A_788, %parallel_loop3A_789], %parallel_loop3A_785 {strides = array<i32>} : memref<2x32x128xf32, #tpu.memory_space<vmem>>, vector<16xf32>,
        %parallel_loop3A_791 = arith.constant 1 : i32
        %parallel_loop3A_792 = arith.constant 0 : i32
        %parallel_loop3A_793 = arith.constant 0 : i32
        %parallel_loop3A_794 = tpu.memref_slice %arg7[%parallel_loop3A_791, %parallel_loop3A_792, %parallel_loop3A_793] : memref<2x128x33xf32, #tpu.memory_space<vmem>> -> memref<1x128x33xf32, #tpu.memory_space<vmem>>
        %parallel_loop3A_795 = tpu.memref_squeeze %parallel_loop3A_794 : memref<1x128x33xf32, #tpu.memory_space<vmem>> -> memref<128x33xf32, #tpu.memory_space<vmem>>
        %parallel_loop3A_796 = tpu.vector_load_idx %parallel_loop3A_795[%add3A_11, %parallel_loop3A_768] : memref<128x33xf32, #tpu.memory_space<vmem>>[vector<16xi32>, vector<16xi32>], vector<16xf32>,
        %parallel_loop3A_797 = arith.constant 1 : i32
        %parallel_loop3A_798 = arith.index_cast %parallel_loop3A_797 : i32 to index
        %parallel_loop3A_799 = arith.index_cast %parallel_loop3A_767 : i32 to index
        %parallel_loop3A_800 = arith.constant 32 : index
        %parallel_loop3A_801 = tpu.vector_load %arg8[%parallel_loop3A_798, %parallel_loop3A_799, %parallel_loop3A_800] {strides = array<i32>} : memref<2x32x128xf32, #tpu.memory_space<vmem>>, vector<16xf32>,
        tpu.vector_store %arg8[%parallel_loop3A_798, %parallel_loop3A_799, %parallel_loop3A_800], %parallel_loop3A_796 {strides = array<i32>} : memref<2x32x128xf32, #tpu.memory_space<vmem>>, vector<16xf32>,
        %parallel_loop3A_802 = arith.constant 1 : i32
        %parallel_loop3A_803 = arith.constant 0 : i32
        %parallel_loop3A_804 = arith.constant 0 : i32
        %parallel_loop3A_805 = tpu.memref_slice %arg7[%parallel_loop3A_802, %parallel_loop3A_803, %parallel_loop3A_804] : memref<2x128x33xf32, #tpu.memory_space<vmem>> -> memref<1x128x33xf32, #tpu.memory_space<vmem>>
        %parallel_loop3A_806 = tpu.memref_squeeze %parallel_loop3A_805 : memref<1x128x33xf32, #tpu.memory_space<vmem>> -> memref<128x33xf32, #tpu.memory_space<vmem>>
        %parallel_loop3A_807 = tpu.vector_load_idx %parallel_loop3A_806[%add3A_15, %parallel_loop3A_768] : memref<128x33xf32, #tpu.memory_space<vmem>>[vector<16xi32>, vector<16xi32>], vector<16xf32>,
        %parallel_loop3A_808 = arith.constant 1 : i32
        %parallel_loop3A_809 = arith.index_cast %parallel_loop3A_808 : i32 to index
        %parallel_loop3A_810 = arith.index_cast %parallel_loop3A_767 : i32 to index
        %parallel_loop3A_811 = arith.constant 48 : index
        %parallel_loop3A_812 = tpu.vector_load %arg8[%parallel_loop3A_809, %parallel_loop3A_810, %parallel_loop3A_811] {strides = array<i32>} : memref<2x32x128xf32, #tpu.memory_space<vmem>>, vector<16xf32>,
        tpu.vector_store %arg8[%parallel_loop3A_809, %parallel_loop3A_810, %parallel_loop3A_811], %parallel_loop3A_807 {strides = array<i32>} : memref<2x32x128xf32, #tpu.memory_space<vmem>>, vector<16xf32>,
        %parallel_loop3A_813 = arith.constant 1 : i32
        %parallel_loop3A_814 = arith.constant 0 : i32
        %parallel_loop3A_815 = arith.constant 0 : i32
        %parallel_loop3A_816 = tpu.memref_slice %arg7[%parallel_loop3A_813, %parallel_loop3A_814, %parallel_loop3A_815] : memref<2x128x33xf32, #tpu.memory_space<vmem>> -> memref<1x128x33xf32, #tpu.memory_space<vmem>>
        %parallel_loop3A_817 = tpu.memref_squeeze %parallel_loop3A_816 : memref<1x128x33xf32, #tpu.memory_space<vmem>> -> memref<128x33xf32, #tpu.memory_space<vmem>>
        %parallel_loop3A_818 = tpu.vector_load_idx %parallel_loop3A_817[%add3A_19, %parallel_loop3A_768] : memref<128x33xf32, #tpu.memory_space<vmem>>[vector<16xi32>, vector<16xi32>], vector<16xf32>,
        %parallel_loop3A_819 = arith.constant 1 : i32
        %parallel_loop3A_820 = arith.index_cast %parallel_loop3A_819 : i32 to index
        %parallel_loop3A_821 = arith.index_cast %parallel_loop3A_767 : i32 to index
        %parallel_loop3A_822 = arith.constant 64 : index
        %parallel_loop3A_823 = tpu.vector_load %arg8[%parallel_loop3A_820, %parallel_loop3A_821, %parallel_loop3A_822] {strides = array<i32>} : memref<2x32x128xf32, #tpu.memory_space<vmem>>, vector<16xf32>,
        tpu.vector_store %arg8[%parallel_loop3A_820, %parallel_loop3A_821, %parallel_loop3A_822], %parallel_loop3A_818 {strides = array<i32>} : memref<2x32x128xf32, #tpu.memory_space<vmem>>, vector<16xf32>,
        %parallel_loop3A_824 = arith.constant 1 : i32
        %parallel_loop3A_825 = arith.constant 0 : i32
        %parallel_loop3A_826 = arith.constant 0 : i32
        %parallel_loop3A_827 = tpu.memref_slice %arg7[%parallel_loop3A_824, %parallel_loop3A_825, %parallel_loop3A_826] : memref<2x128x33xf32, #tpu.memory_space<vmem>> -> memref<1x128x33xf32, #tpu.memory_space<vmem>>
        %parallel_loop3A_828 = tpu.memref_squeeze %parallel_loop3A_827 : memref<1x128x33xf32, #tpu.memory_space<vmem>> -> memref<128x33xf32, #tpu.memory_space<vmem>>
        %parallel_loop3A_829 = tpu.vector_load_idx %parallel_loop3A_828[%add3A_23, %parallel_loop3A_768] : memref<128x33xf32, #tpu.memory_space<vmem>>[vector<16xi32>, vector<16xi32>], vector<16xf32>,
        %parallel_loop3A_830 = arith.constant 1 : i32
        %parallel_loop3A_831 = arith.index_cast %parallel_loop3A_830 : i32 to index
        %parallel_loop3A_832 = arith.index_cast %parallel_loop3A_767 : i32 to index
        %parallel_loop3A_833 = arith.constant 80 : index
        %parallel_loop3A_834 = tpu.vector_load %arg8[%parallel_loop3A_831, %parallel_loop3A_832, %parallel_loop3A_833] {strides = array<i32>} : memref<2x32x128xf32, #tpu.memory_space<vmem>>, vector<16xf32>,
        tpu.vector_store %arg8[%parallel_loop3A_831, %parallel_loop3A_832, %parallel_loop3A_833], %parallel_loop3A_829 {strides = array<i32>} : memref<2x32x128xf32, #tpu.memory_space<vmem>>, vector<16xf32>,
        %parallel_loop3A_835 = arith.constant 1 : i32
        %parallel_loop3A_836 = arith.constant 0 : i32
        %parallel_loop3A_837 = arith.constant 0 : i32
        %parallel_loop3A_838 = tpu.memref_slice %arg7[%parallel_loop3A_835, %parallel_loop3A_836, %parallel_loop3A_837] : memref<2x128x33xf32, #tpu.memory_space<vmem>> -> memref<1x128x33xf32, #tpu.memory_space<vmem>>
        %parallel_loop3A_839 = tpu.memref_squeeze %parallel_loop3A_838 : memref<1x128x33xf32, #tpu.memory_space<vmem>> -> memref<128x33xf32, #tpu.memory_space<vmem>>
        %parallel_loop3A_840 = tpu.vector_load_idx %parallel_loop3A_839[%add3A_27, %parallel_loop3A_768] : memref<128x33xf32, #tpu.memory_space<vmem>>[vector<16xi32>, vector<16xi32>], vector<16xf32>,
        %parallel_loop3A_841 = arith.constant 1 : i32
        %parallel_loop3A_842 = arith.index_cast %parallel_loop3A_841 : i32 to index
        %parallel_loop3A_843 = arith.index_cast %parallel_loop3A_767 : i32 to index
        %parallel_loop3A_844 = arith.constant 96 : index
        %parallel_loop3A_845 = tpu.vector_load %arg8[%parallel_loop3A_842, %parallel_loop3A_843, %parallel_loop3A_844] {strides = array<i32>} : memref<2x32x128xf32, #tpu.memory_space<vmem>>, vector<16xf32>,
        tpu.vector_store %arg8[%parallel_loop3A_842, %parallel_loop3A_843, %parallel_loop3A_844], %parallel_loop3A_840 {strides = array<i32>} : memref<2x32x128xf32, #tpu.memory_space<vmem>>, vector<16xf32>,
        %parallel_loop3A_846 = arith.constant 1 : i32
        %parallel_loop3A_847 = arith.constant 0 : i32
        %parallel_loop3A_848 = arith.constant 0 : i32
        %parallel_loop3A_849 = tpu.memref_slice %arg7[%parallel_loop3A_846, %parallel_loop3A_847, %parallel_loop3A_848] : memref<2x128x33xf32, #tpu.memory_space<vmem>> -> memref<1x128x33xf32, #tpu.memory_space<vmem>>
        %parallel_loop3A_850 = tpu.memref_squeeze %parallel_loop3A_849 : memref<1x128x33xf32, #tpu.memory_space<vmem>> -> memref<128x33xf32, #tpu.memory_space<vmem>>
        %parallel_loop3A_851 = tpu.vector_load_idx %parallel_loop3A_850[%add3A_31, %parallel_loop3A_768] : memref<128x33xf32, #tpu.memory_space<vmem>>[vector<16xi32>, vector<16xi32>], vector<16xf32>,
        %parallel_loop3A_852 = arith.constant 1 : i32
        %parallel_loop3A_853 = arith.index_cast %parallel_loop3A_852 : i32 to index
        %parallel_loop3A_854 = arith.index_cast %parallel_loop3A_767 : i32 to index
        %parallel_loop3A_855 = arith.constant 112 : index
        %parallel_loop3A_856 = tpu.vector_load %arg8[%parallel_loop3A_853, %parallel_loop3A_854, %parallel_loop3A_855] {strides = array<i32>} : memref<2x32x128xf32, #tpu.memory_space<vmem>>, vector<16xf32>,
        tpu.vector_store %arg8[%parallel_loop3A_853, %parallel_loop3A_854, %parallel_loop3A_855], %parallel_loop3A_851 {strides = array<i32>} : memref<2x32x128xf32, #tpu.memory_space<vmem>>, vector<16xf32>,
      } {sc.loop_unroll_factor = 4 : i64, sc.parallel_access}
      %dma_start3A_683 = arith.constant 1 : i32
      %dma_start3A_684 = arith.constant 0 : i32
      %dma_start3A_685 = arith.constant 1 : i32
      %dma_start3A_686 = arith.constant 0 : i32
      %dma_start3A_687 = arith.constant 0 : i32
      %dma_start3A_688 = tpu.memref_slice %arg8[%dma_start3A_683, %dma_start3A_686, %dma_start3A_687] : memref<2x32x128xf32, #tpu.memory_space<vmem>> -> memref<1x8x128xf32, #tpu.memory_space<vmem>>
      %dma_start3A_689 = tpu.memref_squeeze %dma_start3A_688 : memref<1x8x128xf32, #tpu.memory_space<vmem>> -> memref<8x128xf32, #tpu.memory_space<vmem>>
      %dma_start3A_690 = arith.constant 0 : i32
      %dma_start3A_691 = arith.constant 0 : i32
      %dma_start3A_692 = tpu.memref_slice %arg4[%add3A_648, %dma_start3A_684, %add3A, %dma_start3A_690, %dma_start3A_691] : memref<200x4x32x8x128xf32, #tpu.memory_space<hbm>> -> memref<1x1x1x8x128xf32, #tpu.memory_space<hbm>>
      %dma_start3A_693 = tpu.memref_squeeze %dma_start3A_692 : memref<1x1x1x8x128xf32, #tpu.memory_space<hbm>> -> memref<8x128xf32, #tpu.memory_space<hbm>>
      %dma_start3A_694 = tpu.memref_slice %arg10[%dma_start3A_685] : memref<2x!tpu.dma_semaphore, #tpu.memory_space<semaphore_mem>> -> memref<1x!tpu.dma_semaphore, #tpu.memory_space<semaphore_mem>>
      %dma_start3A_695 = tpu.memref_squeeze %dma_start3A_694 : memref<1x!tpu.dma_semaphore, #tpu.memory_space<semaphore_mem>> -> memref<!tpu.dma_semaphore, #tpu.memory_space<semaphore_mem>>
      %dma_start3A_696 = arith.constant 0 : i32
      %dma_start3A_697 = arith.constant 0 : i32
      %dma_start3A_698 = tpu.memref_slice %arg4[%add3A_648, %dma_start3A_684, %add3A, %dma_start3A_696, %dma_start3A_697] : memref<200x4x32x8x128xf32, #tpu.memory_space<hbm>> -> memref<1x1x1x8x128xf32, #tpu.memory_space<hbm>>
      %dma_start3A_699 = tpu.memref_squeeze %dma_start3A_698 : memref<1x1x1x8x128xf32, #tpu.memory_space<hbm>> -> memref<8x128xf32, #tpu.memory_space<hbm>>
      %dma_start3A_700 = arith.constant 0 : i32
      %dma_start3A_701 = arith.constant 0 : i32
      %dma_start3A_702 = tpu.memref_slice %arg8[%dma_start3A_683, %dma_start3A_700, %dma_start3A_701] : memref<2x32x128xf32, #tpu.memory_space<vmem>> -> memref<1x8x128xf32, #tpu.memory_space<vmem>>
      %dma_start3A_703 = tpu.memref_squeeze %dma_start3A_702 : memref<1x8x128xf32, #tpu.memory_space<vmem>> -> memref<8x128xf32, #tpu.memory_space<vmem>>
      tpu.enqueue_dma source(%dma_start3A_703 : memref<8x128xf32, #tpu.memory_space<vmem>>) target(%dma_start3A_699 : memref<8x128xf32, #tpu.memory_space<hbm>>) target_semaphore(%dma_start3A_695 : memref<!tpu.dma_semaphore, #tpu.memory_space<semaphore_mem>>)
      %dma_start3A_704 = arith.constant 1 : i32
      %dma_start3A_705 = arith.constant 1 : i32
      %dma_start3A_706 = arith.constant 1 : i32
      %dma_start3A_707 = arith.constant 8 : i32
      %dma_start3A_708 = arith.constant 0 : i32
      %dma_start3A_709 = tpu.memref_slice %arg8[%dma_start3A_704, %dma_start3A_707, %dma_start3A_708] : memref<2x32x128xf32, #tpu.memory_space<vmem>> -> memref<1x8x128xf32, #tpu.memory_space<vmem>>
      %dma_start3A_710 = tpu.memref_squeeze %dma_start3A_709 : memref<1x8x128xf32, #tpu.memory_space<vmem>> -> memref<8x128xf32, #tpu.memory_space<vmem>>
      %dma_start3A_711 = arith.constant 0 : i32
      %dma_start3A_712 = arith.constant 0 : i32
      %dma_start3A_713 = tpu.memref_slice %arg4[%add3A_648, %dma_start3A_705, %add3A, %dma_start3A_711, %dma_start3A_712] : memref<200x4x32x8x128xf32, #tpu.memory_space<hbm>> -> memref<1x1x1x8x128xf32, #tpu.memory_space<hbm>>
      %dma_start3A_714 = tpu.memref_squeeze %dma_start3A_713 : memref<1x1x1x8x128xf32, #tpu.memory_space<hbm>> -> memref<8x128xf32, #tpu.memory_space<hbm>>
      %dma_start3A_715 = tpu.memref_slice %arg10[%dma_start3A_706] : memref<2x!tpu.dma_semaphore, #tpu.memory_space<semaphore_mem>> -> memref<1x!tpu.dma_semaphore, #tpu.memory_space<semaphore_mem>>
      %dma_start3A_716 = tpu.memref_squeeze %dma_start3A_715 : memref<1x!tpu.dma_semaphore, #tpu.memory_space<semaphore_mem>> -> memref<!tpu.dma_semaphore, #tpu.memory_space<semaphore_mem>>
      %dma_start3A_717 = arith.constant 0 : i32
      %dma_start3A_718 = arith.constant 0 : i32
      %dma_start3A_719 = tpu.memref_slice %arg4[%add3A_648, %dma_start3A_705, %add3A, %dma_start3A_717, %dma_start3A_718] : memref<200x4x32x8x128xf32, #tpu.memory_space<hbm>> -> memref<1x1x1x8x128xf32, #tpu.memory_space<hbm>>
      %dma_start3A_720 = tpu.memref_squeeze %dma_start3A_719 : memref<1x1x1x8x128xf32, #tpu.memory_space<hbm>> -> memref<8x128xf32, #tpu.memory_space<hbm>>
      %dma_start3A_721 = arith.constant 8 : i32
      %dma_start3A_722 = arith.constant 0 : i32
      %dma_start3A_723 = tpu.memref_slice %arg8[%dma_start3A_704, %dma_start3A_721, %dma_start3A_722] : memref<2x32x128xf32, #tpu.memory_space<vmem>> -> memref<1x8x128xf32, #tpu.memory_space<vmem>>
      %dma_start3A_724 = tpu.memref_squeeze %dma_start3A_723 : memref<1x8x128xf32, #tpu.memory_space<vmem>> -> memref<8x128xf32, #tpu.memory_space<vmem>>
      tpu.enqueue_dma source(%dma_start3A_724 : memref<8x128xf32, #tpu.memory_space<vmem>>) target(%dma_start3A_720 : memref<8x128xf32, #tpu.memory_space<hbm>>) target_semaphore(%dma_start3A_716 : memref<!tpu.dma_semaphore, #tpu.memory_space<semaphore_mem>>)
      %dma_start3A_725 = arith.constant 1 : i32
      %dma_start3A_726 = arith.constant 2 : i32
      %dma_start3A_727 = arith.constant 1 : i32
      %dma_start3A_728 = arith.constant 16 : i32
      %dma_start3A_729 = arith.constant 0 : i32
      %dma_start3A_730 = tpu.memref_slice %arg8[%dma_start3A_725, %dma_start3A_728, %dma_start3A_729] : memref<2x32x128xf32, #tpu.memory_space<vmem>> -> memref<1x8x128xf32, #tpu.memory_space<vmem>>
      %dma_start3A_731 = tpu.memref_squeeze %dma_start3A_730 : memref<1x8x128xf32, #tpu.memory_space<vmem>> -> memref<8x128xf32, #tpu.memory_space<vmem>>
      %dma_start3A_732 = arith.constant 0 : i32
      %dma_start3A_733 = arith.constant 0 : i32
      %dma_start3A_734 = tpu.memref_slice %arg4[%add3A_648, %dma_start3A_726, %add3A, %dma_start3A_732, %dma_start3A_733] : memref<200x4x32x8x128xf32, #tpu.memory_space<hbm>> -> memref<1x1x1x8x128xf32, #tpu.memory_space<hbm>>
      %dma_start3A_735 = tpu.memref_squeeze %dma_start3A_734 : memref<1x1x1x8x128xf32, #tpu.memory_space<hbm>> -> memref<8x128xf32, #tpu.memory_space<hbm>>
      %dma_start3A_736 = tpu.memref_slice %arg10[%dma_start3A_727] : memref<2x!tpu.dma_semaphore, #tpu.memory_space<semaphore_mem>> -> memref<1x!tpu.dma_semaphore, #tpu.memory_space<semaphore_mem>>
      %dma_start3A_737 = tpu.memref_squeeze %dma_start3A_736 : memref<1x!tpu.dma_semaphore, #tpu.memory_space<semaphore_mem>> -> memref<!tpu.dma_semaphore, #tpu.memory_space<semaphore_mem>>
      %dma_start3A_738 = arith.constant 0 : i32
      %dma_start3A_739 = arith.constant 0 : i32
      %dma_start3A_740 = tpu.memref_slice %arg4[%add3A_648, %dma_start3A_726, %add3A, %dma_start3A_738, %dma_start3A_739] : memref<200x4x32x8x128xf32, #tpu.memory_space<hbm>> -> memref<1x1x1x8x128xf32, #tpu.memory_space<hbm>>
      %dma_start3A_741 = tpu.memref_squeeze %dma_start3A_740 : memref<1x1x1x8x128xf32, #tpu.memory_space<hbm>> -> memref<8x128xf32, #tpu.memory_space<hbm>>
      %dma_start3A_742 = arith.constant 16 : i32
      %dma_start3A_743 = arith.constant 0 : i32
      %dma_start3A_744 = tpu.memref_slice %arg8[%dma_start3A_725, %dma_start3A_742, %dma_start3A_743] : memref<2x32x128xf32, #tpu.memory_space<vmem>> -> memref<1x8x128xf32, #tpu.memory_space<vmem>>
      %dma_start3A_745 = tpu.memref_squeeze %dma_start3A_744 : memref<1x8x128xf32, #tpu.memory_space<vmem>> -> memref<8x128xf32, #tpu.memory_space<vmem>>
      tpu.enqueue_dma source(%dma_start3A_745 : memref<8x128xf32, #tpu.memory_space<vmem>>) target(%dma_start3A_741 : memref<8x128xf32, #tpu.memory_space<hbm>>) target_semaphore(%dma_start3A_737 : memref<!tpu.dma_semaphore, #tpu.memory_space<semaphore_mem>>)
      %dma_start3A_746 = arith.constant 1 : i32
      %dma_start3A_747 = arith.constant 3 : i32
      %dma_start3A_748 = arith.constant 1 : i32
      %dma_start3A_749 = arith.constant 24 : i32
      %dma_start3A_750 = arith.constant 0 : i32
      %dma_start3A_751 = tpu.memref_slice %arg8[%dma_start3A_746, %dma_start3A_749, %dma_start3A_750] : memref<2x32x128xf32, #tpu.memory_space<vmem>> -> memref<1x8x128xf32, #tpu.memory_space<vmem>>
      %dma_start3A_752 = tpu.memref_squeeze %dma_start3A_751 : memref<1x8x128xf32, #tpu.memory_space<vmem>> -> memref<8x128xf32, #tpu.memory_space<vmem>>
      %dma_start3A_753 = arith.constant 0 : i32
      %dma_start3A_754 = arith.constant 0 : i32
      %dma_start3A_755 = tpu.memref_slice %arg4[%add3A_648, %dma_start3A_747, %add3A, %dma_start3A_753, %dma_start3A_754] : memref<200x4x32x8x128xf32, #tpu.memory_space<hbm>> -> memref<1x1x1x8x128xf32, #tpu.memory_space<hbm>>
      %dma_start3A_756 = tpu.memref_squeeze %dma_start3A_755 : memref<1x1x1x8x128xf32, #tpu.memory_space<hbm>> -> memref<8x128xf32, #tpu.memory_space<hbm>>
      %dma_start3A_757 = tpu.memref_slice %arg10[%dma_start3A_748] : memref<2x!tpu.dma_semaphore, #tpu.memory_space<semaphore_mem>> -> memref<1x!tpu.dma_semaphore, #tpu.memory_space<semaphore_mem>>
      %dma_start3A_758 = tpu.memref_squeeze %dma_start3A_757 : memref<1x!tpu.dma_semaphore, #tpu.memory_space<semaphore_mem>> -> memref<!tpu.dma_semaphore, #tpu.memory_space<semaphore_mem>>
      %dma_start3A_759 = arith.constant 0 : i32
      %dma_start3A_760 = arith.constant 0 : i32
      %dma_start3A_761 = tpu.memref_slice %arg4[%add3A_648, %dma_start3A_747, %add3A, %dma_start3A_759, %dma_start3A_760] : memref<200x4x32x8x128xf32, #tpu.memory_space<hbm>> -> memref<1x1x1x8x128xf32, #tpu.memory_space<hbm>>
      %dma_start3A_762 = tpu.memref_squeeze %dma_start3A_761 : memref<1x1x1x8x128xf32, #tpu.memory_space<hbm>> -> memref<8x128xf32, #tpu.memory_space<hbm>>
      %dma_start3A_763 = arith.constant 24 : i32
      %dma_start3A_764 = arith.constant 0 : i32
      %dma_start3A_765 = tpu.memref_slice %arg8[%dma_start3A_746, %dma_start3A_763, %dma_start3A_764] : memref<2x32x128xf32, #tpu.memory_space<vmem>> -> memref<1x8x128xf32, #tpu.memory_space<vmem>>
      %dma_start3A_766 = tpu.memref_squeeze %dma_start3A_765 : memref<1x8x128xf32, #tpu.memory_space<vmem>> -> memref<8x128xf32, #tpu.memory_space<vmem>>
      tpu.enqueue_dma source(%dma_start3A_766 : memref<8x128xf32, #tpu.memory_space<vmem>>) target(%dma_start3A_762 : memref<8x128xf32, #tpu.memory_space<hbm>>) target_semaphore(%dma_start3A_758 : memref<!tpu.dma_semaphore, #tpu.memory_space<semaphore_mem>>)
    }
    %scan3A_99 = arith.constant 50 : i32
    %dma_wait3A = arith.constant 0 : i32
    %dma_wait3A_100 = arith.constant 0 : i32
    %dma_wait3A_101 = arith.constant 0 : i32
    %dma_wait3A_102 = arith.constant 0 : i32
    %dma_wait3A_103 = arith.constant 0 : i32
    %dma_wait3A_104 = arith.constant 0 : i32
    %dma_wait3A_105 = arith.constant 0 : i32
    %dma_wait3A_106 = tpu.memref_slice %arg8[%dma_wait3A, %dma_wait3A_104, %dma_wait3A_105] : memref<2x32x128xf32, #tpu.memory_space<vmem>> -> memref<1x8x128xf32, #tpu.memory_space<vmem>>
    %dma_wait3A_107 = tpu.memref_squeeze %dma_wait3A_106 : memref<1x8x128xf32, #tpu.memory_space<vmem>> -> memref<8x128xf32, #tpu.memory_space<vmem>>
    %dma_wait3A_108 = arith.constant 0 : i32
    %dma_wait3A_109 = arith.constant 0 : i32
    %dma_wait3A_110 = tpu.memref_slice %arg4[%dma_wait3A_100, %dma_wait3A_101, %dma_wait3A_102, %dma_wait3A_108, %dma_wait3A_109] : memref<200x4x32x8x128xf32, #tpu.memory_space<hbm>> -> memref<1x1x1x8x128xf32, #tpu.memory_space<hbm>>
    %dma_wait3A_111 = tpu.memref_squeeze %dma_wait3A_110 : memref<1x1x1x8x128xf32, #tpu.memory_space<hbm>> -> memref<8x128xf32, #tpu.memory_space<hbm>>
    %dma_wait3A_112 = tpu.memref_slice %arg10[%dma_wait3A_103] : memref<2x!tpu.dma_semaphore, #tpu.memory_space<semaphore_mem>> -> memref<1x!tpu.dma_semaphore, #tpu.memory_space<semaphore_mem>>
    %dma_wait3A_113 = tpu.memref_squeeze %dma_wait3A_112 : memref<1x!tpu.dma_semaphore, #tpu.memory_space<semaphore_mem>> -> memref<!tpu.dma_semaphore, #tpu.memory_space<semaphore_mem>>
    %dma_wait3A_114 = arith.constant 0 : i32
    %dma_wait3A_115 = arith.constant 0 : i32
    %dma_wait3A_116 = tpu.memref_slice %arg4[%dma_wait3A_100, %dma_wait3A_101, %dma_wait3A_102, %dma_wait3A_114, %dma_wait3A_115] : memref<200x4x32x8x128xf32, #tpu.memory_space<hbm>> -> memref<1x1x1x8x128xf32, #tpu.memory_space<hbm>>
    %dma_wait3A_117 = tpu.memref_squeeze %dma_wait3A_116 : memref<1x1x1x8x128xf32, #tpu.memory_space<hbm>> -> memref<8x128xf32, #tpu.memory_space<hbm>>
    %dma_wait3A_118 = arith.constant 0 : i32
    %dma_wait3A_119 = arith.constant 0 : i32
    %dma_wait3A_120 = tpu.memref_slice %arg8[%dma_wait3A, %dma_wait3A_118, %dma_wait3A_119] : memref<2x32x128xf32, #tpu.memory_space<vmem>> -> memref<1x8x128xf32, #tpu.memory_space<vmem>>
    %dma_wait3A_121 = tpu.memref_squeeze %dma_wait3A_120 : memref<1x8x128xf32, #tpu.memory_space<vmem>> -> memref<8x128xf32, #tpu.memory_space<vmem>>
    tpu.wait_dma2 semaphore(%dma_wait3A_113 : memref<!tpu.dma_semaphore, #tpu.memory_space<semaphore_mem>>) src(%dma_wait3A_121 : memref<8x128xf32, #tpu.memory_space<vmem>>) dst(%dma_wait3A_117 : memref<8x128xf32, #tpu.memory_space<hbm>>)
    %dma_wait3A_122 = arith.constant 0 : i32
    %dma_wait3A_123 = arith.constant 0 : i32
    %dma_wait3A_124 = arith.constant 1 : i32
    %dma_wait3A_125 = arith.constant 0 : i32
    %dma_wait3A_126 = arith.constant 0 : i32
    %dma_wait3A_127 = arith.constant 8 : i32
    %dma_wait3A_128 = arith.constant 0 : i32
    %dma_wait3A_129 = tpu.memref_slice %arg8[%dma_wait3A_122, %dma_wait3A_127, %dma_wait3A_128] : memref<2x32x128xf32, #tpu.memory_space<vmem>> -> memref<1x8x128xf32, #tpu.memory_space<vmem>>
    %dma_wait3A_130 = tpu.memref_squeeze %dma_wait3A_129 : memref<1x8x128xf32, #tpu.memory_space<vmem>> -> memref<8x128xf32, #tpu.memory_space<vmem>>
    %dma_wait3A_131 = arith.constant 0 : i32
    %dma_wait3A_132 = arith.constant 0 : i32
    %dma_wait3A_133 = tpu.memref_slice %arg4[%dma_wait3A_123, %dma_wait3A_124, %dma_wait3A_125, %dma_wait3A_131, %dma_wait3A_132] : memref<200x4x32x8x128xf32, #tpu.memory_space<hbm>> -> memref<1x1x1x8x128xf32, #tpu.memory_space<hbm>>
    %dma_wait3A_134 = tpu.memref_squeeze %dma_wait3A_133 : memref<1x1x1x8x128xf32, #tpu.memory_space<hbm>> -> memref<8x128xf32, #tpu.memory_space<hbm>>
    %dma_wait3A_135 = tpu.memref_slice %arg10[%dma_wait3A_126] : memref<2x!tpu.dma_semaphore, #tpu.memory_space<semaphore_mem>> -> memref<1x!tpu.dma_semaphore, #tpu.memory_space<semaphore_mem>>
    %dma_wait3A_136 = tpu.memref_squeeze %dma_wait3A_135 : memref<1x!tpu.dma_semaphore, #tpu.memory_space<semaphore_mem>> -> memref<!tpu.dma_semaphore, #tpu.memory_space<semaphore_mem>>
    %dma_wait3A_137 = arith.constant 0 : i32
    %dma_wait3A_138 = arith.constant 0 : i32
    %dma_wait3A_139 = tpu.memref_slice %arg4[%dma_wait3A_123, %dma_wait3A_124, %dma_wait3A_125, %dma_wait3A_137, %dma_wait3A_138] : memref<200x4x32x8x128xf32, #tpu.memory_space<hbm>> -> memref<1x1x1x8x128xf32, #tpu.memory_space<hbm>>
    %dma_wait3A_140 = tpu.memref_squeeze %dma_wait3A_139 : memref<1x1x1x8x128xf32, #tpu.memory_space<hbm>> -> memref<8x128xf32, #tpu.memory_space<hbm>>
    %dma_wait3A_141 = arith.constant 8 : i32
    %dma_wait3A_142 = arith.constant 0 : i32
    %dma_wait3A_143 = tpu.memref_slice %arg8[%dma_wait3A_122, %dma_wait3A_141, %dma_wait3A_142] : memref<2x32x128xf32, #tpu.memory_space<vmem>> -> memref<1x8x128xf32, #tpu.memory_space<vmem>>
    %dma_wait3A_144 = tpu.memref_squeeze %dma_wait3A_143 : memref<1x8x128xf32, #tpu.memory_space<vmem>> -> memref<8x128xf32, #tpu.memory_space<vmem>>
    tpu.wait_dma2 semaphore(%dma_wait3A_136 : memref<!tpu.dma_semaphore, #tpu.memory_space<semaphore_mem>>) src(%dma_wait3A_144 : memref<8x128xf32, #tpu.memory_space<vmem>>) dst(%dma_wait3A_140 : memref<8x128xf32, #tpu.memory_space<hbm>>)
    %dma_wait3A_145 = arith.constant 0 : i32
    %dma_wait3A_146 = arith.constant 0 : i32
    %dma_wait3A_147 = arith.constant 2 : i32
    %dma_wait3A_148 = arith.constant 0 : i32
    %dma_wait3A_149 = arith.constant 0 : i32
    %dma_wait3A_150 = arith.constant 16 : i32
    %dma_wait3A_151 = arith.constant 0 : i32
    %dma_wait3A_152 = tpu.memref_slice %arg8[%dma_wait3A_145, %dma_wait3A_150, %dma_wait3A_151] : memref<2x32x128xf32, #tpu.memory_space<vmem>> -> memref<1x8x128xf32, #tpu.memory_space<vmem>>
    %dma_wait3A_153 = tpu.memref_squeeze %dma_wait3A_152 : memref<1x8x128xf32, #tpu.memory_space<vmem>> -> memref<8x128xf32, #tpu.memory_space<vmem>>
    %dma_wait3A_154 = arith.constant 0 : i32
    %dma_wait3A_155 = arith.constant 0 : i32
    %dma_wait3A_156 = tpu.memref_slice %arg4[%dma_wait3A_146, %dma_wait3A_147, %dma_wait3A_148, %dma_wait3A_154, %dma_wait3A_155] : memref<200x4x32x8x128xf32, #tpu.memory_space<hbm>> -> memref<1x1x1x8x128xf32, #tpu.memory_space<hbm>>
    %dma_wait3A_157 = tpu.memref_squeeze %dma_wait3A_156 : memref<1x1x1x8x128xf32, #tpu.memory_space<hbm>> -> memref<8x128xf32, #tpu.memory_space<hbm>>
    %dma_wait3A_158 = tpu.memref_slice %arg10[%dma_wait3A_149] : memref<2x!tpu.dma_semaphore, #tpu.memory_space<semaphore_mem>> -> memref<1x!tpu.dma_semaphore, #tpu.memory_space<semaphore_mem>>
    %dma_wait3A_159 = tpu.memref_squeeze %dma_wait3A_158 : memref<1x!tpu.dma_semaphore, #tpu.memory_space<semaphore_mem>> -> memref<!tpu.dma_semaphore, #tpu.memory_space<semaphore_mem>>
    %dma_wait3A_160 = arith.constant 0 : i32
    %dma_wait3A_161 = arith.constant 0 : i32
    %dma_wait3A_162 = tpu.memref_slice %arg4[%dma_wait3A_146, %dma_wait3A_147, %dma_wait3A_148, %dma_wait3A_160, %dma_wait3A_161] : memref<200x4x32x8x128xf32, #tpu.memory_space<hbm>> -> memref<1x1x1x8x128xf32, #tpu.memory_space<hbm>>
    %dma_wait3A_163 = tpu.memref_squeeze %dma_wait3A_162 : memref<1x1x1x8x128xf32, #tpu.memory_space<hbm>> -> memref<8x128xf32, #tpu.memory_space<hbm>>
    %dma_wait3A_164 = arith.constant 16 : i32
    %dma_wait3A_165 = arith.constant 0 : i32
    %dma_wait3A_166 = tpu.memref_slice %arg8[%dma_wait3A_145, %dma_wait3A_164, %dma_wait3A_165] : memref<2x32x128xf32, #tpu.memory_space<vmem>> -> memref<1x8x128xf32, #tpu.memory_space<vmem>>
    %dma_wait3A_167 = tpu.memref_squeeze %dma_wait3A_166 : memref<1x8x128xf32, #tpu.memory_space<vmem>> -> memref<8x128xf32, #tpu.memory_space<vmem>>
    tpu.wait_dma2 semaphore(%dma_wait3A_159 : memref<!tpu.dma_semaphore, #tpu.memory_space<semaphore_mem>>) src(%dma_wait3A_167 : memref<8x128xf32, #tpu.memory_space<vmem>>) dst(%dma_wait3A_163 : memref<8x128xf32, #tpu.memory_space<hbm>>)
    %dma_wait3A_168 = arith.constant 0 : i32
    %dma_wait3A_169 = arith.constant 0 : i32
    %dma_wait3A_170 = arith.constant 3 : i32
    %dma_wait3A_171 = arith.constant 0 : i32
    %dma_wait3A_172 = arith.constant 0 : i32
    %dma_wait3A_173 = arith.constant 24 : i32
    %dma_wait3A_174 = arith.constant 0 : i32
    %dma_wait3A_175 = tpu.memref_slice %arg8[%dma_wait3A_168, %dma_wait3A_173, %dma_wait3A_174] : memref<2x32x128xf32, #tpu.memory_space<vmem>> -> memref<1x8x128xf32, #tpu.memory_space<vmem>>
    %dma_wait3A_176 = tpu.memref_squeeze %dma_wait3A_175 : memref<1x8x128xf32, #tpu.memory_space<vmem>> -> memref<8x128xf32, #tpu.memory_space<vmem>>
    %dma_wait3A_177 = arith.constant 0 : i32
    %dma_wait3A_178 = arith.constant 0 : i32
    %dma_wait3A_179 = tpu.memref_slice %arg4[%dma_wait3A_169, %dma_wait3A_170, %dma_wait3A_171, %dma_wait3A_177, %dma_wait3A_178] : memref<200x4x32x8x128xf32, #tpu.memory_space<hbm>> -> memref<1x1x1x8x128xf32, #tpu.memory_space<hbm>>
    %dma_wait3A_180 = tpu.memref_squeeze %dma_wait3A_179 : memref<1x1x1x8x128xf32, #tpu.memory_space<hbm>> -> memref<8x128xf32, #tpu.memory_space<hbm>>
    %dma_wait3A_181 = tpu.memref_slice %arg10[%dma_wait3A_172] : memref<2x!tpu.dma_semaphore, #tpu.memory_space<semaphore_mem>> -> memref<1x!tpu.dma_semaphore, #tpu.memory_space<semaphore_mem>>
    %dma_wait3A_182 = tpu.memref_squeeze %dma_wait3A_181 : memref<1x!tpu.dma_semaphore, #tpu.memory_space<semaphore_mem>> -> memref<!tpu.dma_semaphore, #tpu.memory_space<semaphore_mem>>
    %dma_wait3A_183 = arith.constant 0 : i32
    %dma_wait3A_184 = arith.constant 0 : i32
    %dma_wait3A_185 = tpu.memref_slice %arg4[%dma_wait3A_169, %dma_wait3A_170, %dma_wait3A_171, %dma_wait3A_183, %dma_wait3A_184] : memref<200x4x32x8x128xf32, #tpu.memory_space<hbm>> -> memref<1x1x1x8x128xf32, #tpu.memory_space<hbm>>
    %dma_wait3A_186 = tpu.memref_squeeze %dma_wait3A_185 : memref<1x1x1x8x128xf32, #tpu.memory_space<hbm>> -> memref<8x128xf32, #tpu.memory_space<hbm>>
    %dma_wait3A_187 = arith.constant 24 : i32
    %dma_wait3A_188 = arith.constant 0 : i32
    %dma_wait3A_189 = tpu.memref_slice %arg8[%dma_wait3A_168, %dma_wait3A_187, %dma_wait3A_188] : memref<2x32x128xf32, #tpu.memory_space<vmem>> -> memref<1x8x128xf32, #tpu.memory_space<vmem>>
    %dma_wait3A_190 = tpu.memref_squeeze %dma_wait3A_189 : memref<1x8x128xf32, #tpu.memory_space<vmem>> -> memref<8x128xf32, #tpu.memory_space<vmem>>
    tpu.wait_dma2 semaphore(%dma_wait3A_182 : memref<!tpu.dma_semaphore, #tpu.memory_space<semaphore_mem>>) src(%dma_wait3A_190 : memref<8x128xf32, #tpu.memory_space<vmem>>) dst(%dma_wait3A_186 : memref<8x128xf32, #tpu.memory_space<hbm>>)
    %dma_wait3A_191 = arith.constant 1 : i32
    %dma_wait3A_192 = arith.constant 0 : i32
    %dma_wait3A_193 = arith.constant 0 : i32
    %dma_wait3A_194 = arith.constant 0 : i32
    %dma_wait3A_195 = arith.constant 1 : i32
    %dma_wait3A_196 = arith.constant 0 : i32
    %dma_wait3A_197 = arith.constant 0 : i32
    %dma_wait3A_198 = tpu.memref_slice %arg8[%dma_wait3A_191, %dma_wait3A_196, %dma_wait3A_197] : memref<2x32x128xf32, #tpu.memory_space<vmem>> -> memref<1x8x128xf32, #tpu.memory_space<vmem>>
    %dma_wait3A_199 = tpu.memref_squeeze %dma_wait3A_198 : memref<1x8x128xf32, #tpu.memory_space<vmem>> -> memref<8x128xf32, #tpu.memory_space<vmem>>
    %dma_wait3A_200 = arith.constant 0 : i32
    %dma_wait3A_201 = arith.constant 0 : i32
    %dma_wait3A_202 = tpu.memref_slice %arg4[%dma_wait3A_192, %dma_wait3A_193, %dma_wait3A_194, %dma_wait3A_200, %dma_wait3A_201] : memref<200x4x32x8x128xf32, #tpu.memory_space<hbm>> -> memref<1x1x1x8x128xf32, #tpu.memory_space<hbm>>
    %dma_wait3A_203 = tpu.memref_squeeze %dma_wait3A_202 : memref<1x1x1x8x128xf32, #tpu.memory_space<hbm>> -> memref<8x128xf32, #tpu.memory_space<hbm>>
    %dma_wait3A_204 = tpu.memref_slice %arg10[%dma_wait3A_195] : memref<2x!tpu.dma_semaphore, #tpu.memory_space<semaphore_mem>> -> memref<1x!tpu.dma_semaphore, #tpu.memory_space<semaphore_mem>>
    %dma_wait3A_205 = tpu.memref_squeeze %dma_wait3A_204 : memref<1x!tpu.dma_semaphore, #tpu.memory_space<semaphore_mem>> -> memref<!tpu.dma_semaphore, #tpu.memory_space<semaphore_mem>>
    %dma_wait3A_206 = arith.constant 0 : i32
    %dma_wait3A_207 = arith.constant 0 : i32
    %dma_wait3A_208 = tpu.memref_slice %arg4[%dma_wait3A_192, %dma_wait3A_193, %dma_wait3A_194, %dma_wait3A_206, %dma_wait3A_207] : memref<200x4x32x8x128xf32, #tpu.memory_space<hbm>> -> memref<1x1x1x8x128xf32, #tpu.memory_space<hbm>>
    %dma_wait3A_209 = tpu.memref_squeeze %dma_wait3A_208 : memref<1x1x1x8x128xf32, #tpu.memory_space<hbm>> -> memref<8x128xf32, #tpu.memory_space<hbm>>
    %dma_wait3A_210 = arith.constant 0 : i32
    %dma_wait3A_211 = arith.constant 0 : i32
    %dma_wait3A_212 = tpu.memref_slice %arg8[%dma_wait3A_191, %dma_wait3A_210, %dma_wait3A_211] : memref<2x32x128xf32, #tpu.memory_space<vmem>> -> memref<1x8x128xf32, #tpu.memory_space<vmem>>
    %dma_wait3A_213 = tpu.memref_squeeze %dma_wait3A_212 : memref<1x8x128xf32, #tpu.memory_space<vmem>> -> memref<8x128xf32, #tpu.memory_space<vmem>>
    tpu.wait_dma2 semaphore(%dma_wait3A_205 : memref<!tpu.dma_semaphore, #tpu.memory_space<semaphore_mem>>) src(%dma_wait3A_213 : memref<8x128xf32, #tpu.memory_space<vmem>>) dst(%dma_wait3A_209 : memref<8x128xf32, #tpu.memory_space<hbm>>)
    %dma_wait3A_214 = arith.constant 1 : i32
    %dma_wait3A_215 = arith.constant 0 : i32
    %dma_wait3A_216 = arith.constant 1 : i32
    %dma_wait3A_217 = arith.constant 0 : i32
    %dma_wait3A_218 = arith.constant 1 : i32
    %dma_wait3A_219 = arith.constant 8 : i32
    %dma_wait3A_220 = arith.constant 0 : i32
    %dma_wait3A_221 = tpu.memref_slice %arg8[%dma_wait3A_214, %dma_wait3A_219, %dma_wait3A_220] : memref<2x32x128xf32, #tpu.memory_space<vmem>> -> memref<1x8x128xf32, #tpu.memory_space<vmem>>
    %dma_wait3A_222 = tpu.memref_squeeze %dma_wait3A_221 : memref<1x8x128xf32, #tpu.memory_space<vmem>> -> memref<8x128xf32, #tpu.memory_space<vmem>>
    %dma_wait3A_223 = arith.constant 0 : i32
    %dma_wait3A_224 = arith.constant 0 : i32
    %dma_wait3A_225 = tpu.memref_slice %arg4[%dma_wait3A_215, %dma_wait3A_216, %dma_wait3A_217, %dma_wait3A_223, %dma_wait3A_224] : memref<200x4x32x8x128xf32, #tpu.memory_space<hbm>> -> memref<1x1x1x8x128xf32, #tpu.memory_space<hbm>>
    %dma_wait3A_226 = tpu.memref_squeeze %dma_wait3A_225 : memref<1x1x1x8x128xf32, #tpu.memory_space<hbm>> -> memref<8x128xf32, #tpu.memory_space<hbm>>
    %dma_wait3A_227 = tpu.memref_slice %arg10[%dma_wait3A_218] : memref<2x!tpu.dma_semaphore, #tpu.memory_space<semaphore_mem>> -> memref<1x!tpu.dma_semaphore, #tpu.memory_space<semaphore_mem>>
    %dma_wait3A_228 = tpu.memref_squeeze %dma_wait3A_227 : memref<1x!tpu.dma_semaphore, #tpu.memory_space<semaphore_mem>> -> memref<!tpu.dma_semaphore, #tpu.memory_space<semaphore_mem>>
    %dma_wait3A_229 = arith.constant 0 : i32
    %dma_wait3A_230 = arith.constant 0 : i32
    %dma_wait3A_231 = tpu.memref_slice %arg4[%dma_wait3A_215, %dma_wait3A_216, %dma_wait3A_217, %dma_wait3A_229, %dma_wait3A_230] : memref<200x4x32x8x128xf32, #tpu.memory_space<hbm>> -> memref<1x1x1x8x128xf32, #tpu.memory_space<hbm>>
    %dma_wait3A_232 = tpu.memref_squeeze %dma_wait3A_231 : memref<1x1x1x8x128xf32, #tpu.memory_space<hbm>> -> memref<8x128xf32, #tpu.memory_space<hbm>>
    %dma_wait3A_233 = arith.constant 8 : i32
    %dma_wait3A_234 = arith.constant 0 : i32
    %dma_wait3A_235 = tpu.memref_slice %arg8[%dma_wait3A_214, %dma_wait3A_233, %dma_wait3A_234] : memref<2x32x128xf32, #tpu.memory_space<vmem>> -> memref<1x8x128xf32, #tpu.memory_space<vmem>>
    %dma_wait3A_236 = tpu.memref_squeeze %dma_wait3A_235 : memref<1x8x128xf32, #tpu.memory_space<vmem>> -> memref<8x128xf32, #tpu.memory_space<vmem>>
    tpu.wait_dma2 semaphore(%dma_wait3A_228 : memref<!tpu.dma_semaphore, #tpu.memory_space<semaphore_mem>>) src(%dma_wait3A_236 : memref<8x128xf32, #tpu.memory_space<vmem>>) dst(%dma_wait3A_232 : memref<8x128xf32, #tpu.memory_space<hbm>>)
    %dma_wait3A_237 = arith.constant 1 : i32
    %dma_wait3A_238 = arith.constant 0 : i32
    %dma_wait3A_239 = arith.constant 2 : i32
    %dma_wait3A_240 = arith.constant 0 : i32
    %dma_wait3A_241 = arith.constant 1 : i32
    %dma_wait3A_242 = arith.constant 16 : i32
    %dma_wait3A_243 = arith.constant 0 : i32
    %dma_wait3A_244 = tpu.memref_slice %arg8[%dma_wait3A_237, %dma_wait3A_242, %dma_wait3A_243] : memref<2x32x128xf32, #tpu.memory_space<vmem>> -> memref<1x8x128xf32, #tpu.memory_space<vmem>>
    %dma_wait3A_245 = tpu.memref_squeeze %dma_wait3A_244 : memref<1x8x128xf32, #tpu.memory_space<vmem>> -> memref<8x128xf32, #tpu.memory_space<vmem>>
    %dma_wait3A_246 = arith.constant 0 : i32
    %dma_wait3A_247 = arith.constant 0 : i32
    %dma_wait3A_248 = tpu.memref_slice %arg4[%dma_wait3A_238, %dma_wait3A_239, %dma_wait3A_240, %dma_wait3A_246, %dma_wait3A_247] : memref<200x4x32x8x128xf32, #tpu.memory_space<hbm>> -> memref<1x1x1x8x128xf32, #tpu.memory_space<hbm>>
    %dma_wait3A_249 = tpu.memref_squeeze %dma_wait3A_248 : memref<1x1x1x8x128xf32, #tpu.memory_space<hbm>> -> memref<8x128xf32, #tpu.memory_space<hbm>>
    %dma_wait3A_250 = tpu.memref_slice %arg10[%dma_wait3A_241] : memref<2x!tpu.dma_semaphore, #tpu.memory_space<semaphore_mem>> -> memref<1x!tpu.dma_semaphore, #tpu.memory_space<semaphore_mem>>
    %dma_wait3A_251 = tpu.memref_squeeze %dma_wait3A_250 : memref<1x!tpu.dma_semaphore, #tpu.memory_space<semaphore_mem>> -> memref<!tpu.dma_semaphore, #tpu.memory_space<semaphore_mem>>
    %dma_wait3A_252 = arith.constant 0 : i32
    %dma_wait3A_253 = arith.constant 0 : i32
    %dma_wait3A_254 = tpu.memref_slice %arg4[%dma_wait3A_238, %dma_wait3A_239, %dma_wait3A_240, %dma_wait3A_252, %dma_wait3A_253] : memref<200x4x32x8x128xf32, #tpu.memory_space<hbm>> -> memref<1x1x1x8x128xf32, #tpu.memory_space<hbm>>
    %dma_wait3A_255 = tpu.memref_squeeze %dma_wait3A_254 : memref<1x1x1x8x128xf32, #tpu.memory_space<hbm>> -> memref<8x128xf32, #tpu.memory_space<hbm>>
    %dma_wait3A_256 = arith.constant 16 : i32
    %dma_wait3A_257 = arith.constant 0 : i32
    %dma_wait3A_258 = tpu.memref_slice %arg8[%dma_wait3A_237, %dma_wait3A_256, %dma_wait3A_257] : memref<2x32x128xf32, #tpu.memory_space<vmem>> -> memref<1x8x128xf32, #tpu.memory_space<vmem>>
    %dma_wait3A_259 = tpu.memref_squeeze %dma_wait3A_258 : memref<1x8x128xf32, #tpu.memory_space<vmem>> -> memref<8x128xf32, #tpu.memory_space<vmem>>
    tpu.wait_dma2 semaphore(%dma_wait3A_251 : memref<!tpu.dma_semaphore, #tpu.memory_space<semaphore_mem>>) src(%dma_wait3A_259 : memref<8x128xf32, #tpu.memory_space<vmem>>) dst(%dma_wait3A_255 : memref<8x128xf32, #tpu.memory_space<hbm>>)
    %dma_wait3A_260 = arith.constant 1 : i32
    %dma_wait3A_261 = arith.constant 0 : i32
    %dma_wait3A_262 = arith.constant 3 : i32
    %dma_wait3A_263 = arith.constant 0 : i32
    %dma_wait3A_264 = arith.constant 1 : i32
    %dma_wait3A_265 = arith.constant 24 : i32
    %dma_wait3A_266 = arith.constant 0 : i32
    %dma_wait3A_267 = tpu.memref_slice %arg8[%dma_wait3A_260, %dma_wait3A_265, %dma_wait3A_266] : memref<2x32x128xf32, #tpu.memory_space<vmem>> -> memref<1x8x128xf32, #tpu.memory_space<vmem>>
    %dma_wait3A_268 = tpu.memref_squeeze %dma_wait3A_267 : memref<1x8x128xf32, #tpu.memory_space<vmem>> -> memref<8x128xf32, #tpu.memory_space<vmem>>
    %dma_wait3A_269 = arith.constant 0 : i32
    %dma_wait3A_270 = arith.constant 0 : i32
    %dma_wait3A_271 = tpu.memref_slice %arg4[%dma_wait3A_261, %dma_wait3A_262, %dma_wait3A_263, %dma_wait3A_269, %dma_wait3A_270] : memref<200x4x32x8x128xf32, #tpu.memory_space<hbm>> -> memref<1x1x1x8x128xf32, #tpu.memory_space<hbm>>
    %dma_wait3A_272 = tpu.memref_squeeze %dma_wait3A_271 : memref<1x1x1x8x128xf32, #tpu.memory_space<hbm>> -> memref<8x128xf32, #tpu.memory_space<hbm>>
    %dma_wait3A_273 = tpu.memref_slice %arg10[%dma_wait3A_264] : memref<2x!tpu.dma_semaphore, #tpu.memory_space<semaphore_mem>> -> memref<1x!tpu.dma_semaphore, #tpu.memory_space<semaphore_mem>>
    %dma_wait3A_274 = tpu.memref_squeeze %dma_wait3A_273 : memref<1x!tpu.dma_semaphore, #tpu.memory_space<semaphore_mem>> -> memref<!tpu.dma_semaphore, #tpu.memory_space<semaphore_mem>>
    %dma_wait3A_275 = arith.constant 0 : i32
    %dma_wait3A_276 = arith.constant 0 : i32
    %dma_wait3A_277 = tpu.memref_slice %arg4[%dma_wait3A_261, %dma_wait3A_262, %dma_wait3A_263, %dma_wait3A_275, %dma_wait3A_276] : memref<200x4x32x8x128xf32, #tpu.memory_space<hbm>> -> memref<1x1x1x8x128xf32, #tpu.memory_space<hbm>>
    %dma_wait3A_278 = tpu.memref_squeeze %dma_wait3A_277 : memref<1x1x1x8x128xf32, #tpu.memory_space<hbm>> -> memref<8x128xf32, #tpu.memory_space<hbm>>
    %dma_wait3A_279 = arith.constant 24 : i32
    %dma_wait3A_280 = arith.constant 0 : i32
    %dma_wait3A_281 = tpu.memref_slice %arg8[%dma_wait3A_260, %dma_wait3A_279, %dma_wait3A_280] : memref<2x32x128xf32, #tpu.memory_space<vmem>> -> memref<1x8x128xf32, #tpu.memory_space<vmem>>
    %dma_wait3A_282 = tpu.memref_squeeze %dma_wait3A_281 : memref<1x8x128xf32, #tpu.memory_space<vmem>> -> memref<8x128xf32, #tpu.memory_space<vmem>>
    tpu.wait_dma2 semaphore(%dma_wait3A_274 : memref<!tpu.dma_semaphore, #tpu.memory_space<semaphore_mem>>) src(%dma_wait3A_282 : memref<8x128xf32, #tpu.memory_space<vmem>>) dst(%dma_wait3A_278 : memref<8x128xf32, #tpu.memory_space<hbm>>)
    return
  }
}

</mosaic_0001>

<sc_bundles>
// kernel: kernel.3.cloned.1.call-start
scs
__scs_entry_jumppad:
0x0: {  	(pc) =	sbr.rel $0x88, $3  }
0x1: {  	(tag) =	ssettag $0x0;
	lr =	simm.s32 $0x1  }
0x2: {  	[smem:$0x3F9F] =	sst lr;
	_ =	strace $0xD0000000  }
0x3: {  	_ = 	snop  }
0x4: {  	_ = 	snop  }
0x5: {  	_ = 	snop  }
0x6: {  	_ = 	snop  }
0x7: {  	_ = 	snop  }
__scs_overlays_trampoline_lowered:
0x8: {  	[smem:$0x3FAE] =	sst s0  }
0x9: {  	[smem:$0x3FAF] =	sst s1  }
0xa: {  	[smem:$0x3FB0] =	sst s2  }
0xb: {  	[smem:$0x3FB1] =	sst s3  }
0xc: {  	[smem:$0x3FB2] =	sst s4  }
0xd: {  	[smem:$0x3FB3] =	sst s5  }
0xe: {  	[smem:$0x3FB4] =	sst s6  }
0xf: {  	[smem:$0x3FB5] =	sst s7  }
0x10: {  	[smem:$0x3FB6] =	sst s8  }
0x11: {  	[smem:$0x3FB7] =	sst s9;
	s0 =	simm.s32 @!p0 $0x0  }
0x12: {  	s1 =	sld [smem:$0x3F9D];
	s0 =	simm.s32 @p0 $0x1  }
0x13: {  	[smem:$0x3FB8] =	sst s0;
	s0 =	simm.s32 @!p1 $0x0  }
0x14: {  	s2 =	sld [smem:$0x3F9C];
	s0 =	simm.s32 @p1 $0x1  }
0x15: {  	[smem:$0x3FB9] =	sst s0;
	s0 =	simm.s32 @!p2 $0x0  }
0x16: {  	s3 =	sld [smem:$0x3FDB];
	s0 =	simm.s32 @p2 $0x1  }
0x17: {  	s4 =	simm.s32 $0x1BF5;
	[smem:$0x3FBB] =	sst s0  }
0x18: {  	s0 =	sld [smem:$0x3F9E];
	_ =	swait.ge [sflag:s4], $0x0  }
0x19: {  	s7 =	sld [smem:$0x3F9F]  }
0x1a: {  	s8 =	sadd.s32 $0xFFFFE003, lr  }
0x1b: {  	s9 =	sadd.s32 $0xFFFFFEF7, lr;
	s5 =	simm.s32 $0xFFFFFFFF;
	p2 =	slt.u32 s8, $0xFFFFF086  }
0x1c: {  	p1 =	slt.u32 s9, $0xF7A;
	s5 =	simm.s32 @!p2 $0x0  }
0x1d: {  	s5 =	simm.s32 @p1 $0x1;
	p0 =	seq.s32 s7, s2  }
0x1e: {  	s7 =	smul.u32 @!p0 $0xF7A, s2;
	p2 =	seq.s32 @!p0 s5, $0x0  }
0x1f: {  	s9 =	smul.u32 $0xF7A, s1;
	s8 =	simm.s32 @!p0 $0x1BF5;
	p2 =	por !p2, p0  }
0x20: {  	[sflag:s8] =	ssyncset.s32 @!p0 $0xFFFFF086;
	s6 =	sadd.s32 @!p0 s3, s7;
	s7 =	simm.s32 @!p0 $0x108  }
0x21: {  	s3 =	sadd.s32 s3, s9;
	s6 =	sadd.s32 @!p0 $0x88, s6;
	s7 =	simm.s32 @p2 $0x1082  }
0x22: {  	[simem:s7], [sflag:s8] =	dma.local @!p0 [hbm:s6], $0xF7A  }
0x23: {  	s9 =	sor.u32 $0xD0000000, s2;
	s6 =	simm.s32 $0x108;
	_ =	swait.ge @!p0 [sflag:s8], $0x0  }
0x24: {  	s3 =	sadd.s32 $0x88, s3;
	s6 =	simm.s32 @!p1 $0x1082;
	[sflag:s4] =	ssyncset.s32 $0xFFFFF086  }
0x25: {  	[simem:s6], [sflag:s4] =	dma.local [hbm:s3], $0xF7A  }
0x26: {  	[smem:$0x3F9F] =	sst s1;
	(tag) =	ssettag s2;
	_ =	strace s9  }
0x27: {  	s1 =	sld [smem:$0x3FAF]  }
0x28: {  	s2 =	sld [smem:$0x3FB0]  }
0x29: {  	s4 =	sld [smem:$0x3FB2]  }
0x2a: {  	p0 =	seq.s32 s5, $0x0;
	s5 =	sld [smem:$0x3FB3]  }
0x2b: {  	s6 =	sld [smem:$0x3FB4]  }
0x2c: {  	s7 =	sld [smem:$0x3FB5]  }
0x2d: {  	s3 =	simm.s32 $0x108;
	s8 =	sld [smem:$0x3FB6]  }
0x2e: {  	s3 =	simm.s32 @!p0 $0x1082;
	s9 =	sld [smem:$0x3FB7]  }
0x2f: {  	lr =	sadd.s32 s0, s3;
	s0 =	sld [smem:$0x3FAE]  }
0x30: {  	s3 =	sld [smem:$0x3FB1]  }
0x31: {  	[smem:$0x3FBA] =	sst s10  }
0x32: {  	s10 =	sld [smem:$0x3FB8];
	_ =	sdelay $0x3  }
0x33: {  	p0 =	seq.s32 s10, $0x1;
	s10 =	sld [smem:$0x3FBA];
	_ =	sdelay $0x3  }
0x34: {  	[smem:$0x3FBA] =	sst s10  }
0x35: {  	s10 =	sld [smem:$0x3FB9];
	_ =	sdelay $0x3  }
0x36: {  	p1 =	seq.s32 s10, $0x1;
	s10 =	sld [smem:$0x3FBA];
	_ =	sdelay $0x3  }
0x37: {  	[smem:$0x3FBA] =	sst s10  }
0x38: {  	s10 =	sld [smem:$0x3FBB]  }
0x39: {  	_ = 	snop;
	(pc) =	sbr.ind lr, $3  }
0x3a: {  	_ = 	snop  }
0x3b: {  	_ = 	snop  }
0x3c: {  	p2 =	seq.s32 s10, $0x1;
	s10 =	sld [smem:$0x3FBA]  }
0x3d: {  	_ =	shalt  }
0x3e: {  	_ =	shalt  }
0x3f: {  	_ =	shalt  }
0x40: {  	_ =	shalt  }
0x41: {  	_ =	shalt  }
0x42: {  	_ =	shalt  }
0x43: {  	_ =	shalt  }
0x44: {  	_ =	shalt  }
0x45: {  	_ =	shalt  }
0x46: {  	_ =	shalt  }
0x47: {  	_ =	shalt  }
0x48: {  	_ =	shalt  }
0x49: {  	_ =	shalt  }
0x4a: {  	_ =	shalt  }
0x4b: {  	_ =	shalt  }
0x4c: {  	_ =	shalt  }
0x4d: {  	_ =	shalt  }
0x4e: {  	_ =	shalt  }
0x4f: {  	_ =	shalt  }
0x50: {  	_ =	shalt  }
0x51: {  	_ =	shalt  }
0x52: {  	_ =	shalt  }
0x53: {  	_ =	shalt  }
0x54: {  	_ =	shalt  }
0x55: {  	_ =	shalt  }
0x56: {  	_ =	shalt  }
0x57: {  	_ =	shalt  }
0x58: {  	_ =	shalt  }
0x59: {  	_ =	shalt  }
0x5a: {  	_ =	shalt  }
0x5b: {  	_ =	shalt  }
0x5c: {  	_ =	shalt  }
0x5d: {  	_ =	shalt  }
0x5e: {  	_ =	shalt  }
0x5f: {  	_ =	shalt  }
0x60: {  	_ =	shalt  }
0x61: {  	_ =	shalt  }
0x62: {  	_ =	shalt  }
0x63: {  	_ =	shalt  }
0x64: {  	_ =	shalt  }
0x65: {  	_ =	shalt  }
0x66: {  	_ =	shalt  }
0x67: {  	_ =	shalt  }
0x68: {  	_ =	shalt  }
0x69: {  	_ =	shalt  }
0x6a: {  	_ =	shalt  }
0x6b: {  	_ =	shalt  }
0x6c: {  	_ =	shalt  }
0x6d: {  	_ =	shalt  }
0x6e: {  	_ =	shalt  }
0x6f: {  	_ =	shalt  }
0x70: {  	_ =	shalt  }
0x71: {  	_ =	shalt  }
0x72: {  	_ =	shalt  }
0x73: {  	_ =	shalt  }
0x74: {  	_ =	shalt  }
0x75: {  	_ =	shalt  }
0x76: {  	_ =	shalt  }
0x77: {  	_ =	shalt  }
0x78: {  	_ =	shalt  }
0x79: {  	_ =	shalt  }
0x7a: {  	_ =	shalt  }
0x7b: {  	_ =	shalt  }
0x7c: {  	_ =	shalt  }
0x7d: {  	_ =	shalt  }
0x7e: {  	_ =	shalt  }
0x7f: {  	_ =	shalt  }
0x80: {  	_ =	shalt  }
0x81: {  	_ =	shalt  }
0x82: {  	_ =	shalt  }
0x83: {  	_ =	shalt  }
0x84: {  	_ =	shalt  }
0x85: {  	_ =	shalt  }
0x86: {  	_ =	shalt  }
0x87: {  	_ =	shalt  }
.Lfunc_end0:
.L_simem_size_0:
called_computation_lowered:
.L_overlay_start_0:
0x88: {  	s2 =	sld [smem:$0x3FD9]  }
0x89: {  	s3 =	sld [smem:$0x3FFE];
	_ =	sdelay $0x1  }
0x8a: {  	s1 =	srdreg.scid  }
0x8b: {  	s0 =	sand.u32 $0x1, s1  }
0x8c: {  	s17 =	sshll.u32 s0, $0xA;
	s2 =	sadd.s32 s3, s2  }
0x8d: {  	s2 =	sadd.s32 s2, s17  }
0x8e: {  	[smem:$0x3FC6] =	sst s2  }
0x8f: {  	_ = 	snop  }
0x90: {  	s2 =	sld [smem:$0x3FC9]  }
0x91: {  	s18 =	sld [smem:$0x3FD0];
	(tm) =	ssettm $0x1  }
0x92: {  	s4 =	sld [smem:$0x3FFB];
	_ =	sdelay $0x3  }
0x93: {  	_ =	strace s4  }
0x94: {  	s4 =	sld [smem:$0x3FFC];
	_ =	sdelay $0x3  }
0x95: {  	_ =	strace s4  }
0x96: {  	s4 =	sld [smem:$0x3FFD];
	_ =	sdelay $0x3  }
0x97: {  	_ =	strace s4  }
0x98: {  	_ =	strace $0x8FFFFFFF  }
0x99: {  	s19 =	sld [smem:$0x3FDB];
	_ =	sdelay $0x1  }
0x9a: {  	s5 =	simm.s32 $_scs_section_size  }
0x9b: {  	s6 =	simm.s32 $_size__tile_overlayer_lowered;
	s7 =	simm.s32 $_tile_overlayer_lowered  }
0x9c: {  	s22 =	simm.s32 $0x1BFF;
	s21 =	sshll.u32 s7, $0x1;
	s4 =	sadd.s32 s5, s19  }
0x9d: {  	s8 =	simm.s32 $0x0;
	s20 =	sshll.u32 s6, $0x1;
	s6 =	sadd.s32 s21, s4  }
0x9e: {  	[timem:s8], [sflag:s22] =	dma.local [hbm:s6], s20  }
0x9f: {  	_ =	swait.ge [sflag:s22], s20  }
0xa0: {  	s5 =	ssub.s32 $0x0, s20;
	[sflag:s22] =	ssyncset.done $0x0  }
0xa1: {  	[sflag:s22] =	ssyncadd.s32 s5;
	_ =	sdelay $0x1  }
0xa2: {  	s23 =	simm.s32 $0x1B8B  }
0xa3: {  	_ =	swait.ge [sflag:s23], $0x1  }
0xa4: {  	[sflag:s23] =	ssyncset.done $0x0  }
0xa5: {  	s25 =	simm.s32 $0x1B8E;
	s24 =	sld [smem:$0x3FFE];
	[sflag:s23] =	ssyncadd.s32 $0xFFFFFFFF  }
0xa6: {  	s26 =	simm.s32 $execute0_lowered;
	[smem:$0x3FD2] =	sst s25  }
0xa7: {  	s6 =	sshll.u32 s26, $0x1;
	_ =	strace $0x80000046;
	[dreg:$0x1] =	wrdreg $0xFFFFFFFF  }
0xa8: {  	s28 =	simm.s32 $_size_execute0_lowered;
	s4 =	sadd.s32 s4, s6;
	[dreg:$0x0] =	wrdreg $0x0  }
0xa9: {  	s6 =	sshll.u32 s28, $0x1;
	[dreg:$0x2] =	wrdreg s4  }
0xaa: {  	[dreg:$0x3] =	wrdreg s6  }
0xab: {  	[dreg:$0x4] =	wrdreg $0xC0  }
0xac: {  	_ =	task [dreg:s8], $0x5FFFF  }
0xad: {  	[dreg:$0x1] =	wrdreg $0xFFFFFFFF  }
0xae: {  	[dreg:$0x0] =	wrdreg $0x60  }
0xaf: {  	[dreg:$0x2] =	wrdreg s2  }
0xb0: {  	[dreg:$0x3] =	wrdreg s24  }
0xb1: {  	[dreg:$0x4] =	wrdreg s18  }
0xb2: {  	[dreg:$0x5] =	wrdreg $0x9  }
0xb3: {  	_ =	task.clear_ibuf [dreg:s8], $0x6FFFF;
	_ =	strace $0x90000046  }
0xb4: {  	s29 =	simm.s32 $0x9;
	_ =	strace $0x80000048  }
0xb5: {  	_ =	swait.ge [sflag:s29], $0x1  }
0xb6: {  	[sflag:s29] =	ssyncadd.s32 $0xFFFFFFFF  }
0xb7: {  	_ =	strace $0x90000048  }
0xb8: {  	_ =	sfence  }
0xb9: {  	s30 =	sld [smem:$0x0];
	_ =	sdelay $0x2  }
0xba: {  	s31 =	sshll.u32 s1, $0xD;
	s1 =	sshrl.u32 s1, $0x2  }
0xbb: {  	s3 =	sand.u32 $0x4000, s31;
	s1 =	sadd.s32 s1, s30  }
0xbc: {  	s0 =	sor.u32 s3, s0;
	s1 =	sshll.u32 s1, $0x11  }
0xbd: {  	s0 =	sor.u32 s1, s0  }
0xbe: {  	s0 =	sadd.s32 $0x8F2B, s0  }
0xbf: {  	[sflag:s0] =	ssyncadd.remote.s32 $0x1  }
0xc0: {  	_ =	sfence.sel $0xFFFF  }
0xc1: {  	[dreg:$0x0] =	wrdreg $0xFFFFFFFF;
	(pc) =	sbr.abs _section_cstart, $3  }
0xc2: {  	[dreg:$0x1] =	wrdreg $0xFFFFFFFF  }
0xc3: {  	_ =	task.clear_ibuf [dreg:s8], $0x2FFFF;
	_ =	strace $0x9FFFFFFF  }
0xc4: {  	(tm) =	ssettm $0x7FFFFFFF  }
0xc5: {  	_ =	shalt  }
tec
execute0_lowered:
.L_overlay_start_1:
0x0: {  	(tag) =	ssettag $0x1  }
0x1: {  	s0 =	rddreg [dreg:$0x0]  }
0x2: {  	s1 =	rddreg [dreg:$0x1]  }
0x3: {  	s6 =	rddreg [dreg:$0x2];
	s2 =	srdreg.scid;
	s3 =	simm.s32 $0x0  }
0x4: {  	s4 =	stileid.u32;
	[smem:$0x7FF] =	sst s3;
	s14 =	sadd.s32 $0x1000, s6  }
0x5: {  	s15 =	sadd.s32 $0x2000, s6;
	_ =	strace $0x80000047;
	[dreg:$0x5] =	wrdreg s14  }
0x6: {  	s28 =	simm.s32 $0xCC00;
	s16 =	sadd.s32 $0x3000, s6;
	[dreg:$0x6] =	wrdreg s15  }
0x7: {  	s29 =	simm.s32 $0xD000;
	s18 =	sadd.s32 $0x4000, s6;
	[dreg:$0x7] =	wrdreg s16  }
0x8: {  	s30 =	simm.s32 $0xD400;
	s19 =	sadd.s32 $0x5000, s6;
	[dreg:$0x8] =	wrdreg s18  }
0x9: {  	s31 =	simm.s32 $0xD800;
	s20 =	sadd.s32 $0x6000, s6;
	[dreg:$0x9] =	wrdreg s19  }
0xa: {  	s7 =	simm.s32 $0x4;
	s21 =	sadd.s32 $0x7000, s6;
	[dreg:$0xa] =	wrdreg s20  }
0xb: {  	s8 =	simm.s32 $0x6;
	s22 =	sadd.s32 $0x8000, s6;
	[dreg:$0xb] =	wrdreg s21  }
0xc: {  	s10 =	simm.s32 $0x0;
	s23 =	sadd.s32 $0x9000, s6;
	[dreg:$0xc] =	wrdreg s22  }
0xd: {  	s2 =	sand.u32 $0x1, s2;
	s24 =	sadd.s32 $0xA000, s6;
	[dreg:$0xd] =	wrdreg s23  }
0xe: {  	s4 =	sshll.u32 s4, $0xB;
	s25 =	sadd.s32 $0xB000, s6;
	[dreg:$0xe] =	wrdreg s24  }
0xf: {  	s5 =	sshll.u32 s2, $0xA;
	s2 =	ssub.s32 $0x2, s2;
	[dreg:$0xf] =	wrdreg s25  }
0x10: {  	s18 =	sadd.s32 $0xC000, s6;
	s19 =	sadd.s32 $0xD000, s6;
	s20 =	sadd.s32 $0xE000, s6  }
0x11: {  	s21 =	sadd.s32 $0xF000, s6;
	s23 =	simm.s32 $0x1;
	s24 =	simm.s32 $0xA400  }
0x12: {  	v0 =	vlaneseq.u32;
	s6 =	simm.s32 $0xDC00;
	s22 =	simm.s32 $0xE000;
	s25 =	simm.s32 $0xE400  }
0x13: {  	v0 =	vmul.u32 $0x28, v0;
	s4 =	sor.u32 s5, s4;
	s5 =	sadd.s32 $0xF42800, s1;
	s13 =	sshrl.u32 s2, $0x1  }
0x14: {  	s17 =	smov.u32 s4;
	s4 =	sshrl.u32 s4, $0x3;
	s1 =	ssub.s32 s2, s13  }
0x15: {  	v1 =	vadd.s32 $0x280, v0;
	s2 =	simm.s32 $0x3;
	s0 =	sadd.s32 s0, s4;
	s26 =	smax.u32 s1, $0x1  }
0x16: {  	v2 =	vadd.s32 $0x500, v0;
	v3 =	vadd.s32 $0x780, v0;
	v4 =	vadd.s32 $0xA00, v0;
	s1 =	simm.s32 $0xB800;
	s4 =	simm.s32 $0x5;
	[dreg:$0x4] =	wrdreg s0  }
0x17: {  	v5 =	vadd.s32 $0xC80, v0;
	v6 =	vadd.s32 $0xF00, v0;
	v7 =	vadd.s32 $0x1180, v0;
	[dreg:$0x10] =	wrdreg s26;
	s0 =	simm.s32 $0x2;
	s26 =	simm.s32 $0xE800  }
.LBB2_1:
0x18: {  	[dreg:$0x11] =	wrdreg s10  }
0x19: {  	s9 =	rddreg [dreg:$0x4]  }
0x1a: {  	s16 =	simm.s32 $0x400;
	s11 =	simm.s32 $0x8000;
	s10 =	simm.s32 $0x7  }
0x1b: {  	[tilespmem:s3], [sflag:$0x7] =	stream.strided.gather [hbm4b:s9+s16], $0x6400, s11, s16, $0x38;
	[tilespmem:$0xEC00] =	vst v63  }
0x1c: {  	_ =	swait.ge [sflag:s10], $0x6400  }
0x1d: {  	[sflag:s10] =	ssyncset.done $0x0  }
0x1e: {  	s9 =	simm.s32 $0x80;
	s11 =	simm.s32 $0x6400;
	[sflag:s10] =	ssyncadd.s32 $0xFFFF9C00  }
0x1f: {  	[tilespmem:s11], [sflag:$0x1] =	stream.indirect.gather [hbm4b:s5+s9], $0x20, s3, s9, $0xb8;
	[tilespmem:$0xEC00] =	vst v63  }
0x20: {  	s12 =	simm.s32 $0x7400  }
0x21: {  	[tilespmem:s12], [sflag:$0x2] =	stream.indirect.gather [hbm4b:s5+s9], $0x20, s9, s9, $0xb8;
	[tilespmem:$0xEC00] =	vst v63  }
0x22: {  	s13 =	simm.s32 $0x100;
	s14 =	simm.s32 $0x8400  }
0x23: {  	[tilespmem:s14], [sflag:$0x3] =	stream.indirect.gather [hbm4b:s5+s9], $0x20, s13, s9, $0xb8;
	[tilespmem:$0xEC00] =	vst v63  }
0x24: {  	s15 =	simm.s32 $0x180;
	s16 =	simm.s32 $0x9400  }
0x25: {  	[tilespmem:s16], [sflag:$0x4] =	stream.indirect.gather [hbm4b:s5+s9], $0x20, s15, s9, $0xb8;
	[tilespmem:$0xEC00] =	vst v63  }
0x26: {  	s9 =	simm.s32 $0x0  }
.LBB2_2:
0x27: {  	_ =	swait.ge [sflag:s23], $0x1000  }
0x28: {  	[sflag:s23] =	ssyncset.done $0x0  }
0x29: {  	s13 =	simm.s32 $0x6440;
	[sflag:s23] =	ssyncadd.s32 $0xFFFFF000  }
0x2a: {  	v8 =	vld [tilespmem:s13+$0x20]  }
0x2b: {  	v9 =	vld [tilespmem:s13+$0xFFFFFFE0]  }
0x2c: {  	v10 =	vld [tilespmem:s13+$0x0];
	_ =	sdelay $0x1  }
0x2d: {  	s10 =	simm.s32 $0xA450;
	s11 =	simm.s32 $0x64C0;
	v11 =	vld [tilespmem:s13+$0xFFFFFFC0]  }
0x2e: {  	v13 =	vld [tilespmem:s11+$0x20];
	[tilespmem:s10+$0x28] =	vst v8  }
0x2f: {  	[tilespmem:s10+$0xFFFFFFD8] =	vst v9;
	v8 =	vld [tilespmem:s13+$0x30]  }
0x30: {  	[tilespmem:s10+$0x0] =	vst v10;
	v10 =	vld [tilespmem:s11+$0xFFFFFFE0]  }
0x31: {  	v12 =	vld [tilespmem:s13+$0xFFFFFFF0]  }
0x32: {  	s12 =	simm.s32 $0xA4F0;
	v14 =	vld [tilespmem:s11+$0x0];
	[tilespmem:s10+$0xFFFFFFB0] =	vst v11  }
0x33: {  	v9 =	vld [tilespmem:s11+$0xFFFFFFC0];
	[tilespmem:s12+$0x28] =	vst v13  }
0x34: {  	[tilespmem:s10+$0x38] =	vst v8;
	v8 =	vld [tilespmem:s13+$0xFFFFFFD0]  }
0x35: {  	v11 =	vld [tilespmem:s13+$0x10];
	[tilespmem:s12+$0xFFFFFFD8] =	vst v10  }
0x36: {  	[tilespmem:s10+$0xFFFFFFE8] =	vst v12;
	v12 =	vld [tilespmem:s11+$0x30]  }
0x37: {  	s14 =	simm.s32 $0x6540;
	[tilespmem:s12+$0x0] =	vst v14;
	s13 =	simm.s32 $0x4;
	v10 =	vld [tilespmem:s11+$0xFFFFFFF0]  }
.LBB2_3:
0x38: {  	v13 =	vld [tilespmem:s14+$0x20];
	s13 =	sadd.s32 $0x4, s13;
	[tilespmem:s12+$0xFFFFFFB0] =	vst v9  }
0x39: {  	v14 =	vld [tilespmem:s14+$0xFFFFFFE0];
	p0 =	slt.u32 s13, $0x7C;
	[tilespmem:s10+$0xFFFFFFC0] =	vst v8  }
0x3a: {  	v15 =	vld [tilespmem:s14+$0x0];
	[tilespmem:s10+$0x10] =	vst v11;
	s10 =	smov.u32 s12  }
.Ltmp0:
0x3b: {  	v9 =	vld [tilespmem:s14+$0xFFFFFFC0];
	[tilespmem:s12+$0x38] =	vst v12;
	(pc) =	sbr.rel @p0 .LBB2_3-.Ltmp0, $4  }
0x3c: {  	s12 =	sadd.s32 $0xA0, s12;
	v8 =	vld [tilespmem:s11+$0xFFFFFFD0];
	[tilespmem:s10+$0xFFFFFFE8] =	vst v10  }
0x3d: {  	[tilespmem:s12+$0x28] =	vst v13;
	v11 =	vld [tilespmem:s11+$0x10];
	s11 =	smov.u32 s14  }
0x3e: {  	[tilespmem:s12+$0xFFFFFFD8] =	vst v14;
	v12 =	vld [tilespmem:s14+$0x30]  }
0x3f: {  	s14 =	sadd.s32 $0x80, s14;
	v10 =	vld [tilespmem:s11+$0xFFFFFFF0];
	[tilespmem:s12+$0x0] =	vst v15  }
0x40: {  	[tilespmem:s12+$0xFFFFFFB0] =	vst v9  }
0x41: {  	v9 =	vld [tilespmem:s11+$0xFFFFFFD0]  }
0x42: {  	[tilespmem:s10+$0xFFFFFFC0] =	vst v8;
	v8 =	vld [tilespmem:s11+$0x10]  }
0x43: {  	[tilespmem:s10+$0x10] =	vst v11  }
0x44: {  	p0 =	seq.s32 s9, $0x31;
	s10 =	sshll.u32 s9, $0x2;
	[tilespmem:s12+$0x38] =	vst v12  }
0x45: {  	s10 =	sshll.u32 @!p0 s10, $0x7;
	[tilespmem:s12+$0xFFFFFFE8] =	vst v10  }
0x46: {  	s13 =	simm.s32 @!p0 $0x6400;
	p1 =	seq.s32 @!p0 s9, $0x0;
	s11 =	sadd.s32 @!p0 $0x200, s10;
	[tilespmem:s12+$0xFFFFFFC0] =	vst v9  }
0x47: {  	p1 =	por p0, !p1;
	s11 =	sand.u32 @!p0 $0xFE00, s11;
	[tilespmem:s12+$0x10] =	vst v8;
	s12 =	simm.s32 @!p0 $0x80  }
0x48: {  	[tilespmem:s13], [sflag:$0x1] =	stream.indirect.gather @!p0 [hbm4b:s5+s12], $0x20, s11, s12, $0xb8;
	[tilespmem:$0xEC00] =	vst v63  }
0x49: {  	_ =	swait.ge @p1 [sflag:s4], $0x400  }
0x4a: {  	[sflag:s4] =	ssyncset.done @p1 $0x0  }
0x4b: {  	[sflag:s4] =	ssyncadd.s32 @p1 $0xFFFFFC00  }
0x4c: {  	_ =	swait.ge @p1 [sflag:s4], $0x400  }
0x4d: {  	s14 =	simm.s32 $0x3;
	[sflag:s4] =	ssyncset.done @p1 $0x0  }
0x4e: {  	s15 =	simm.s32 $0x1;
	v8 =	vmov s14;
	[sflag:s4] =	ssyncadd.s32 @p1 $0xFFFFFC00  }
0x4f: {  	s16 =	simm.s32 $0x2;
	v9 =	vmov s15;
	v14 =	vand.u32 $0x1F, v8;
	_ =	swait.ge @p1 [sflag:s4], $0x400  }
0x50: {  	v16 =	vand.u32 $0x1D, v9;
	v8 =	vmov s16;
	v9 =	vadd.s32 v0, v14;
	[sflag:s4] =	ssyncset.done @p1 $0x0  }
0x51: {  	s12 =	simm.s32 $0x0;
	v10 =	vadd.s32 v0, v16;
	v17 =	vand.u32 $0x1E, v8;
	[sflag:s4] =	ssyncadd.s32 @p1 $0xFFFFFC00  }
0x52: {  	v8 =	vmov s12;
	v11 =	vadd.s32 v0, v17;
	_ =	swait.ge @p1 [sflag:s4], $0x400  }
0x53: {  	v13 =	vand.u32 $0x1C, v8;
	[sflag:s4] =	ssyncset.done @p1 $0x0  }
0x54: {  	v8 =	vadd.s32 v0, v13;
	[sflag:s4] =	ssyncadd.s32 @p1 $0xFFFFFC00  }
0x55: {  	v9 =	vld.idx.msk [tilespmem:v9+s24+$0x0], $0xffff  }
0x56: {  	v12 =	vadd.s32 v1, v14;
	v10 =	vld.idx.msk [tilespmem:v10+s24+$0x0], $0xffff  }
0x57: {  	v15 =	vadd.s32 v1, v16;
	v11 =	vld.idx.msk [tilespmem:v11+s24+$0x0], $0xffff  }
0x58: {  	v18 =	vadd.s32 v1, v17  }
0x59: {  	s12 =	simm.s32 $0xCD00;
	v8 =	vld.idx.msk [tilespmem:v8+s24+$0x0], $0xffff  }
0x5a: {  	v19 =	vadd.s32 v1, v13;
	[tilespmem:s12+$0x80] =	vst v9  }
0x5b: {  	[tilespmem:s12+$0xFFFFFF80] =	vst v10;
	v9 =	vld.idx.msk [tilespmem:v12+s24+$0x0], $0xffff  }
0x5c: {  	[tilespmem:s12+$0x0] =	vst v11;
	v11 =	vadd.s32 v2, v14;
	v10 =	vld.idx.msk [tilespmem:v15+s24+$0x0], $0xffff  }
0x5d: {  	v12 =	vld.idx.msk [tilespmem:v18+s24+$0x0], $0xffff;
	v15 =	vadd.s32 v2, v16  }
0x5e: {  	[tilespmem:s12+$0xFFFFFF00] =	vst v8;
	v8 =	vadd.s32 v2, v17  }
0x5f: {  	v18 =	vld.idx.msk [tilespmem:v19+s24+$0x0], $0xffff  }
0x60: {  	v19 =	vadd.s32 v2, v13;
	[tilespmem:s12+$0x90] =	vst v9  }
0x61: {  	[tilespmem:s12+$0xFFFFFF90] =	vst v10;
	v10 =	vld.idx.msk [tilespmem:v11+s24+$0x0], $0xffff  }
0x62: {  	s13 =	simm.s32 $0x4;
	[tilespmem:s12+$0x10] =	vst v12;
	v12 =	vadd.s32 v3, v14;
	v11 =	vld.idx.msk [tilespmem:v15+s24+$0x0], $0xffff  }
0x63: {  	v20 =	vadd.s32 v3, v16;
	v9 =	vmov s13;
	v15 =	vld.idx.msk [tilespmem:v8+s24+$0x0], $0xffff  }
0x64: {  	s14 =	simm.s32 $0x5;
	[tilespmem:s12+$0xFFFFFF10] =	vst v18;
	v18 =	vadd.s32 v3, v17;
	v8 =	vand.u32 $0x1C, v9  }
0x65: {  	v9 =	vmov s14;
	v19 =	vld.idx.msk [tilespmem:v19+s24+$0x0], $0xffff;
	v21 =	vadd.s32 v0, v8  }
0x66: {  	v22 =	vadd.s32 v3, v13;
	v9 =	vand.u32 $0x1D, v9;
	[tilespmem:s12+$0xA0] =	vst v10  }
0x67: {  	v10 =	vadd.s32 v0, v9;
	[tilespmem:s12+$0xFFFFFFA0] =	vst v11;
	v11 =	vld.idx.msk [tilespmem:v12+s24+$0x0], $0xffff  }
0x68: {  	s15 =	simm.s32 $0x7;
	[tilespmem:s12+$0x20] =	vst v15;
	v15 =	vadd.s32 v4, v14;
	v20 =	vld.idx.msk [tilespmem:v20+s24+$0x0], $0xffff  }
0x69: {  	v23 =	vadd.s32 v4, v16;
	v18 =	vld.idx.msk [tilespmem:v18+s24+$0x0], $0xffff;
	v12 =	vmov s15  }
0x6a: {  	s16 =	simm.s32 $0x6;
	[tilespmem:s12+$0xFFFFFF20] =	vst v19;
	v19 =	vadd.s32 v4, v17;
	v21 =	vld.idx.msk [tilespmem:v21+s24+$0x0], $0xffff;
	v12 =	vand.u32 $0x1F, v12  }
0x6b: {  	v24 =	vmov s16;
	v22 =	vld.idx.msk [tilespmem:v22+s24+$0x0], $0xffff;
	v25 =	vadd.s32 v0, v12  }
0x6c: {  	v26 =	vld.idx.msk [tilespmem:v10+s24+$0x0], $0xffff;
	v10 =	vand.u32 $0x1E, v24;
	v24 =	vadd.s32 v4, v13;
	[tilespmem:s12+$0xB0] =	vst v11  }
0x6d: {  	[tilespmem:s12+$0xFFFFFFB0] =	vst v20;
	v20 =	vadd.s32 v0, v10;
	v15 =	vld.idx.msk [tilespmem:v15+s24+$0x0], $0xffff  }
0x6e: {  	s13 =	simm.s32 $0x8;
	[tilespmem:s12+$0x30] =	vst v18;
	v18 =	vadd.s32 v5, v14;
	v23 =	vld.idx.msk [tilespmem:v23+s24+$0x0], $0xffff  }
0x6f: {  	v27 =	vadd.s32 v5, v16;
	v11 =	vmov s13;
	v19 =	vld.idx.msk [tilespmem:v19+s24+$0x0], $0xffff  }
0x70: {  	[tilespmem:s12+$0xFFFFFF30] =	vst v22;
	v11 =	vand.u32 $0x1C, v11;
	v22 =	vld.idx.msk [tilespmem:v25+s24+$0x0], $0xffff;
	v25 =	vadd.s32 v5, v17  }
0x71: {  	v28 =	vadd.s32 v0, v11;
	v24 =	vld.idx.msk [tilespmem:v24+s24+$0x0], $0xffff  }
0x72: {  	v29 =	vadd.s32 v1, v12;
	v20 =	vld.idx.msk [tilespmem:v20+s24+$0x0], $0xffff;
	[tilespmem:s12+$0xC0] =	vst v15  }
0x73: {  	v30 =	vadd.s32 v1, v9;
	[tilespmem:s12+$0xFFFFFFC0] =	vst v23;
	v18 =	vld.idx.msk [tilespmem:v18+s24+$0x0], $0xffff  }
0x74: {  	s11 =	simm.s32 $0xCF00;
	[tilespmem:s12+$0x40] =	vst v19;
	v27 =	vld.idx.msk [tilespmem:v27+s24+$0x0], $0xffff  }
0x75: {  	[tilespmem:s11+$0xFFFFFF80] =	vst v26;
	v26 =	vadd.s32 v5, v13;
	v19 =	vld.idx.msk [tilespmem:v25+s24+$0x0], $0xffff  }
0x76: {  	v23 =	vadd.s32 v1, v10;
	v15 =	vld.idx.msk [tilespmem:v28+s24+$0x0], $0xffff;
	[tilespmem:s11+$0x80] =	vst v22  }
0x77: {  	v28 =	vadd.s32 v1, v8;
	v22 =	vld.idx.msk [tilespmem:v29+s24+$0x0], $0xffff  }
0x78: {  	[tilespmem:s11+$0xFFFFFF00] =	vst v21;
	v25 =	vadd.s32 v6, v14;
	v29 =	vld.idx.msk [tilespmem:v30+s24+$0x0], $0xffff  }
0x79: {  	v21 =	vadd.s32 v2, v9;
	[tilespmem:s12+$0xFFFFFF40] =	vst v24  }
0x7a: {  	[tilespmem:s11+$0x0] =	vst v20;
	v20 =	vadd.s32 v6, v16;
	v24 =	vld.idx.msk [tilespmem:v26+s24+$0x0], $0xffff  }
0x7b: {  	v61 =	vadd.s32 v2, v12;
	v23 =	vld.idx.msk [tilespmem:v23+s24+$0x0], $0xffff;
	[tilespmem:s12+$0xD0] =	vst v18  }
0x7c: {  	v31 =	vadd.s32 v2, v10;
	v28 =	vld.idx.msk [tilespmem:v28+s24+$0x0], $0xffff;
	[tilespmem:s12+$0xFFFFFFD0] =	vst v27  }
0x7d: {  	v26 =	vadd.s32 v2, v8;
	v25 =	vld.idx.msk [tilespmem:v25+s24+$0x0], $0xffff;
	[tilespmem:s11+$0xFFFFFF90] =	vst v29  }
0x7e: {  	v14 =	vadd.s32 v7, v14;
	[tilespmem:s12+$0x50] =	vst v19;
	v27 =	vld.idx.msk [tilespmem:v21+s24+$0x0], $0xffff  }
0x7f: {  	[tilespmem:s11+$0x90] =	vst v22;
	v22 =	vadd.s32 v6, v17;
	v18 =	vld.idx.msk [tilespmem:v20+s24+$0x0], $0xffff  }
0x80: {  	v20 =	vld.idx.msk [tilespmem:v61+s24+$0x0], $0xffff;
	[tilespmem:s11+$0x10] =	vst v23;
	v23 =	vadd.s32 v6, v13  }
0x81: {  	s14 =	simm.s32 $0x9;
	v62 =	vadd.s32 v3, v12;
	v29 =	vld.idx.msk [tilespmem:v31+s24+$0x0], $0xffff;
	[tilespmem:s11+$0xFFFFFF10] =	vst v28  }
0x82: {  	v21 =	vmov s14;
	[tilespmem:s12+$0xE0] =	vst v25;
	v25 =	vadd.s32 v3, v9;
	v63 =	vld.idx.msk [tilespmem:v26+s24+$0x0], $0xffff  }
0x83: {  	v32 =	vadd.s32 v3, v10;
	[tilespmem:s12+$0xFFFFFF50] =	vst v24;
	v28 =	vld.idx.msk [tilespmem:v14+s24+$0x0], $0xffff;
	v14 =	vand.u32 $0x1D, v21  }
0x84: {  	v21 =	vld.idx.msk [tilespmem:v22+s24+$0x0], $0xffff;
	[tilespmem:s11+$0xFFFFFFA0] =	vst v27;
	v33 =	vadd.s32 v0, v14  }
0x85: {  	v27 =	vadd.s32 v3, v8;
	[tilespmem:s11+$0xA0] =	vst v20;
	v19 =	vld.idx.msk [tilespmem:v23+s24+$0x0], $0xffff  }
0x86: {  	v26 =	vadd.s32 v7, v16;
	v22 =	vld.idx.msk [tilespmem:v62+s24+$0x0], $0xffff  }
0x87: {  	v24 =	vadd.s32 v7, v17;
	[tilespmem:s11+$0x20] =	vst v29;
	v20 =	vld.idx.msk [tilespmem:v25+s24+$0x0], $0xffff  }
0x88: {  	v23 =	vadd.s32 v4, v12;
	v17 =	vld.idx.msk [tilespmem:v32+s24+$0x0], $0xffff;
	[tilespmem:s11+$0xFFFFFF20] =	vst v63  }
0x89: {  	s15 =	simm.s32 $0xB;
	s14 =	simm.s32 $0xC;
	v25 =	vadd.s32 v4, v9;
	[tilespmem:s12+$0xF0] =	vst v28;
	v16 =	vld.idx.msk [tilespmem:v33+s24+$0x0], $0xffff  }
.LBB2_5:
0x8a: {  	p2 =	slt.u32 s14, $0x1C;
	v28 =	vmov s15;
	v27 =	vld.idx.msk [tilespmem:v27+s24+$0x0], $0xffff;
	v29 =	vadd.s32 v4, v10;
	[tilespmem:s12+$0xFFFFFFE0] =	vst v18  }
0x8b: {  	s15 =	sadd.s32 $0x2, s13;
	s13 =	smov.u32 s14;
	v18 =	vand.u32 $0x1F, v28;
	v28 =	vadd.s32 v7, v13;
	v26 =	vld.idx.msk [tilespmem:v26+s24+$0x0], $0xffff;
	[tilespmem:s12+$0x60] =	vst v21;
	v13 =	vmovc v8;
	v8 =	vmov v11  }
0x8c: {  	v11 =	vmov s15;
	v21 =	vadd.s32 v0, v18;
	[tilespmem:s11+$0xB0] =	vst v22;
	v22 =	vld.idx.msk [tilespmem:v24+s24+$0x0], $0xffff  }
0x8d: {  	v30 =	vand.u32 $0x1E, v11;
	v24 =	vadd.s32 v4, v13;
	[tilespmem:s11+$0xFFFFFFB0] =	vst v20;
	v20 =	vld.idx.msk [tilespmem:v23+s24+$0x0], $0xffff  }
0x8e: {  	v23 =	vadd.s32 v0, v30;
	v25 =	vld.idx.msk [tilespmem:v25+s24+$0x0], $0xffff;
	[tilespmem:s11+$0x30] =	vst v17  }
0x8f: {  	v17 =	vld.idx.msk [tilespmem:v29+s24+$0x0], $0xffff;
	v29 =	vadd.s32 v5, v12;
	[tilespmem:s12+$0xFFFFFF60] =	vst v19  }
0x90: {  	v11 =	vmov s14;
	v19 =	vadd.s32 v5, v9;
	[tilespmem:s11+$0xFFFFFF30] =	vst v27;
	v27 =	vld.idx.msk [tilespmem:v28+s24+$0x0], $0xffff  }
0x91: {  	v11 =	vand.u32 $0x1C, v11;
	v28 =	vadd.s32 v5, v10;
	v21 =	vld.idx.msk [tilespmem:v21+s24+$0x0], $0xffff;
	[tilespmem:s12+$0xFFFFFFF0] =	vst v26  }
0x92: {  	v26 =	vadd.s32 v0, v11;
	v24 =	vld.idx.msk [tilespmem:v24+s24+$0x0], $0xffff;
	[tilespmem:s12+$0x70] =	vst v22  }
0x93: {  	v22 =	vld.idx.msk [tilespmem:v23+s24+$0x0], $0xffff;
	v23 =	vadd.s32 v1, v18;
	[tilespmem:s11+$0xC0] =	vst v20  }
0x94: {  	v20 =	vadd.s32 v1, v14;
	[tilespmem:s11+$0xFFFFFFC0] =	vst v25;
	v25 =	vld.idx.msk [tilespmem:v29+s24+$0x0], $0xffff  }
0x95: {  	v29 =	vadd.s32 v1, v30;
	v19 =	vld.idx.msk [tilespmem:v19+s24+$0x0], $0xffff;
	[tilespmem:s11+$0x40] =	vst v17  }
0x96: {  	v17 =	vld.idx.msk [tilespmem:v28+s24+$0x0], $0xffff;
	v28 =	vadd.s32 v6, v12;
	[tilespmem:s12+$0xFFFFFF70] =	vst v27;
	s12 =	smov.u32 s11;
	s11 =	sadd.s32 $0x200, s11  }
0x97: {  	v27 =	vadd.s32 v1, v8;
	v26 =	vld.idx.msk [tilespmem:v26+s24+$0x0], $0xffff;
	[tilespmem:s11+$0x80] =	vst v21  }
0x98: {  	v21 =	vadd.s32 v5, v13;
	[tilespmem:s11+$0xFFFFFF80] =	vst v16;
	v16 =	vld.idx.msk [tilespmem:v23+s24+$0x0], $0xffff  }
0x99: {  	v20 =	vld.idx.msk [tilespmem:v20+s24+$0x0], $0xffff;
	[tilespmem:s11+$0x0] =	vst v22;
	v22 =	vadd.s32 v6, v9  }
0x9a: {  	v23 =	vld.idx.msk [tilespmem:v29+s24+$0x0], $0xffff;
	v29 =	vadd.s32 v2, v18;
	[tilespmem:s12+$0xD0] =	vst v25  }
0x9b: {  	v25 =	vadd.s32 v2, v14;
	[tilespmem:s11+$0xFFFFFF00] =	vst v15;
	v28 =	vld.idx.msk [tilespmem:v28+s24+$0x0], $0xffff  }
0x9c: {  	v31 =	vadd.s32 v2, v30;
	v27 =	vld.idx.msk [tilespmem:v27+s24+$0x0], $0xffff;
	[tilespmem:s12+$0xFFFFFF40] =	vst v24  }
0x9d: {  	v15 =	vmov v26;
	v21 =	vld.idx.msk [tilespmem:v21+s24+$0x0], $0xffff;
	[tilespmem:s12+$0xFFFFFFD0] =	vst v19;
	v19 =	vadd.s32 v7, v12;
	v12 =	vmov v18  }
0x9e: {  	v24 =	vadd.s32 v2, v8;
	[tilespmem:s11+$0x90] =	vst v16;
	v18 =	vld.idx.msk [tilespmem:v22+s24+$0x0], $0xffff  }
0x9f: {  	[tilespmem:s11+$0xFFFFFF90] =	vst v20;
	v16 =	vld.idx.msk [tilespmem:v29+s24+$0x0], $0xffff;
	v20 =	vadd.s32 v6, v10  }
0xa0: {  	v22 =	vld.idx.msk [tilespmem:v25+s24+$0x0], $0xffff;
	[tilespmem:s11+$0x10] =	vst v23;
	v23 =	vadd.s32 v6, v13  }
0xa1: {  	s15 =	sadd.s32 $0x1, s14;
	v26 =	vadd.s32 v3, v12;
	v25 =	vld.idx.msk [tilespmem:v31+s24+$0x0], $0xffff;
	[tilespmem:s12+$0xE0] =	vst v28  }
0xa2: {  	v29 =	vadd.s32 v3, v14;
	v28 =	vmov s15;
	[tilespmem:s11+$0xFFFFFF10] =	vst v27;
	v31 =	vld.idx.msk [tilespmem:v19+s24+$0x0], $0xffff  }
0xa3: {  	v33 =	vadd.s32 v3, v30;
	v28 =	vand.u32 $0x1D, v28;
	v32 =	vld.idx.msk [tilespmem:v24+s24+$0x0], $0xffff;
	[tilespmem:s12+$0x50] =	vst v17  }
0xa4: {  	v34 =	vadd.s32 v0, v28;
	[tilespmem:s12+$0xFFFFFF50] =	vst v21;
	v21 =	vld.idx.msk [tilespmem:v20+s24+$0x0], $0xffff  }
.Ltmp1:
0xa5: {  	v27 =	vadd.s32 v3, v8;
	[tilespmem:s11+$0xA0] =	vst v16;
	v19 =	vld.idx.msk [tilespmem:v23+s24+$0x0], $0xffff;
	(pc) =	sbr.rel @p2 .LBB2_5-.Ltmp1, $4  }
0xa6: {  	[tilespmem:s11+$0xFFFFFFA0] =	vst v22;
	v22 =	vld.idx.msk [tilespmem:v26+s24+$0x0], $0xffff;
	v26 =	vadd.s32 v7, v9;
	v9 =	vmov v14;
	v14 =	vmov v28  }
0xa7: {  	v24 =	vadd.s32 v7, v10;
	v10 =	vmov v30;
	v20 =	vld.idx.msk [tilespmem:v29+s24+$0x0], $0xffff;
	[tilespmem:s11+$0x20] =	vst v25  }
0xa8: {  	v23 =	vadd.s32 v4, v12;
	v17 =	vld.idx.msk [tilespmem:v33+s24+$0x0], $0xffff;
	[tilespmem:s12+$0xF0] =	vst v31  }
0xa9: {  	s14 =	sadd.s32 $0x4, s14;
	s15 =	sadd.s32 $0x3, s13;
	v25 =	vadd.s32 v4, v9;
	v16 =	vld.idx.msk [tilespmem:v34+s24+$0x0], $0xffff;
	[tilespmem:s11+$0xFFFFFF20] =	vst v32  }
0xaa: {  	_ =	sdelay $0x1  }
0xab: {  	[tilespmem:s12+$0xFFFFFFE0] =	vst v18  }
0xac: {  	v28 =	vmov s15;
	s13 =	sadd.s32 $0x2, s13;
	[tilespmem:s12+$0x60] =	vst v21  }
0xad: {  	v47 =	vld.idx.msk [tilespmem:v27+s24+$0x0], $0xffff;
	[tilespmem:s12+$0xFFFFFF60] =	vst v19;
	v13 =	vadd.s32 v7, v13;
	v28 =	vand.u32 $0x1F, v28;
	v50 =	vmov s13  }
0xae: {  	s14 =	sadd.s32 $0x200, s11;
	[tilespmem:s11+$0xB0] =	vst v22;
	v51 =	vld.idx.msk [tilespmem:v24+s24+$0x0], $0xffff;
	v29 =	vadd.s32 v0, v28;
	v24 =	vand.u32 $0x1E, v50  }
0xaf: {  	v49 =	vld.idx.msk [tilespmem:v26+s24+$0x0], $0xffff;
	[tilespmem:s14+$0xFFFFFF00] =	vst v15;
	v53 =	vadd.s32 v0, v24  }
0xb0: {  	[tilespmem:s11+$0xFFFFFFB0] =	vst v20  }
0xb1: {  	v48 =	vadd.s32 v4, v10;
	v52 =	vld.idx.msk [tilespmem:v23+s24+$0x0], $0xffff;
	[tilespmem:s11+$0x30] =	vst v17  }
0xb2: {  	v60 =	vadd.s32 v1, v14;
	[tilespmem:s14+$0xFFFFFF80] =	vst v16;
	v13 =	vld.idx.msk [tilespmem:v13+s24+$0x0], $0xffff  }
0xb3: {  	v62 =	vadd.s32 v1, v11;
	[tilespmem:s11+$0xFFFFFF30] =	vst v47;
	v57 =	vld.idx.msk [tilespmem:v29+s24+$0x0], $0xffff  }
0xb4: {  	v58 =	vadd.s32 v1, v28;
	[tilespmem:s12+$0xFFFFFFF0] =	vst v49;
	v59 =	vld.idx.msk [tilespmem:v53+s24+$0x0], $0xffff  }
0xb5: {  	v54 =	vld.idx.msk [tilespmem:v25+s24+$0x0], $0xffff;
	v61 =	vadd.s32 v1, v24;
	[tilespmem:s12+$0x70] =	vst v51  }
0xb6: {  	v63 =	vadd.s32 v4, v8;
	v55 =	vld.idx.msk [tilespmem:v48+s24+$0x0], $0xffff;
	[tilespmem:s11+$0xC0] =	vst v52  }
0xb7: {  	v56 =	vadd.s32 v5, v12;
	v20 =	vld.idx.msk [tilespmem:v60+s24+$0x0], $0xffff;
	[tilespmem:s12+$0xFFFFFF70] =	vst v13  }
0xb8: {  	v15 =	vadd.s32 v2, v14;
	v13 =	vld.idx.msk [tilespmem:v62+s24+$0x0], $0xffff;
	[tilespmem:s14+$0x80] =	vst v57  }
0xb9: {  	v37 =	vadd.s32 v5, v10;
	v30 =	vld.idx.msk [tilespmem:v58+s24+$0x0], $0xffff;
	[tilespmem:s14+$0x0] =	vst v59  }
0xba: {  	v31 =	vadd.s32 v2, v28;
	[tilespmem:s11+$0xFFFFFFC0] =	vst v54;
	v17 =	vld.idx.msk [tilespmem:v61+s24+$0x0], $0xffff  }
0xbb: {  	v32 =	vadd.s32 v2, v24;
	v33 =	vld.idx.msk [tilespmem:v63+s24+$0x0], $0xffff;
	[tilespmem:s11+$0x40] =	vst v55  }
0xbc: {  	v34 =	vadd.s32 v2, v11;
	v18 =	vld.idx.msk [tilespmem:v56+s24+$0x0], $0xffff;
	[tilespmem:s14+$0xFFFFFF90] =	vst v20  }
0xbd: {  	v29 =	vadd.s32 v5, v9;
	v15 =	vld.idx.msk [tilespmem:v15+s24+$0x0], $0xffff;
	[tilespmem:s14+$0xFFFFFF10] =	vst v13  }
0xbe: {  	v36 =	vadd.s32 v6, v12;
	v16 =	vld.idx.msk [tilespmem:v37+s24+$0x0], $0xffff;
	[tilespmem:s14+$0x90] =	vst v30  }
0xbf: {  	v13 =	vadd.s32 v3, v14;
	v38 =	vld.idx.msk [tilespmem:v31+s24+$0x0], $0xffff;
	[tilespmem:s14+$0x10] =	vst v17  }
0xc0: {  	v39 =	vadd.s32 v3, v28;
	[tilespmem:s11+$0xFFFFFF40] =	vst v33;
	v19 =	vld.idx.msk [tilespmem:v32+s24+$0x0], $0xffff  }
0xc1: {  	v40 =	vadd.s32 v3, v24;
	[tilespmem:s11+$0xD0] =	vst v18;
	v18 =	vld.idx.msk [tilespmem:v34+s24+$0x0], $0xffff  }
0xc2: {  	v42 =	vadd.s32 v3, v11;
	v35 =	vld.idx.msk [tilespmem:v29+s24+$0x0], $0xffff;
	[tilespmem:s14+$0xFFFFFFA0] =	vst v15  }
0xc3: {  	v43 =	vadd.s32 v5, v8;
	v41 =	vld.idx.msk [tilespmem:v36+s24+$0x0], $0xffff;
	[tilespmem:s11+$0x50] =	vst v16  }
0xc4: {  	v12 =	vadd.s32 v7, v12;
	v13 =	vld.idx.msk [tilespmem:v13+s24+$0x0], $0xffff;
	[tilespmem:s14+$0xA0] =	vst v38  }
0xc5: {  	v45 =	vadd.s32 v4, v14;
	v15 =	vld.idx.msk [tilespmem:v39+s24+$0x0], $0xffff;
	[tilespmem:s14+$0x20] =	vst v19  }
0xc6: {  	v44 =	vadd.s32 v4, v28;
	[tilespmem:s14+$0xFFFFFF20] =	vst v18;
	v19 =	vld.idx.msk [tilespmem:v40+s24+$0x0], $0xffff  }
0xc7: {  	v47 =	vadd.s32 v4, v24;
	[tilespmem:s11+$0xFFFFFFD0] =	vst v35;
	v46 =	vld.idx.msk [tilespmem:v42+s24+$0x0], $0xffff  }
0xc8: {  	v49 =	vadd.s32 v4, v11;
	v48 =	vld.idx.msk [tilespmem:v43+s24+$0x0], $0xffff;
	[tilespmem:s11+$0xE0] =	vst v41  }
0xc9: {  	v50 =	vadd.s32 v6, v9;
	v12 =	vld.idx.msk [tilespmem:v12+s24+$0x0], $0xffff;
	[tilespmem:s14+$0xFFFFFFB0] =	vst v13  }
0xca: {  	v51 =	vld.idx.msk [tilespmem:v45+s24+$0x0], $0xffff;
	[tilespmem:s14+$0xB0] =	vst v15;
	v15 =	vadd.s32 v6, v10  }
0xcb: {  	v53 =	vadd.s32 v5, v14;
	v13 =	vld.idx.msk [tilespmem:v44+s24+$0x0], $0xffff;
	[tilespmem:s14+$0x30] =	vst v19  }
0xcc: {  	v52 =	vadd.s32 v5, v28;
	[tilespmem:s14+$0xFFFFFF30] =	vst v46;
	v19 =	vld.idx.msk [tilespmem:v47+s24+$0x0], $0xffff  }
0xcd: {  	v54 =	vadd.s32 v5, v24;
	[tilespmem:s11+$0xFFFFFF50] =	vst v48;
	v16 =	vld.idx.msk [tilespmem:v49+s24+$0x0], $0xffff  }
0xce: {  	v55 =	vld.idx.msk [tilespmem:v50+s24+$0x0], $0xffff;
	[tilespmem:s11+$0xF0] =	vst v12;
	v12 =	vadd.s32 v5, v11  }
0xcf: {  	v56 =	vadd.s32 v6, v8;
	[tilespmem:s14+$0xFFFFFFC0] =	vst v51;
	v15 =	vld.idx.msk [tilespmem:v15+s24+$0x0], $0xffff  }
0xd0: {  	v9 =	vadd.s32 v7, v9;
	v17 =	vld.idx.msk [tilespmem:v53+s24+$0x0], $0xffff;
	[tilespmem:s14+$0xC0] =	vst v13  }
0xd1: {  	v58 =	vadd.s32 v6, v14;
	v13 =	vld.idx.msk [tilespmem:v52+s24+$0x0], $0xffff;
	[tilespmem:s14+$0x40] =	vst v19  }
0xd2: {  	v57 =	vadd.s32 v6, v28;
	[tilespmem:s14+$0xFFFFFF40] =	vst v16;
	v19 =	vld.idx.msk [tilespmem:v54+s24+$0x0], $0xffff  }
0xd3: {  	v59 =	vadd.s32 v6, v24;
	[tilespmem:s11+$0xFFFFFFE0] =	vst v55;
	v12 =	vld.idx.msk [tilespmem:v12+s24+$0x0], $0xffff  }
0xd4: {  	v60 =	vld.idx.msk [tilespmem:v56+s24+$0x0], $0xffff;
	[tilespmem:s11+$0x60] =	vst v15;
	v15 =	vadd.s32 v6, v11  }
0xd5: {  	v8 =	vadd.s32 v7, v8;
	v9 =	vld.idx.msk [tilespmem:v9+s24+$0x0], $0xffff;
	[tilespmem:s14+$0xFFFFFFD0] =	vst v17  }
0xd6: {  	v10 =	vadd.s32 v7, v10;
	v62 =	vld.idx.msk [tilespmem:v58+s24+$0x0], $0xffff;
	[tilespmem:s14+$0xD0] =	vst v13  }
0xd7: {  	v14 =	vadd.s32 v7, v14;
	v13 =	vld.idx.msk [tilespmem:v57+s24+$0x0], $0xffff;
	[tilespmem:s14+$0x50] =	vst v19  }
0xd8: {  	v61 =	vadd.s32 v7, v28;
	[tilespmem:s14+$0xFFFFFF50] =	vst v12;
	v12 =	vld.idx.msk [tilespmem:v59+s24+$0x0], $0xffff  }
0xd9: {  	v63 =	vadd.s32 v7, v24;
	[tilespmem:s11+$0xFFFFFF60] =	vst v60;
	v15 =	vld.idx.msk [tilespmem:v15+s24+$0x0], $0xffff  }
0xda: {  	v8 =	vld.idx.msk [tilespmem:v8+s24+$0x0], $0xffff;
	[tilespmem:s11+$0xFFFFFFF0] =	vst v9;
	v9 =	vadd.s32 v7, v11  }
0xdb: {  	v10 =	vld.idx.msk [tilespmem:v10+s24+$0x0], $0xffff;
	[tilespmem:s14+$0xFFFFFFE0] =	vst v62  }
0xdc: {  	[tilespmem:s14+$0xE0] =	vst v13;
	v13 =	vld.idx.msk [tilespmem:v14+s24+$0x0], $0xffff  }
0xdd: {  	v11 =	vld.idx.msk [tilespmem:v61+s24+$0x0], $0xffff;
	[tilespmem:s14+$0x60] =	vst v12  }
0xde: {  	v12 =	vld.idx.msk [tilespmem:v63+s24+$0x0], $0xffff;
	[tilespmem:s14+$0xFFFFFF60] =	vst v15  }
0xdf: {  	[tilespmem:s11+$0xFFFFFF70] =	vst v8;
	v9 =	vld.idx.msk [tilespmem:v9+s24+$0x0], $0xffff  }
0xe0: {  	[tilespmem:s11+$0x70] =	vst v10  }
0xe1: {  	s15 =	sshll.u32 s9, $0x13;
	[tilespmem:s14+$0xFFFFFFF0] =	vst v13  }
0xe2: {  	s11 =	sor.u32 s17, s15;
	[tilespmem:s14+$0xF0] =	vst v11  }
0xe3: {  	s16 =	rddreg [dreg:$0x2];
	s11 =	sshrl.u32 s11, $0x3;
	[tilespmem:s14+$0x70] =	vst v12  }
0xe4: {  	s12 =	sadd.s32 s16, s11;
	[tilespmem:s14+$0xFFFFFF70] =	vst v9  }
0xe5: {  	[hbm4b:s12+s3] =	stream.linear.scatter [tilespmem:s28], [sflag:$0x5], $0x400, $0x38;
	[tilespmem:$0xEC00] =	vst v63  }
0xe6: {  	s13 =	rddreg [dreg:$0x5]  }
0xe7: {  	s14 =	rddreg [dreg:$0x6];
	s12 =	sadd.s32 s11, s13  }
0xe8: {  	[hbm4b:s12+s3] =	stream.linear.scatter [tilespmem:s29], [sflag:$0x5], $0x400, $0x38;
	[tilespmem:$0xEC00] =	vst v63  }
0xe9: {  	s15 =	rddreg [dreg:$0x7];
	s12 =	sadd.s32 s11, s14  }
0xea: {  	[hbm4b:s12+s3] =	stream.linear.scatter [tilespmem:s30], [sflag:$0x5], $0x400, $0x38;
	[tilespmem:$0xEC00] =	vst v63  }
0xeb: {  	s12 =	sadd.s32 s11, s15  }
0xec: {  	[hbm4b:s12+s3] =	stream.linear.scatter [tilespmem:s31], [sflag:$0x5], $0x400, $0x38;
	[tilespmem:$0xEC00] =	vst v63  }
0xed: {  	_ =	swait.ge [sflag:s0], $0x1000  }
0xee: {  	[sflag:s0] =	ssyncset.done $0x0  }
0xef: {  	s16 =	simm.s32 $0x7470;
	[sflag:s0] =	ssyncadd.s32 $0xFFFFF000  }
0xf0: {  	v8 =	vld [tilespmem:s16+$0xFFFFFFF0];
	_ =	sdelay $0x1  }
0xf1: {  	v9 =	vld [tilespmem:s16+$0xFFFFFFB0]  }
0xf2: {  	v10 =	vld [tilespmem:s16+$0xFFFFFFD0]  }
0xf3: {  	s13 =	simm.s32 $0x74F0;
	s12 =	simm.s32 $0xB888;
	v11 =	vld [tilespmem:s16+$0xFFFFFF90]  }
0xf4: {  	v13 =	vld [tilespmem:s13+$0xFFFFFFF0];
	[tilespmem:s12+$0xFFFFFFF0] =	vst v8  }
0xf5: {  	v8 =	vld [tilespmem:s16+$0x0]  }
0xf6: {  	v14 =	vld [tilespmem:s13+$0xFFFFFFB0];
	[tilespmem:s12+$0xFFFFFFA0] =	vst v9  }
0xf7: {  	v15 =	vld [tilespmem:s13+$0xFFFFFFD0];
	[tilespmem:s12+$0xFFFFFFC8] =	vst v10  }
0xf8: {  	s14 =	simm.s32 $0xB928;
	[tilespmem:s12+$0xFFFFFF78] =	vst v11;
	v12 =	vld [tilespmem:s16+$0xFFFFFFC0]  }
0xf9: {  	v9 =	vld [tilespmem:s13+$0xFFFFFF90];
	[tilespmem:s14+$0xFFFFFFF0] =	vst v13  }
0xfa: {  	[tilespmem:s12+$0x0] =	vst v8;
	v8 =	vld [tilespmem:s16+$0xFFFFFFA0]  }
0xfb: {  	[tilespmem:s14+$0xFFFFFFA0] =	vst v14;
	v10 =	vld [tilespmem:s16+$0xFFFFFFE0]  }
0xfc: {  	[tilespmem:s14+$0xFFFFFFC8] =	vst v15;
	v11 =	vld [tilespmem:s13+$0x0]  }
0xfd: {  	s15 =	simm.s32 $0x4;
	[tilespmem:s12+$0xFFFFFFB0] =	vst v12;
	v12 =	vld [tilespmem:s13+$0xFFFFFFC0];
	s16 =	simm.s32 $0x7570  }
.LBB2_7:
0xfe: {  	v13 =	vld [tilespmem:s16+$0xFFFFFFF0];
	s15 =	sadd.s32 $0x4, s15;
	[tilespmem:s14+$0xFFFFFF78] =	vst v9  }
0xff: {  	v14 =	vld [tilespmem:s16+$0xFFFFFFB0];
	p2 =	slt.u32 s15, $0x7C;
	[tilespmem:s12+$0xFFFFFF88] =	vst v8  }
0x100: {  	v15 =	vld [tilespmem:s16+$0xFFFFFFD0];
	[tilespmem:s12+$0xFFFFFFD8] =	vst v10;
	s12 =	smov.u32 s14  }
.Ltmp2:
0x101: {  	v9 =	vld [tilespmem:s16+$0xFFFFFF90];
	[tilespmem:s14+$0x0] =	vst v11;
	(pc) =	sbr.rel @p2 .LBB2_7-.Ltmp2, $4  }
0x102: {  	s14 =	sadd.s32 $0xA0, s14;
	v8 =	vld [tilespmem:s13+$0xFFFFFFA0];
	[tilespmem:s12+$0xFFFFFFB0] =	vst v12  }
0x103: {  	[tilespmem:s14+$0xFFFFFFF0] =	vst v13;
	v10 =	vld [tilespmem:s13+$0xFFFFFFE0];
	s13 =	smov.u32 s16  }
0x104: {  	[tilespmem:s14+$0xFFFFFFA0] =	vst v14;
	v11 =	vld [tilespmem:s16+$0x0]  }
0x105: {  	s16 =	sadd.s32 $0x80, s16;
	v12 =	vld [tilespmem:s13+$0xFFFFFFC0];
	[tilespmem:s14+$0xFFFFFFC8] =	vst v15  }
0x106: {  	[tilespmem:s14+$0xFFFFFF78] =	vst v9  }
0x107: {  	v9 =	vld [tilespmem:s13+$0xFFFFFFA0]  }
0x108: {  	[tilespmem:s12+$0xFFFFFF88] =	vst v8;
	v8 =	vld [tilespmem:s13+$0xFFFFFFE0]  }
0x109: {  	[tilespmem:s12+$0xFFFFFFD8] =	vst v10  }
0x10a: {  	[tilespmem:s14+$0x0] =	vst v11  }
0x10b: {  	[tilespmem:s14+$0xFFFFFFB0] =	vst v12  }
0x10c: {  	s12 =	sadd.s32 @!p0 $0x280, s10;
	[tilespmem:s14+$0xFFFFFF88] =	vst v9  }
0x10d: {  	s13 =	simm.s32 @!p0 $0x80;
	s12 =	sand.u32 @!p0 $0xFE80, s12;
	[tilespmem:s14+$0xFFFFFFD8] =	vst v8;
	s14 =	simm.s32 @!p0 $0x7400  }
0x10e: {  	[tilespmem:s14], [sflag:$0x2] =	stream.indirect.gather @!p0 [hbm4b:s5+s13], $0x20, s12, s13, $0xb8;
	[tilespmem:$0xEC00] =	vst v63  }
0x10f: {  	_ =	swait.ge @p1 [sflag:s8], $0x400  }
0x110: {  	[sflag:s8] =	ssyncset.done @p1 $0x0  }
0x111: {  	[sflag:s8] =	ssyncadd.s32 @p1 $0xFFFFFC00  }
0x112: {  	_ =	swait.ge @p1 [sflag:s8], $0x400  }
0x113: {  	s15 =	simm.s32 $0x3;
	[sflag:s8] =	ssyncset.done @p1 $0x0  }
0x114: {  	s16 =	simm.s32 $0x1;
	v8 =	vmov s15;
	[sflag:s8] =	ssyncadd.s32 @p1 $0xFFFFFC00  }
0x115: {  	v9 =	vmov s16;
	s14 =	simm.s32 $0x2;
	v14 =	vand.u32 $0x1F, v8;
	_ =	swait.ge @p1 [sflag:s8], $0x400  }
0x116: {  	v16 =	vand.u32 $0x1D, v9;
	v8 =	vmov s14;
	v9 =	vadd.s32 v0, v14;
	[sflag:s8] =	ssyncset.done @p1 $0x0  }
0x117: {  	s15 =	simm.s32 $0x0;
	v10 =	vadd.s32 v0, v16;
	v17 =	vand.u32 $0x1E, v8;
	[sflag:s8] =	ssyncadd.s32 @p1 $0xFFFFFC00  }
0x118: {  	v8 =	vmov s15;
	v11 =	vadd.s32 v0, v17;
	_ =	swait.ge @p1 [sflag:s8], $0x400  }
0x119: {  	v13 =	vand.u32 $0x1C, v8;
	[sflag:s8] =	ssyncset.done @p1 $0x0  }
0x11a: {  	v8 =	vadd.s32 v0, v13;
	[sflag:s8] =	ssyncadd.s32 @p1 $0xFFFFFC00  }
0x11b: {  	v9 =	vld.idx.msk [tilespmem:v9+s1+$0x0], $0xffff  }
0x11c: {  	v12 =	vadd.s32 v1, v14;
	v10 =	vld.idx.msk [tilespmem:v10+s1+$0x0], $0xffff  }
0x11d: {  	v15 =	vadd.s32 v1, v16;
	v11 =	vld.idx.msk [tilespmem:v11+s1+$0x0], $0xffff  }
0x11e: {  	v18 =	vadd.s32 v1, v17  }
0x11f: {  	s13 =	simm.s32 $0xDDF0;
	v8 =	vld.idx.msk [tilespmem:v8+s1+$0x0], $0xffff  }
0x120: {  	v19 =	vadd.s32 v1, v13;
	[tilespmem:s13+$0xFFFFFF90] =	vst v9  }
0x121: {  	[tilespmem:s13+$0xFFFFFE90] =	vst v10;
	v9 =	vld.idx.msk [tilespmem:v12+s1+$0x0], $0xffff  }
0x122: {  	[tilespmem:s13+$0xFFFFFF10] =	vst v11;
	v11 =	vadd.s32 v2, v14;
	v10 =	vld.idx.msk [tilespmem:v15+s1+$0x0], $0xffff  }
0x123: {  	v12 =	vld.idx.msk [tilespmem:v18+s1+$0x0], $0xffff;
	v15 =	vadd.s32 v2, v16  }
0x124: {  	[tilespmem:s13+$0xFFFFFE10] =	vst v8;
	v8 =	vadd.s32 v2, v17  }
0x125: {  	v18 =	vld.idx.msk [tilespmem:v19+s1+$0x0], $0xffff  }
0x126: {  	v19 =	vadd.s32 v2, v13;
	[tilespmem:s13+$0xFFFFFFA0] =	vst v9  }
0x127: {  	[tilespmem:s13+$0xFFFFFEA0] =	vst v10;
	v10 =	vld.idx.msk [tilespmem:v11+s1+$0x0], $0xffff  }
0x128: {  	s16 =	simm.s32 $0x4;
	[tilespmem:s13+$0xFFFFFF20] =	vst v12;
	v12 =	vadd.s32 v3, v14;
	v11 =	vld.idx.msk [tilespmem:v15+s1+$0x0], $0xffff  }
0x129: {  	v20 =	vadd.s32 v3, v16;
	v9 =	vmov s16;
	v15 =	vld.idx.msk [tilespmem:v8+s1+$0x0], $0xffff  }
0x12a: {  	s14 =	simm.s32 $0x5;
	[tilespmem:s13+$0xFFFFFE20] =	vst v18;
	v18 =	vadd.s32 v3, v17;
	v8 =	vand.u32 $0x1C, v9  }
0x12b: {  	v9 =	vmov s14;
	v19 =	vld.idx.msk [tilespmem:v19+s1+$0x0], $0xffff;
	v21 =	vadd.s32 v0, v8  }
0x12c: {  	v22 =	vadd.s32 v3, v13;
	v9 =	vand.u32 $0x1D, v9;
	[tilespmem:s13+$0xFFFFFFB0] =	vst v10  }
0x12d: {  	v10 =	vadd.s32 v0, v9;
	[tilespmem:s13+$0xFFFFFEB0] =	vst v11;
	v11 =	vld.idx.msk [tilespmem:v12+s1+$0x0], $0xffff  }
0x12e: {  	s15 =	simm.s32 $0x7;
	[tilespmem:s13+$0xFFFFFF30] =	vst v15;
	v15 =	vadd.s32 v4, v14;
	v20 =	vld.idx.msk [tilespmem:v20+s1+$0x0], $0xffff  }
0x12f: {  	v23 =	vadd.s32 v4, v16;
	v18 =	vld.idx.msk [tilespmem:v18+s1+$0x0], $0xffff;
	v12 =	vmov s15  }
0x130: {  	s16 =	simm.s32 $0x6;
	[tilespmem:s13+$0xFFFFFE30] =	vst v19;
	v19 =	vadd.s32 v4, v17;
	v21 =	vld.idx.msk [tilespmem:v21+s1+$0x0], $0xffff;
	v12 =	vand.u32 $0x1F, v12  }
0x131: {  	v24 =	vmov s16;
	v22 =	vld.idx.msk [tilespmem:v22+s1+$0x0], $0xffff;
	v25 =	vadd.s32 v0, v12  }
0x132: {  	v26 =	vld.idx.msk [tilespmem:v10+s1+$0x0], $0xffff;
	v10 =	vand.u32 $0x1E, v24;
	v24 =	vadd.s32 v4, v13;
	[tilespmem:s13+$0xFFFFFFC0] =	vst v11  }
0x133: {  	[tilespmem:s13+$0xFFFFFEC0] =	vst v20;
	v20 =	vadd.s32 v0, v10;
	v15 =	vld.idx.msk [tilespmem:v15+s1+$0x0], $0xffff  }
0x134: {  	s14 =	simm.s32 $0x8;
	[tilespmem:s13+$0xFFFFFF40] =	vst v18;
	v18 =	vadd.s32 v5, v14;
	v23 =	vld.idx.msk [tilespmem:v23+s1+$0x0], $0xffff  }
0x135: {  	v27 =	vadd.s32 v5, v16;
	v11 =	vmov s14;
	v19 =	vld.idx.msk [tilespmem:v19+s1+$0x0], $0xffff  }
0x136: {  	[tilespmem:s13+$0xFFFFFE40] =	vst v22;
	v11 =	vand.u32 $0x1C, v11;
	v22 =	vld.idx.msk [tilespmem:v25+s1+$0x0], $0xffff;
	v25 =	vadd.s32 v5, v17  }
0x137: {  	v28 =	vadd.s32 v0, v11;
	v24 =	vld.idx.msk [tilespmem:v24+s1+$0x0], $0xffff  }
0x138: {  	v29 =	vadd.s32 v1, v12;
	v20 =	vld.idx.msk [tilespmem:v20+s1+$0x0], $0xffff;
	[tilespmem:s13+$0xFFFFFFD0] =	vst v15  }
0x139: {  	v30 =	vadd.s32 v1, v9;
	[tilespmem:s13+$0xFFFFFED0] =	vst v23;
	v18 =	vld.idx.msk [tilespmem:v18+s1+$0x0], $0xffff  }
0x13a: {  	s12 =	simm.s32 $0xDFF0;
	[tilespmem:s13+$0xFFFFFF50] =	vst v19;
	v27 =	vld.idx.msk [tilespmem:v27+s1+$0x0], $0xffff  }
0x13b: {  	[tilespmem:s12+$0xFFFFFE90] =	vst v26;
	v26 =	vadd.s32 v5, v13;
	v19 =	vld.idx.msk [tilespmem:v25+s1+$0x0], $0xffff  }
0x13c: {  	v23 =	vadd.s32 v1, v10;
	v15 =	vld.idx.msk [tilespmem:v28+s1+$0x0], $0xffff;
	[tilespmem:s12+$0xFFFFFF90] =	vst v22  }
0x13d: {  	v28 =	vadd.s32 v1, v8;
	v22 =	vld.idx.msk [tilespmem:v29+s1+$0x0], $0xffff  }
0x13e: {  	[tilespmem:s12+$0xFFFFFE10] =	vst v21;
	v25 =	vadd.s32 v6, v14;
	v29 =	vld.idx.msk [tilespmem:v30+s1+$0x0], $0xffff  }
0x13f: {  	v21 =	vadd.s32 v2, v9;
	[tilespmem:s13+$0xFFFFFE50] =	vst v24  }
0x140: {  	[tilespmem:s12+$0xFFFFFF10] =	vst v20;
	v20 =	vadd.s32 v6, v16;
	v24 =	vld.idx.msk [tilespmem:v26+s1+$0x0], $0xffff  }
0x141: {  	v61 =	vadd.s32 v2, v12;
	v23 =	vld.idx.msk [tilespmem:v23+s1+$0x0], $0xffff;
	[tilespmem:s13+$0xFFFFFFE0] =	vst v18  }
0x142: {  	v31 =	vadd.s32 v2, v10;
	v28 =	vld.idx.msk [tilespmem:v28+s1+$0x0], $0xffff;
	[tilespmem:s13+$0xFFFFFEE0] =	vst v27  }
0x143: {  	v26 =	vadd.s32 v2, v8;
	v25 =	vld.idx.msk [tilespmem:v25+s1+$0x0], $0xffff;
	[tilespmem:s12+$0xFFFFFEA0] =	vst v29  }
0x144: {  	v14 =	vadd.s32 v7, v14;
	[tilespmem:s13+$0xFFFFFF60] =	vst v19;
	v27 =	vld.idx.msk [tilespmem:v21+s1+$0x0], $0xffff  }
0x145: {  	[tilespmem:s12+$0xFFFFFFA0] =	vst v22;
	v22 =	vadd.s32 v6, v17;
	v18 =	vld.idx.msk [tilespmem:v20+s1+$0x0], $0xffff  }
0x146: {  	v20 =	vld.idx.msk [tilespmem:v61+s1+$0x0], $0xffff;
	[tilespmem:s12+$0xFFFFFF20] =	vst v23;
	v23 =	vadd.s32 v6, v13  }
0x147: {  	s15 =	simm.s32 $0x9;
	v62 =	vadd.s32 v3, v12;
	v29 =	vld.idx.msk [tilespmem:v31+s1+$0x0], $0xffff;
	[tilespmem:s12+$0xFFFFFE20] =	vst v28  }
0x148: {  	v21 =	vmov s15;
	[tilespmem:s13+$0xFFFFFFF0] =	vst v25;
	v25 =	vadd.s32 v3, v9;
	v63 =	vld.idx.msk [tilespmem:v26+s1+$0x0], $0xffff  }
0x149: {  	v32 =	vadd.s32 v3, v10;
	[tilespmem:s13+$0xFFFFFE60] =	vst v24;
	v28 =	vld.idx.msk [tilespmem:v14+s1+$0x0], $0xffff;
	v14 =	vand.u32 $0x1D, v21  }
0x14a: {  	v21 =	vld.idx.msk [tilespmem:v22+s1+$0x0], $0xffff;
	[tilespmem:s12+$0xFFFFFEB0] =	vst v27;
	v33 =	vadd.s32 v0, v14  }
0x14b: {  	v27 =	vadd.s32 v3, v8;
	[tilespmem:s12+$0xFFFFFFB0] =	vst v20;
	v19 =	vld.idx.msk [tilespmem:v23+s1+$0x0], $0xffff  }
0x14c: {  	v26 =	vadd.s32 v7, v16;
	v22 =	vld.idx.msk [tilespmem:v62+s1+$0x0], $0xffff  }
0x14d: {  	v24 =	vadd.s32 v7, v17;
	[tilespmem:s12+$0xFFFFFF30] =	vst v29;
	v20 =	vld.idx.msk [tilespmem:v25+s1+$0x0], $0xffff  }
0x14e: {  	v23 =	vadd.s32 v4, v12;
	v17 =	vld.idx.msk [tilespmem:v32+s1+$0x0], $0xffff;
	[tilespmem:s12+$0xFFFFFE30] =	vst v63  }
0x14f: {  	s16 =	simm.s32 $0xB;
	s15 =	simm.s32 $0xC;
	v25 =	vadd.s32 v4, v9;
	[tilespmem:s13+$0x0] =	vst v28;
	v16 =	vld.idx.msk [tilespmem:v33+s1+$0x0], $0xffff  }
.LBB2_9:
0x150: {  	p1 =	slt.u32 s15, $0x1C;
	v28 =	vmov s16;
	v27 =	vld.idx.msk [tilespmem:v27+s1+$0x0], $0xffff;
	v29 =	vadd.s32 v4, v10;
	[tilespmem:s13+$0xFFFFFEF0] =	vst v18  }
0x151: {  	s16 =	sadd.s32 $0x2, s14;
	s14 =	smov.u32 s15;
	v18 =	vand.u32 $0x1F, v28;
	v28 =	vadd.s32 v7, v13;
	v26 =	vld.idx.msk [tilespmem:v26+s1+$0x0], $0xffff;
	[tilespmem:s13+$0xFFFFFF70] =	vst v21;
	v13 =	vmovc v8;
	v8 =	vmov v11  }
0x152: {  	v11 =	vmov s16;
	v21 =	vadd.s32 v0, v18;
	[tilespmem:s12+$0xFFFFFFC0] =	vst v22;
	v22 =	vld.idx.msk [tilespmem:v24+s1+$0x0], $0xffff  }
0x153: {  	v30 =	vand.u32 $0x1E, v11;
	v24 =	vadd.s32 v4, v13;
	[tilespmem:s12+$0xFFFFFEC0] =	vst v20;
	v20 =	vld.idx.msk [tilespmem:v23+s1+$0x0], $0xffff  }
0x154: {  	v23 =	vadd.s32 v0, v30;
	v25 =	vld.idx.msk [tilespmem:v25+s1+$0x0], $0xffff;
	[tilespmem:s12+$0xFFFFFF40] =	vst v17  }
0x155: {  	v17 =	vld.idx.msk [tilespmem:v29+s1+$0x0], $0xffff;
	v29 =	vadd.s32 v5, v12;
	[tilespmem:s13+$0xFFFFFE70] =	vst v19  }
0x156: {  	v11 =	vmov s15;
	v19 =	vadd.s32 v5, v9;
	[tilespmem:s12+$0xFFFFFE40] =	vst v27;
	v27 =	vld.idx.msk [tilespmem:v28+s1+$0x0], $0xffff  }
0x157: {  	v11 =	vand.u32 $0x1C, v11;
	v28 =	vadd.s32 v5, v10;
	v21 =	vld.idx.msk [tilespmem:v21+s1+$0x0], $0xffff;
	[tilespmem:s13+$0xFFFFFF00] =	vst v26  }
0x158: {  	v26 =	vadd.s32 v0, v11;
	v24 =	vld.idx.msk [tilespmem:v24+s1+$0x0], $0xffff;
	[tilespmem:s13+$0xFFFFFF80] =	vst v22  }
0x159: {  	v22 =	vld.idx.msk [tilespmem:v23+s1+$0x0], $0xffff;
	v23 =	vadd.s32 v1, v18;
	[tilespmem:s12+$0xFFFFFFD0] =	vst v20  }
0x15a: {  	v20 =	vadd.s32 v1, v14;
	[tilespmem:s12+$0xFFFFFED0] =	vst v25;
	v25 =	vld.idx.msk [tilespmem:v29+s1+$0x0], $0xffff  }
0x15b: {  	v29 =	vadd.s32 v1, v30;
	v19 =	vld.idx.msk [tilespmem:v19+s1+$0x0], $0xffff;
	[tilespmem:s12+$0xFFFFFF50] =	vst v17  }
0x15c: {  	v17 =	vld.idx.msk [tilespmem:v28+s1+$0x0], $0xffff;
	v28 =	vadd.s32 v6, v12;
	[tilespmem:s13+$0xFFFFFE80] =	vst v27;
	s13 =	smov.u32 s12;
	s12 =	sadd.s32 $0x200, s12  }
0x15d: {  	v27 =	vadd.s32 v1, v8;
	v26 =	vld.idx.msk [tilespmem:v26+s1+$0x0], $0xffff;
	[tilespmem:s12+$0xFFFFFF90] =	vst v21  }
0x15e: {  	v21 =	vadd.s32 v5, v13;
	[tilespmem:s12+$0xFFFFFE90] =	vst v16;
	v16 =	vld.idx.msk [tilespmem:v23+s1+$0x0], $0xffff  }
0x15f: {  	v20 =	vld.idx.msk [tilespmem:v20+s1+$0x0], $0xffff;
	[tilespmem:s12+$0xFFFFFF10] =	vst v22;
	v22 =	vadd.s32 v6, v9  }
0x160: {  	v23 =	vld.idx.msk [tilespmem:v29+s1+$0x0], $0xffff;
	v29 =	vadd.s32 v2, v18;
	[tilespmem:s13+$0xFFFFFFE0] =	vst v25  }
0x161: {  	v25 =	vadd.s32 v2, v14;
	[tilespmem:s12+$0xFFFFFE10] =	vst v15;
	v28 =	vld.idx.msk [tilespmem:v28+s1+$0x0], $0xffff  }
0x162: {  	v31 =	vadd.s32 v2, v30;
	v27 =	vld.idx.msk [tilespmem:v27+s1+$0x0], $0xffff;
	[tilespmem:s13+$0xFFFFFE50] =	vst v24  }
0x163: {  	v15 =	vmov v26;
	v21 =	vld.idx.msk [tilespmem:v21+s1+$0x0], $0xffff;
	[tilespmem:s13+$0xFFFFFEE0] =	vst v19;
	v19 =	vadd.s32 v7, v12;
	v12 =	vmov v18  }
0x164: {  	v24 =	vadd.s32 v2, v8;
	[tilespmem:s12+$0xFFFFFFA0] =	vst v16;
	v18 =	vld.idx.msk [tilespmem:v22+s1+$0x0], $0xffff  }
0x165: {  	[tilespmem:s12+$0xFFFFFEA0] =	vst v20;
	v16 =	vld.idx.msk [tilespmem:v29+s1+$0x0], $0xffff;
	v20 =	vadd.s32 v6, v10  }
0x166: {  	v22 =	vld.idx.msk [tilespmem:v25+s1+$0x0], $0xffff;
	[tilespmem:s12+$0xFFFFFF20] =	vst v23;
	v23 =	vadd.s32 v6, v13  }
0x167: {  	s16 =	sadd.s32 $0x1, s15;
	v26 =	vadd.s32 v3, v12;
	v25 =	vld.idx.msk [tilespmem:v31+s1+$0x0], $0xffff;
	[tilespmem:s13+$0xFFFFFFF0] =	vst v28  }
0x168: {  	v29 =	vadd.s32 v3, v14;
	v28 =	vmov s16;
	[tilespmem:s12+$0xFFFFFE20] =	vst v27;
	v31 =	vld.idx.msk [tilespmem:v19+s1+$0x0], $0xffff  }
0x169: {  	v33 =	vadd.s32 v3, v30;
	v28 =	vand.u32 $0x1D, v28;
	v32 =	vld.idx.msk [tilespmem:v24+s1+$0x0], $0xffff;
	[tilespmem:s13+$0xFFFFFF60] =	vst v17  }
0x16a: {  	v34 =	vadd.s32 v0, v28;
	[tilespmem:s13+$0xFFFFFE60] =	vst v21;
	v21 =	vld.idx.msk [tilespmem:v20+s1+$0x0], $0xffff  }
.Ltmp3:
0x16b: {  	v27 =	vadd.s32 v3, v8;
	[tilespmem:s12+$0xFFFFFFB0] =	vst v16;
	v19 =	vld.idx.msk [tilespmem:v23+s1+$0x0], $0xffff;
	(pc) =	sbr.rel @p1 .LBB2_9-.Ltmp3, $4  }
0x16c: {  	[tilespmem:s12+$0xFFFFFEB0] =	vst v22;
	v22 =	vld.idx.msk [tilespmem:v26+s1+$0x0], $0xffff;
	v26 =	vadd.s32 v7, v9;
	v9 =	vmov v14;
	v14 =	vmov v28  }
0x16d: {  	v24 =	vadd.s32 v7, v10;
	v10 =	vmov v30;
	v20 =	vld.idx.msk [tilespmem:v29+s1+$0x0], $0xffff;
	[tilespmem:s12+$0xFFFFFF30] =	vst v25  }
0x16e: {  	v23 =	vadd.s32 v4, v12;
	v17 =	vld.idx.msk [tilespmem:v33+s1+$0x0], $0xffff;
	[tilespmem:s13+$0x0] =	vst v31  }
0x16f: {  	s15 =	sadd.s32 $0x4, s15;
	s16 =	sadd.s32 $0x3, s14;
	v25 =	vadd.s32 v4, v9;
	v16 =	vld.idx.msk [tilespmem:v34+s1+$0x0], $0xffff;
	[tilespmem:s12+$0xFFFFFE30] =	vst v32  }
0x170: {  	_ =	sdelay $0x1  }
0x171: {  	[tilespmem:s13+$0xFFFFFEF0] =	vst v18  }
0x172: {  	v28 =	vmov s16;
	s14 =	sadd.s32 $0x2, s14;
	[tilespmem:s13+$0xFFFFFF70] =	vst v21  }
0x173: {  	v47 =	vld.idx.msk [tilespmem:v27+s1+$0x0], $0xffff;
	[tilespmem:s13+$0xFFFFFE70] =	vst v19;
	v13 =	vadd.s32 v7, v13;
	v28 =	vand.u32 $0x1F, v28;
	v50 =	vmov s14  }
0x174: {  	s16 =	sadd.s32 $0x200, s12;
	[tilespmem:s12+$0xFFFFFFC0] =	vst v22;
	v51 =	vld.idx.msk [tilespmem:v24+s1+$0x0], $0xffff;
	v29 =	vadd.s32 v0, v28;
	v24 =	vand.u32 $0x1E, v50  }
0x175: {  	v49 =	vld.idx.msk [tilespmem:v26+s1+$0x0], $0xffff;
	[tilespmem:s16+$0xFFFFFE10] =	vst v15;
	v53 =	vadd.s32 v0, v24  }
0x176: {  	[tilespmem:s12+$0xFFFFFEC0] =	vst v20  }
0x177: {  	v48 =	vadd.s32 v4, v10;
	v52 =	vld.idx.msk [tilespmem:v23+s1+$0x0], $0xffff;
	[tilespmem:s12+$0xFFFFFF40] =	vst v17  }
0x178: {  	v60 =	vadd.s32 v1, v14;
	[tilespmem:s16+$0xFFFFFE90] =	vst v16;
	v13 =	vld.idx.msk [tilespmem:v13+s1+$0x0], $0xffff  }
0x179: {  	v62 =	vadd.s32 v1, v11;
	[tilespmem:s12+$0xFFFFFE40] =	vst v47;
	v57 =	vld.idx.msk [tilespmem:v29+s1+$0x0], $0xffff  }
0x17a: {  	v58 =	vadd.s32 v1, v28;
	[tilespmem:s13+$0xFFFFFF00] =	vst v49;
	v59 =	vld.idx.msk [tilespmem:v53+s1+$0x0], $0xffff  }
0x17b: {  	v54 =	vld.idx.msk [tilespmem:v25+s1+$0x0], $0xffff;
	v61 =	vadd.s32 v1, v24;
	[tilespmem:s13+$0xFFFFFF80] =	vst v51  }
0x17c: {  	v63 =	vadd.s32 v4, v8;
	v55 =	vld.idx.msk [tilespmem:v48+s1+$0x0], $0xffff;
	[tilespmem:s12+$0xFFFFFFD0] =	vst v52  }
0x17d: {  	v56 =	vadd.s32 v5, v12;
	v20 =	vld.idx.msk [tilespmem:v60+s1+$0x0], $0xffff;
	[tilespmem:s13+$0xFFFFFE80] =	vst v13  }
0x17e: {  	v15 =	vadd.s32 v2, v14;
	v13 =	vld.idx.msk [tilespmem:v62+s1+$0x0], $0xffff;
	[tilespmem:s16+$0xFFFFFF90] =	vst v57  }
0x17f: {  	v37 =	vadd.s32 v5, v10;
	v30 =	vld.idx.msk [tilespmem:v58+s1+$0x0], $0xffff;
	[tilespmem:s16+$0xFFFFFF10] =	vst v59  }
0x180: {  	v31 =	vadd.s32 v2, v28;
	[tilespmem:s12+$0xFFFFFED0] =	vst v54;
	v17 =	vld.idx.msk [tilespmem:v61+s1+$0x0], $0xffff  }
0x181: {  	v32 =	vadd.s32 v2, v24;
	v33 =	vld.idx.msk [tilespmem:v63+s1+$0x0], $0xffff;
	[tilespmem:s12+$0xFFFFFF50] =	vst v55  }
0x182: {  	v34 =	vadd.s32 v2, v11;
	v18 =	vld.idx.msk [tilespmem:v56+s1+$0x0], $0xffff;
	[tilespmem:s16+$0xFFFFFEA0] =	vst v20  }
0x183: {  	v29 =	vadd.s32 v5, v9;
	v15 =	vld.idx.msk [tilespmem:v15+s1+$0x0], $0xffff;
	[tilespmem:s16+$0xFFFFFE20] =	vst v13  }
0x184: {  	v36 =	vadd.s32 v6, v12;
	v16 =	vld.idx.msk [tilespmem:v37+s1+$0x0], $0xffff;
	[tilespmem:s16+$0xFFFFFFA0] =	vst v30  }
0x185: {  	v13 =	vadd.s32 v3, v14;
	v38 =	vld.idx.msk [tilespmem:v31+s1+$0x0], $0xffff;
	[tilespmem:s16+$0xFFFFFF20] =	vst v17  }
0x186: {  	v39 =	vadd.s32 v3, v28;
	[tilespmem:s12+$0xFFFFFE50] =	vst v33;
	v19 =	vld.idx.msk [tilespmem:v32+s1+$0x0], $0xffff  }
0x187: {  	v40 =	vadd.s32 v3, v24;
	[tilespmem:s12+$0xFFFFFFE0] =	vst v18;
	v18 =	vld.idx.msk [tilespmem:v34+s1+$0x0], $0xffff  }
0x188: {  	v42 =	vadd.s32 v3, v11;
	v35 =	vld.idx.msk [tilespmem:v29+s1+$0x0], $0xffff;
	[tilespmem:s16+$0xFFFFFEB0] =	vst v15  }
0x189: {  	v43 =	vadd.s32 v5, v8;
	v41 =	vld.idx.msk [tilespmem:v36+s1+$0x0], $0xffff;
	[tilespmem:s12+$0xFFFFFF60] =	vst v16  }
0x18a: {  	v12 =	vadd.s32 v7, v12;
	v13 =	vld.idx.msk [tilespmem:v13+s1+$0x0], $0xffff;
	[tilespmem:s16+$0xFFFFFFB0] =	vst v38  }
0x18b: {  	v45 =	vadd.s32 v4, v14;
	v15 =	vld.idx.msk [tilespmem:v39+s1+$0x0], $0xffff;
	[tilespmem:s16+$0xFFFFFF30] =	vst v19  }
0x18c: {  	v44 =	vadd.s32 v4, v28;
	[tilespmem:s16+$0xFFFFFE30] =	vst v18;
	v19 =	vld.idx.msk [tilespmem:v40+s1+$0x0], $0xffff  }
0x18d: {  	v47 =	vadd.s32 v4, v24;
	[tilespmem:s12+$0xFFFFFEE0] =	vst v35;
	v46 =	vld.idx.msk [tilespmem:v42+s1+$0x0], $0xffff  }
0x18e: {  	v49 =	vadd.s32 v4, v11;
	v48 =	vld.idx.msk [tilespmem:v43+s1+$0x0], $0xffff;
	[tilespmem:s12+$0xFFFFFFF0] =	vst v41  }
0x18f: {  	v50 =	vadd.s32 v6, v9;
	v12 =	vld.idx.msk [tilespmem:v12+s1+$0x0], $0xffff;
	[tilespmem:s16+$0xFFFFFEC0] =	vst v13  }
0x190: {  	v51 =	vld.idx.msk [tilespmem:v45+s1+$0x0], $0xffff;
	[tilespmem:s16+$0xFFFFFFC0] =	vst v15;
	v15 =	vadd.s32 v6, v10  }
0x191: {  	v53 =	vadd.s32 v5, v14;
	v13 =	vld.idx.msk [tilespmem:v44+s1+$0x0], $0xffff;
	[tilespmem:s16+$0xFFFFFF40] =	vst v19  }
0x192: {  	v52 =	vadd.s32 v5, v28;
	[tilespmem:s16+$0xFFFFFE40] =	vst v46;
	v19 =	vld.idx.msk [tilespmem:v47+s1+$0x0], $0xffff  }
0x193: {  	v54 =	vadd.s32 v5, v24;
	[tilespmem:s12+$0xFFFFFE60] =	vst v48;
	v16 =	vld.idx.msk [tilespmem:v49+s1+$0x0], $0xffff  }
0x194: {  	v55 =	vld.idx.msk [tilespmem:v50+s1+$0x0], $0xffff;
	[tilespmem:s12+$0x0] =	vst v12;
	v12 =	vadd.s32 v5, v11  }
0x195: {  	v56 =	vadd.s32 v6, v8;
	[tilespmem:s16+$0xFFFFFED0] =	vst v51;
	v15 =	vld.idx.msk [tilespmem:v15+s1+$0x0], $0xffff  }
0x196: {  	v9 =	vadd.s32 v7, v9;
	v17 =	vld.idx.msk [tilespmem:v53+s1+$0x0], $0xffff;
	[tilespmem:s16+$0xFFFFFFD0] =	vst v13  }
0x197: {  	v58 =	vadd.s32 v6, v14;
	v13 =	vld.idx.msk [tilespmem:v52+s1+$0x0], $0xffff;
	[tilespmem:s16+$0xFFFFFF50] =	vst v19  }
0x198: {  	v57 =	vadd.s32 v6, v28;
	[tilespmem:s16+$0xFFFFFE50] =	vst v16;
	v19 =	vld.idx.msk [tilespmem:v54+s1+$0x0], $0xffff  }
0x199: {  	v59 =	vadd.s32 v6, v24;
	[tilespmem:s12+$0xFFFFFEF0] =	vst v55;
	v12 =	vld.idx.msk [tilespmem:v12+s1+$0x0], $0xffff  }
0x19a: {  	v60 =	vld.idx.msk [tilespmem:v56+s1+$0x0], $0xffff;
	[tilespmem:s12+$0xFFFFFF70] =	vst v15;
	v15 =	vadd.s32 v6, v11  }
0x19b: {  	v8 =	vadd.s32 v7, v8;
	v9 =	vld.idx.msk [tilespmem:v9+s1+$0x0], $0xffff;
	[tilespmem:s16+$0xFFFFFEE0] =	vst v17  }
0x19c: {  	v10 =	vadd.s32 v7, v10;
	v62 =	vld.idx.msk [tilespmem:v58+s1+$0x0], $0xffff;
	[tilespmem:s16+$0xFFFFFFE0] =	vst v13  }
0x19d: {  	v14 =	vadd.s32 v7, v14;
	v13 =	vld.idx.msk [tilespmem:v57+s1+$0x0], $0xffff;
	[tilespmem:s16+$0xFFFFFF60] =	vst v19  }
0x19e: {  	v61 =	vadd.s32 v7, v28;
	[tilespmem:s16+$0xFFFFFE60] =	vst v12;
	v12 =	vld.idx.msk [tilespmem:v59+s1+$0x0], $0xffff  }
0x19f: {  	v63 =	vadd.s32 v7, v24;
	[tilespmem:s12+$0xFFFFFE70] =	vst v60;
	v15 =	vld.idx.msk [tilespmem:v15+s1+$0x0], $0xffff  }
0x1a0: {  	v8 =	vld.idx.msk [tilespmem:v8+s1+$0x0], $0xffff;
	[tilespmem:s12+$0xFFFFFF00] =	vst v9;
	v9 =	vadd.s32 v7, v11  }
0x1a1: {  	v10 =	vld.idx.msk [tilespmem:v10+s1+$0x0], $0xffff;
	[tilespmem:s16+$0xFFFFFEF0] =	vst v62  }
0x1a2: {  	[tilespmem:s16+$0xFFFFFFF0] =	vst v13;
	v13 =	vld.idx.msk [tilespmem:v14+s1+$0x0], $0xffff  }
0x1a3: {  	v11 =	vld.idx.msk [tilespmem:v61+s1+$0x0], $0xffff;
	[tilespmem:s16+$0xFFFFFF70] =	vst v12  }
0x1a4: {  	v12 =	vld.idx.msk [tilespmem:v63+s1+$0x0], $0xffff;
	[tilespmem:s16+$0xFFFFFE70] =	vst v15  }
0x1a5: {  	[tilespmem:s12+$0xFFFFFE80] =	vst v8;
	v9 =	vld.idx.msk [tilespmem:v9+s1+$0x0], $0xffff  }
0x1a6: {  	[tilespmem:s12+$0xFFFFFF80] =	vst v10  }
0x1a7: {  	[tilespmem:s16+$0xFFFFFF00] =	vst v13  }
0x1a8: {  	[tilespmem:s16+$0x0] =	vst v11  }
0x1a9: {  	[tilespmem:s16+$0xFFFFFF80] =	vst v12  }
0x1aa: {  	[tilespmem:s16+$0xFFFFFE80] =	vst v9  }
0x1ab: {  	s12 =	rddreg [dreg:$0x8]  }
0x1ac: {  	s14 =	rddreg [dreg:$0x9];
	s12 =	sadd.s32 s11, s12  }
0x1ad: {  	[hbm4b:s12+s3] =	stream.linear.scatter [tilespmem:s6], [sflag:$0x6], $0x400, $0x38;
	[tilespmem:$0xEC00] =	vst v63  }
0x1ae: {  	s15 =	rddreg [dreg:$0xa];
	s12 =	sadd.s32 s11, s14  }
0x1af: {  	[hbm4b:s12+s3] =	stream.linear.scatter [tilespmem:s22], [sflag:$0x6], $0x400, $0x38;
	[tilespmem:$0xEC00] =	vst v63  }
0x1b0: {  	s16 =	rddreg [dreg:$0xb];
	s12 =	sadd.s32 s11, s15  }
0x1b1: {  	[hbm4b:s12+s3] =	stream.linear.scatter [tilespmem:s25], [sflag:$0x6], $0x400, $0x38;
	[tilespmem:$0xEC00] =	vst v63  }
0x1b2: {  	s12 =	sadd.s32 s11, s16  }
0x1b3: {  	[hbm4b:s12+s3] =	stream.linear.scatter [tilespmem:s26], [sflag:$0x6], $0x400, $0x38;
	[tilespmem:$0xEC00] =	vst v63  }
0x1b4: {  	_ =	swait.ge [sflag:s2], $0x1000  }
0x1b5: {  	[sflag:s2] =	ssyncset.done $0x0  }
0x1b6: {  	s15 =	simm.s32 $0x8470;
	[sflag:s2] =	ssyncadd.s32 $0xFFFFF000  }
0x1b7: {  	v8 =	vld [tilespmem:s15+$0xFFFFFFF0];
	_ =	sdelay $0x1  }
0x1b8: {  	v9 =	vld [tilespmem:s15+$0xFFFFFFB0]  }
0x1b9: {  	v10 =	vld [tilespmem:s15+$0xFFFFFFD0]  }
0x1ba: {  	s13 =	simm.s32 $0x84F0;
	s12 =	simm.s32 $0xA450;
	v11 =	vld [tilespmem:s15+$0xFFFFFF90]  }
0x1bb: {  	v13 =	vld [tilespmem:s13+$0xFFFFFFF0];
	[tilespmem:s12+$0x28] =	vst v8  }
0x1bc: {  	v8 =	vld [tilespmem:s15+$0x0]  }
0x1bd: {  	v14 =	vld [tilespmem:s13+$0xFFFFFFB0];
	[tilespmem:s12+$0xFFFFFFD8] =	vst v9  }
0x1be: {  	v15 =	vld [tilespmem:s13+$0xFFFFFFD0];
	[tilespmem:s12+$0x0] =	vst v10  }
0x1bf: {  	s14 =	simm.s32 $0xA4F0;
	[tilespmem:s12+$0xFFFFFFB0] =	vst v11;
	v12 =	vld [tilespmem:s15+$0xFFFFFFC0]  }
0x1c0: {  	v9 =	vld [tilespmem:s13+$0xFFFFFF90];
	[tilespmem:s14+$0x28] =	vst v13  }
0x1c1: {  	[tilespmem:s12+$0x38] =	vst v8;
	v8 =	vld [tilespmem:s15+$0xFFFFFFA0]  }
0x1c2: {  	[tilespmem:s14+$0xFFFFFFD8] =	vst v14;
	v10 =	vld [tilespmem:s15+$0xFFFFFFE0]  }
0x1c3: {  	[tilespmem:s14+$0x0] =	vst v15;
	v11 =	vld [tilespmem:s13+$0x0]  }
0x1c4: {  	s16 =	simm.s32 $0x8570;
	[tilespmem:s12+$0xFFFFFFE8] =	vst v12;
	s15 =	simm.s32 $0x4;
	v12 =	vld [tilespmem:s13+$0xFFFFFFC0]  }
.LBB2_11:
0x1c5: {  	v13 =	vld [tilespmem:s16+$0xFFFFFFF0];
	s15 =	sadd.s32 $0x4, s15;
	[tilespmem:s14+$0xFFFFFFB0] =	vst v9  }
0x1c6: {  	v14 =	vld [tilespmem:s16+$0xFFFFFFB0];
	p1 =	slt.u32 s15, $0x7C;
	[tilespmem:s12+$0xFFFFFFC0] =	vst v8  }
0x1c7: {  	v15 =	vld [tilespmem:s16+$0xFFFFFFD0];
	[tilespmem:s12+$0x10] =	vst v10;
	s12 =	smov.u32 s14  }
.Ltmp4:
0x1c8: {  	v9 =	vld [tilespmem:s16+$0xFFFFFF90];
	[tilespmem:s14+$0x38] =	vst v11;
	(pc) =	sbr.rel @p1 .LBB2_11-.Ltmp4, $4  }
0x1c9: {  	s14 =	sadd.s32 $0xA0, s14;
	v8 =	vld [tilespmem:s13+$0xFFFFFFA0];
	[tilespmem:s12+$0xFFFFFFE8] =	vst v12  }
0x1ca: {  	[tilespmem:s14+$0x28] =	vst v13;
	v10 =	vld [tilespmem:s13+$0xFFFFFFE0];
	s13 =	smov.u32 s16  }
0x1cb: {  	[tilespmem:s14+$0xFFFFFFD8] =	vst v14;
	v11 =	vld [tilespmem:s16+$0x0]  }
0x1cc: {  	s16 =	sadd.s32 $0x80, s16;
	v12 =	vld [tilespmem:s13+$0xFFFFFFC0];
	[tilespmem:s14+$0x0] =	vst v15  }
0x1cd: {  	[tilespmem:s14+$0xFFFFFFB0] =	vst v9  }
0x1ce: {  	v9 =	vld [tilespmem:s13+$0xFFFFFFA0]  }
0x1cf: {  	[tilespmem:s12+$0xFFFFFFC0] =	vst v8;
	v8 =	vld [tilespmem:s13+$0xFFFFFFE0]  }
0x1d0: {  	[tilespmem:s12+$0x10] =	vst v10  }
0x1d1: {  	[tilespmem:s14+$0x38] =	vst v11  }
0x1d2: {  	[tilespmem:s14+$0xFFFFFFE8] =	vst v12  }
0x1d3: {  	s12 =	sadd.s32 @!p0 $0x300, s10;
	[tilespmem:s14+$0xFFFFFFC0] =	vst v9  }
0x1d4: {  	s13 =	simm.s32 @!p0 $0x80;
	s12 =	sand.u32 @!p0 $0xFF00, s12;
	[tilespmem:s14+$0x10] =	vst v8;
	s14 =	simm.s32 @!p0 $0x8400  }
0x1d5: {  	[tilespmem:s14], [sflag:$0x3] =	stream.indirect.gather @!p0 [hbm4b:s5+s13], $0x20, s12, s13, $0xb8;
	[tilespmem:$0xEC00] =	vst v63  }
0x1d6: {  	_ =	swait.ge [sflag:s4], $0x400  }
0x1d7: {  	[sflag:s4] =	ssyncset.done $0x0  }
0x1d8: {  	[sflag:s4] =	ssyncadd.s32 $0xFFFFFC00  }
0x1d9: {  	_ =	swait.ge [sflag:s4], $0x400  }
0x1da: {  	s15 =	simm.s32 $0x3;
	[sflag:s4] =	ssyncset.done $0x0  }
0x1db: {  	s16 =	simm.s32 $0x1;
	v8 =	vmov s15;
	[sflag:s4] =	ssyncadd.s32 $0xFFFFFC00  }
0x1dc: {  	v9 =	vmov s16;
	s14 =	simm.s32 $0x2;
	v14 =	vand.u32 $0x1F, v8;
	_ =	swait.ge [sflag:s4], $0x400  }
0x1dd: {  	v16 =	vand.u32 $0x1D, v9;
	v8 =	vmov s14;
	v9 =	vadd.s32 v0, v14;
	[sflag:s4] =	ssyncset.done $0x0  }
0x1de: {  	s15 =	simm.s32 $0x0;
	v10 =	vadd.s32 v0, v16;
	v17 =	vand.u32 $0x1E, v8;
	[sflag:s4] =	ssyncadd.s32 $0xFFFFFC00  }
0x1df: {  	v8 =	vmov s15;
	v11 =	vadd.s32 v0, v17;
	_ =	swait.ge [sflag:s4], $0x400  }
0x1e0: {  	v12 =	vand.u32 $0x1C, v8;
	[sflag:s4] =	ssyncset.done $0x0  }
0x1e1: {  	v8 =	vadd.s32 v0, v12;
	[sflag:s4] =	ssyncadd.s32 $0xFFFFFC00  }
0x1e2: {  	v9 =	vld.idx.msk [tilespmem:v9+s24+$0x0], $0xffff  }
0x1e3: {  	v13 =	vadd.s32 v1, v14;
	v10 =	vld.idx.msk [tilespmem:v10+s24+$0x0], $0xffff  }
0x1e4: {  	v15 =	vadd.s32 v1, v16;
	v11 =	vld.idx.msk [tilespmem:v11+s24+$0x0], $0xffff  }
0x1e5: {  	v18 =	vadd.s32 v1, v17  }
0x1e6: {  	s13 =	simm.s32 $0xCD00;
	v8 =	vld.idx.msk [tilespmem:v8+s24+$0x0], $0xffff  }
0x1e7: {  	v19 =	vadd.s32 v1, v12;
	[tilespmem:s13+$0x80] =	vst v9  }
0x1e8: {  	[tilespmem:s13+$0xFFFFFF80] =	vst v10;
	v9 =	vld.idx.msk [tilespmem:v13+s24+$0x0], $0xffff  }
0x1e9: {  	[tilespmem:s13+$0x0] =	vst v11;
	v11 =	vadd.s32 v2, v14;
	v10 =	vld.idx.msk [tilespmem:v15+s24+$0x0], $0xffff  }
0x1ea: {  	v13 =	vld.idx.msk [tilespmem:v18+s24+$0x0], $0xffff;
	v15 =	vadd.s32 v2, v16  }
0x1eb: {  	[tilespmem:s13+$0xFFFFFF00] =	vst v8;
	v8 =	vadd.s32 v2, v17  }
0x1ec: {  	v18 =	vld.idx.msk [tilespmem:v19+s24+$0x0], $0xffff  }
0x1ed: {  	v19 =	vadd.s32 v2, v12;
	[tilespmem:s13+$0x90] =	vst v9  }
0x1ee: {  	[tilespmem:s13+$0xFFFFFF90] =	vst v10;
	v10 =	vld.idx.msk [tilespmem:v11+s24+$0x0], $0xffff  }
0x1ef: {  	s16 =	simm.s32 $0x4;
	[tilespmem:s13+$0x10] =	vst v13;
	v13 =	vadd.s32 v3, v14;
	v11 =	vld.idx.msk [tilespmem:v15+s24+$0x0], $0xffff  }
0x1f0: {  	v20 =	vadd.s32 v3, v16;
	v9 =	vmov s16;
	v15 =	vld.idx.msk [tilespmem:v8+s24+$0x0], $0xffff  }
0x1f1: {  	s14 =	simm.s32 $0x5;
	[tilespmem:s13+$0xFFFFFF10] =	vst v18;
	v18 =	vadd.s32 v3, v17;
	v8 =	vand.u32 $0x1C, v9  }
0x1f2: {  	v9 =	vmov s14;
	v19 =	vld.idx.msk [tilespmem:v19+s24+$0x0], $0xffff;
	v21 =	vadd.s32 v0, v8  }
0x1f3: {  	v22 =	vadd.s32 v3, v12;
	v9 =	vand.u32 $0x1D, v9;
	[tilespmem:s13+$0xA0] =	vst v10  }
0x1f4: {  	v10 =	vadd.s32 v0, v9;
	[tilespmem:s13+$0xFFFFFFA0] =	vst v11;
	v11 =	vld.idx.msk [tilespmem:v13+s24+$0x0], $0xffff  }
0x1f5: {  	s15 =	simm.s32 $0x7;
	[tilespmem:s13+$0x20] =	vst v15;
	v15 =	vadd.s32 v4, v14;
	v20 =	vld.idx.msk [tilespmem:v20+s24+$0x0], $0xffff  }
0x1f6: {  	v23 =	vadd.s32 v4, v16;
	v18 =	vld.idx.msk [tilespmem:v18+s24+$0x0], $0xffff;
	v13 =	vmov s15  }
0x1f7: {  	s16 =	simm.s32 $0x6;
	[tilespmem:s13+$0xFFFFFF20] =	vst v19;
	v19 =	vadd.s32 v4, v17;
	v21 =	vld.idx.msk [tilespmem:v21+s24+$0x0], $0xffff;
	v13 =	vand.u32 $0x1F, v13  }
0x1f8: {  	v24 =	vmov s16;
	v22 =	vld.idx.msk [tilespmem:v22+s24+$0x0], $0xffff;
	v25 =	vadd.s32 v0, v13  }
0x1f9: {  	v26 =	vld.idx.msk [tilespmem:v10+s24+$0x0], $0xffff;
	v10 =	vand.u32 $0x1E, v24;
	v24 =	vadd.s32 v4, v12;
	[tilespmem:s13+$0xB0] =	vst v11  }
0x1fa: {  	[tilespmem:s13+$0xFFFFFFB0] =	vst v20;
	v20 =	vadd.s32 v0, v10;
	v15 =	vld.idx.msk [tilespmem:v15+s24+$0x0], $0xffff  }
0x1fb: {  	s14 =	simm.s32 $0x8;
	[tilespmem:s13+$0x30] =	vst v18;
	v18 =	vadd.s32 v5, v14;
	v23 =	vld.idx.msk [tilespmem:v23+s24+$0x0], $0xffff  }
0x1fc: {  	v27 =	vadd.s32 v5, v16;
	v11 =	vmov s14;
	v19 =	vld.idx.msk [tilespmem:v19+s24+$0x0], $0xffff  }
0x1fd: {  	[tilespmem:s13+$0xFFFFFF30] =	vst v22;
	v11 =	vand.u32 $0x1C, v11;
	v22 =	vld.idx.msk [tilespmem:v25+s24+$0x0], $0xffff;
	v25 =	vadd.s32 v5, v17  }
0x1fe: {  	v28 =	vadd.s32 v0, v11;
	v24 =	vld.idx.msk [tilespmem:v24+s24+$0x0], $0xffff  }
0x1ff: {  	v29 =	vadd.s32 v1, v13;
	v20 =	vld.idx.msk [tilespmem:v20+s24+$0x0], $0xffff;
	[tilespmem:s13+$0xC0] =	vst v15  }
0x200: {  	v30 =	vadd.s32 v1, v9;
	[tilespmem:s13+$0xFFFFFFC0] =	vst v23;
	v18 =	vld.idx.msk [tilespmem:v18+s24+$0x0], $0xffff  }
0x201: {  	s12 =	simm.s32 $0xCF00;
	[tilespmem:s13+$0x40] =	vst v19;
	v27 =	vld.idx.msk [tilespmem:v27+s24+$0x0], $0xffff  }
0x202: {  	[tilespmem:s12+$0xFFFFFF80] =	vst v26;
	v26 =	vadd.s32 v5, v12;
	v19 =	vld.idx.msk [tilespmem:v25+s24+$0x0], $0xffff  }
0x203: {  	v23 =	vadd.s32 v1, v10;
	v15 =	vld.idx.msk [tilespmem:v28+s24+$0x0], $0xffff;
	[tilespmem:s12+$0x80] =	vst v22  }
0x204: {  	v28 =	vadd.s32 v1, v8;
	v22 =	vld.idx.msk [tilespmem:v29+s24+$0x0], $0xffff  }
0x205: {  	[tilespmem:s12+$0xFFFFFF00] =	vst v21;
	v25 =	vadd.s32 v6, v14;
	v29 =	vld.idx.msk [tilespmem:v30+s24+$0x0], $0xffff  }
0x206: {  	v21 =	vadd.s32 v2, v9;
	[tilespmem:s13+$0xFFFFFF40] =	vst v24  }
0x207: {  	[tilespmem:s12+$0x0] =	vst v20;
	v20 =	vadd.s32 v6, v16;
	v24 =	vld.idx.msk [tilespmem:v26+s24+$0x0], $0xffff  }
0x208: {  	v61 =	vadd.s32 v2, v13;
	v23 =	vld.idx.msk [tilespmem:v23+s24+$0x0], $0xffff;
	[tilespmem:s13+$0xD0] =	vst v18  }
0x209: {  	v31 =	vadd.s32 v2, v10;
	v28 =	vld.idx.msk [tilespmem:v28+s24+$0x0], $0xffff;
	[tilespmem:s13+$0xFFFFFFD0] =	vst v27  }
0x20a: {  	v26 =	vadd.s32 v2, v8;
	v25 =	vld.idx.msk [tilespmem:v25+s24+$0x0], $0xffff;
	[tilespmem:s12+$0xFFFFFF90] =	vst v29  }
0x20b: {  	v14 =	vadd.s32 v7, v14;
	[tilespmem:s13+$0x50] =	vst v19;
	v27 =	vld.idx.msk [tilespmem:v21+s24+$0x0], $0xffff  }
0x20c: {  	[tilespmem:s12+$0x90] =	vst v22;
	v22 =	vadd.s32 v6, v17;
	v18 =	vld.idx.msk [tilespmem:v20+s24+$0x0], $0xffff  }
0x20d: {  	v20 =	vld.idx.msk [tilespmem:v61+s24+$0x0], $0xffff;
	[tilespmem:s12+$0x10] =	vst v23;
	v23 =	vadd.s32 v6, v12  }
0x20e: {  	s15 =	simm.s32 $0x9;
	v62 =	vadd.s32 v3, v13;
	v29 =	vld.idx.msk [tilespmem:v31+s24+$0x0], $0xffff;
	[tilespmem:s12+$0xFFFFFF10] =	vst v28  }
0x20f: {  	v21 =	vmov s15;
	[tilespmem:s13+$0xE0] =	vst v25;
	v25 =	vadd.s32 v3, v9;
	v63 =	vld.idx.msk [tilespmem:v26+s24+$0x0], $0xffff  }
0x210: {  	v32 =	vadd.s32 v3, v10;
	[tilespmem:s13+$0xFFFFFF50] =	vst v24;
	v28 =	vld.idx.msk [tilespmem:v14+s24+$0x0], $0xffff;
	v14 =	vand.u32 $0x1D, v21  }
0x211: {  	v21 =	vld.idx.msk [tilespmem:v22+s24+$0x0], $0xffff;
	[tilespmem:s12+$0xFFFFFFA0] =	vst v27;
	v33 =	vadd.s32 v0, v14  }
0x212: {  	v27 =	vadd.s32 v3, v8;
	[tilespmem:s12+$0xA0] =	vst v20;
	v19 =	vld.idx.msk [tilespmem:v23+s24+$0x0], $0xffff  }
0x213: {  	v26 =	vadd.s32 v7, v16;
	v22 =	vld.idx.msk [tilespmem:v62+s24+$0x0], $0xffff  }
0x214: {  	v24 =	vadd.s32 v7, v17;
	[tilespmem:s12+$0x20] =	vst v29;
	v20 =	vld.idx.msk [tilespmem:v25+s24+$0x0], $0xffff  }
0x215: {  	v23 =	vadd.s32 v4, v13;
	v17 =	vld.idx.msk [tilespmem:v32+s24+$0x0], $0xffff;
	[tilespmem:s12+$0xFFFFFF20] =	vst v63  }
0x216: {  	s16 =	simm.s32 $0xB;
	s15 =	simm.s32 $0xC;
	v25 =	vadd.s32 v4, v9;
	[tilespmem:s13+$0xF0] =	vst v28;
	v16 =	vld.idx.msk [tilespmem:v33+s24+$0x0], $0xffff  }
.LBB2_13:
0x217: {  	p1 =	slt.u32 s15, $0x1C;
	v28 =	vmov s16;
	v27 =	vld.idx.msk [tilespmem:v27+s24+$0x0], $0xffff;
	v29 =	vadd.s32 v4, v10;
	[tilespmem:s13+$0xFFFFFFE0] =	vst v18  }
0x218: {  	s16 =	sadd.s32 $0x2, s14;
	s14 =	smov.u32 s15;
	v18 =	vand.u32 $0x1F, v28;
	v28 =	vadd.s32 v7, v12;
	v26 =	vld.idx.msk [tilespmem:v26+s24+$0x0], $0xffff;
	[tilespmem:s13+$0x60] =	vst v21;
	v12 =	vmovc v8;
	v8 =	vmov v11  }
0x219: {  	v11 =	vmov s16;
	v21 =	vadd.s32 v0, v18;
	[tilespmem:s12+$0xB0] =	vst v22;
	v22 =	vld.idx.msk [tilespmem:v24+s24+$0x0], $0xffff  }
0x21a: {  	v30 =	vand.u32 $0x1E, v11;
	v24 =	vadd.s32 v4, v12;
	[tilespmem:s12+$0xFFFFFFB0] =	vst v20;
	v20 =	vld.idx.msk [tilespmem:v23+s24+$0x0], $0xffff  }
0x21b: {  	v23 =	vadd.s32 v0, v30;
	v25 =	vld.idx.msk [tilespmem:v25+s24+$0x0], $0xffff;
	[tilespmem:s12+$0x30] =	vst v17  }
0x21c: {  	v17 =	vld.idx.msk [tilespmem:v29+s24+$0x0], $0xffff;
	v29 =	vadd.s32 v5, v13;
	[tilespmem:s13+$0xFFFFFF60] =	vst v19  }
0x21d: {  	v11 =	vmov s15;
	v19 =	vadd.s32 v5, v9;
	[tilespmem:s12+$0xFFFFFF30] =	vst v27;
	v27 =	vld.idx.msk [tilespmem:v28+s24+$0x0], $0xffff  }
0x21e: {  	v11 =	vand.u32 $0x1C, v11;
	v28 =	vadd.s32 v5, v10;
	v21 =	vld.idx.msk [tilespmem:v21+s24+$0x0], $0xffff;
	[tilespmem:s13+$0xFFFFFFF0] =	vst v26  }
0x21f: {  	v26 =	vadd.s32 v0, v11;
	v24 =	vld.idx.msk [tilespmem:v24+s24+$0x0], $0xffff;
	[tilespmem:s13+$0x70] =	vst v22  }
0x220: {  	v22 =	vld.idx.msk [tilespmem:v23+s24+$0x0], $0xffff;
	v23 =	vadd.s32 v1, v18;
	[tilespmem:s12+$0xC0] =	vst v20  }
0x221: {  	v20 =	vadd.s32 v1, v14;
	[tilespmem:s12+$0xFFFFFFC0] =	vst v25;
	v25 =	vld.idx.msk [tilespmem:v29+s24+$0x0], $0xffff  }
0x222: {  	v29 =	vadd.s32 v1, v30;
	v19 =	vld.idx.msk [tilespmem:v19+s24+$0x0], $0xffff;
	[tilespmem:s12+$0x40] =	vst v17  }
0x223: {  	v17 =	vld.idx.msk [tilespmem:v28+s24+$0x0], $0xffff;
	v28 =	vadd.s32 v6, v13;
	[tilespmem:s13+$0xFFFFFF70] =	vst v27;
	s13 =	smov.u32 s12;
	s12 =	sadd.s32 $0x200, s12  }
0x224: {  	v27 =	vadd.s32 v1, v8;
	v26 =	vld.idx.msk [tilespmem:v26+s24+$0x0], $0xffff;
	[tilespmem:s12+$0x80] =	vst v21  }
0x225: {  	v21 =	vadd.s32 v5, v12;
	[tilespmem:s12+$0xFFFFFF80] =	vst v16;
	v16 =	vld.idx.msk [tilespmem:v23+s24+$0x0], $0xffff  }
0x226: {  	v20 =	vld.idx.msk [tilespmem:v20+s24+$0x0], $0xffff;
	[tilespmem:s12+$0x0] =	vst v22;
	v22 =	vadd.s32 v6, v9  }
0x227: {  	v23 =	vld.idx.msk [tilespmem:v29+s24+$0x0], $0xffff;
	v29 =	vadd.s32 v2, v18;
	[tilespmem:s13+$0xD0] =	vst v25  }
0x228: {  	v25 =	vadd.s32 v2, v14;
	[tilespmem:s12+$0xFFFFFF00] =	vst v15;
	v28 =	vld.idx.msk [tilespmem:v28+s24+$0x0], $0xffff  }
0x229: {  	v31 =	vadd.s32 v2, v30;
	v27 =	vld.idx.msk [tilespmem:v27+s24+$0x0], $0xffff;
	[tilespmem:s13+$0xFFFFFF40] =	vst v24  }
0x22a: {  	v15 =	vmov v26;
	v21 =	vld.idx.msk [tilespmem:v21+s24+$0x0], $0xffff;
	[tilespmem:s13+$0xFFFFFFD0] =	vst v19;
	v19 =	vadd.s32 v7, v13;
	v13 =	vmov v18  }
0x22b: {  	v24 =	vadd.s32 v2, v8;
	[tilespmem:s12+$0x90] =	vst v16;
	v18 =	vld.idx.msk [tilespmem:v22+s24+$0x0], $0xffff  }
0x22c: {  	[tilespmem:s12+$0xFFFFFF90] =	vst v20;
	v16 =	vld.idx.msk [tilespmem:v29+s24+$0x0], $0xffff;
	v20 =	vadd.s32 v6, v10  }
0x22d: {  	v22 =	vld.idx.msk [tilespmem:v25+s24+$0x0], $0xffff;
	[tilespmem:s12+$0x10] =	vst v23;
	v23 =	vadd.s32 v6, v12  }
0x22e: {  	s16 =	sadd.s32 $0x1, s15;
	v26 =	vadd.s32 v3, v13;
	v25 =	vld.idx.msk [tilespmem:v31+s24+$0x0], $0xffff;
	[tilespmem:s13+$0xE0] =	vst v28  }
0x22f: {  	v29 =	vadd.s32 v3, v14;
	v28 =	vmov s16;
	[tilespmem:s12+$0xFFFFFF10] =	vst v27;
	v31 =	vld.idx.msk [tilespmem:v19+s24+$0x0], $0xffff  }
0x230: {  	v33 =	vadd.s32 v3, v30;
	v28 =	vand.u32 $0x1D, v28;
	v32 =	vld.idx.msk [tilespmem:v24+s24+$0x0], $0xffff;
	[tilespmem:s13+$0x50] =	vst v17  }
0x231: {  	v34 =	vadd.s32 v0, v28;
	[tilespmem:s13+$0xFFFFFF50] =	vst v21;
	v21 =	vld.idx.msk [tilespmem:v20+s24+$0x0], $0xffff  }
.Ltmp5:
0x232: {  	v27 =	vadd.s32 v3, v8;
	[tilespmem:s12+$0xA0] =	vst v16;
	v19 =	vld.idx.msk [tilespmem:v23+s24+$0x0], $0xffff;
	(pc) =	sbr.rel @p1 .LBB2_13-.Ltmp5, $4  }
0x233: {  	[tilespmem:s12+$0xFFFFFFA0] =	vst v22;
	v22 =	vld.idx.msk [tilespmem:v26+s24+$0x0], $0xffff;
	v26 =	vadd.s32 v7, v9;
	v9 =	vmov v14;
	v14 =	vmov v28  }
0x234: {  	v24 =	vadd.s32 v7, v10;
	v10 =	vmov v30;
	v20 =	vld.idx.msk [tilespmem:v29+s24+$0x0], $0xffff;
	[tilespmem:s12+$0x20] =	vst v25  }
0x235: {  	v23 =	vadd.s32 v4, v13;
	v17 =	vld.idx.msk [tilespmem:v33+s24+$0x0], $0xffff;
	[tilespmem:s13+$0xF0] =	vst v31  }
0x236: {  	s15 =	sadd.s32 $0x4, s15;
	s16 =	sadd.s32 $0x3, s14;
	v25 =	vadd.s32 v4, v9;
	v16 =	vld.idx.msk [tilespmem:v34+s24+$0x0], $0xffff;
	[tilespmem:s12+$0xFFFFFF20] =	vst v32  }
0x237: {  	_ =	sdelay $0x1  }
0x238: {  	[tilespmem:s13+$0xFFFFFFE0] =	vst v18  }
0x239: {  	v28 =	vmov s16;
	s14 =	sadd.s32 $0x2, s14;
	[tilespmem:s13+$0x60] =	vst v21  }
0x23a: {  	v47 =	vld.idx.msk [tilespmem:v27+s24+$0x0], $0xffff;
	[tilespmem:s13+$0xFFFFFF60] =	vst v19;
	v12 =	vadd.s32 v7, v12;
	v28 =	vand.u32 $0x1F, v28;
	v50 =	vmov s14  }
0x23b: {  	s16 =	sadd.s32 $0x200, s12;
	[tilespmem:s12+$0xB0] =	vst v22;
	v51 =	vld.idx.msk [tilespmem:v24+s24+$0x0], $0xffff;
	v29 =	vadd.s32 v0, v28;
	v24 =	vand.u32 $0x1E, v50  }
0x23c: {  	v49 =	vld.idx.msk [tilespmem:v26+s24+$0x0], $0xffff;
	[tilespmem:s16+$0xFFFFFF00] =	vst v15;
	v53 =	vadd.s32 v0, v24  }
0x23d: {  	[tilespmem:s12+$0xFFFFFFB0] =	vst v20  }
0x23e: {  	v48 =	vadd.s32 v4, v10;
	v52 =	vld.idx.msk [tilespmem:v23+s24+$0x0], $0xffff;
	[tilespmem:s12+$0x30] =	vst v17  }
0x23f: {  	v60 =	vadd.s32 v1, v14;
	[tilespmem:s16+$0xFFFFFF80] =	vst v16;
	v12 =	vld.idx.msk [tilespmem:v12+s24+$0x0], $0xffff  }
0x240: {  	v62 =	vadd.s32 v1, v11;
	[tilespmem:s12+$0xFFFFFF30] =	vst v47;
	v57 =	vld.idx.msk [tilespmem:v29+s24+$0x0], $0xffff  }
0x241: {  	v58 =	vadd.s32 v1, v28;
	[tilespmem:s13+$0xFFFFFFF0] =	vst v49;
	v59 =	vld.idx.msk [tilespmem:v53+s24+$0x0], $0xffff  }
0x242: {  	v54 =	vld.idx.msk [tilespmem:v25+s24+$0x0], $0xffff;
	v61 =	vadd.s32 v1, v24;
	[tilespmem:s13+$0x70] =	vst v51  }
0x243: {  	v63 =	vadd.s32 v4, v8;
	v55 =	vld.idx.msk [tilespmem:v48+s24+$0x0], $0xffff;
	[tilespmem:s12+$0xC0] =	vst v52  }
0x244: {  	v56 =	vadd.s32 v5, v13;
	v20 =	vld.idx.msk [tilespmem:v60+s24+$0x0], $0xffff;
	[tilespmem:s13+$0xFFFFFF70] =	vst v12  }
0x245: {  	v15 =	vadd.s32 v2, v14;
	v12 =	vld.idx.msk [tilespmem:v62+s24+$0x0], $0xffff;
	[tilespmem:s16+$0x80] =	vst v57  }
0x246: {  	v37 =	vadd.s32 v5, v10;
	v30 =	vld.idx.msk [tilespmem:v58+s24+$0x0], $0xffff;
	[tilespmem:s16+$0x0] =	vst v59  }
0x247: {  	v31 =	vadd.s32 v2, v28;
	[tilespmem:s12+$0xFFFFFFC0] =	vst v54;
	v17 =	vld.idx.msk [tilespmem:v61+s24+$0x0], $0xffff  }
0x248: {  	v32 =	vadd.s32 v2, v24;
	v33 =	vld.idx.msk [tilespmem:v63+s24+$0x0], $0xffff;
	[tilespmem:s12+$0x40] =	vst v55  }
0x249: {  	v34 =	vadd.s32 v2, v11;
	v18 =	vld.idx.msk [tilespmem:v56+s24+$0x0], $0xffff;
	[tilespmem:s16+$0xFFFFFF90] =	vst v20  }
0x24a: {  	v29 =	vadd.s32 v5, v9;
	v15 =	vld.idx.msk [tilespmem:v15+s24+$0x0], $0xffff;
	[tilespmem:s16+$0xFFFFFF10] =	vst v12  }
0x24b: {  	v36 =	vadd.s32 v6, v13;
	v16 =	vld.idx.msk [tilespmem:v37+s24+$0x0], $0xffff;
	[tilespmem:s16+$0x90] =	vst v30  }
0x24c: {  	v12 =	vadd.s32 v3, v14;
	v38 =	vld.idx.msk [tilespmem:v31+s24+$0x0], $0xffff;
	[tilespmem:s16+$0x10] =	vst v17  }
0x24d: {  	v39 =	vadd.s32 v3, v28;
	[tilespmem:s12+$0xFFFFFF40] =	vst v33;
	v19 =	vld.idx.msk [tilespmem:v32+s24+$0x0], $0xffff  }
0x24e: {  	v40 =	vadd.s32 v3, v24;
	[tilespmem:s12+$0xD0] =	vst v18;
	v18 =	vld.idx.msk [tilespmem:v34+s24+$0x0], $0xffff  }
0x24f: {  	v42 =	vadd.s32 v3, v11;
	v35 =	vld.idx.msk [tilespmem:v29+s24+$0x0], $0xffff;
	[tilespmem:s16+$0xFFFFFFA0] =	vst v15  }
0x250: {  	v43 =	vadd.s32 v5, v8;
	v41 =	vld.idx.msk [tilespmem:v36+s24+$0x0], $0xffff;
	[tilespmem:s12+$0x50] =	vst v16  }
0x251: {  	v13 =	vadd.s32 v7, v13;
	v12 =	vld.idx.msk [tilespmem:v12+s24+$0x0], $0xffff;
	[tilespmem:s16+$0xA0] =	vst v38  }
0x252: {  	v45 =	vadd.s32 v4, v14;
	v15 =	vld.idx.msk [tilespmem:v39+s24+$0x0], $0xffff;
	[tilespmem:s16+$0x20] =	vst v19  }
0x253: {  	v44 =	vadd.s32 v4, v28;
	[tilespmem:s16+$0xFFFFFF20] =	vst v18;
	v19 =	vld.idx.msk [tilespmem:v40+s24+$0x0], $0xffff  }
0x254: {  	v47 =	vadd.s32 v4, v24;
	[tilespmem:s12+$0xFFFFFFD0] =	vst v35;
	v46 =	vld.idx.msk [tilespmem:v42+s24+$0x0], $0xffff  }
0x255: {  	v49 =	vadd.s32 v4, v11;
	v48 =	vld.idx.msk [tilespmem:v43+s24+$0x0], $0xffff;
	[tilespmem:s12+$0xE0] =	vst v41  }
0x256: {  	v50 =	vadd.s32 v6, v9;
	v13 =	vld.idx.msk [tilespmem:v13+s24+$0x0], $0xffff;
	[tilespmem:s16+$0xFFFFFFB0] =	vst v12  }
0x257: {  	v51 =	vld.idx.msk [tilespmem:v45+s24+$0x0], $0xffff;
	[tilespmem:s16+$0xB0] =	vst v15;
	v15 =	vadd.s32 v6, v10  }
0x258: {  	v53 =	vadd.s32 v5, v14;
	v12 =	vld.idx.msk [tilespmem:v44+s24+$0x0], $0xffff;
	[tilespmem:s16+$0x30] =	vst v19  }
0x259: {  	v52 =	vadd.s32 v5, v28;
	[tilespmem:s16+$0xFFFFFF30] =	vst v46;
	v19 =	vld.idx.msk [tilespmem:v47+s24+$0x0], $0xffff  }
0x25a: {  	v54 =	vadd.s32 v5, v24;
	[tilespmem:s12+$0xFFFFFF50] =	vst v48;
	v16 =	vld.idx.msk [tilespmem:v49+s24+$0x0], $0xffff  }
0x25b: {  	v55 =	vld.idx.msk [tilespmem:v50+s24+$0x0], $0xffff;
	[tilespmem:s12+$0xF0] =	vst v13;
	v13 =	vadd.s32 v5, v11  }
0x25c: {  	v56 =	vadd.s32 v6, v8;
	[tilespmem:s16+$0xFFFFFFC0] =	vst v51;
	v15 =	vld.idx.msk [tilespmem:v15+s24+$0x0], $0xffff  }
0x25d: {  	v9 =	vadd.s32 v7, v9;
	v17 =	vld.idx.msk [tilespmem:v53+s24+$0x0], $0xffff;
	[tilespmem:s16+$0xC0] =	vst v12  }
0x25e: {  	v58 =	vadd.s32 v6, v14;
	v12 =	vld.idx.msk [tilespmem:v52+s24+$0x0], $0xffff;
	[tilespmem:s16+$0x40] =	vst v19  }
0x25f: {  	v57 =	vadd.s32 v6, v28;
	[tilespmem:s16+$0xFFFFFF40] =	vst v16;
	v19 =	vld.idx.msk [tilespmem:v54+s24+$0x0], $0xffff  }
0x260: {  	v59 =	vadd.s32 v6, v24;
	[tilespmem:s12+$0xFFFFFFE0] =	vst v55;
	v13 =	vld.idx.msk [tilespmem:v13+s24+$0x0], $0xffff  }
0x261: {  	v60 =	vld.idx.msk [tilespmem:v56+s24+$0x0], $0xffff;
	[tilespmem:s12+$0x60] =	vst v15;
	v15 =	vadd.s32 v6, v11  }
0x262: {  	v8 =	vadd.s32 v7, v8;
	v9 =	vld.idx.msk [tilespmem:v9+s24+$0x0], $0xffff;
	[tilespmem:s16+$0xFFFFFFD0] =	vst v17  }
0x263: {  	v10 =	vadd.s32 v7, v10;
	v62 =	vld.idx.msk [tilespmem:v58+s24+$0x0], $0xffff;
	[tilespmem:s16+$0xD0] =	vst v12  }
0x264: {  	v14 =	vadd.s32 v7, v14;
	v12 =	vld.idx.msk [tilespmem:v57+s24+$0x0], $0xffff;
	[tilespmem:s16+$0x50] =	vst v19  }
0x265: {  	v61 =	vadd.s32 v7, v28;
	[tilespmem:s16+$0xFFFFFF50] =	vst v13;
	v13 =	vld.idx.msk [tilespmem:v59+s24+$0x0], $0xffff  }
0x266: {  	v63 =	vadd.s32 v7, v24;
	[tilespmem:s12+$0xFFFFFF60] =	vst v60;
	v15 =	vld.idx.msk [tilespmem:v15+s24+$0x0], $0xffff  }
0x267: {  	v8 =	vld.idx.msk [tilespmem:v8+s24+$0x0], $0xffff;
	[tilespmem:s12+$0xFFFFFFF0] =	vst v9;
	v9 =	vadd.s32 v7, v11  }
0x268: {  	v10 =	vld.idx.msk [tilespmem:v10+s24+$0x0], $0xffff;
	[tilespmem:s16+$0xFFFFFFE0] =	vst v62  }
0x269: {  	[tilespmem:s16+$0xE0] =	vst v12;
	v12 =	vld.idx.msk [tilespmem:v14+s24+$0x0], $0xffff  }
0x26a: {  	v11 =	vld.idx.msk [tilespmem:v61+s24+$0x0], $0xffff;
	[tilespmem:s16+$0x60] =	vst v13  }
0x26b: {  	v13 =	vld.idx.msk [tilespmem:v63+s24+$0x0], $0xffff;
	[tilespmem:s16+$0xFFFFFF60] =	vst v15  }
0x26c: {  	[tilespmem:s12+$0xFFFFFF70] =	vst v8;
	v9 =	vld.idx.msk [tilespmem:v9+s24+$0x0], $0xffff  }
0x26d: {  	[tilespmem:s12+$0x70] =	vst v10  }
0x26e: {  	[tilespmem:s16+$0xFFFFFFF0] =	vst v12  }
0x26f: {  	[tilespmem:s16+$0xF0] =	vst v11  }
0x270: {  	[tilespmem:s16+$0x70] =	vst v13  }
0x271: {  	[tilespmem:s16+$0xFFFFFF70] =	vst v9  }
0x272: {  	s12 =	rddreg [dreg:$0xc]  }
0x273: {  	s14 =	rddreg [dreg:$0xd];
	s12 =	sadd.s32 s11, s12  }
0x274: {  	[hbm4b:s12+s3] =	stream.linear.scatter [tilespmem:s28], [sflag:$0x5], $0x400, $0x38;
	[tilespmem:$0xEC00] =	vst v63  }
0x275: {  	s15 =	rddreg [dreg:$0xe];
	s12 =	sadd.s32 s11, s14  }
0x276: {  	[hbm4b:s12+s3] =	stream.linear.scatter [tilespmem:s29], [sflag:$0x5], $0x400, $0x38;
	[tilespmem:$0xEC00] =	vst v63  }
0x277: {  	s16 =	rddreg [dreg:$0xf];
	s12 =	sadd.s32 s11, s15  }
0x278: {  	[hbm4b:s12+s3] =	stream.linear.scatter [tilespmem:s30], [sflag:$0x5], $0x400, $0x38;
	[tilespmem:$0xEC00] =	vst v63  }
0x279: {  	s12 =	sadd.s32 s11, s16  }
0x27a: {  	[hbm4b:s12+s3] =	stream.linear.scatter [tilespmem:s31], [sflag:$0x5], $0x400, $0x38;
	[tilespmem:$0xEC00] =	vst v63  }
0x27b: {  	_ =	swait.ge [sflag:s7], $0x1000  }
0x27c: {  	[sflag:s7] =	ssyncset.done $0x0  }
0x27d: {  	s15 =	simm.s32 $0x9470;
	[sflag:s7] =	ssyncadd.s32 $0xFFFFF000  }
0x27e: {  	v8 =	vld [tilespmem:s15+$0xFFFFFFF0];
	_ =	sdelay $0x1  }
0x27f: {  	v9 =	vld [tilespmem:s15+$0xFFFFFFB0]  }
0x280: {  	v10 =	vld [tilespmem:s15+$0xFFFFFFD0]  }
0x281: {  	s13 =	simm.s32 $0x94F0;
	s12 =	simm.s32 $0xB888;
	v11 =	vld [tilespmem:s15+$0xFFFFFF90]  }
0x282: {  	v13 =	vld [tilespmem:s13+$0xFFFFFFF0];
	[tilespmem:s12+$0xFFFFFFF0] =	vst v8  }
0x283: {  	v8 =	vld [tilespmem:s15+$0x0]  }
0x284: {  	v14 =	vld [tilespmem:s13+$0xFFFFFFB0];
	[tilespmem:s12+$0xFFFFFFA0] =	vst v9  }
0x285: {  	v15 =	vld [tilespmem:s13+$0xFFFFFFD0];
	[tilespmem:s12+$0xFFFFFFC8] =	vst v10  }
0x286: {  	s14 =	simm.s32 $0xB928;
	[tilespmem:s12+$0xFFFFFF78] =	vst v11;
	v12 =	vld [tilespmem:s15+$0xFFFFFFC0]  }
0x287: {  	v9 =	vld [tilespmem:s13+$0xFFFFFF90];
	[tilespmem:s14+$0xFFFFFFF0] =	vst v13  }
0x288: {  	[tilespmem:s12+$0x0] =	vst v8;
	v8 =	vld [tilespmem:s15+$0xFFFFFFA0]  }
0x289: {  	[tilespmem:s14+$0xFFFFFFA0] =	vst v14;
	v10 =	vld [tilespmem:s15+$0xFFFFFFE0]  }
0x28a: {  	[tilespmem:s14+$0xFFFFFFC8] =	vst v15;
	v11 =	vld [tilespmem:s13+$0x0]  }
0x28b: {  	s16 =	simm.s32 $0x9570;
	[tilespmem:s12+$0xFFFFFFB0] =	vst v12;
	s15 =	simm.s32 $0x4;
	v12 =	vld [tilespmem:s13+$0xFFFFFFC0]  }
.LBB2_15:
0x28c: {  	v13 =	vld [tilespmem:s16+$0xFFFFFFF0];
	s15 =	sadd.s32 $0x4, s15;
	[tilespmem:s14+$0xFFFFFF78] =	vst v9  }
0x28d: {  	v14 =	vld [tilespmem:s16+$0xFFFFFFB0];
	p1 =	slt.u32 s15, $0x7C;
	[tilespmem:s12+$0xFFFFFF88] =	vst v8  }
0x28e: {  	v15 =	vld [tilespmem:s16+$0xFFFFFFD0];
	[tilespmem:s12+$0xFFFFFFD8] =	vst v10;
	s12 =	smov.u32 s14  }
.Ltmp6:
0x28f: {  	v9 =	vld [tilespmem:s16+$0xFFFFFF90];
	[tilespmem:s14+$0x0] =	vst v11;
	(pc) =	sbr.rel @p1 .LBB2_15-.Ltmp6, $4  }
0x290: {  	s14 =	sadd.s32 $0xA0, s14;
	v8 =	vld [tilespmem:s13+$0xFFFFFFA0];
	[tilespmem:s12+$0xFFFFFFB0] =	vst v12  }
0x291: {  	[tilespmem:s14+$0xFFFFFFF0] =	vst v13;
	v10 =	vld [tilespmem:s13+$0xFFFFFFE0];
	s13 =	smov.u32 s16  }
0x292: {  	[tilespmem:s14+$0xFFFFFFA0] =	vst v14;
	v11 =	vld [tilespmem:s16+$0x0]  }
0x293: {  	s16 =	sadd.s32 $0x80, s16;
	v12 =	vld [tilespmem:s13+$0xFFFFFFC0];
	[tilespmem:s14+$0xFFFFFFC8] =	vst v15  }
0x294: {  	[tilespmem:s14+$0xFFFFFF78] =	vst v9  }
0x295: {  	v9 =	vld [tilespmem:s13+$0xFFFFFFA0]  }
0x296: {  	[tilespmem:s12+$0xFFFFFF88] =	vst v8;
	v8 =	vld [tilespmem:s13+$0xFFFFFFE0]  }
0x297: {  	[tilespmem:s12+$0xFFFFFFD8] =	vst v10  }
0x298: {  	[tilespmem:s14+$0x0] =	vst v11  }
0x299: {  	[tilespmem:s14+$0xFFFFFFB0] =	vst v12  }
0x29a: {  	s10 =	sadd.s32 @!p0 $0x380, s10;
	[tilespmem:s14+$0xFFFFFF88] =	vst v9  }
0x29b: {  	s10 =	sand.u32 @!p0 $0xFF80, s10;
	s13 =	simm.s32 @!p0 $0x9400;
	s12 =	simm.s32 @!p0 $0x80;
	[tilespmem:s14+$0xFFFFFFD8] =	vst v8  }
0x29c: {  	[tilespmem:s13], [sflag:$0x4] =	stream.indirect.gather @!p0 [hbm4b:s5+s12], $0x20, s10, s12, $0xb8;
	[tilespmem:$0xEC00] =	vst v63  }
0x29d: {  	_ =	swait.ge [sflag:s8], $0x400  }
0x29e: {  	[sflag:s8] =	ssyncset.done $0x0  }
0x29f: {  	[sflag:s8] =	ssyncadd.s32 $0xFFFFFC00  }
0x2a0: {  	_ =	swait.ge [sflag:s8], $0x400  }
0x2a1: {  	s12 =	simm.s32 $0x3;
	[sflag:s8] =	ssyncset.done $0x0  }
0x2a2: {  	s13 =	simm.s32 $0x1;
	v8 =	vmov s12;
	[sflag:s8] =	ssyncadd.s32 $0xFFFFFC00  }
0x2a3: {  	s14 =	simm.s32 $0x2;
	v9 =	vmov s13;
	v14 =	vand.u32 $0x1F, v8;
	_ =	swait.ge [sflag:s8], $0x400  }
0x2a4: {  	v16 =	vand.u32 $0x1D, v9;
	v8 =	vmov s14;
	v9 =	vadd.s32 v0, v14;
	[sflag:s8] =	ssyncset.done $0x0  }
0x2a5: {  	s15 =	simm.s32 $0x0;
	v10 =	vadd.s32 v0, v16;
	v17 =	vand.u32 $0x1E, v8;
	[sflag:s8] =	ssyncadd.s32 $0xFFFFFC00  }
0x2a6: {  	v8 =	vmov s15;
	v11 =	vadd.s32 v0, v17;
	_ =	swait.ge [sflag:s8], $0x400  }
0x2a7: {  	v12 =	vand.u32 $0x1C, v8;
	[sflag:s8] =	ssyncset.done $0x0  }
0x2a8: {  	v8 =	vadd.s32 v0, v12;
	[sflag:s8] =	ssyncadd.s32 $0xFFFFFC00  }
0x2a9: {  	v9 =	vld.idx.msk [tilespmem:v9+s1+$0x0], $0xffff  }
0x2aa: {  	v13 =	vadd.s32 v1, v14;
	v10 =	vld.idx.msk [tilespmem:v10+s1+$0x0], $0xffff  }
0x2ab: {  	v15 =	vadd.s32 v1, v16;
	v11 =	vld.idx.msk [tilespmem:v11+s1+$0x0], $0xffff  }
0x2ac: {  	v18 =	vadd.s32 v1, v17  }
0x2ad: {  	s12 =	simm.s32 $0xDDF0;
	v8 =	vld.idx.msk [tilespmem:v8+s1+$0x0], $0xffff  }
0x2ae: {  	v19 =	vadd.s32 v1, v12;
	[tilespmem:s12+$0xFFFFFF90] =	vst v9  }
0x2af: {  	[tilespmem:s12+$0xFFFFFE90] =	vst v10;
	v9 =	vld.idx.msk [tilespmem:v13+s1+$0x0], $0xffff  }
0x2b0: {  	[tilespmem:s12+$0xFFFFFF10] =	vst v11;
	v11 =	vadd.s32 v2, v14;
	v10 =	vld.idx.msk [tilespmem:v15+s1+$0x0], $0xffff  }
0x2b1: {  	v13 =	vld.idx.msk [tilespmem:v18+s1+$0x0], $0xffff;
	v15 =	vadd.s32 v2, v16  }
0x2b2: {  	[tilespmem:s12+$0xFFFFFE10] =	vst v8;
	v8 =	vadd.s32 v2, v17  }
0x2b3: {  	v18 =	vld.idx.msk [tilespmem:v19+s1+$0x0], $0xffff  }
0x2b4: {  	v19 =	vadd.s32 v2, v12;
	[tilespmem:s12+$0xFFFFFFA0] =	vst v9  }
0x2b5: {  	[tilespmem:s12+$0xFFFFFEA0] =	vst v10;
	v10 =	vld.idx.msk [tilespmem:v11+s1+$0x0], $0xffff  }
0x2b6: {  	s16 =	simm.s32 $0x4;
	[tilespmem:s12+$0xFFFFFF20] =	vst v13;
	v13 =	vadd.s32 v3, v14;
	v11 =	vld.idx.msk [tilespmem:v15+s1+$0x0], $0xffff  }
0x2b7: {  	v20 =	vadd.s32 v3, v16;
	v9 =	vmov s16;
	v15 =	vld.idx.msk [tilespmem:v8+s1+$0x0], $0xffff  }
0x2b8: {  	s13 =	simm.s32 $0x5;
	[tilespmem:s12+$0xFFFFFE20] =	vst v18;
	v18 =	vadd.s32 v3, v17;
	v8 =	vand.u32 $0x1C, v9  }
0x2b9: {  	v9 =	vmov s13;
	v19 =	vld.idx.msk [tilespmem:v19+s1+$0x0], $0xffff;
	v21 =	vadd.s32 v0, v8  }
0x2ba: {  	v22 =	vadd.s32 v3, v12;
	v9 =	vand.u32 $0x1D, v9;
	[tilespmem:s12+$0xFFFFFFB0] =	vst v10  }
0x2bb: {  	v10 =	vadd.s32 v0, v9;
	[tilespmem:s12+$0xFFFFFEB0] =	vst v11;
	v11 =	vld.idx.msk [tilespmem:v13+s1+$0x0], $0xffff  }
0x2bc: {  	s14 =	simm.s32 $0x7;
	[tilespmem:s12+$0xFFFFFF30] =	vst v15;
	v15 =	vadd.s32 v4, v14;
	v20 =	vld.idx.msk [tilespmem:v20+s1+$0x0], $0xffff  }
0x2bd: {  	v23 =	vadd.s32 v4, v16;
	v18 =	vld.idx.msk [tilespmem:v18+s1+$0x0], $0xffff;
	v13 =	vmov s14  }
0x2be: {  	s15 =	simm.s32 $0x6;
	[tilespmem:s12+$0xFFFFFE30] =	vst v19;
	v19 =	vadd.s32 v4, v17;
	v21 =	vld.idx.msk [tilespmem:v21+s1+$0x0], $0xffff;
	v13 =	vand.u32 $0x1F, v13  }
0x2bf: {  	v24 =	vmov s15;
	v22 =	vld.idx.msk [tilespmem:v22+s1+$0x0], $0xffff;
	v25 =	vadd.s32 v0, v13  }
0x2c0: {  	v26 =	vld.idx.msk [tilespmem:v10+s1+$0x0], $0xffff;
	v10 =	vand.u32 $0x1E, v24;
	v24 =	vadd.s32 v4, v12;
	[tilespmem:s12+$0xFFFFFFC0] =	vst v11  }
0x2c1: {  	[tilespmem:s12+$0xFFFFFEC0] =	vst v20;
	v20 =	vadd.s32 v0, v10;
	v15 =	vld.idx.msk [tilespmem:v15+s1+$0x0], $0xffff  }
0x2c2: {  	s13 =	simm.s32 $0x8;
	[tilespmem:s12+$0xFFFFFF40] =	vst v18;
	v18 =	vadd.s32 v5, v14;
	v23 =	vld.idx.msk [tilespmem:v23+s1+$0x0], $0xffff  }
0x2c3: {  	v27 =	vadd.s32 v5, v16;
	v11 =	vmov s13;
	v19 =	vld.idx.msk [tilespmem:v19+s1+$0x0], $0xffff  }
0x2c4: {  	[tilespmem:s12+$0xFFFFFE40] =	vst v22;
	v11 =	vand.u32 $0x1C, v11;
	v22 =	vld.idx.msk [tilespmem:v25+s1+$0x0], $0xffff;
	v25 =	vadd.s32 v5, v17  }
0x2c5: {  	v28 =	vadd.s32 v0, v11;
	v24 =	vld.idx.msk [tilespmem:v24+s1+$0x0], $0xffff  }
0x2c6: {  	v29 =	vadd.s32 v1, v13;
	v20 =	vld.idx.msk [tilespmem:v20+s1+$0x0], $0xffff;
	[tilespmem:s12+$0xFFFFFFD0] =	vst v15  }
0x2c7: {  	v30 =	vadd.s32 v1, v9;
	[tilespmem:s12+$0xFFFFFED0] =	vst v23;
	v18 =	vld.idx.msk [tilespmem:v18+s1+$0x0], $0xffff  }
0x2c8: {  	s10 =	simm.s32 $0xDFF0;
	[tilespmem:s12+$0xFFFFFF50] =	vst v19;
	v27 =	vld.idx.msk [tilespmem:v27+s1+$0x0], $0xffff  }
0x2c9: {  	[tilespmem:s10+$0xFFFFFE90] =	vst v26;
	v26 =	vadd.s32 v5, v12;
	v19 =	vld.idx.msk [tilespmem:v25+s1+$0x0], $0xffff  }
0x2ca: {  	v23 =	vadd.s32 v1, v10;
	v15 =	vld.idx.msk [tilespmem:v28+s1+$0x0], $0xffff;
	[tilespmem:s10+$0xFFFFFF90] =	vst v22  }
0x2cb: {  	v28 =	vadd.s32 v1, v8;
	v22 =	vld.idx.msk [tilespmem:v29+s1+$0x0], $0xffff  }
0x2cc: {  	[tilespmem:s10+$0xFFFFFE10] =	vst v21;
	v25 =	vadd.s32 v6, v14;
	v29 =	vld.idx.msk [tilespmem:v30+s1+$0x0], $0xffff  }
0x2cd: {  	v21 =	vadd.s32 v2, v9;
	[tilespmem:s12+$0xFFFFFE50] =	vst v24  }
0x2ce: {  	[tilespmem:s10+$0xFFFFFF10] =	vst v20;
	v20 =	vadd.s32 v6, v16;
	v24 =	vld.idx.msk [tilespmem:v26+s1+$0x0], $0xffff  }
0x2cf: {  	v61 =	vadd.s32 v2, v13;
	v23 =	vld.idx.msk [tilespmem:v23+s1+$0x0], $0xffff;
	[tilespmem:s12+$0xFFFFFFE0] =	vst v18  }
0x2d0: {  	v31 =	vadd.s32 v2, v10;
	v28 =	vld.idx.msk [tilespmem:v28+s1+$0x0], $0xffff;
	[tilespmem:s12+$0xFFFFFEE0] =	vst v27  }
0x2d1: {  	v26 =	vadd.s32 v2, v8;
	v25 =	vld.idx.msk [tilespmem:v25+s1+$0x0], $0xffff;
	[tilespmem:s10+$0xFFFFFEA0] =	vst v29  }
0x2d2: {  	v14 =	vadd.s32 v7, v14;
	[tilespmem:s12+$0xFFFFFF60] =	vst v19;
	v27 =	vld.idx.msk [tilespmem:v21+s1+$0x0], $0xffff  }
0x2d3: {  	[tilespmem:s10+$0xFFFFFFA0] =	vst v22;
	v22 =	vadd.s32 v6, v17;
	v18 =	vld.idx.msk [tilespmem:v20+s1+$0x0], $0xffff  }
0x2d4: {  	v20 =	vld.idx.msk [tilespmem:v61+s1+$0x0], $0xffff;
	[tilespmem:s10+$0xFFFFFF20] =	vst v23;
	v23 =	vadd.s32 v6, v12  }
0x2d5: {  	s16 =	simm.s32 $0x9;
	v62 =	vadd.s32 v3, v13;
	v29 =	vld.idx.msk [tilespmem:v31+s1+$0x0], $0xffff;
	[tilespmem:s10+$0xFFFFFE20] =	vst v28  }
0x2d6: {  	v21 =	vmov s16;
	[tilespmem:s12+$0xFFFFFFF0] =	vst v25;
	v25 =	vadd.s32 v3, v9;
	v63 =	vld.idx.msk [tilespmem:v26+s1+$0x0], $0xffff  }
0x2d7: {  	v32 =	vadd.s32 v3, v10;
	[tilespmem:s12+$0xFFFFFE60] =	vst v24;
	v28 =	vld.idx.msk [tilespmem:v14+s1+$0x0], $0xffff;
	v14 =	vand.u32 $0x1D, v21  }
0x2d8: {  	v21 =	vld.idx.msk [tilespmem:v22+s1+$0x0], $0xffff;
	[tilespmem:s10+$0xFFFFFEB0] =	vst v27;
	v33 =	vadd.s32 v0, v14  }
0x2d9: {  	v27 =	vadd.s32 v3, v8;
	[tilespmem:s10+$0xFFFFFFB0] =	vst v20;
	v19 =	vld.idx.msk [tilespmem:v23+s1+$0x0], $0xffff  }
0x2da: {  	v26 =	vadd.s32 v7, v16;
	v22 =	vld.idx.msk [tilespmem:v62+s1+$0x0], $0xffff  }
0x2db: {  	v24 =	vadd.s32 v7, v17;
	[tilespmem:s10+$0xFFFFFF30] =	vst v29;
	v20 =	vld.idx.msk [tilespmem:v25+s1+$0x0], $0xffff  }
0x2dc: {  	v23 =	vadd.s32 v4, v13;
	v17 =	vld.idx.msk [tilespmem:v32+s1+$0x0], $0xffff;
	[tilespmem:s10+$0xFFFFFE30] =	vst v63  }
0x2dd: {  	s15 =	simm.s32 $0xB;
	s14 =	simm.s32 $0xC;
	v25 =	vadd.s32 v4, v9;
	[tilespmem:s12+$0x0] =	vst v28;
	v16 =	vld.idx.msk [tilespmem:v33+s1+$0x0], $0xffff  }
.LBB2_17:
0x2de: {  	p0 =	slt.u32 s14, $0x1C;
	v28 =	vmov s15;
	v27 =	vld.idx.msk [tilespmem:v27+s1+$0x0], $0xffff;
	v29 =	vadd.s32 v4, v10;
	[tilespmem:s12+$0xFFFFFEF0] =	vst v18  }
0x2df: {  	s15 =	sadd.s32 $0x2, s13;
	s13 =	smov.u32 s14;
	v18 =	vand.u32 $0x1F, v28;
	v28 =	vadd.s32 v7, v12;
	v26 =	vld.idx.msk [tilespmem:v26+s1+$0x0], $0xffff;
	[tilespmem:s12+$0xFFFFFF70] =	vst v21;
	v12 =	vmovc v8;
	v8 =	vmov v11  }
0x2e0: {  	v11 =	vmov s15;
	v21 =	vadd.s32 v0, v18;
	[tilespmem:s10+$0xFFFFFFC0] =	vst v22;
	v22 =	vld.idx.msk [tilespmem:v24+s1+$0x0], $0xffff  }
0x2e1: {  	v30 =	vand.u32 $0x1E, v11;
	v24 =	vadd.s32 v4, v12;
	[tilespmem:s10+$0xFFFFFEC0] =	vst v20;
	v20 =	vld.idx.msk [tilespmem:v23+s1+$0x0], $0xffff  }
0x2e2: {  	v23 =	vadd.s32 v0, v30;
	v25 =	vld.idx.msk [tilespmem:v25+s1+$0x0], $0xffff;
	[tilespmem:s10+$0xFFFFFF40] =	vst v17  }
0x2e3: {  	v17 =	vld.idx.msk [tilespmem:v29+s1+$0x0], $0xffff;
	v29 =	vadd.s32 v5, v13;
	[tilespmem:s12+$0xFFFFFE70] =	vst v19  }
0x2e4: {  	v11 =	vmov s14;
	v19 =	vadd.s32 v5, v9;
	[tilespmem:s10+$0xFFFFFE40] =	vst v27;
	v27 =	vld.idx.msk [tilespmem:v28+s1+$0x0], $0xffff  }
0x2e5: {  	v11 =	vand.u32 $0x1C, v11;
	v28 =	vadd.s32 v5, v10;
	v21 =	vld.idx.msk [tilespmem:v21+s1+$0x0], $0xffff;
	[tilespmem:s12+$0xFFFFFF00] =	vst v26  }
0x2e6: {  	v26 =	vadd.s32 v0, v11;
	v24 =	vld.idx.msk [tilespmem:v24+s1+$0x0], $0xffff;
	[tilespmem:s12+$0xFFFFFF80] =	vst v22  }
0x2e7: {  	v22 =	vld.idx.msk [tilespmem:v23+s1+$0x0], $0xffff;
	v23 =	vadd.s32 v1, v18;
	[tilespmem:s10+$0xFFFFFFD0] =	vst v20  }
0x2e8: {  	v20 =	vadd.s32 v1, v14;
	[tilespmem:s10+$0xFFFFFED0] =	vst v25;
	v25 =	vld.idx.msk [tilespmem:v29+s1+$0x0], $0xffff  }
0x2e9: {  	v29 =	vadd.s32 v1, v30;
	v19 =	vld.idx.msk [tilespmem:v19+s1+$0x0], $0xffff;
	[tilespmem:s10+$0xFFFFFF50] =	vst v17  }
0x2ea: {  	v17 =	vld.idx.msk [tilespmem:v28+s1+$0x0], $0xffff;
	v28 =	vadd.s32 v6, v13;
	[tilespmem:s12+$0xFFFFFE80] =	vst v27;
	s12 =	smov.u32 s10;
	s10 =	sadd.s32 $0x200, s10  }
0x2eb: {  	v27 =	vadd.s32 v1, v8;
	v26 =	vld.idx.msk [tilespmem:v26+s1+$0x0], $0xffff;
	[tilespmem:s10+$0xFFFFFF90] =	vst v21  }
0x2ec: {  	v21 =	vadd.s32 v5, v12;
	[tilespmem:s10+$0xFFFFFE90] =	vst v16;
	v16 =	vld.idx.msk [tilespmem:v23+s1+$0x0], $0xffff  }
0x2ed: {  	v20 =	vld.idx.msk [tilespmem:v20+s1+$0x0], $0xffff;
	[tilespmem:s10+$0xFFFFFF10] =	vst v22;
	v22 =	vadd.s32 v6, v9  }
0x2ee: {  	v23 =	vld.idx.msk [tilespmem:v29+s1+$0x0], $0xffff;
	v29 =	vadd.s32 v2, v18;
	[tilespmem:s12+$0xFFFFFFE0] =	vst v25  }
0x2ef: {  	v25 =	vadd.s32 v2, v14;
	[tilespmem:s10+$0xFFFFFE10] =	vst v15;
	v28 =	vld.idx.msk [tilespmem:v28+s1+$0x0], $0xffff  }
0x2f0: {  	v31 =	vadd.s32 v2, v30;
	v27 =	vld.idx.msk [tilespmem:v27+s1+$0x0], $0xffff;
	[tilespmem:s12+$0xFFFFFE50] =	vst v24  }
0x2f1: {  	v15 =	vmov v26;
	v21 =	vld.idx.msk [tilespmem:v21+s1+$0x0], $0xffff;
	[tilespmem:s12+$0xFFFFFEE0] =	vst v19;
	v19 =	vadd.s32 v7, v13;
	v13 =	vmov v18  }
0x2f2: {  	v24 =	vadd.s32 v2, v8;
	[tilespmem:s10+$0xFFFFFFA0] =	vst v16;
	v18 =	vld.idx.msk [tilespmem:v22+s1+$0x0], $0xffff  }
0x2f3: {  	[tilespmem:s10+$0xFFFFFEA0] =	vst v20;
	v16 =	vld.idx.msk [tilespmem:v29+s1+$0x0], $0xffff;
	v20 =	vadd.s32 v6, v10  }
0x2f4: {  	v22 =	vld.idx.msk [tilespmem:v25+s1+$0x0], $0xffff;
	[tilespmem:s10+$0xFFFFFF20] =	vst v23;
	v23 =	vadd.s32 v6, v12  }
0x2f5: {  	s15 =	sadd.s32 $0x1, s14;
	v26 =	vadd.s32 v3, v13;
	v25 =	vld.idx.msk [tilespmem:v31+s1+$0x0], $0xffff;
	[tilespmem:s12+$0xFFFFFFF0] =	vst v28  }
0x2f6: {  	v29 =	vadd.s32 v3, v14;
	v28 =	vmov s15;
	[tilespmem:s10+$0xFFFFFE20] =	vst v27;
	v31 =	vld.idx.msk [tilespmem:v19+s1+$0x0], $0xffff  }
0x2f7: {  	v33 =	vadd.s32 v3, v30;
	v28 =	vand.u32 $0x1D, v28;
	v32 =	vld.idx.msk [tilespmem:v24+s1+$0x0], $0xffff;
	[tilespmem:s12+$0xFFFFFF60] =	vst v17  }
0x2f8: {  	v34 =	vadd.s32 v0, v28;
	[tilespmem:s12+$0xFFFFFE60] =	vst v21;
	v21 =	vld.idx.msk [tilespmem:v20+s1+$0x0], $0xffff  }
.Ltmp7:
0x2f9: {  	v27 =	vadd.s32 v3, v8;
	[tilespmem:s10+$0xFFFFFFB0] =	vst v16;
	v19 =	vld.idx.msk [tilespmem:v23+s1+$0x0], $0xffff;
	(pc) =	sbr.rel @p0 .LBB2_17-.Ltmp7, $4  }
0x2fa: {  	[tilespmem:s10+$0xFFFFFEB0] =	vst v22;
	v22 =	vld.idx.msk [tilespmem:v26+s1+$0x0], $0xffff;
	v26 =	vadd.s32 v7, v9;
	v9 =	vmov v14;
	v14 =	vmov v28  }
0x2fb: {  	v24 =	vadd.s32 v7, v10;
	v10 =	vmov v30;
	v20 =	vld.idx.msk [tilespmem:v29+s1+$0x0], $0xffff;
	[tilespmem:s10+$0xFFFFFF30] =	vst v25  }
0x2fc: {  	v23 =	vadd.s32 v4, v13;
	v17 =	vld.idx.msk [tilespmem:v33+s1+$0x0], $0xffff;
	[tilespmem:s12+$0x0] =	vst v31  }
0x2fd: {  	s14 =	sadd.s32 $0x4, s14;
	s15 =	sadd.s32 $0x3, s13;
	v25 =	vadd.s32 v4, v9;
	v16 =	vld.idx.msk [tilespmem:v34+s1+$0x0], $0xffff;
	[tilespmem:s10+$0xFFFFFE30] =	vst v32  }
0x2fe: {  	_ =	sdelay $0x1  }
0x2ff: {  	[tilespmem:s12+$0xFFFFFEF0] =	vst v18  }
0x300: {  	[tilespmem:s12+$0xFFFFFF70] =	vst v21  }
0x301: {  	v28 =	vmov s15;
	v63 =	vld.idx.msk [tilespmem:v27+s1+$0x0], $0xffff;
	s13 =	sadd.s32 $0x2, s13;
	[tilespmem:s12+$0xFFFFFE70] =	vst v19  }
0x302: {  	v32 =	vadd.s32 v4, v10;
	s16 =	sadd.s32 $0x200, s10;
	v28 =	vand.u32 $0x1F, v28;
	v33 =	vld.idx.msk [tilespmem:v26+s1+$0x0], $0xffff;
	v34 =	vmov s13;
	[tilespmem:s10+$0xFFFFFFC0] =	vst v22  }
0x303: {  	v35 =	vld.idx.msk [tilespmem:v24+s1+$0x0], $0xffff;
	[tilespmem:s16+$0xFFFFFE10] =	vst v15;
	v29 =	vadd.s32 v0, v28;
	v24 =	vand.u32 $0x1E, v34  }
0x304: {  	[tilespmem:s10+$0xFFFFFEC0] =	vst v20;
	v37 =	vadd.s32 v0, v24  }
0x305: {  	v12 =	vadd.s32 v7, v12;
	v36 =	vld.idx.msk [tilespmem:v23+s1+$0x0], $0xffff;
	[tilespmem:s10+$0xFFFFFF40] =	vst v17  }
0x306: {  	v44 =	vadd.s32 v1, v14;
	v38 =	vld.idx.msk [tilespmem:v25+s1+$0x0], $0xffff;
	[tilespmem:s16+$0xFFFFFE90] =	vst v16  }
0x307: {  	v46 =	vadd.s32 v1, v11;
	v39 =	vld.idx.msk [tilespmem:v32+s1+$0x0], $0xffff;
	[tilespmem:s10+$0xFFFFFE40] =	vst v63  }
0x308: {  	v40 =	vadd.s32 v5, v13;
	[tilespmem:s12+$0xFFFFFF00] =	vst v33;
	v41 =	vld.idx.msk [tilespmem:v29+s1+$0x0], $0xffff  }
0x309: {  	v42 =	vadd.s32 v1, v28;
	[tilespmem:s12+$0xFFFFFF80] =	vst v35;
	v43 =	vld.idx.msk [tilespmem:v37+s1+$0x0], $0xffff  }
0x30a: {  	v45 =	vadd.s32 v1, v24;
	v12 =	vld.idx.msk [tilespmem:v12+s1+$0x0], $0xffff;
	[tilespmem:s10+$0xFFFFFFD0] =	vst v36  }
0x30b: {  	v47 =	vadd.s32 v4, v8;
	v20 =	vld.idx.msk [tilespmem:v44+s1+$0x0], $0xffff;
	[tilespmem:s10+$0xFFFFFED0] =	vst v38  }
0x30c: {  	v48 =	vadd.s32 v5, v9;
	v52 =	vld.idx.msk [tilespmem:v46+s1+$0x0], $0xffff;
	[tilespmem:s10+$0xFFFFFF50] =	vst v39  }
0x30d: {  	v51 =	vadd.s32 v2, v14;
	v18 =	vld.idx.msk [tilespmem:v40+s1+$0x0], $0xffff;
	[tilespmem:s16+$0xFFFFFF90] =	vst v41  }
0x30e: {  	v55 =	vadd.s32 v2, v11;
	v49 =	vld.idx.msk [tilespmem:v42+s1+$0x0], $0xffff;
	[tilespmem:s16+$0xFFFFFF10] =	vst v43  }
0x30f: {  	v50 =	vadd.s32 v2, v28;
	[tilespmem:s12+$0xFFFFFE80] =	vst v12;
	v17 =	vld.idx.msk [tilespmem:v45+s1+$0x0], $0xffff  }
0x310: {  	v53 =	vadd.s32 v2, v24;
	v54 =	vld.idx.msk [tilespmem:v47+s1+$0x0], $0xffff;
	[tilespmem:s16+$0xFFFFFEA0] =	vst v20  }
0x311: {  	v58 =	vadd.s32 v5, v10;
	v56 =	vld.idx.msk [tilespmem:v48+s1+$0x0], $0xffff;
	[tilespmem:s16+$0xFFFFFE20] =	vst v52  }
0x312: {  	v57 =	vadd.s32 v6, v13;
	v15 =	vld.idx.msk [tilespmem:v51+s1+$0x0], $0xffff;
	[tilespmem:s10+$0xFFFFFFE0] =	vst v18  }
0x313: {  	v61 =	vadd.s32 v3, v14;
	v18 =	vld.idx.msk [tilespmem:v55+s1+$0x0], $0xffff;
	[tilespmem:s16+$0xFFFFFFA0] =	vst v49  }
0x314: {  	v29 =	vadd.s32 v3, v11;
	v59 =	vld.idx.msk [tilespmem:v50+s1+$0x0], $0xffff;
	[tilespmem:s16+$0xFFFFFF20] =	vst v17  }
0x315: {  	v60 =	vadd.s32 v3, v28;
	[tilespmem:s10+$0xFFFFFE50] =	vst v54;
	v19 =	vld.idx.msk [tilespmem:v53+s1+$0x0], $0xffff  }
0x316: {  	v62 =	vadd.s32 v3, v24;
	v16 =	vld.idx.msk [tilespmem:v58+s1+$0x0], $0xffff;
	[tilespmem:s10+$0xFFFFFEE0] =	vst v56  }
0x317: {  	v30 =	vadd.s32 v5, v8;
	v63 =	vld.idx.msk [tilespmem:v57+s1+$0x0], $0xffff;
	[tilespmem:s16+$0xFFFFFEB0] =	vst v15  }
0x318: {  	v31 =	vadd.s32 v7, v13;
	v12 =	vld.idx.msk [tilespmem:v61+s1+$0x0], $0xffff;
	[tilespmem:s16+$0xFFFFFE30] =	vst v18  }
0x319: {  	v34 =	vadd.s32 v4, v14;
	v35 =	vld.idx.msk [tilespmem:v29+s1+$0x0], $0xffff;
	[tilespmem:s16+$0xFFFFFFB0] =	vst v59  }
0x31a: {  	v38 =	vadd.s32 v4, v11;
	v32 =	vld.idx.msk [tilespmem:v60+s1+$0x0], $0xffff;
	[tilespmem:s16+$0xFFFFFF30] =	vst v19  }
0x31b: {  	v33 =	vadd.s32 v4, v28;
	[tilespmem:s10+$0xFFFFFF60] =	vst v16;
	v19 =	vld.idx.msk [tilespmem:v62+s1+$0x0], $0xffff  }
0x31c: {  	v36 =	vadd.s32 v4, v24;
	v37 =	vld.idx.msk [tilespmem:v30+s1+$0x0], $0xffff;
	[tilespmem:s10+$0xFFFFFFF0] =	vst v63  }
0x31d: {  	v39 =	vadd.s32 v6, v9;
	v13 =	vld.idx.msk [tilespmem:v31+s1+$0x0], $0xffff;
	[tilespmem:s16+$0xFFFFFEC0] =	vst v12  }
0x31e: {  	v40 =	vadd.s32 v6, v10;
	v42 =	vld.idx.msk [tilespmem:v34+s1+$0x0], $0xffff;
	[tilespmem:s16+$0xFFFFFE40] =	vst v35  }
0x31f: {  	v44 =	vadd.s32 v5, v14;
	v16 =	vld.idx.msk [tilespmem:v38+s1+$0x0], $0xffff;
	[tilespmem:s16+$0xFFFFFFC0] =	vst v32  }
0x320: {  	v47 =	vadd.s32 v5, v11;
	v41 =	vld.idx.msk [tilespmem:v33+s1+$0x0], $0xffff;
	[tilespmem:s16+$0xFFFFFF40] =	vst v19  }
0x321: {  	v43 =	vadd.s32 v5, v28;
	[tilespmem:s10+$0xFFFFFE60] =	vst v37;
	v19 =	vld.idx.msk [tilespmem:v36+s1+$0x0], $0xffff  }
0x322: {  	v45 =	vadd.s32 v5, v24;
	v46 =	vld.idx.msk [tilespmem:v39+s1+$0x0], $0xffff;
	[tilespmem:s10+$0x0] =	vst v13  }
0x323: {  	v48 =	vadd.s32 v6, v8;
	v15 =	vld.idx.msk [tilespmem:v40+s1+$0x0], $0xffff;
	[tilespmem:s16+$0xFFFFFED0] =	vst v42  }
0x324: {  	v49 =	vadd.s32 v7, v9;
	v17 =	vld.idx.msk [tilespmem:v44+s1+$0x0], $0xffff;
	[tilespmem:s16+$0xFFFFFE50] =	vst v16  }
0x325: {  	v51 =	vadd.s32 v6, v14;
	v13 =	vld.idx.msk [tilespmem:v47+s1+$0x0], $0xffff;
	[tilespmem:s16+$0xFFFFFFD0] =	vst v41  }
0x326: {  	v54 =	vadd.s32 v6, v11;
	v12 =	vld.idx.msk [tilespmem:v43+s1+$0x0], $0xffff;
	[tilespmem:s16+$0xFFFFFF50] =	vst v19  }
0x327: {  	v50 =	vadd.s32 v6, v28;
	[tilespmem:s10+$0xFFFFFEF0] =	vst v46;
	v19 =	vld.idx.msk [tilespmem:v45+s1+$0x0], $0xffff  }
0x328: {  	v52 =	vadd.s32 v6, v24;
	v53 =	vld.idx.msk [tilespmem:v48+s1+$0x0], $0xffff;
	[tilespmem:s10+$0xFFFFFF70] =	vst v15  }
0x329: {  	v55 =	vadd.s32 v7, v10;
	v9 =	vld.idx.msk [tilespmem:v49+s1+$0x0], $0xffff;
	[tilespmem:s16+$0xFFFFFEE0] =	vst v17  }
0x32a: {  	v8 =	vadd.s32 v7, v8;
	v57 =	vld.idx.msk [tilespmem:v51+s1+$0x0], $0xffff;
	[tilespmem:s16+$0xFFFFFE60] =	vst v13  }
0x32b: {  	v59 =	vadd.s32 v7, v14;
	v15 =	vld.idx.msk [tilespmem:v54+s1+$0x0], $0xffff;
	[tilespmem:s16+$0xFFFFFFE0] =	vst v12  }
0x32c: {  	v61 =	vadd.s32 v7, v11;
	v12 =	vld.idx.msk [tilespmem:v50+s1+$0x0], $0xffff;
	[tilespmem:s16+$0xFFFFFF60] =	vst v19  }
0x32d: {  	v56 =	vadd.s32 v7, v28;
	[tilespmem:s10+$0xFFFFFE70] =	vst v53;
	v58 =	vld.idx.msk [tilespmem:v52+s1+$0x0], $0xffff  }
0x32e: {  	v10 =	vld.idx.msk [tilespmem:v55+s1+$0x0], $0xffff;
	v60 =	vadd.s32 v7, v24;
	[tilespmem:s10+$0xFFFFFF00] =	vst v9  }
0x32f: {  	v8 =	vld.idx.msk [tilespmem:v8+s1+$0x0], $0xffff;
	[tilespmem:s16+$0xFFFFFEF0] =	vst v57  }
0x330: {  	v63 =	vld.idx.msk [tilespmem:v59+s1+$0x0], $0xffff;
	[tilespmem:s16+$0xFFFFFE70] =	vst v15  }
0x331: {  	v9 =	vld.idx.msk [tilespmem:v61+s1+$0x0], $0xffff;
	[tilespmem:s16+$0xFFFFFFF0] =	vst v12  }
0x332: {  	v62 =	vld.idx.msk [tilespmem:v56+s1+$0x0], $0xffff;
	[tilespmem:s16+$0xFFFFFF70] =	vst v58  }
0x333: {  	[tilespmem:s10+$0xFFFFFF80] =	vst v10;
	v13 =	vld.idx.msk [tilespmem:v60+s1+$0x0], $0xffff  }
0x334: {  	[tilespmem:s10+$0xFFFFFE80] =	vst v8  }
0x335: {  	[tilespmem:s16+$0xFFFFFF00] =	vst v63  }
0x336: {  	[tilespmem:s16+$0xFFFFFE80] =	vst v9  }
0x337: {  	[tilespmem:s16+$0x0] =	vst v62  }
0x338: {  	s9 =	sadd.s32 $0x1, s9;
	s13 =	sadd.s32 s11, s18;
	[tilespmem:s16+$0xFFFFFF80] =	vst v13  }
0x339: {  	[hbm4b:s13+s3] =	stream.linear.scatter [tilespmem:s6], [sflag:$0x6], $0x400, $0x38;
	[tilespmem:$0xEC00] =	vst v63  }
0x33a: {  	s14 =	sadd.s32 s11, s19;
	p0 =	sne.s32 s9, $0x32  }
0x33b: {  	[hbm4b:s14+s3] =	stream.linear.scatter [tilespmem:s22], [sflag:$0x6], $0x400, $0x38;
	[tilespmem:$0xEC00] =	vst v63  }
.Ltmp8:
0x33c: {  	_ = 	snop;
	(pc) =	sbr.rel @p0 .LBB2_2-.Ltmp8, $4  }
0x33d: {  	s15 =	sadd.s32 s11, s20  }
0x33e: {  	[hbm4b:s15+s3] =	stream.linear.scatter [tilespmem:s25], [sflag:$0x6], $0x400, $0x38;
	[tilespmem:$0xEC00] =	vst v63  }
0x33f: {  	s16 =	sadd.s32 s11, s21  }
0x340: {  	[hbm4b:s16+s3] =	stream.linear.scatter [tilespmem:s26], [sflag:$0x6], $0x400, $0x38;
	[tilespmem:$0xEC00] =	vst v63  }
0x341: {  	_ =	swait.ge [sflag:s4], $0x400  }
0x342: {  	[sflag:s4] =	ssyncset.done $0x0  }
0x343: {  	[sflag:s4] =	ssyncadd.s32 $0xFFFFFC00  }
0x344: {  	_ =	swait.ge [sflag:s4], $0x400  }
0x345: {  	[sflag:s4] =	ssyncset.done $0x0  }
0x346: {  	[sflag:s4] =	ssyncadd.s32 $0xFFFFFC00  }
0x347: {  	_ =	swait.ge [sflag:s4], $0x400  }
0x348: {  	[sflag:s4] =	ssyncset.done $0x0  }
0x349: {  	[sflag:s4] =	ssyncadd.s32 $0xFFFFFC00  }
0x34a: {  	_ =	swait.ge [sflag:s4], $0x400  }
0x34b: {  	[sflag:s4] =	ssyncset.done $0x0  }
0x34c: {  	[sflag:s4] =	ssyncadd.s32 $0xFFFFFC00  }
0x34d: {  	_ =	swait.ge [sflag:s8], $0x400  }
0x34e: {  	[sflag:s8] =	ssyncset.done $0x0  }
0x34f: {  	[sflag:s8] =	ssyncadd.s32 $0xFFFFFC00  }
0x350: {  	_ =	swait.ge [sflag:s8], $0x400  }
0x351: {  	[sflag:s8] =	ssyncset.done $0x0  }
0x352: {  	[sflag:s8] =	ssyncadd.s32 $0xFFFFFC00  }
0x353: {  	_ =	swait.ge [sflag:s8], $0x400  }
0x354: {  	[sflag:s8] =	ssyncset.done $0x0  }
0x355: {  	[sflag:s8] =	ssyncadd.s32 $0xFFFFFC00  }
0x356: {  	_ =	swait.ge [sflag:s8], $0x400  }
0x357: {  	s10 =	rddreg [dreg:$0x11]  }
0x358: {  	s9 =	rddreg [dreg:$0x10];
	s10 =	sadd.s32 $0x1, s10  }
0x359: {  	p0 =	sne.s32 s10, s9  }
.Ltmp9:
0x35a: {  	_ = 	snop;
	(pc) =	sbr.rel @p0 .LBB2_1-.Ltmp9, $3  }
0x35b: {  	_ =	sdelay $0x1  }
0x35c: {  	[sflag:s8] =	ssyncset.done $0x0  }
0x35d: {  	[sflag:s8] =	ssyncadd.s32 $0xFFFFFC00  }
0x35e: {  	_ =	sfence.sel $0x180000  }
0x35f: {  	[bflag:$0x0] =	sbarrier.arrive $0xFFFF  }
0x360: {  	_ =	strace $0x90000047  }
0x361: {  	s0 =	stileid.u32;
	[bflag:$0x2] =	sbarrier.arrive $0xFFFF  }
0x362: {  	p0 =	sne.s32 s0, $0x0;
	s0 =	rddreg [dreg:$0x3]  }
0x363: {  	s0 =	sadd.s32 @!p0 $0x100000, s0  }
0x364: {  	[sflag:s0] =	ssyncadd.tile.s32 @!p0 $0x1;
	_ =	shalt  }
.Lfunc_end2:
_tile_overlayer_lowered:
.L_overlay_start_2:
0x365: {  	(tag) =	ssettag $0x2  }
0x366: {  	s0 =	rddreg [dreg:$0x0];
	s2 =	stileid.u32  }
0x367: {  	s1 =	rddreg [dreg:$0x1];
	p0 =	sne.s32 s2, $0x0  }
0x368: {  	s3 =	rddreg [dreg:$0x2];
	[bflag:$0x3] =	sbarrier.arrive $0xFFFF;
	s2 =	simm.s32 @!p0 $0x1C07  }
0x369: {  	[timem:s3], [sflag:s2] =	dma.local @!p0 [hbm:s0], s1  }
0x36a: {  	s0 =	simm.s32 @!p0 $0x7  }
0x36b: {  	_ =	swait.ge @!p0 [sflag:s0], s1  }
0x36c: {  	s1 =	ssub.s32 @!p0 $0x0, s1;
	[sflag:s0] =	ssyncset.done @!p0 $0x0  }
0x36d: {  	[sflag:s0] =	ssyncadd.s32 @!p0 s1  }
0x36e: {  	[bflag:$0x3] =	sbarrier.arrive $0xFFFF  }
0x36f: {  	_ =	shalt  }

</sc_bundles>
